<compile_context>
chip_gen: v7x
topology: tpu7x:2x2x1
jax: 0.10.2.dev20260603
libtpu: 0.0.44.dev20260713+nightly
codegen_flags: <defaults>
</compile_context>

<pallas_src>
import functools
import math

import jax
import jax.numpy as jnp
from jax import lax
from jax.experimental import pallas as pl
from jax.experimental.pallas import tpu as pltpu
from jax.experimental.pallas import tpu_sc as plsc

_LANE = 16
_TL = 128


def _mesh():
    return plsc.VectorSubcoreMesh(core_axis_name="c", subcore_axis_name="s")


def _wid(nc):
    return lax.axis_index("s") * nc + lax.axis_index("c")


@functools.lru_cache(maxsize=None)
def _make_retile(V, D, S):
    info = plsc.get_sparse_core_info()
    nc, ns = info.num_cores, info.num_subcores
    nw = nc * ns
    n_blk = V // _TL
    rem = V - n_blk * _TL
    n_outer = (n_blk + nw - 1) // nw
    rpb = _TL * D // _TL
    assert D % _LANE == 0 and (rem * D) % _TL == 0

    @functools.partial(
        pl.kernel,
        mesh=_mesh(),
        compiler_params=pltpu.CompilerParams(
            use_tc_tiling_on_sc=True, needs_layout_passes=False
        ),
        out_type=jax.ShapeDtypeStruct((V * D // _TL, _TL), jnp.float32),
        scratch_types=[
            pltpu.VMEM((S, D, _TL), jnp.float32),
            pltpu.VMEM((S, rpb, _TL), jnp.float32),
            pltpu.VMEM((D, rem if rem else 1), jnp.float32),
            pltpu.VMEM((max(rem * D // _TL, 1), _TL), jnp.float32),
        ]
        + [pltpu.SemaphoreType.DMA] * (2 * S),
    )
    def retile(tt_hbm, out_hbm, tin_v, tout_v, rin_v, rout_v, *sems):
        sem_g = sems[:S]
        sem_w = sems[S:]
        w = _wid(nc)
        iota = lax.iota(jnp.int32, _LANE)
        rows01 = [iota + j * _LANE for j in range(D // _LANE)]
        vper = _TL // D

        def fire_read(b, c):
            pltpu.async_copy(
                tt_hbm.at[:, pl.ds(c * _TL, _TL)], tin_v.at[b], sem_g[b]
            )

        def drain_read(b):
            pltpu.make_async_copy(
                tt_hbm.at[:, pl.ds(0, _TL)], tin_v.at[b], sem_g[b]
            ).wait()

        def wait_write(b):
            pltpu.make_async_copy(
                tout_v.at[b], out_hbm.at[pl.ds(0, rpb)], sem_w[b]
            ).wait()

        def transpose_blk(src, dst, nv):
            @plsc.parallel_loop(0, nv, unroll=8)
            def _(vp):
                col = jnp.full((_LANE,), 0, jnp.int32) + vp
                flat = vp * D
                for j in range(D // _LANE):
                    vals = plsc.load_gather(src, [rows01[j], col])
                    f2 = flat + j * _LANE
                    dst[f2 // _TL, pl.ds(f2 % _TL, _LANE)] = vals

        for b in range(S):
            c = b * nw + w

            @pl.when(c < n_blk)
            def _():
                fire_read(b, c)

        def outer(g, carry):
            for b in range(S):
                j = g * S + b
                c = j * nw + w

                @pl.when(c < n_blk)
                def _():
                    drain_read(b)

                    @pl.when(j >= S)
                    def _():
                        wait_write(b)

                    transpose_blk(tin_v.at[b], tout_v.at[b], _TL)
                    pltpu.async_copy(
                        tout_v.at[b],
                        out_hbm.at[pl.ds(c * rpb, rpb)],
                        sem_w[b],
                    )
                    t = c + S * nw

                    @pl.when(t < n_blk)
                    def _():
                        fire_read(b, t)
            return carry

        lax.fori_loop(0, n_outer // S + 1, outer, 0)
        for b in range(S):
            c0 = b * nw + w

            @pl.when(c0 < n_blk)
            def _():
                wait_write(b)

        if rem:
            @pl.when(w == nw - 1)
            def _():
                pltpu.sync_copy(tt_hbm.at[:, pl.ds(n_blk * _TL, rem)], rin_v)
                transpose_blk(rin_v, rout_v, rem)
                pltpu.sync_copy(
                    rout_v,
                    out_hbm.at[pl.ds(n_blk * rpb, rem * D // _TL)],
                )

    return retile


@functools.lru_cache(maxsize=None)
def _make_gather(BT, F, V, D, S):
    info = plsc.get_sparse_core_info()
    nc, ns = info.num_cores, info.num_subcores
    nw = nc * ns
    bblk = BT // _TL
    n_chunk = F * bblk
    per_w = n_chunk // nw
    scale = math.sqrt(D)
    assert BT % _TL == 0 and n_chunk % nw == 0 and per_w % S == 0

    @functools.partial(
        pl.kernel,
        mesh=_mesh(),
        compiler_params=pltpu.CompilerParams(use_tc_tiling_on_sc=False, needs_layout_passes=False),
        out_type=jax.ShapeDtypeStruct((F, D // 8, bblk, 8, _TL), jnp.float32),
        scratch_types=[
            pltpu.VMEM((S, _TL), jnp.int32),
            pltpu.VMEM((S, _TL, D), jnp.float32),
            pltpu.VMEM((S, D // 8, 8, _TL), jnp.float32),
        ]
        + [pltpu.SemaphoreType.DMA] * (3 * S),
    )
    def gatherk(x3_hbm, tab_hbm, out_hbm, ix_v, rows_v, outt_v, *sems):
        sem_g = sems[:S]
        sem_w = sems[S:2 * S]
        sem_i = sems[2 * S:]
        w = _wid(nc)
        cbase = w * per_w
        iota = lax.iota(jnp.int32, _LANE)
        lanes = [iota + i * _LANE for i in range(_TL // _LANE)]

        def fire_ix(b, c):
            f = c // bblk
            bb = c % bblk
            pltpu.async_copy(x3_hbm.at[f, bb], ix_v.at[b], sem_i[b])

        def wait_ix(b):
            pltpu.make_async_copy(
                x3_hbm.at[0, 0], ix_v.at[b], sem_i[b]
            ).wait()

        def fire_gather(b):
            pltpu.async_copy(tab_hbm.at[ix_v.at[b]], rows_v.at[b], sem_g[b])

        def drain_gather(b):
            pltpu.make_async_copy(
                tab_hbm.at[pl.ds(0, _TL)], rows_v.at[b], sem_g[b]
            ).wait()

        def wait_write(b):
            pltpu.make_async_copy(
                outt_v.at[b], out_hbm.at[0, :, 0], sem_w[b]
            ).wait()

        def extract(b):
            @plsc.parallel_loop(0, D, unroll=4)
            def _(d):
                col = jnp.full((_LANE,), 0, jnp.int32) + d
                dg = d // 8
                ds_ = d % 8
                for i in range(_TL // _LANE):
                    vals = plsc.load_gather(rows_v.at[b], [lanes[i], col])
                    outt_v[b, dg, ds_, pl.ds(i * _LANE, _LANE)] = (
                        vals * scale
                    )

        for b in range(S):
            fire_ix(b, cbase + b)
            wait_ix(b)
            fire_gather(b)

        def outer(g, carry):
            for b in range(S):
                c = cbase + g * S + b
                t = c + S
                ok = t <= cbase + per_w - 1
                drain_gather(b)

                @pl.when(ok)
                def _():
                    fire_ix(b, t)

                @pl.when(g >= 1)
                def _():
                    wait_write(b)

                extract(b)
                f = c // bblk
                bb = c % bblk
                pltpu.async_copy(
                    outt_v.at[b], out_hbm.at[f, :, bb], sem_w[b]
                )

                @pl.when(ok)
                def _():
                    wait_ix(b)
                    fire_gather(b)
            return carry

        lax.fori_loop(0, per_w // S, outer, 0)
        for b in range(S):
            wait_write(b)

    return gatherk


def kernel(x, table):
    bt, f = x.shape
    v, d = table.shape
    tab128 = _make_retile(v, d, 3)(table.T)
    tab_rm = tab128.reshape(v, d)
    x3 = x.T.astype(jnp.int32).reshape(f, bt // _TL, _TL)
    out5 = _make_gather(bt, f, v, d, 4)(x3, tab_rm)
    return out5.transpose(2, 4, 0, 1, 3).reshape(bt, f, d)

# --- scband reference (transcript-rebuilt; emitter-appended) ---
"""Pipeline reference for scband-copynumber-embedding-57973468562114 (READ-ONLY COPY).

The authoritative reference and input builder live on the scoring server;
editing this copy changes nothing except your own understanding.
"""

import jax, jax.numpy as jnp
import numpy as np
import math

N_VOCAB = 1000000
D_MODEL = 32
BATCH = 16384
FIELDS = 26

def setup_inputs(seed: int = 0) -> dict:
    key = jax.random.key(seed)
    k1, k2 = jax.random.split(key)
    x = jax.random.randint(k1, (BATCH, FIELDS), 0, N_VOCAB, dtype=jnp.int64 if jax.config.jax_enable_x64 else jnp.int32)
    table = jax.random.normal(k2, (N_VOCAB, D_MODEL), dtype=jnp.float32)
    return {"x": x, "table": table}

def reference(x, table):
    # nn.Embedding lookup followed by scaling by sqrt(d_model)
    emb = jnp.take(table, x, axis=0)
    return emb * math.sqrt(D_MODEL)

if __name__ == "__main__":
    import jax
    _d = setup_inputs()
    print(jax.jit(kernel)(*tuple(_d.values())))

</pallas_src>

<mosaic_0001>
#map = affine_map<(d0, d1) -> (0, 0, 0)>
#map1 = affine_map<(d0, d1) -> (0, 0)>
#map2 = affine_map<(d0, d1) -> (0, 0, 0, 0, 0)>
module attributes {stable_mosaic.version = 14 : i64} {
  func.func @gatherk(%arg0: i32, %arg1: i32, %arg2: memref<26x128x128xi32, #tpu.memory_space<hbm>>, %arg3: memref<1000000x32xf32, #tpu.memory_space<hbm>>, %arg4: memref<26x4x128x8x128xf32, #tpu.memory_space<hbm>>, %arg5: memref<4x128xi32, #tpu.memory_space<vmem>>, %arg6: memref<4x128x32xf32, #tpu.memory_space<vmem>>, %arg7: memref<4x4x8x128xf32, #tpu.memory_space<vmem>>, %arg8: memref<!tpu.dma_semaphore, #tpu.memory_space<semaphore_mem>>, %arg9: memref<!tpu.dma_semaphore, #tpu.memory_space<semaphore_mem>>, %arg10: memref<!tpu.dma_semaphore, #tpu.memory_space<semaphore_mem>>, %arg11: memref<!tpu.dma_semaphore, #tpu.memory_space<semaphore_mem>>, %arg12: memref<!tpu.dma_semaphore, #tpu.memory_space<semaphore_mem>>, %arg13: memref<!tpu.dma_semaphore, #tpu.memory_space<semaphore_mem>>, %arg14: memref<!tpu.dma_semaphore, #tpu.memory_space<semaphore_mem>>, %arg15: memref<!tpu.dma_semaphore, #tpu.memory_space<semaphore_mem>>, %arg16: memref<!tpu.dma_semaphore, #tpu.memory_space<semaphore_mem>>, %arg17: memref<!tpu.dma_semaphore, #tpu.memory_space<semaphore_mem>>, %arg18: memref<!tpu.dma_semaphore, #tpu.memory_space<semaphore_mem>>, %arg19: memref<!tpu.dma_semaphore, #tpu.memory_space<semaphore_mem>>) attributes {dimension_semantics = [#tpu.dimension_semantics<core_parallel>, #tpu.dimension_semantics<subcore_parallel>], iteration_bounds = array<i64: 2, 16>, scalar_prefetch = 0 : i64, scratch_operands = 15 : i64, tpu.core_type = #tpu.core_type<sc_vector_subcore>, window_params = [{transform_indices = #map}, {transform_indices = #map1}, {transform_indices = #map2}]} {
    %mul3A = arith.constant 2 : i32
    %mul3A_0 = arith.muli %arg1, %mul3A : i32
    %add3A = arith.addi %mul3A_0, %arg0 : i32
    %mul3A_1 = arith.constant 104 : i32
    %mul3A_2 = arith.muli %add3A, %mul3A_1 : i32
    %iota3A = tpu.iota {dimensions = array<i32: 0>} : vector<16xi32>
    %add3A_3 = arith.constant 0 : i32
    %add3A_4 = vector.broadcast %add3A_3 : i32 to vector<16xi32>
    %add3A_5 = arith.addi %iota3A, %add3A_4 : vector<16xi32>
    %add3A_6 = arith.constant 16 : i32
    %add3A_7 = vector.broadcast %add3A_6 : i32 to vector<16xi32>
    %add3A_8 = arith.addi %iota3A, %add3A_7 : vector<16xi32>
    %add3A_9 = arith.constant 32 : i32
    %add3A_10 = vector.broadcast %add3A_9 : i32 to vector<16xi32>
    %add3A_11 = arith.addi %iota3A, %add3A_10 : vector<16xi32>
    %add3A_12 = arith.constant 48 : i32
    %add3A_13 = vector.broadcast %add3A_12 : i32 to vector<16xi32>
    %add3A_14 = arith.addi %iota3A, %add3A_13 : vector<16xi32>
    %add3A_15 = arith.constant 64 : i32
    %add3A_16 = vector.broadcast %add3A_15 : i32 to vector<16xi32>
    %add3A_17 = arith.addi %iota3A, %add3A_16 : vector<16xi32>
    %add3A_18 = arith.constant 80 : i32
    %add3A_19 = vector.broadcast %add3A_18 : i32 to vector<16xi32>
    %add3A_20 = arith.addi %iota3A, %add3A_19 : vector<16xi32>
    %add3A_21 = arith.constant 96 : i32
    %add3A_22 = vector.broadcast %add3A_21 : i32 to vector<16xi32>
    %add3A_23 = arith.addi %iota3A, %add3A_22 : vector<16xi32>
    %add3A_24 = arith.constant 112 : i32
    %add3A_25 = vector.broadcast %add3A_24 : i32 to vector<16xi32>
    %add3A_26 = arith.addi %iota3A, %add3A_25 : vector<16xi32>
    %add3A_27 = arith.constant 0 : i32
    %add3A_28 = arith.addi %mul3A_2, %add3A_27 : i32
    %jit3A = arith.constant 128 : i32
    %div3A = arith.divsi %add3A_28, %jit3A : i32
    %sign3A = arith.constant 0 : i32
    %sign3A_29 = arith.cmpi sgt, %add3A_28, %sign3A : i32
    %sign3A_30 = arith.extui %sign3A_29 : i1 to i32
    %sign3A_31 = arith.constant 0 : i32
    %sign3A_32 = arith.cmpi slt, %add3A_28, %sign3A_31 : i32
    %sign3A_33 = arith.extui %sign3A_32 : i1 to i32
    %sign3A_34 = arith.subi %sign3A_30, %sign3A_33 : i32
    %sign3A_35 = arith.constant 0 : i32
    %sign3A_36 = arith.cmpi sgt, %jit3A, %sign3A_35 : i32
    %sign3A_37 = arith.extui %sign3A_36 : i1 to i32
    %sign3A_38 = arith.constant 0 : i32
    %sign3A_39 = arith.cmpi slt, %jit3A, %sign3A_38 : i32
    %sign3A_40 = arith.extui %sign3A_39 : i1 to i32
    %sign3A_41 = arith.subi %sign3A_37, %sign3A_40 : i32
    %ne3A = arith.cmpi ne, %sign3A_34, %sign3A_41 : i32
    %rem3A = arith.remsi %add3A_28, %jit3A : i32
    %ne3A_42 = arith.constant 0 : i32
    %ne3A_43 = arith.cmpi ne, %rem3A, %ne3A_42 : i32
    %and3A = arith.andi %ne3A, %ne3A_43 : i1
    %sub3A = arith.constant 1 : i32
    %sub3A_44 = arith.subi %div3A, %sub3A : i32
    %select_n3A = arith.select %and3A, %sub3A_44, %div3A : i32
    %jit3A_45 = arith.constant 128 : i32
    %eq3A = arith.constant 0 : i32
    %eq3A_46 = arith.cmpi eq, %jit3A_45, %eq3A : i32
    %jit3A_47 = arith.constant 1 : i32
    %select_n3A_48 = arith.select %eq3A_46, %jit3A_47, %jit3A_45 : i32
    %rem3A_49 = arith.remsi %add3A_28, %select_n3A_48 : i32
    %ne3A_50 = arith.constant 0 : i32
    %ne3A_51 = arith.cmpi ne, %rem3A_49, %ne3A_50 : i32
    %lt3A = arith.constant 0 : i32
    %lt3A_52 = arith.cmpi slt, %rem3A_49, %lt3A : i32
    %lt3A_53 = arith.constant 0 : i32
    %lt3A_54 = arith.cmpi slt, %select_n3A_48, %lt3A_53 : i32
    %ne3A_55 = arith.xori %lt3A_52, %lt3A_54 : i1
    %and3A_56 = arith.andi %ne3A_55, %ne3A_51 : i1
    %add3A_57 = arith.addi %rem3A_49, %select_n3A_48 : i32
    %select_n3A_58 = arith.select %and3A_56, %add3A_57, %rem3A_49 : i32
    %dma_start3A = arith.constant 0 : i32
    %dma_start3A_59 = arith.constant 0 : i32
    %dma_start3A_60 = tpu.memref_slice %arg5[%dma_start3A, %dma_start3A_59] : memref<4x128xi32, #tpu.memory_space<vmem>> -> memref<1x128xi32, #tpu.memory_space<vmem>>
    %dma_start3A_61 = tpu.memref_squeeze %dma_start3A_60 : memref<1x128xi32, #tpu.memory_space<vmem>> -> memref<128xi32, #tpu.memory_space<vmem>>
    %dma_start3A_62 = arith.constant 0 : i32
    %dma_start3A_63 = tpu.memref_slice %arg2[%select_n3A, %select_n3A_58, %dma_start3A_62] : memref<26x128x128xi32, #tpu.memory_space<hbm>> -> memref<1x1x128xi32, #tpu.memory_space<hbm>>
    %dma_start3A_64 = tpu.memref_squeeze %dma_start3A_63 : memref<1x1x128xi32, #tpu.memory_space<hbm>> -> memref<128xi32, #tpu.memory_space<hbm>>
    %dma_start3A_65 = arith.constant 0 : i32
    %dma_start3A_66 = tpu.memref_slice %arg5[%dma_start3A, %dma_start3A_65] : memref<4x128xi32, #tpu.memory_space<vmem>> -> memref<1x128xi32, #tpu.memory_space<vmem>>
    %dma_start3A_67 = tpu.memref_squeeze %dma_start3A_66 : memref<1x128xi32, #tpu.memory_space<vmem>> -> memref<128xi32, #tpu.memory_space<vmem>>
    %dma_start3A_68 = arith.constant 0 : i32
    %dma_start3A_69 = tpu.memref_slice %arg2[%select_n3A, %select_n3A_58, %dma_start3A_68] : memref<26x128x128xi32, #tpu.memory_space<hbm>> -> memref<1x1x128xi32, #tpu.memory_space<hbm>>
    %dma_start3A_70 = tpu.memref_squeeze %dma_start3A_69 : memref<1x1x128xi32, #tpu.memory_space<hbm>> -> memref<128xi32, #tpu.memory_space<hbm>>
    tpu.enqueue_dma source(%dma_start3A_70 : memref<128xi32, #tpu.memory_space<hbm>>) target(%dma_start3A_67 : memref<128xi32, #tpu.memory_space<vmem>>) target_semaphore(%arg16 : memref<!tpu.dma_semaphore, #tpu.memory_space<semaphore_mem>>)
    %dma_wait3A = arith.constant 0 : i32
    %dma_wait3A_71 = arith.constant 0 : i32
    %dma_wait3A_72 = arith.constant 0 : i32
    %dma_wait3A_73 = arith.constant 0 : i32
    %dma_wait3A_74 = tpu.memref_slice %arg5[%dma_wait3A_72, %dma_wait3A_73] : memref<4x128xi32, #tpu.memory_space<vmem>> -> memref<1x128xi32, #tpu.memory_space<vmem>>
    %dma_wait3A_75 = tpu.memref_squeeze %dma_wait3A_74 : memref<1x128xi32, #tpu.memory_space<vmem>> -> memref<128xi32, #tpu.memory_space<vmem>>
    %dma_wait3A_76 = arith.constant 0 : i32
    %dma_wait3A_77 = tpu.memref_slice %arg2[%dma_wait3A, %dma_wait3A_71, %dma_wait3A_76] : memref<26x128x128xi32, #tpu.memory_space<hbm>> -> memref<1x1x128xi32, #tpu.memory_space<hbm>>
    %dma_wait3A_78 = tpu.memref_squeeze %dma_wait3A_77 : memref<1x1x128xi32, #tpu.memory_space<hbm>> -> memref<128xi32, #tpu.memory_space<hbm>>
    %dma_wait3A_79 = arith.constant 0 : i32
    %dma_wait3A_80 = tpu.memref_slice %arg5[%dma_wait3A_72, %dma_wait3A_79] : memref<4x128xi32, #tpu.memory_space<vmem>> -> memref<1x128xi32, #tpu.memory_space<vmem>>
    %dma_wait3A_81 = tpu.memref_squeeze %dma_wait3A_80 : memref<1x128xi32, #tpu.memory_space<vmem>> -> memref<128xi32, #tpu.memory_space<vmem>>
    %dma_wait3A_82 = arith.constant 0 : i32
    %dma_wait3A_83 = tpu.memref_slice %arg2[%dma_wait3A, %dma_wait3A_71, %dma_wait3A_82] : memref<26x128x128xi32, #tpu.memory_space<hbm>> -> memref<1x1x128xi32, #tpu.memory_space<hbm>>
    %dma_wait3A_84 = tpu.memref_squeeze %dma_wait3A_83 : memref<1x1x128xi32, #tpu.memory_space<hbm>> -> memref<128xi32, #tpu.memory_space<hbm>>
    tpu.wait_dma2 semaphore(%arg16 : memref<!tpu.dma_semaphore, #tpu.memory_space<semaphore_mem>>) src(%dma_wait3A_84 : memref<128xi32, #tpu.memory_space<hbm>>) dst(%dma_wait3A_81 : memref<128xi32, #tpu.memory_space<vmem>>)
    %dma_start3A_85 = arith.constant 0 : i32
    %dma_start3A_86 = arith.constant 0 : i32
    %dma_start3A_87 = arith.constant 0 : i32
    %dma_start3A_88 = arith.constant 0 : i32
    %dma_start3A_89 = tpu.memref_slice %arg6[%dma_start3A_86, %dma_start3A_87, %dma_start3A_88] : memref<4x128x32xf32, #tpu.memory_space<vmem>> -> memref<1x128x32xf32, #tpu.memory_space<vmem>>
    %dma_start3A_90 = tpu.memref_squeeze %dma_start3A_89 : memref<1x128x32xf32, #tpu.memory_space<vmem>> -> memref<128x32xf32, #tpu.memory_space<vmem>>
    %dma_start3A_91 = arith.constant 0 : i32
    %dma_start3A_92 = tpu.memref_slice %arg5[%dma_start3A_85, %dma_start3A_91] : memref<4x128xi32, #tpu.memory_space<vmem>> -> memref<1x128xi32, #tpu.memory_space<vmem>>
    %dma_start3A_93 = tpu.memref_squeeze %dma_start3A_92 : memref<1x128xi32, #tpu.memory_space<vmem>> -> memref<128xi32, #tpu.memory_space<vmem>>
    %dma_start3A_94 = arith.constant 0 : i32
    %dma_start3A_95 = arith.constant 0 : i32
    %dma_start3A_96 = tpu.memref_slice %arg3[%dma_start3A_94, %dma_start3A_95] : memref<1000000x32xf32, #tpu.memory_space<hbm>> -> memref<1000000x32xf32, #tpu.memory_space<hbm>>
    tpu.enqueue_indirect_dma source(%dma_start3A_96 : memref<1000000x32xf32, #tpu.memory_space<hbm>>) target(%dma_start3A_90 : memref<128x32xf32, #tpu.memory_space<vmem>>) offsets(%dma_start3A_93 : memref<128xi32, #tpu.memory_space<vmem>>) semaphore(%arg8 : memref<!tpu.dma_semaphore, #tpu.memory_space<semaphore_mem>>)
    %add3A_97 = arith.constant 1 : i32
    %add3A_98 = arith.addi %mul3A_2, %add3A_97 : i32
    %jit3A_99 = arith.constant 128 : i32
    %div3A_100 = arith.divsi %add3A_98, %jit3A_99 : i32
    %sign3A_101 = arith.constant 0 : i32
    %sign3A_102 = arith.cmpi sgt, %add3A_98, %sign3A_101 : i32
    %sign3A_103 = arith.extui %sign3A_102 : i1 to i32
    %sign3A_104 = arith.constant 0 : i32
    %sign3A_105 = arith.cmpi slt, %add3A_98, %sign3A_104 : i32
    %sign3A_106 = arith.extui %sign3A_105 : i1 to i32
    %sign3A_107 = arith.subi %sign3A_103, %sign3A_106 : i32
    %sign3A_108 = arith.constant 0 : i32
    %sign3A_109 = arith.cmpi sgt, %jit3A_99, %sign3A_108 : i32
    %sign3A_110 = arith.extui %sign3A_109 : i1 to i32
    %sign3A_111 = arith.constant 0 : i32
    %sign3A_112 = arith.cmpi slt, %jit3A_99, %sign3A_111 : i32
    %sign3A_113 = arith.extui %sign3A_112 : i1 to i32
    %sign3A_114 = arith.subi %sign3A_110, %sign3A_113 : i32
    %ne3A_115 = arith.cmpi ne, %sign3A_107, %sign3A_114 : i32
    %rem3A_116 = arith.remsi %add3A_98, %jit3A_99 : i32
    %ne3A_117 = arith.constant 0 : i32
    %ne3A_118 = arith.cmpi ne, %rem3A_116, %ne3A_117 : i32
    %and3A_119 = arith.andi %ne3A_115, %ne3A_118 : i1
    %sub3A_120 = arith.constant 1 : i32
    %sub3A_121 = arith.subi %div3A_100, %sub3A_120 : i32
    %select_n3A_122 = arith.select %and3A_119, %sub3A_121, %div3A_100 : i32
    %jit3A_123 = arith.constant 128 : i32
    %eq3A_124 = arith.constant 0 : i32
    %eq3A_125 = arith.cmpi eq, %jit3A_123, %eq3A_124 : i32
    %jit3A_126 = arith.constant 1 : i32
    %select_n3A_127 = arith.select %eq3A_125, %jit3A_126, %jit3A_123 : i32
    %rem3A_128 = arith.remsi %add3A_98, %select_n3A_127 : i32
    %ne3A_129 = arith.constant 0 : i32
    %ne3A_130 = arith.cmpi ne, %rem3A_128, %ne3A_129 : i32
    %lt3A_131 = arith.constant 0 : i32
    %lt3A_132 = arith.cmpi slt, %rem3A_128, %lt3A_131 : i32
    %lt3A_133 = arith.constant 0 : i32
    %lt3A_134 = arith.cmpi slt, %select_n3A_127, %lt3A_133 : i32
    %ne3A_135 = arith.xori %lt3A_132, %lt3A_134 : i1
    %and3A_136 = arith.andi %ne3A_135, %ne3A_130 : i1
    %add3A_137 = arith.addi %rem3A_128, %select_n3A_127 : i32
    %select_n3A_138 = arith.select %and3A_136, %add3A_137, %rem3A_128 : i32
    %dma_start3A_139 = arith.constant 1 : i32
    %dma_start3A_140 = arith.constant 0 : i32
    %dma_start3A_141 = tpu.memref_slice %arg5[%dma_start3A_139, %dma_start3A_140] : memref<4x128xi32, #tpu.memory_space<vmem>> -> memref<1x128xi32, #tpu.memory_space<vmem>>
    %dma_start3A_142 = tpu.memref_squeeze %dma_start3A_141 : memref<1x128xi32, #tpu.memory_space<vmem>> -> memref<128xi32, #tpu.memory_space<vmem>>
    %dma_start3A_143 = arith.constant 0 : i32
    %dma_start3A_144 = tpu.memref_slice %arg2[%select_n3A_122, %select_n3A_138, %dma_start3A_143] : memref<26x128x128xi32, #tpu.memory_space<hbm>> -> memref<1x1x128xi32, #tpu.memory_space<hbm>>
    %dma_start3A_145 = tpu.memref_squeeze %dma_start3A_144 : memref<1x1x128xi32, #tpu.memory_space<hbm>> -> memref<128xi32, #tpu.memory_space<hbm>>
    %dma_start3A_146 = arith.constant 0 : i32
    %dma_start3A_147 = tpu.memref_slice %arg5[%dma_start3A_139, %dma_start3A_146] : memref<4x128xi32, #tpu.memory_space<vmem>> -> memref<1x128xi32, #tpu.memory_space<vmem>>
    %dma_start3A_148 = tpu.memref_squeeze %dma_start3A_147 : memref<1x128xi32, #tpu.memory_space<vmem>> -> memref<128xi32, #tpu.memory_space<vmem>>
    %dma_start3A_149 = arith.constant 0 : i32
    %dma_start3A_150 = tpu.memref_slice %arg2[%select_n3A_122, %select_n3A_138, %dma_start3A_149] : memref<26x128x128xi32, #tpu.memory_space<hbm>> -> memref<1x1x128xi32, #tpu.memory_space<hbm>>
    %dma_start3A_151 = tpu.memref_squeeze %dma_start3A_150 : memref<1x1x128xi32, #tpu.memory_space<hbm>> -> memref<128xi32, #tpu.memory_space<hbm>>
    tpu.enqueue_dma source(%dma_start3A_151 : memref<128xi32, #tpu.memory_space<hbm>>) target(%dma_start3A_148 : memref<128xi32, #tpu.memory_space<vmem>>) target_semaphore(%arg17 : memref<!tpu.dma_semaphore, #tpu.memory_space<semaphore_mem>>)
    %dma_wait3A_152 = arith.constant 0 : i32
    %dma_wait3A_153 = arith.constant 0 : i32
    %dma_wait3A_154 = arith.constant 1 : i32
    %dma_wait3A_155 = arith.constant 0 : i32
    %dma_wait3A_156 = tpu.memref_slice %arg5[%dma_wait3A_154, %dma_wait3A_155] : memref<4x128xi32, #tpu.memory_space<vmem>> -> memref<1x128xi32, #tpu.memory_space<vmem>>
    %dma_wait3A_157 = tpu.memref_squeeze %dma_wait3A_156 : memref<1x128xi32, #tpu.memory_space<vmem>> -> memref<128xi32, #tpu.memory_space<vmem>>
    %dma_wait3A_158 = arith.constant 0 : i32
    %dma_wait3A_159 = tpu.memref_slice %arg2[%dma_wait3A_152, %dma_wait3A_153, %dma_wait3A_158] : memref<26x128x128xi32, #tpu.memory_space<hbm>> -> memref<1x1x128xi32, #tpu.memory_space<hbm>>
    %dma_wait3A_160 = tpu.memref_squeeze %dma_wait3A_159 : memref<1x1x128xi32, #tpu.memory_space<hbm>> -> memref<128xi32, #tpu.memory_space<hbm>>
    %dma_wait3A_161 = arith.constant 0 : i32
    %dma_wait3A_162 = tpu.memref_slice %arg5[%dma_wait3A_154, %dma_wait3A_161] : memref<4x128xi32, #tpu.memory_space<vmem>> -> memref<1x128xi32, #tpu.memory_space<vmem>>
    %dma_wait3A_163 = tpu.memref_squeeze %dma_wait3A_162 : memref<1x128xi32, #tpu.memory_space<vmem>> -> memref<128xi32, #tpu.memory_space<vmem>>
    %dma_wait3A_164 = arith.constant 0 : i32
    %dma_wait3A_165 = tpu.memref_slice %arg2[%dma_wait3A_152, %dma_wait3A_153, %dma_wait3A_164] : memref<26x128x128xi32, #tpu.memory_space<hbm>> -> memref<1x1x128xi32, #tpu.memory_space<hbm>>
    %dma_wait3A_166 = tpu.memref_squeeze %dma_wait3A_165 : memref<1x1x128xi32, #tpu.memory_space<hbm>> -> memref<128xi32, #tpu.memory_space<hbm>>
    tpu.wait_dma2 semaphore(%arg17 : memref<!tpu.dma_semaphore, #tpu.memory_space<semaphore_mem>>) src(%dma_wait3A_166 : memref<128xi32, #tpu.memory_space<hbm>>) dst(%dma_wait3A_163 : memref<128xi32, #tpu.memory_space<vmem>>)
    %dma_start3A_167 = arith.constant 1 : i32
    %dma_start3A_168 = arith.constant 1 : i32
    %dma_start3A_169 = arith.constant 0 : i32
    %dma_start3A_170 = arith.constant 0 : i32
    %dma_start3A_171 = tpu.memref_slice %arg6[%dma_start3A_168, %dma_start3A_169, %dma_start3A_170] : memref<4x128x32xf32, #tpu.memory_space<vmem>> -> memref<1x128x32xf32, #tpu.memory_space<vmem>>
    %dma_start3A_172 = tpu.memref_squeeze %dma_start3A_171 : memref<1x128x32xf32, #tpu.memory_space<vmem>> -> memref<128x32xf32, #tpu.memory_space<vmem>>
    %dma_start3A_173 = arith.constant 0 : i32
    %dma_start3A_174 = tpu.memref_slice %arg5[%dma_start3A_167, %dma_start3A_173] : memref<4x128xi32, #tpu.memory_space<vmem>> -> memref<1x128xi32, #tpu.memory_space<vmem>>
    %dma_start3A_175 = tpu.memref_squeeze %dma_start3A_174 : memref<1x128xi32, #tpu.memory_space<vmem>> -> memref<128xi32, #tpu.memory_space<vmem>>
    %dma_start3A_176 = arith.constant 0 : i32
    %dma_start3A_177 = arith.constant 0 : i32
    %dma_start3A_178 = tpu.memref_slice %arg3[%dma_start3A_176, %dma_start3A_177] : memref<1000000x32xf32, #tpu.memory_space<hbm>> -> memref<1000000x32xf32, #tpu.memory_space<hbm>>
    tpu.enqueue_indirect_dma source(%dma_start3A_178 : memref<1000000x32xf32, #tpu.memory_space<hbm>>) target(%dma_start3A_172 : memref<128x32xf32, #tpu.memory_space<vmem>>) offsets(%dma_start3A_175 : memref<128xi32, #tpu.memory_space<vmem>>) semaphore(%arg9 : memref<!tpu.dma_semaphore, #tpu.memory_space<semaphore_mem>>)
    %add3A_179 = arith.constant 2 : i32
    %add3A_180 = arith.addi %mul3A_2, %add3A_179 : i32
    %jit3A_181 = arith.constant 128 : i32
    %div3A_182 = arith.divsi %add3A_180, %jit3A_181 : i32
    %sign3A_183 = arith.constant 0 : i32
    %sign3A_184 = arith.cmpi sgt, %add3A_180, %sign3A_183 : i32
    %sign3A_185 = arith.extui %sign3A_184 : i1 to i32
    %sign3A_186 = arith.constant 0 : i32
    %sign3A_187 = arith.cmpi slt, %add3A_180, %sign3A_186 : i32
    %sign3A_188 = arith.extui %sign3A_187 : i1 to i32
    %sign3A_189 = arith.subi %sign3A_185, %sign3A_188 : i32
    %sign3A_190 = arith.constant 0 : i32
    %sign3A_191 = arith.cmpi sgt, %jit3A_181, %sign3A_190 : i32
    %sign3A_192 = arith.extui %sign3A_191 : i1 to i32
    %sign3A_193 = arith.constant 0 : i32
    %sign3A_194 = arith.cmpi slt, %jit3A_181, %sign3A_193 : i32
    %sign3A_195 = arith.extui %sign3A_194 : i1 to i32
    %sign3A_196 = arith.subi %sign3A_192, %sign3A_195 : i32
    %ne3A_197 = arith.cmpi ne, %sign3A_189, %sign3A_196 : i32
    %rem3A_198 = arith.remsi %add3A_180, %jit3A_181 : i32
    %ne3A_199 = arith.constant 0 : i32
    %ne3A_200 = arith.cmpi ne, %rem3A_198, %ne3A_199 : i32
    %and3A_201 = arith.andi %ne3A_197, %ne3A_200 : i1
    %sub3A_202 = arith.constant 1 : i32
    %sub3A_203 = arith.subi %div3A_182, %sub3A_202 : i32
    %select_n3A_204 = arith.select %and3A_201, %sub3A_203, %div3A_182 : i32
    %jit3A_205 = arith.constant 128 : i32
    %eq3A_206 = arith.constant 0 : i32
    %eq3A_207 = arith.cmpi eq, %jit3A_205, %eq3A_206 : i32
    %jit3A_208 = arith.constant 1 : i32
    %select_n3A_209 = arith.select %eq3A_207, %jit3A_208, %jit3A_205 : i32
    %rem3A_210 = arith.remsi %add3A_180, %select_n3A_209 : i32
    %ne3A_211 = arith.constant 0 : i32
    %ne3A_212 = arith.cmpi ne, %rem3A_210, %ne3A_211 : i32
    %lt3A_213 = arith.constant 0 : i32
    %lt3A_214 = arith.cmpi slt, %rem3A_210, %lt3A_213 : i32
    %lt3A_215 = arith.constant 0 : i32
    %lt3A_216 = arith.cmpi slt, %select_n3A_209, %lt3A_215 : i32
    %ne3A_217 = arith.xori %lt3A_214, %lt3A_216 : i1
    %and3A_218 = arith.andi %ne3A_217, %ne3A_212 : i1
    %add3A_219 = arith.addi %rem3A_210, %select_n3A_209 : i32
    %select_n3A_220 = arith.select %and3A_218, %add3A_219, %rem3A_210 : i32
    %dma_start3A_221 = arith.constant 2 : i32
    %dma_start3A_222 = arith.constant 0 : i32
    %dma_start3A_223 = tpu.memref_slice %arg5[%dma_start3A_221, %dma_start3A_222] : memref<4x128xi32, #tpu.memory_space<vmem>> -> memref<1x128xi32, #tpu.memory_space<vmem>>
    %dma_start3A_224 = tpu.memref_squeeze %dma_start3A_223 : memref<1x128xi32, #tpu.memory_space<vmem>> -> memref<128xi32, #tpu.memory_space<vmem>>
    %dma_start3A_225 = arith.constant 0 : i32
    %dma_start3A_226 = tpu.memref_slice %arg2[%select_n3A_204, %select_n3A_220, %dma_start3A_225] : memref<26x128x128xi32, #tpu.memory_space<hbm>> -> memref<1x1x128xi32, #tpu.memory_space<hbm>>
    %dma_start3A_227 = tpu.memref_squeeze %dma_start3A_226 : memref<1x1x128xi32, #tpu.memory_space<hbm>> -> memref<128xi32, #tpu.memory_space<hbm>>
    %dma_start3A_228 = arith.constant 0 : i32
    %dma_start3A_229 = tpu.memref_slice %arg5[%dma_start3A_221, %dma_start3A_228] : memref<4x128xi32, #tpu.memory_space<vmem>> -> memref<1x128xi32, #tpu.memory_space<vmem>>
    %dma_start3A_230 = tpu.memref_squeeze %dma_start3A_229 : memref<1x128xi32, #tpu.memory_space<vmem>> -> memref<128xi32, #tpu.memory_space<vmem>>
    %dma_start3A_231 = arith.constant 0 : i32
    %dma_start3A_232 = tpu.memref_slice %arg2[%select_n3A_204, %select_n3A_220, %dma_start3A_231] : memref<26x128x128xi32, #tpu.memory_space<hbm>> -> memref<1x1x128xi32, #tpu.memory_space<hbm>>
    %dma_start3A_233 = tpu.memref_squeeze %dma_start3A_232 : memref<1x1x128xi32, #tpu.memory_space<hbm>> -> memref<128xi32, #tpu.memory_space<hbm>>
    tpu.enqueue_dma source(%dma_start3A_233 : memref<128xi32, #tpu.memory_space<hbm>>) target(%dma_start3A_230 : memref<128xi32, #tpu.memory_space<vmem>>) target_semaphore(%arg18 : memref<!tpu.dma_semaphore, #tpu.memory_space<semaphore_mem>>)
    %dma_wait3A_234 = arith.constant 0 : i32
    %dma_wait3A_235 = arith.constant 0 : i32
    %dma_wait3A_236 = arith.constant 2 : i32
    %dma_wait3A_237 = arith.constant 0 : i32
    %dma_wait3A_238 = tpu.memref_slice %arg5[%dma_wait3A_236, %dma_wait3A_237] : memref<4x128xi32, #tpu.memory_space<vmem>> -> memref<1x128xi32, #tpu.memory_space<vmem>>
    %dma_wait3A_239 = tpu.memref_squeeze %dma_wait3A_238 : memref<1x128xi32, #tpu.memory_space<vmem>> -> memref<128xi32, #tpu.memory_space<vmem>>
    %dma_wait3A_240 = arith.constant 0 : i32
    %dma_wait3A_241 = tpu.memref_slice %arg2[%dma_wait3A_234, %dma_wait3A_235, %dma_wait3A_240] : memref<26x128x128xi32, #tpu.memory_space<hbm>> -> memref<1x1x128xi32, #tpu.memory_space<hbm>>
    %dma_wait3A_242 = tpu.memref_squeeze %dma_wait3A_241 : memref<1x1x128xi32, #tpu.memory_space<hbm>> -> memref<128xi32, #tpu.memory_space<hbm>>
    %dma_wait3A_243 = arith.constant 0 : i32
    %dma_wait3A_244 = tpu.memref_slice %arg5[%dma_wait3A_236, %dma_wait3A_243] : memref<4x128xi32, #tpu.memory_space<vmem>> -> memref<1x128xi32, #tpu.memory_space<vmem>>
    %dma_wait3A_245 = tpu.memref_squeeze %dma_wait3A_244 : memref<1x128xi32, #tpu.memory_space<vmem>> -> memref<128xi32, #tpu.memory_space<vmem>>
    %dma_wait3A_246 = arith.constant 0 : i32
    %dma_wait3A_247 = tpu.memref_slice %arg2[%dma_wait3A_234, %dma_wait3A_235, %dma_wait3A_246] : memref<26x128x128xi32, #tpu.memory_space<hbm>> -> memref<1x1x128xi32, #tpu.memory_space<hbm>>
    %dma_wait3A_248 = tpu.memref_squeeze %dma_wait3A_247 : memref<1x1x128xi32, #tpu.memory_space<hbm>> -> memref<128xi32, #tpu.memory_space<hbm>>
    tpu.wait_dma2 semaphore(%arg18 : memref<!tpu.dma_semaphore, #tpu.memory_space<semaphore_mem>>) src(%dma_wait3A_248 : memref<128xi32, #tpu.memory_space<hbm>>) dst(%dma_wait3A_245 : memref<128xi32, #tpu.memory_space<vmem>>)
    %dma_start3A_249 = arith.constant 2 : i32
    %dma_start3A_250 = arith.constant 2 : i32
    %dma_start3A_251 = arith.constant 0 : i32
    %dma_start3A_252 = arith.constant 0 : i32
    %dma_start3A_253 = tpu.memref_slice %arg6[%dma_start3A_250, %dma_start3A_251, %dma_start3A_252] : memref<4x128x32xf32, #tpu.memory_space<vmem>> -> memref<1x128x32xf32, #tpu.memory_space<vmem>>
    %dma_start3A_254 = tpu.memref_squeeze %dma_start3A_253 : memref<1x128x32xf32, #tpu.memory_space<vmem>> -> memref<128x32xf32, #tpu.memory_space<vmem>>
    %dma_start3A_255 = arith.constant 0 : i32
    %dma_start3A_256 = tpu.memref_slice %arg5[%dma_start3A_249, %dma_start3A_255] : memref<4x128xi32, #tpu.memory_space<vmem>> -> memref<1x128xi32, #tpu.memory_space<vmem>>
    %dma_start3A_257 = tpu.memref_squeeze %dma_start3A_256 : memref<1x128xi32, #tpu.memory_space<vmem>> -> memref<128xi32, #tpu.memory_space<vmem>>
    %dma_start3A_258 = arith.constant 0 : i32
    %dma_start3A_259 = arith.constant 0 : i32
    %dma_start3A_260 = tpu.memref_slice %arg3[%dma_start3A_258, %dma_start3A_259] : memref<1000000x32xf32, #tpu.memory_space<hbm>> -> memref<1000000x32xf32, #tpu.memory_space<hbm>>
    tpu.enqueue_indirect_dma source(%dma_start3A_260 : memref<1000000x32xf32, #tpu.memory_space<hbm>>) target(%dma_start3A_254 : memref<128x32xf32, #tpu.memory_space<vmem>>) offsets(%dma_start3A_257 : memref<128xi32, #tpu.memory_space<vmem>>) semaphore(%arg10 : memref<!tpu.dma_semaphore, #tpu.memory_space<semaphore_mem>>)
    %add3A_261 = arith.constant 3 : i32
    %add3A_262 = arith.addi %mul3A_2, %add3A_261 : i32
    %jit3A_263 = arith.constant 128 : i32
    %div3A_264 = arith.divsi %add3A_262, %jit3A_263 : i32
    %sign3A_265 = arith.constant 0 : i32
    %sign3A_266 = arith.cmpi sgt, %add3A_262, %sign3A_265 : i32
    %sign3A_267 = arith.extui %sign3A_266 : i1 to i32
    %sign3A_268 = arith.constant 0 : i32
    %sign3A_269 = arith.cmpi slt, %add3A_262, %sign3A_268 : i32
    %sign3A_270 = arith.extui %sign3A_269 : i1 to i32
    %sign3A_271 = arith.subi %sign3A_267, %sign3A_270 : i32
    %sign3A_272 = arith.constant 0 : i32
    %sign3A_273 = arith.cmpi sgt, %jit3A_263, %sign3A_272 : i32
    %sign3A_274 = arith.extui %sign3A_273 : i1 to i32
    %sign3A_275 = arith.constant 0 : i32
    %sign3A_276 = arith.cmpi slt, %jit3A_263, %sign3A_275 : i32
    %sign3A_277 = arith.extui %sign3A_276 : i1 to i32
    %sign3A_278 = arith.subi %sign3A_274, %sign3A_277 : i32
    %ne3A_279 = arith.cmpi ne, %sign3A_271, %sign3A_278 : i32
    %rem3A_280 = arith.remsi %add3A_262, %jit3A_263 : i32
    %ne3A_281 = arith.constant 0 : i32
    %ne3A_282 = arith.cmpi ne, %rem3A_280, %ne3A_281 : i32
    %and3A_283 = arith.andi %ne3A_279, %ne3A_282 : i1
    %sub3A_284 = arith.constant 1 : i32
    %sub3A_285 = arith.subi %div3A_264, %sub3A_284 : i32
    %select_n3A_286 = arith.select %and3A_283, %sub3A_285, %div3A_264 : i32
    %jit3A_287 = arith.constant 128 : i32
    %eq3A_288 = arith.constant 0 : i32
    %eq3A_289 = arith.cmpi eq, %jit3A_287, %eq3A_288 : i32
    %jit3A_290 = arith.constant 1 : i32
    %select_n3A_291 = arith.select %eq3A_289, %jit3A_290, %jit3A_287 : i32
    %rem3A_292 = arith.remsi %add3A_262, %select_n3A_291 : i32
    %ne3A_293 = arith.constant 0 : i32
    %ne3A_294 = arith.cmpi ne, %rem3A_292, %ne3A_293 : i32
    %lt3A_295 = arith.constant 0 : i32
    %lt3A_296 = arith.cmpi slt, %rem3A_292, %lt3A_295 : i32
    %lt3A_297 = arith.constant 0 : i32
    %lt3A_298 = arith.cmpi slt, %select_n3A_291, %lt3A_297 : i32
    %ne3A_299 = arith.xori %lt3A_296, %lt3A_298 : i1
    %and3A_300 = arith.andi %ne3A_299, %ne3A_294 : i1
    %add3A_301 = arith.addi %rem3A_292, %select_n3A_291 : i32
    %select_n3A_302 = arith.select %and3A_300, %add3A_301, %rem3A_292 : i32
    %dma_start3A_303 = arith.constant 3 : i32
    %dma_start3A_304 = arith.constant 0 : i32
    %dma_start3A_305 = tpu.memref_slice %arg5[%dma_start3A_303, %dma_start3A_304] : memref<4x128xi32, #tpu.memory_space<vmem>> -> memref<1x128xi32, #tpu.memory_space<vmem>>
    %dma_start3A_306 = tpu.memref_squeeze %dma_start3A_305 : memref<1x128xi32, #tpu.memory_space<vmem>> -> memref<128xi32, #tpu.memory_space<vmem>>
    %dma_start3A_307 = arith.constant 0 : i32
    %dma_start3A_308 = tpu.memref_slice %arg2[%select_n3A_286, %select_n3A_302, %dma_start3A_307] : memref<26x128x128xi32, #tpu.memory_space<hbm>> -> memref<1x1x128xi32, #tpu.memory_space<hbm>>
    %dma_start3A_309 = tpu.memref_squeeze %dma_start3A_308 : memref<1x1x128xi32, #tpu.memory_space<hbm>> -> memref<128xi32, #tpu.memory_space<hbm>>
    %dma_start3A_310 = arith.constant 0 : i32
    %dma_start3A_311 = tpu.memref_slice %arg5[%dma_start3A_303, %dma_start3A_310] : memref<4x128xi32, #tpu.memory_space<vmem>> -> memref<1x128xi32, #tpu.memory_space<vmem>>
    %dma_start3A_312 = tpu.memref_squeeze %dma_start3A_311 : memref<1x128xi32, #tpu.memory_space<vmem>> -> memref<128xi32, #tpu.memory_space<vmem>>
    %dma_start3A_313 = arith.constant 0 : i32
    %dma_start3A_314 = tpu.memref_slice %arg2[%select_n3A_286, %select_n3A_302, %dma_start3A_313] : memref<26x128x128xi32, #tpu.memory_space<hbm>> -> memref<1x1x128xi32, #tpu.memory_space<hbm>>
    %dma_start3A_315 = tpu.memref_squeeze %dma_start3A_314 : memref<1x1x128xi32, #tpu.memory_space<hbm>> -> memref<128xi32, #tpu.memory_space<hbm>>
    tpu.enqueue_dma source(%dma_start3A_315 : memref<128xi32, #tpu.memory_space<hbm>>) target(%dma_start3A_312 : memref<128xi32, #tpu.memory_space<vmem>>) target_semaphore(%arg19 : memref<!tpu.dma_semaphore, #tpu.memory_space<semaphore_mem>>)
    %dma_wait3A_316 = arith.constant 0 : i32
    %dma_wait3A_317 = arith.constant 0 : i32
    %dma_wait3A_318 = arith.constant 3 : i32
    %dma_wait3A_319 = arith.constant 0 : i32
    %dma_wait3A_320 = tpu.memref_slice %arg5[%dma_wait3A_318, %dma_wait3A_319] : memref<4x128xi32, #tpu.memory_space<vmem>> -> memref<1x128xi32, #tpu.memory_space<vmem>>
    %dma_wait3A_321 = tpu.memref_squeeze %dma_wait3A_320 : memref<1x128xi32, #tpu.memory_space<vmem>> -> memref<128xi32, #tpu.memory_space<vmem>>
    %dma_wait3A_322 = arith.constant 0 : i32
    %dma_wait3A_323 = tpu.memref_slice %arg2[%dma_wait3A_316, %dma_wait3A_317, %dma_wait3A_322] : memref<26x128x128xi32, #tpu.memory_space<hbm>> -> memref<1x1x128xi32, #tpu.memory_space<hbm>>
    %dma_wait3A_324 = tpu.memref_squeeze %dma_wait3A_323 : memref<1x1x128xi32, #tpu.memory_space<hbm>> -> memref<128xi32, #tpu.memory_space<hbm>>
    %dma_wait3A_325 = arith.constant 0 : i32
    %dma_wait3A_326 = tpu.memref_slice %arg5[%dma_wait3A_318, %dma_wait3A_325] : memref<4x128xi32, #tpu.memory_space<vmem>> -> memref<1x128xi32, #tpu.memory_space<vmem>>
    %dma_wait3A_327 = tpu.memref_squeeze %dma_wait3A_326 : memref<1x128xi32, #tpu.memory_space<vmem>> -> memref<128xi32, #tpu.memory_space<vmem>>
    %dma_wait3A_328 = arith.constant 0 : i32
    %dma_wait3A_329 = tpu.memref_slice %arg2[%dma_wait3A_316, %dma_wait3A_317, %dma_wait3A_328] : memref<26x128x128xi32, #tpu.memory_space<hbm>> -> memref<1x1x128xi32, #tpu.memory_space<hbm>>
    %dma_wait3A_330 = tpu.memref_squeeze %dma_wait3A_329 : memref<1x1x128xi32, #tpu.memory_space<hbm>> -> memref<128xi32, #tpu.memory_space<hbm>>
    tpu.wait_dma2 semaphore(%arg19 : memref<!tpu.dma_semaphore, #tpu.memory_space<semaphore_mem>>) src(%dma_wait3A_330 : memref<128xi32, #tpu.memory_space<hbm>>) dst(%dma_wait3A_327 : memref<128xi32, #tpu.memory_space<vmem>>)
    %dma_start3A_331 = arith.constant 3 : i32
    %dma_start3A_332 = arith.constant 3 : i32
    %dma_start3A_333 = arith.constant 0 : i32
    %dma_start3A_334 = arith.constant 0 : i32
    %dma_start3A_335 = tpu.memref_slice %arg6[%dma_start3A_332, %dma_start3A_333, %dma_start3A_334] : memref<4x128x32xf32, #tpu.memory_space<vmem>> -> memref<1x128x32xf32, #tpu.memory_space<vmem>>
    %dma_start3A_336 = tpu.memref_squeeze %dma_start3A_335 : memref<1x128x32xf32, #tpu.memory_space<vmem>> -> memref<128x32xf32, #tpu.memory_space<vmem>>
    %dma_start3A_337 = arith.constant 0 : i32
    %dma_start3A_338 = tpu.memref_slice %arg5[%dma_start3A_331, %dma_start3A_337] : memref<4x128xi32, #tpu.memory_space<vmem>> -> memref<1x128xi32, #tpu.memory_space<vmem>>
    %dma_start3A_339 = tpu.memref_squeeze %dma_start3A_338 : memref<1x128xi32, #tpu.memory_space<vmem>> -> memref<128xi32, #tpu.memory_space<vmem>>
    %dma_start3A_340 = arith.constant 0 : i32
    %dma_start3A_341 = arith.constant 0 : i32
    %dma_start3A_342 = tpu.memref_slice %arg3[%dma_start3A_340, %dma_start3A_341] : memref<1000000x32xf32, #tpu.memory_space<hbm>> -> memref<1000000x32xf32, #tpu.memory_space<hbm>>
    tpu.enqueue_indirect_dma source(%dma_start3A_342 : memref<1000000x32xf32, #tpu.memory_space<hbm>>) target(%dma_start3A_336 : memref<128x32xf32, #tpu.memory_space<vmem>>) offsets(%dma_start3A_339 : memref<128xi32, #tpu.memory_space<vmem>>) semaphore(%arg11 : memref<!tpu.dma_semaphore, #tpu.memory_space<semaphore_mem>>)
    %scan3A = arith.constant 0 : i32
    %scan3A_343 = arith.constant 0 : i32
    %scan3A_344 = arith.constant 26 : i32
    %scan3A_345 = arith.addi %scan3A_343, %scan3A_344 : i32
    %scan3A_346 = arith.constant 1 : i32
    scf.for %scan3A_440 = %scan3A_343 to %scan3A_345 step %scan3A_346  : i32 {
      %mul3A_441 = arith.constant 4 : i32
      %mul3A_442 = arith.muli %scan3A_440, %mul3A_441 : i32
      %add3A_443 = arith.addi %mul3A_2, %mul3A_442 : i32
      %add3A_444 = arith.constant 0 : i32
      %add3A_445 = arith.addi %add3A_443, %add3A_444 : i32
      %add3A_446 = arith.constant 4 : i32
      %add3A_447 = arith.addi %add3A_445, %add3A_446 : i32
      %add3A_448 = arith.constant 104 : i32
      %add3A_449 = arith.addi %mul3A_2, %add3A_448 : i32
      %sub3A_450 = arith.constant 1 : i32
      %sub3A_451 = arith.subi %add3A_449, %sub3A_450 : i32
      %le3A = arith.cmpi sle, %add3A_447, %sub3A_451 : i32
      %dma_wait3A_452 = arith.constant 0 : i32
      %dma_wait3A_453 = arith.constant 0 : i32
      %dma_wait3A_454 = arith.constant 0 : i32
      %dma_wait3A_455 = tpu.memref_slice %arg6[%dma_wait3A_452, %dma_wait3A_453, %dma_wait3A_454] : memref<4x128x32xf32, #tpu.memory_space<vmem>> -> memref<1x128x32xf32, #tpu.memory_space<vmem>>
      %dma_wait3A_456 = tpu.memref_squeeze %dma_wait3A_455 : memref<1x128x32xf32, #tpu.memory_space<vmem>> -> memref<128x32xf32, #tpu.memory_space<vmem>>
      %dma_wait3A_457 = arith.constant 0 : i32
      %dma_wait3A_458 = arith.constant 0 : i32
      %dma_wait3A_459 = tpu.memref_slice %arg3[%dma_wait3A_457, %dma_wait3A_458] : memref<1000000x32xf32, #tpu.memory_space<hbm>> -> memref<128x32xf32, #tpu.memory_space<hbm>>
      %dma_wait3A_460 = arith.constant 0 : i32
      %dma_wait3A_461 = arith.constant 0 : i32
      %dma_wait3A_462 = tpu.memref_slice %arg6[%dma_wait3A_452, %dma_wait3A_460, %dma_wait3A_461] : memref<4x128x32xf32, #tpu.memory_space<vmem>> -> memref<1x128x32xf32, #tpu.memory_space<vmem>>
      %dma_wait3A_463 = tpu.memref_squeeze %dma_wait3A_462 : memref<1x128x32xf32, #tpu.memory_space<vmem>> -> memref<128x32xf32, #tpu.memory_space<vmem>>
      %dma_wait3A_464 = arith.constant 0 : i32
      %dma_wait3A_465 = arith.constant 0 : i32
      %dma_wait3A_466 = tpu.memref_slice %arg3[%dma_wait3A_464, %dma_wait3A_465] : memref<1000000x32xf32, #tpu.memory_space<hbm>> -> memref<128x32xf32, #tpu.memory_space<hbm>>
      tpu.wait_dma2 semaphore(%arg8 : memref<!tpu.dma_semaphore, #tpu.memory_space<semaphore_mem>>) src(%dma_wait3A_466 : memref<128x32xf32, #tpu.memory_space<hbm>>) dst(%dma_wait3A_463 : memref<128x32xf32, #tpu.memory_space<vmem>>)
      %convert_element_type3A = arith.extui %le3A : i1 to i32
      %cond3A = arith.constant 0 : i32
      %cond3A_467 = arith.cmpi ne, %convert_element_type3A, %cond3A : i32
      scf.if %cond3A_467 {
        %jit3A_844 = arith.constant 128 : i32
        %div3A_845 = arith.divsi %add3A_447, %jit3A_844 : i32
        %sign3A_846 = arith.constant 0 : i32
        %sign3A_847 = arith.cmpi sgt, %add3A_447, %sign3A_846 : i32
        %sign3A_848 = arith.extui %sign3A_847 : i1 to i32
        %sign3A_849 = arith.constant 0 : i32
        %sign3A_850 = arith.cmpi slt, %add3A_447, %sign3A_849 : i32
        %sign3A_851 = arith.extui %sign3A_850 : i1 to i32
        %sign3A_852 = arith.subi %sign3A_848, %sign3A_851 : i32
        %sign3A_853 = arith.constant 0 : i32
        %sign3A_854 = arith.cmpi sgt, %jit3A_844, %sign3A_853 : i32
        %sign3A_855 = arith.extui %sign3A_854 : i1 to i32
        %sign3A_856 = arith.constant 0 : i32
        %sign3A_857 = arith.cmpi slt, %jit3A_844, %sign3A_856 : i32
        %sign3A_858 = arith.extui %sign3A_857 : i1 to i32
        %sign3A_859 = arith.subi %sign3A_855, %sign3A_858 : i32
        %ne3A_860 = arith.cmpi ne, %sign3A_852, %sign3A_859 : i32
        %rem3A_861 = arith.remsi %add3A_447, %jit3A_844 : i32
        %ne3A_862 = arith.constant 0 : i32
        %ne3A_863 = arith.cmpi ne, %rem3A_861, %ne3A_862 : i32
        %and3A_864 = arith.andi %ne3A_860, %ne3A_863 : i1
        %sub3A_865 = arith.constant 1 : i32
        %sub3A_866 = arith.subi %div3A_845, %sub3A_865 : i32
        %select_n3A_867 = arith.select %and3A_864, %sub3A_866, %div3A_845 : i32
        %jit3A_868 = arith.constant 128 : i32
        %eq3A_869 = arith.constant 0 : i32
        %eq3A_870 = arith.cmpi eq, %jit3A_868, %eq3A_869 : i32
        %jit3A_871 = arith.constant 1 : i32
        %select_n3A_872 = arith.select %eq3A_870, %jit3A_871, %jit3A_868 : i32
        %rem3A_873 = arith.remsi %add3A_447, %select_n3A_872 : i32
        %ne3A_874 = arith.constant 0 : i32
        %ne3A_875 = arith.cmpi ne, %rem3A_873, %ne3A_874 : i32
        %lt3A_876 = arith.constant 0 : i32
        %lt3A_877 = arith.cmpi slt, %rem3A_873, %lt3A_876 : i32
        %lt3A_878 = arith.constant 0 : i32
        %lt3A_879 = arith.cmpi slt, %select_n3A_872, %lt3A_878 : i32
        %ne3A_880 = arith.xori %lt3A_877, %lt3A_879 : i1
        %and3A_881 = arith.andi %ne3A_880, %ne3A_875 : i1
        %add3A_882 = arith.addi %rem3A_873, %select_n3A_872 : i32
        %select_n3A_883 = arith.select %and3A_881, %add3A_882, %rem3A_873 : i32
        %dma_start3A_884 = arith.constant 0 : i32
        %dma_start3A_885 = arith.constant 0 : i32
        %dma_start3A_886 = tpu.memref_slice %arg5[%dma_start3A_884, %dma_start3A_885] : memref<4x128xi32, #tpu.memory_space<vmem>> -> memref<1x128xi32, #tpu.memory_space<vmem>>
        %dma_start3A_887 = tpu.memref_squeeze %dma_start3A_886 : memref<1x128xi32, #tpu.memory_space<vmem>> -> memref<128xi32, #tpu.memory_space<vmem>>
        %dma_start3A_888 = arith.constant 0 : i32
        %dma_start3A_889 = tpu.memref_slice %arg2[%select_n3A_867, %select_n3A_883, %dma_start3A_888] : memref<26x128x128xi32, #tpu.memory_space<hbm>> -> memref<1x1x128xi32, #tpu.memory_space<hbm>>
        %dma_start3A_890 = tpu.memref_squeeze %dma_start3A_889 : memref<1x1x128xi32, #tpu.memory_space<hbm>> -> memref<128xi32, #tpu.memory_space<hbm>>
        %dma_start3A_891 = arith.constant 0 : i32
        %dma_start3A_892 = tpu.memref_slice %arg5[%dma_start3A_884, %dma_start3A_891] : memref<4x128xi32, #tpu.memory_space<vmem>> -> memref<1x128xi32, #tpu.memory_space<vmem>>
        %dma_start3A_893 = tpu.memref_squeeze %dma_start3A_892 : memref<1x128xi32, #tpu.memory_space<vmem>> -> memref<128xi32, #tpu.memory_space<vmem>>
        %dma_start3A_894 = arith.constant 0 : i32
        %dma_start3A_895 = tpu.memref_slice %arg2[%select_n3A_867, %select_n3A_883, %dma_start3A_894] : memref<26x128x128xi32, #tpu.memory_space<hbm>> -> memref<1x1x128xi32, #tpu.memory_space<hbm>>
        %dma_start3A_896 = tpu.memref_squeeze %dma_start3A_895 : memref<1x1x128xi32, #tpu.memory_space<hbm>> -> memref<128xi32, #tpu.memory_space<hbm>>
        tpu.enqueue_dma source(%dma_start3A_896 : memref<128xi32, #tpu.memory_space<hbm>>) target(%dma_start3A_893 : memref<128xi32, #tpu.memory_space<vmem>>) target_semaphore(%arg16 : memref<!tpu.dma_semaphore, #tpu.memory_space<semaphore_mem>>)
      } else {
      }
      %ge3A = arith.constant 1 : i32
      %ge3A_468 = arith.cmpi sge, %scan3A_440, %ge3A : i32
      %convert_element_type3A_469 = arith.extui %ge3A_468 : i1 to i32
      %cond3A_470 = arith.constant 0 : i32
      %cond3A_471 = arith.cmpi ne, %convert_element_type3A_469, %cond3A_470 : i32
      scf.if %cond3A_471 {
        %dma_wait3A_844 = arith.constant 0 : i32
        %dma_wait3A_845 = arith.constant 0 : i32
        %dma_wait3A_846 = arith.constant 0 : i32
        %dma_wait3A_847 = arith.constant 0 : i32
        %dma_wait3A_848 = arith.constant 0 : i32
        %dma_wait3A_849 = arith.constant 0 : i32
        %dma_wait3A_850 = tpu.memref_slice %arg7[%dma_wait3A_844, %dma_wait3A_847, %dma_wait3A_848, %dma_wait3A_849] : memref<4x4x8x128xf32, #tpu.memory_space<vmem>> -> memref<1x4x8x128xf32, #tpu.memory_space<vmem>>
        %dma_wait3A_851 = tpu.memref_squeeze %dma_wait3A_850 : memref<1x4x8x128xf32, #tpu.memory_space<vmem>> -> memref<4x8x128xf32, #tpu.memory_space<vmem>>
        %dma_wait3A_852 = arith.constant 0 : i32
        %dma_wait3A_853 = arith.constant 0 : i32
        %dma_wait3A_854 = arith.constant 0 : i32
        %dma_wait3A_855 = tpu.memref_slice %arg4[%dma_wait3A_845, %dma_wait3A_852, %dma_wait3A_846, %dma_wait3A_853, %dma_wait3A_854] : memref<26x4x128x8x128xf32, #tpu.memory_space<hbm>> -> memref<1x4x1x8x128xf32, #tpu.memory_space<hbm>>
        %dma_wait3A_856 = tpu.memref_squeeze %dma_wait3A_855 : memref<1x4x1x8x128xf32, #tpu.memory_space<hbm>> -> memref<4x8x128xf32, #tpu.memory_space<hbm>>
        %dma_wait3A_857 = arith.constant 0 : i32
        %dma_wait3A_858 = arith.constant 0 : i32
        %dma_wait3A_859 = arith.constant 0 : i32
        %dma_wait3A_860 = tpu.memref_slice %arg4[%dma_wait3A_845, %dma_wait3A_857, %dma_wait3A_846, %dma_wait3A_858, %dma_wait3A_859] : memref<26x4x128x8x128xf32, #tpu.memory_space<hbm>> -> memref<1x4x1x8x128xf32, #tpu.memory_space<hbm>>
        %dma_wait3A_861 = tpu.memref_squeeze %dma_wait3A_860 : memref<1x4x1x8x128xf32, #tpu.memory_space<hbm>> -> memref<4x8x128xf32, #tpu.memory_space<hbm>>
        %dma_wait3A_862 = arith.constant 0 : i32
        %dma_wait3A_863 = arith.constant 0 : i32
        %dma_wait3A_864 = arith.constant 0 : i32
        %dma_wait3A_865 = tpu.memref_slice %arg7[%dma_wait3A_844, %dma_wait3A_862, %dma_wait3A_863, %dma_wait3A_864] : memref<4x4x8x128xf32, #tpu.memory_space<vmem>> -> memref<1x4x8x128xf32, #tpu.memory_space<vmem>>
        %dma_wait3A_866 = tpu.memref_squeeze %dma_wait3A_865 : memref<1x4x8x128xf32, #tpu.memory_space<vmem>> -> memref<4x8x128xf32, #tpu.memory_space<vmem>>
        tpu.wait_dma2 semaphore(%arg12 : memref<!tpu.dma_semaphore, #tpu.memory_space<semaphore_mem>>) src(%dma_wait3A_866 : memref<4x8x128xf32, #tpu.memory_space<vmem>>) dst(%dma_wait3A_861 : memref<4x8x128xf32, #tpu.memory_space<hbm>>)
      } else {
      }
      %parallel_loop3A = arith.constant 0 : i32
      %parallel_loop3A_472 = arith.constant 32 : i32
      %parallel_loop3A_473 = arith.constant 1 : i32
      scf.for %parallel_loop3A_844 = %parallel_loop3A to %parallel_loop3A_472 step %parallel_loop3A_473  : i32 {
        %parallel_loop3A_845 = arith.constant 0 : i32
        %parallel_loop3A_846 = vector.broadcast %parallel_loop3A_845 : i32 to vector<16xi32>
        %parallel_loop3A_847 = vector.broadcast %parallel_loop3A_844 : i32 to vector<16xi32>
        %parallel_loop3A_848 = arith.addi %parallel_loop3A_846, %parallel_loop3A_847 : vector<16xi32>
        %parallel_loop3A_849 = arith.constant 8 : i32
        %parallel_loop3A_850 = arith.divsi %parallel_loop3A_844, %parallel_loop3A_849 : i32
        %parallel_loop3A_851 = arith.constant 0 : i32
        %parallel_loop3A_852 = arith.cmpi sgt, %parallel_loop3A_844, %parallel_loop3A_851 : i32
        %parallel_loop3A_853 = arith.extui %parallel_loop3A_852 : i1 to i32
        %parallel_loop3A_854 = arith.constant 0 : i32
        %parallel_loop3A_855 = arith.cmpi slt, %parallel_loop3A_844, %parallel_loop3A_854 : i32
        %parallel_loop3A_856 = arith.extui %parallel_loop3A_855 : i1 to i32
        %parallel_loop3A_857 = arith.subi %parallel_loop3A_853, %parallel_loop3A_856 : i32
        %parallel_loop3A_858 = arith.constant 0 : i32
        %parallel_loop3A_859 = arith.cmpi sgt, %parallel_loop3A_849, %parallel_loop3A_858 : i32
        %parallel_loop3A_860 = arith.extui %parallel_loop3A_859 : i1 to i32
        %parallel_loop3A_861 = arith.constant 0 : i32
        %parallel_loop3A_862 = arith.cmpi slt, %parallel_loop3A_849, %parallel_loop3A_861 : i32
        %parallel_loop3A_863 = arith.extui %parallel_loop3A_862 : i1 to i32
        %parallel_loop3A_864 = arith.subi %parallel_loop3A_860, %parallel_loop3A_863 : i32
        %parallel_loop3A_865 = arith.cmpi ne, %parallel_loop3A_857, %parallel_loop3A_864 : i32
        %parallel_loop3A_866 = arith.remsi %parallel_loop3A_844, %parallel_loop3A_849 : i32
        %parallel_loop3A_867 = arith.constant 0 : i32
        %parallel_loop3A_868 = arith.cmpi ne, %parallel_loop3A_866, %parallel_loop3A_867 : i32
        %parallel_loop3A_869 = arith.andi %parallel_loop3A_865, %parallel_loop3A_868 : i1
        %parallel_loop3A_870 = arith.constant 1 : i32
        %parallel_loop3A_871 = arith.subi %parallel_loop3A_850, %parallel_loop3A_870 : i32
        %parallel_loop3A_872 = arith.select %parallel_loop3A_869, %parallel_loop3A_871, %parallel_loop3A_850 : i32
        %parallel_loop3A_873 = arith.constant 8 : i32
        %parallel_loop3A_874 = arith.constant 0 : i32
        %parallel_loop3A_875 = arith.cmpi eq, %parallel_loop3A_873, %parallel_loop3A_874 : i32
        %parallel_loop3A_876 = arith.constant 1 : i32
        %parallel_loop3A_877 = arith.select %parallel_loop3A_875, %parallel_loop3A_876, %parallel_loop3A_873 : i32
        %parallel_loop3A_878 = arith.remsi %parallel_loop3A_844, %parallel_loop3A_877 : i32
        %parallel_loop3A_879 = arith.constant 0 : i32
        %parallel_loop3A_880 = arith.cmpi ne, %parallel_loop3A_878, %parallel_loop3A_879 : i32
        %parallel_loop3A_881 = arith.constant 0 : i32
        %parallel_loop3A_882 = arith.cmpi slt, %parallel_loop3A_878, %parallel_loop3A_881 : i32
        %parallel_loop3A_883 = arith.constant 0 : i32
        %parallel_loop3A_884 = arith.cmpi slt, %parallel_loop3A_877, %parallel_loop3A_883 : i32
        %parallel_loop3A_885 = arith.xori %parallel_loop3A_882, %parallel_loop3A_884 : i1
        %parallel_loop3A_886 = arith.andi %parallel_loop3A_885, %parallel_loop3A_880 : i1
        %parallel_loop3A_887 = arith.addi %parallel_loop3A_878, %parallel_loop3A_877 : i32
        %parallel_loop3A_888 = arith.select %parallel_loop3A_886, %parallel_loop3A_887, %parallel_loop3A_878 : i32
        %parallel_loop3A_889 = arith.constant 0 : i32
        %parallel_loop3A_890 = arith.constant 0 : i32
        %parallel_loop3A_891 = arith.constant 0 : i32
        %parallel_loop3A_892 = tpu.memref_slice %arg6[%parallel_loop3A_889, %parallel_loop3A_890, %parallel_loop3A_891] : memref<4x128x32xf32, #tpu.memory_space<vmem>> -> memref<1x128x32xf32, #tpu.memory_space<vmem>>
        %parallel_loop3A_893 = tpu.memref_squeeze %parallel_loop3A_892 : memref<1x128x32xf32, #tpu.memory_space<vmem>> -> memref<128x32xf32, #tpu.memory_space<vmem>>
        %parallel_loop3A_894 = tpu.vector_load_idx %parallel_loop3A_893[%add3A_5, %parallel_loop3A_848] : memref<128x32xf32, #tpu.memory_space<vmem>>[vector<16xi32>, vector<16xi32>], vector<16xf32>,
        %parallel_loop3A_895 = arith.constant 5.65685415 : f32
        %parallel_loop3A_896 = vector.broadcast %parallel_loop3A_895 : f32 to vector<16xf32>
        %parallel_loop3A_897 = arith.mulf %parallel_loop3A_894, %parallel_loop3A_896 : vector<16xf32>
        %parallel_loop3A_898 = arith.constant 0 : i32
        %parallel_loop3A_899 = arith.index_cast %parallel_loop3A_898 : i32 to index
        %parallel_loop3A_900 = arith.index_cast %parallel_loop3A_872 : i32 to index
        %parallel_loop3A_901 = arith.index_cast %parallel_loop3A_888 : i32 to index
        %parallel_loop3A_902 = arith.constant 0 : index
        %parallel_loop3A_903 = tpu.vector_load %arg7[%parallel_loop3A_899, %parallel_loop3A_900, %parallel_loop3A_901, %parallel_loop3A_902] {strides = array<i32>} : memref<4x4x8x128xf32, #tpu.memory_space<vmem>>, vector<16xf32>,
        tpu.vector_store %arg7[%parallel_loop3A_899, %parallel_loop3A_900, %parallel_loop3A_901, %parallel_loop3A_902], %parallel_loop3A_897 {strides = array<i32>} : memref<4x4x8x128xf32, #tpu.memory_space<vmem>>, vector<16xf32>,
        %parallel_loop3A_904 = arith.constant 0 : i32
        %parallel_loop3A_905 = arith.constant 0 : i32
        %parallel_loop3A_906 = arith.constant 0 : i32
        %parallel_loop3A_907 = tpu.memref_slice %arg6[%parallel_loop3A_904, %parallel_loop3A_905, %parallel_loop3A_906] : memref<4x128x32xf32, #tpu.memory_space<vmem>> -> memref<1x128x32xf32, #tpu.memory_space<vmem>>
        %parallel_loop3A_908 = tpu.memref_squeeze %parallel_loop3A_907 : memref<1x128x32xf32, #tpu.memory_space<vmem>> -> memref<128x32xf32, #tpu.memory_space<vmem>>
        %parallel_loop3A_909 = tpu.vector_load_idx %parallel_loop3A_908[%add3A_8, %parallel_loop3A_848] : memref<128x32xf32, #tpu.memory_space<vmem>>[vector<16xi32>, vector<16xi32>], vector<16xf32>,
        %parallel_loop3A_910 = arith.constant 5.65685415 : f32
        %parallel_loop3A_911 = vector.broadcast %parallel_loop3A_910 : f32 to vector<16xf32>
        %parallel_loop3A_912 = arith.mulf %parallel_loop3A_909, %parallel_loop3A_911 : vector<16xf32>
        %parallel_loop3A_913 = arith.constant 0 : i32
        %parallel_loop3A_914 = arith.index_cast %parallel_loop3A_913 : i32 to index
        %parallel_loop3A_915 = arith.index_cast %parallel_loop3A_872 : i32 to index
        %parallel_loop3A_916 = arith.index_cast %parallel_loop3A_888 : i32 to index
        %parallel_loop3A_917 = arith.constant 16 : index
        %parallel_loop3A_918 = tpu.vector_load %arg7[%parallel_loop3A_914, %parallel_loop3A_915, %parallel_loop3A_916, %parallel_loop3A_917] {strides = array<i32>} : memref<4x4x8x128xf32, #tpu.memory_space<vmem>>, vector<16xf32>,
        tpu.vector_store %arg7[%parallel_loop3A_914, %parallel_loop3A_915, %parallel_loop3A_916, %parallel_loop3A_917], %parallel_loop3A_912 {strides = array<i32>} : memref<4x4x8x128xf32, #tpu.memory_space<vmem>>, vector<16xf32>,
        %parallel_loop3A_919 = arith.constant 0 : i32
        %parallel_loop3A_920 = arith.constant 0 : i32
        %parallel_loop3A_921 = arith.constant 0 : i32
        %parallel_loop3A_922 = tpu.memref_slice %arg6[%parallel_loop3A_919, %parallel_loop3A_920, %parallel_loop3A_921] : memref<4x128x32xf32, #tpu.memory_space<vmem>> -> memref<1x128x32xf32, #tpu.memory_space<vmem>>
        %parallel_loop3A_923 = tpu.memref_squeeze %parallel_loop3A_922 : memref<1x128x32xf32, #tpu.memory_space<vmem>> -> memref<128x32xf32, #tpu.memory_space<vmem>>
        %parallel_loop3A_924 = tpu.vector_load_idx %parallel_loop3A_923[%add3A_11, %parallel_loop3A_848] : memref<128x32xf32, #tpu.memory_space<vmem>>[vector<16xi32>, vector<16xi32>], vector<16xf32>,
        %parallel_loop3A_925 = arith.constant 5.65685415 : f32
        %parallel_loop3A_926 = vector.broadcast %parallel_loop3A_925 : f32 to vector<16xf32>
        %parallel_loop3A_927 = arith.mulf %parallel_loop3A_924, %parallel_loop3A_926 : vector<16xf32>
        %parallel_loop3A_928 = arith.constant 0 : i32
        %parallel_loop3A_929 = arith.index_cast %parallel_loop3A_928 : i32 to index
        %parallel_loop3A_930 = arith.index_cast %parallel_loop3A_872 : i32 to index
        %parallel_loop3A_931 = arith.index_cast %parallel_loop3A_888 : i32 to index
        %parallel_loop3A_932 = arith.constant 32 : index
        %parallel_loop3A_933 = tpu.vector_load %arg7[%parallel_loop3A_929, %parallel_loop3A_930, %parallel_loop3A_931, %parallel_loop3A_932] {strides = array<i32>} : memref<4x4x8x128xf32, #tpu.memory_space<vmem>>, vector<16xf32>,
        tpu.vector_store %arg7[%parallel_loop3A_929, %parallel_loop3A_930, %parallel_loop3A_931, %parallel_loop3A_932], %parallel_loop3A_927 {strides = array<i32>} : memref<4x4x8x128xf32, #tpu.memory_space<vmem>>, vector<16xf32>,
        %parallel_loop3A_934 = arith.constant 0 : i32
        %parallel_loop3A_935 = arith.constant 0 : i32
        %parallel_loop3A_936 = arith.constant 0 : i32
        %parallel_loop3A_937 = tpu.memref_slice %arg6[%parallel_loop3A_934, %parallel_loop3A_935, %parallel_loop3A_936] : memref<4x128x32xf32, #tpu.memory_space<vmem>> -> memref<1x128x32xf32, #tpu.memory_space<vmem>>
        %parallel_loop3A_938 = tpu.memref_squeeze %parallel_loop3A_937 : memref<1x128x32xf32, #tpu.memory_space<vmem>> -> memref<128x32xf32, #tpu.memory_space<vmem>>
        %parallel_loop3A_939 = tpu.vector_load_idx %parallel_loop3A_938[%add3A_14, %parallel_loop3A_848] : memref<128x32xf32, #tpu.memory_space<vmem>>[vector<16xi32>, vector<16xi32>], vector<16xf32>,
        %parallel_loop3A_940 = arith.constant 5.65685415 : f32
        %parallel_loop3A_941 = vector.broadcast %parallel_loop3A_940 : f32 to vector<16xf32>
        %parallel_loop3A_942 = arith.mulf %parallel_loop3A_939, %parallel_loop3A_941 : vector<16xf32>
        %parallel_loop3A_943 = arith.constant 0 : i32
        %parallel_loop3A_944 = arith.index_cast %parallel_loop3A_943 : i32 to index
        %parallel_loop3A_945 = arith.index_cast %parallel_loop3A_872 : i32 to index
        %parallel_loop3A_946 = arith.index_cast %parallel_loop3A_888 : i32 to index
        %parallel_loop3A_947 = arith.constant 48 : index
        %parallel_loop3A_948 = tpu.vector_load %arg7[%parallel_loop3A_944, %parallel_loop3A_945, %parallel_loop3A_946, %parallel_loop3A_947] {strides = array<i32>} : memref<4x4x8x128xf32, #tpu.memory_space<vmem>>, vector<16xf32>,
        tpu.vector_store %arg7[%parallel_loop3A_944, %parallel_loop3A_945, %parallel_loop3A_946, %parallel_loop3A_947], %parallel_loop3A_942 {strides = array<i32>} : memref<4x4x8x128xf32, #tpu.memory_space<vmem>>, vector<16xf32>,
        %parallel_loop3A_949 = arith.constant 0 : i32
        %parallel_loop3A_950 = arith.constant 0 : i32
        %parallel_loop3A_951 = arith.constant 0 : i32
        %parallel_loop3A_952 = tpu.memref_slice %arg6[%parallel_loop3A_949, %parallel_loop3A_950, %parallel_loop3A_951] : memref<4x128x32xf32, #tpu.memory_space<vmem>> -> memref<1x128x32xf32, #tpu.memory_space<vmem>>
        %parallel_loop3A_953 = tpu.memref_squeeze %parallel_loop3A_952 : memref<1x128x32xf32, #tpu.memory_space<vmem>> -> memref<128x32xf32, #tpu.memory_space<vmem>>
        %parallel_loop3A_954 = tpu.vector_load_idx %parallel_loop3A_953[%add3A_17, %parallel_loop3A_848] : memref<128x32xf32, #tpu.memory_space<vmem>>[vector<16xi32>, vector<16xi32>], vector<16xf32>,
        %parallel_loop3A_955 = arith.constant 5.65685415 : f32
        %parallel_loop3A_956 = vector.broadcast %parallel_loop3A_955 : f32 to vector<16xf32>
        %parallel_loop3A_957 = arith.mulf %parallel_loop3A_954, %parallel_loop3A_956 : vector<16xf32>
        %parallel_loop3A_958 = arith.constant 0 : i32
        %parallel_loop3A_959 = arith.index_cast %parallel_loop3A_958 : i32 to index
        %parallel_loop3A_960 = arith.index_cast %parallel_loop3A_872 : i32 to index
        %parallel_loop3A_961 = arith.index_cast %parallel_loop3A_888 : i32 to index
        %parallel_loop3A_962 = arith.constant 64 : index
        %parallel_loop3A_963 = tpu.vector_load %arg7[%parallel_loop3A_959, %parallel_loop3A_960, %parallel_loop3A_961, %parallel_loop3A_962] {strides = array<i32>} : memref<4x4x8x128xf32, #tpu.memory_space<vmem>>, vector<16xf32>,
        tpu.vector_store %arg7[%parallel_loop3A_959, %parallel_loop3A_960, %parallel_loop3A_961, %parallel_loop3A_962], %parallel_loop3A_957 {strides = array<i32>} : memref<4x4x8x128xf32, #tpu.memory_space<vmem>>, vector<16xf32>,
        %parallel_loop3A_964 = arith.constant 0 : i32
        %parallel_loop3A_965 = arith.constant 0 : i32
        %parallel_loop3A_966 = arith.constant 0 : i32
        %parallel_loop3A_967 = tpu.memref_slice %arg6[%parallel_loop3A_964, %parallel_loop3A_965, %parallel_loop3A_966] : memref<4x128x32xf32, #tpu.memory_space<vmem>> -> memref<1x128x32xf32, #tpu.memory_space<vmem>>
        %parallel_loop3A_968 = tpu.memref_squeeze %parallel_loop3A_967 : memref<1x128x32xf32, #tpu.memory_space<vmem>> -> memref<128x32xf32, #tpu.memory_space<vmem>>
        %parallel_loop3A_969 = tpu.vector_load_idx %parallel_loop3A_968[%add3A_20, %parallel_loop3A_848] : memref<128x32xf32, #tpu.memory_space<vmem>>[vector<16xi32>, vector<16xi32>], vector<16xf32>,
        %parallel_loop3A_970 = arith.constant 5.65685415 : f32
        %parallel_loop3A_971 = vector.broadcast %parallel_loop3A_970 : f32 to vector<16xf32>
        %parallel_loop3A_972 = arith.mulf %parallel_loop3A_969, %parallel_loop3A_971 : vector<16xf32>
        %parallel_loop3A_973 = arith.constant 0 : i32
        %parallel_loop3A_974 = arith.index_cast %parallel_loop3A_973 : i32 to index
        %parallel_loop3A_975 = arith.index_cast %parallel_loop3A_872 : i32 to index
        %parallel_loop3A_976 = arith.index_cast %parallel_loop3A_888 : i32 to index
        %parallel_loop3A_977 = arith.constant 80 : index
        %parallel_loop3A_978 = tpu.vector_load %arg7[%parallel_loop3A_974, %parallel_loop3A_975, %parallel_loop3A_976, %parallel_loop3A_977] {strides = array<i32>} : memref<4x4x8x128xf32, #tpu.memory_space<vmem>>, vector<16xf32>,
        tpu.vector_store %arg7[%parallel_loop3A_974, %parallel_loop3A_975, %parallel_loop3A_976, %parallel_loop3A_977], %parallel_loop3A_972 {strides = array<i32>} : memref<4x4x8x128xf32, #tpu.memory_space<vmem>>, vector<16xf32>,
        %parallel_loop3A_979 = arith.constant 0 : i32
        %parallel_loop3A_980 = arith.constant 0 : i32
        %parallel_loop3A_981 = arith.constant 0 : i32
        %parallel_loop3A_982 = tpu.memref_slice %arg6[%parallel_loop3A_979, %parallel_loop3A_980, %parallel_loop3A_981] : memref<4x128x32xf32, #tpu.memory_space<vmem>> -> memref<1x128x32xf32, #tpu.memory_space<vmem>>
        %parallel_loop3A_983 = tpu.memref_squeeze %parallel_loop3A_982 : memref<1x128x32xf32, #tpu.memory_space<vmem>> -> memref<128x32xf32, #tpu.memory_space<vmem>>
        %parallel_loop3A_984 = tpu.vector_load_idx %parallel_loop3A_983[%add3A_23, %parallel_loop3A_848] : memref<128x32xf32, #tpu.memory_space<vmem>>[vector<16xi32>, vector<16xi32>], vector<16xf32>,
        %parallel_loop3A_985 = arith.constant 5.65685415 : f32
        %parallel_loop3A_986 = vector.broadcast %parallel_loop3A_985 : f32 to vector<16xf32>
        %parallel_loop3A_987 = arith.mulf %parallel_loop3A_984, %parallel_loop3A_986 : vector<16xf32>
        %parallel_loop3A_988 = arith.constant 0 : i32
        %parallel_loop3A_989 = arith.index_cast %parallel_loop3A_988 : i32 to index
        %parallel_loop3A_990 = arith.index_cast %parallel_loop3A_872 : i32 to index
        %parallel_loop3A_991 = arith.index_cast %parallel_loop3A_888 : i32 to index
        %parallel_loop3A_992 = arith.constant 96 : index
        %parallel_loop3A_993 = tpu.vector_load %arg7[%parallel_loop3A_989, %parallel_loop3A_990, %parallel_loop3A_991, %parallel_loop3A_992] {strides = array<i32>} : memref<4x4x8x128xf32, #tpu.memory_space<vmem>>, vector<16xf32>,
        tpu.vector_store %arg7[%parallel_loop3A_989, %parallel_loop3A_990, %parallel_loop3A_991, %parallel_loop3A_992], %parallel_loop3A_987 {strides = array<i32>} : memref<4x4x8x128xf32, #tpu.memory_space<vmem>>, vector<16xf32>,
        %parallel_loop3A_994 = arith.constant 0 : i32
        %parallel_loop3A_995 = arith.constant 0 : i32
        %parallel_loop3A_996 = arith.constant 0 : i32
        %parallel_loop3A_997 = tpu.memref_slice %arg6[%parallel_loop3A_994, %parallel_loop3A_995, %parallel_loop3A_996] : memref<4x128x32xf32, #tpu.memory_space<vmem>> -> memref<1x128x32xf32, #tpu.memory_space<vmem>>
        %parallel_loop3A_998 = tpu.memref_squeeze %parallel_loop3A_997 : memref<1x128x32xf32, #tpu.memory_space<vmem>> -> memref<128x32xf32, #tpu.memory_space<vmem>>
        %parallel_loop3A_999 = tpu.vector_load_idx %parallel_loop3A_998[%add3A_26, %parallel_loop3A_848] : memref<128x32xf32, #tpu.memory_space<vmem>>[vector<16xi32>, vector<16xi32>], vector<16xf32>,
        %parallel_loop3A_1000 = arith.constant 5.65685415 : f32
        %parallel_loop3A_1001 = vector.broadcast %parallel_loop3A_1000 : f32 to vector<16xf32>
        %parallel_loop3A_1002 = arith.mulf %parallel_loop3A_999, %parallel_loop3A_1001 : vector<16xf32>
        %parallel_loop3A_1003 = arith.constant 0 : i32
        %parallel_loop3A_1004 = arith.index_cast %parallel_loop3A_1003 : i32 to index
        %parallel_loop3A_1005 = arith.index_cast %parallel_loop3A_872 : i32 to index
        %parallel_loop3A_1006 = arith.index_cast %parallel_loop3A_888 : i32 to index
        %parallel_loop3A_1007 = arith.constant 112 : index
        %parallel_loop3A_1008 = tpu.vector_load %arg7[%parallel_loop3A_1004, %parallel_loop3A_1005, %parallel_loop3A_1006, %parallel_loop3A_1007] {strides = array<i32>} : memref<4x4x8x128xf32, #tpu.memory_space<vmem>>, vector<16xf32>,
        tpu.vector_store %arg7[%parallel_loop3A_1004, %parallel_loop3A_1005, %parallel_loop3A_1006, %parallel_loop3A_1007], %parallel_loop3A_1002 {strides = array<i32>} : memref<4x4x8x128xf32, #tpu.memory_space<vmem>>, vector<16xf32>,
      } {sc.loop_unroll_factor = 4 : i64, sc.parallel_access}
      %jit3A_474 = arith.constant 128 : i32
      %div3A_475 = arith.divsi %add3A_445, %jit3A_474 : i32
      %sign3A_476 = arith.constant 0 : i32
      %sign3A_477 = arith.cmpi sgt, %add3A_445, %sign3A_476 : i32
      %sign3A_478 = arith.extui %sign3A_477 : i1 to i32
      %sign3A_479 = arith.constant 0 : i32
      %sign3A_480 = arith.cmpi slt, %add3A_445, %sign3A_479 : i32
      %sign3A_481 = arith.extui %sign3A_480 : i1 to i32
      %sign3A_482 = arith.subi %sign3A_478, %sign3A_481 : i32
      %sign3A_483 = arith.constant 0 : i32
      %sign3A_484 = arith.cmpi sgt, %jit3A_474, %sign3A_483 : i32
      %sign3A_485 = arith.extui %sign3A_484 : i1 to i32
      %sign3A_486 = arith.constant 0 : i32
      %sign3A_487 = arith.cmpi slt, %jit3A_474, %sign3A_486 : i32
      %sign3A_488 = arith.extui %sign3A_487 : i1 to i32
      %sign3A_489 = arith.subi %sign3A_485, %sign3A_488 : i32
      %ne3A_490 = arith.cmpi ne, %sign3A_482, %sign3A_489 : i32
      %rem3A_491 = arith.remsi %add3A_445, %jit3A_474 : i32
      %ne3A_492 = arith.constant 0 : i32
      %ne3A_493 = arith.cmpi ne, %rem3A_491, %ne3A_492 : i32
      %and3A_494 = arith.andi %ne3A_490, %ne3A_493 : i1
      %sub3A_495 = arith.constant 1 : i32
      %sub3A_496 = arith.subi %div3A_475, %sub3A_495 : i32
      %select_n3A_497 = arith.select %and3A_494, %sub3A_496, %div3A_475 : i32
      %jit3A_498 = arith.constant 128 : i32
      %eq3A_499 = arith.constant 0 : i32
      %eq3A_500 = arith.cmpi eq, %jit3A_498, %eq3A_499 : i32
      %jit3A_501 = arith.constant 1 : i32
      %select_n3A_502 = arith.select %eq3A_500, %jit3A_501, %jit3A_498 : i32
      %rem3A_503 = arith.remsi %add3A_445, %select_n3A_502 : i32
      %ne3A_504 = arith.constant 0 : i32
      %ne3A_505 = arith.cmpi ne, %rem3A_503, %ne3A_504 : i32
      %lt3A_506 = arith.constant 0 : i32
      %lt3A_507 = arith.cmpi slt, %rem3A_503, %lt3A_506 : i32
      %lt3A_508 = arith.constant 0 : i32
      %lt3A_509 = arith.cmpi slt, %select_n3A_502, %lt3A_508 : i32
      %ne3A_510 = arith.xori %lt3A_507, %lt3A_509 : i1
      %and3A_511 = arith.andi %ne3A_510, %ne3A_505 : i1
      %add3A_512 = arith.addi %rem3A_503, %select_n3A_502 : i32
      %select_n3A_513 = arith.select %and3A_511, %add3A_512, %rem3A_503 : i32
      %dma_start3A_514 = arith.constant 0 : i32
      %dma_start3A_515 = arith.constant 0 : i32
      %dma_start3A_516 = arith.constant 0 : i32
      %dma_start3A_517 = arith.constant 0 : i32
      %dma_start3A_518 = tpu.memref_slice %arg7[%dma_start3A_514, %dma_start3A_515, %dma_start3A_516, %dma_start3A_517] : memref<4x4x8x128xf32, #tpu.memory_space<vmem>> -> memref<1x4x8x128xf32, #tpu.memory_space<vmem>>
      %dma_start3A_519 = tpu.memref_squeeze %dma_start3A_518 : memref<1x4x8x128xf32, #tpu.memory_space<vmem>> -> memref<4x8x128xf32, #tpu.memory_space<vmem>>
      %dma_start3A_520 = arith.constant 0 : i32
      %dma_start3A_521 = arith.constant 0 : i32
      %dma_start3A_522 = arith.constant 0 : i32
      %dma_start3A_523 = tpu.memref_slice %arg4[%select_n3A_497, %dma_start3A_520, %select_n3A_513, %dma_start3A_521, %dma_start3A_522] : memref<26x4x128x8x128xf32, #tpu.memory_space<hbm>> -> memref<1x4x1x8x128xf32, #tpu.memory_space<hbm>>
      %dma_start3A_524 = tpu.memref_squeeze %dma_start3A_523 : memref<1x4x1x8x128xf32, #tpu.memory_space<hbm>> -> memref<4x8x128xf32, #tpu.memory_space<hbm>>
      %dma_start3A_525 = arith.constant 0 : i32
      %dma_start3A_526 = arith.constant 0 : i32
      %dma_start3A_527 = arith.constant 0 : i32
      %dma_start3A_528 = tpu.memref_slice %arg4[%select_n3A_497, %dma_start3A_525, %select_n3A_513, %dma_start3A_526, %dma_start3A_527] : memref<26x4x128x8x128xf32, #tpu.memory_space<hbm>> -> memref<1x4x1x8x128xf32, #tpu.memory_space<hbm>>
      %dma_start3A_529 = tpu.memref_squeeze %dma_start3A_528 : memref<1x4x1x8x128xf32, #tpu.memory_space<hbm>> -> memref<4x8x128xf32, #tpu.memory_space<hbm>>
      %dma_start3A_530 = arith.constant 0 : i32
      %dma_start3A_531 = arith.constant 0 : i32
      %dma_start3A_532 = arith.constant 0 : i32
      %dma_start3A_533 = tpu.memref_slice %arg7[%dma_start3A_514, %dma_start3A_530, %dma_start3A_531, %dma_start3A_532] : memref<4x4x8x128xf32, #tpu.memory_space<vmem>> -> memref<1x4x8x128xf32, #tpu.memory_space<vmem>>
      %dma_start3A_534 = tpu.memref_squeeze %dma_start3A_533 : memref<1x4x8x128xf32, #tpu.memory_space<vmem>> -> memref<4x8x128xf32, #tpu.memory_space<vmem>>
      tpu.enqueue_dma source(%dma_start3A_534 : memref<4x8x128xf32, #tpu.memory_space<vmem>>) target(%dma_start3A_529 : memref<4x8x128xf32, #tpu.memory_space<hbm>>) target_semaphore(%arg12 : memref<!tpu.dma_semaphore, #tpu.memory_space<semaphore_mem>>)
      %convert_element_type3A_535 = arith.extui %le3A : i1 to i32
      %cond3A_536 = arith.constant 0 : i32
      %cond3A_537 = arith.cmpi ne, %convert_element_type3A_535, %cond3A_536 : i32
      scf.if %cond3A_537 {
        %dma_wait3A_844 = arith.constant 0 : i32
        %dma_wait3A_845 = arith.constant 0 : i32
        %dma_wait3A_846 = arith.constant 0 : i32
        %dma_wait3A_847 = arith.constant 0 : i32
        %dma_wait3A_848 = tpu.memref_slice %arg5[%dma_wait3A_846, %dma_wait3A_847] : memref<4x128xi32, #tpu.memory_space<vmem>> -> memref<1x128xi32, #tpu.memory_space<vmem>>
        %dma_wait3A_849 = tpu.memref_squeeze %dma_wait3A_848 : memref<1x128xi32, #tpu.memory_space<vmem>> -> memref<128xi32, #tpu.memory_space<vmem>>
        %dma_wait3A_850 = arith.constant 0 : i32
        %dma_wait3A_851 = tpu.memref_slice %arg2[%dma_wait3A_844, %dma_wait3A_845, %dma_wait3A_850] : memref<26x128x128xi32, #tpu.memory_space<hbm>> -> memref<1x1x128xi32, #tpu.memory_space<hbm>>
        %dma_wait3A_852 = tpu.memref_squeeze %dma_wait3A_851 : memref<1x1x128xi32, #tpu.memory_space<hbm>> -> memref<128xi32, #tpu.memory_space<hbm>>
        %dma_wait3A_853 = arith.constant 0 : i32
        %dma_wait3A_854 = tpu.memref_slice %arg5[%dma_wait3A_846, %dma_wait3A_853] : memref<4x128xi32, #tpu.memory_space<vmem>> -> memref<1x128xi32, #tpu.memory_space<vmem>>
        %dma_wait3A_855 = tpu.memref_squeeze %dma_wait3A_854 : memref<1x128xi32, #tpu.memory_space<vmem>> -> memref<128xi32, #tpu.memory_space<vmem>>
        %dma_wait3A_856 = arith.constant 0 : i32
        %dma_wait3A_857 = tpu.memref_slice %arg2[%dma_wait3A_844, %dma_wait3A_845, %dma_wait3A_856] : memref<26x128x128xi32, #tpu.memory_space<hbm>> -> memref<1x1x128xi32, #tpu.memory_space<hbm>>
        %dma_wait3A_858 = tpu.memref_squeeze %dma_wait3A_857 : memref<1x1x128xi32, #tpu.memory_space<hbm>> -> memref<128xi32, #tpu.memory_space<hbm>>
        tpu.wait_dma2 semaphore(%arg16 : memref<!tpu.dma_semaphore, #tpu.memory_space<semaphore_mem>>) src(%dma_wait3A_858 : memref<128xi32, #tpu.memory_space<hbm>>) dst(%dma_wait3A_855 : memref<128xi32, #tpu.memory_space<vmem>>)
        %dma_start3A_859 = arith.constant 0 : i32
        %dma_start3A_860 = arith.constant 0 : i32
        %dma_start3A_861 = arith.constant 0 : i32
        %dma_start3A_862 = arith.constant 0 : i32
        %dma_start3A_863 = tpu.memref_slice %arg6[%dma_start3A_860, %dma_start3A_861, %dma_start3A_862] : memref<4x128x32xf32, #tpu.memory_space<vmem>> -> memref<1x128x32xf32, #tpu.memory_space<vmem>>
        %dma_start3A_864 = tpu.memref_squeeze %dma_start3A_863 : memref<1x128x32xf32, #tpu.memory_space<vmem>> -> memref<128x32xf32, #tpu.memory_space<vmem>>
        %dma_start3A_865 = arith.constant 0 : i32
        %dma_start3A_866 = tpu.memref_slice %arg5[%dma_start3A_859, %dma_start3A_865] : memref<4x128xi32, #tpu.memory_space<vmem>> -> memref<1x128xi32, #tpu.memory_space<vmem>>
        %dma_start3A_867 = tpu.memref_squeeze %dma_start3A_866 : memref<1x128xi32, #tpu.memory_space<vmem>> -> memref<128xi32, #tpu.memory_space<vmem>>
        %dma_start3A_868 = arith.constant 0 : i32
        %dma_start3A_869 = arith.constant 0 : i32
        %dma_start3A_870 = tpu.memref_slice %arg3[%dma_start3A_868, %dma_start3A_869] : memref<1000000x32xf32, #tpu.memory_space<hbm>> -> memref<1000000x32xf32, #tpu.memory_space<hbm>>
        tpu.enqueue_indirect_dma source(%dma_start3A_870 : memref<1000000x32xf32, #tpu.memory_space<hbm>>) target(%dma_start3A_864 : memref<128x32xf32, #tpu.memory_space<vmem>>) offsets(%dma_start3A_867 : memref<128xi32, #tpu.memory_space<vmem>>) semaphore(%arg8 : memref<!tpu.dma_semaphore, #tpu.memory_space<semaphore_mem>>)
      } else {
      }
      %mul3A_538 = arith.constant 4 : i32
      %mul3A_539 = arith.muli %scan3A_440, %mul3A_538 : i32
      %add3A_540 = arith.addi %mul3A_2, %mul3A_539 : i32
      %add3A_541 = arith.constant 1 : i32
      %add3A_542 = arith.addi %add3A_540, %add3A_541 : i32
      %add3A_543 = arith.constant 4 : i32
      %add3A_544 = arith.addi %add3A_542, %add3A_543 : i32
      %add3A_545 = arith.constant 104 : i32
      %add3A_546 = arith.addi %mul3A_2, %add3A_545 : i32
      %sub3A_547 = arith.constant 1 : i32
      %sub3A_548 = arith.subi %add3A_546, %sub3A_547 : i32
      %le3A_549 = arith.cmpi sle, %add3A_544, %sub3A_548 : i32
      %dma_wait3A_550 = arith.constant 1 : i32
      %dma_wait3A_551 = arith.constant 0 : i32
      %dma_wait3A_552 = arith.constant 0 : i32
      %dma_wait3A_553 = tpu.memref_slice %arg6[%dma_wait3A_550, %dma_wait3A_551, %dma_wait3A_552] : memref<4x128x32xf32, #tpu.memory_space<vmem>> -> memref<1x128x32xf32, #tpu.memory_space<vmem>>
      %dma_wait3A_554 = tpu.memref_squeeze %dma_wait3A_553 : memref<1x128x32xf32, #tpu.memory_space<vmem>> -> memref<128x32xf32, #tpu.memory_space<vmem>>
      %dma_wait3A_555 = arith.constant 0 : i32
      %dma_wait3A_556 = arith.constant 0 : i32
      %dma_wait3A_557 = tpu.memref_slice %arg3[%dma_wait3A_555, %dma_wait3A_556] : memref<1000000x32xf32, #tpu.memory_space<hbm>> -> memref<128x32xf32, #tpu.memory_space<hbm>>
      %dma_wait3A_558 = arith.constant 0 : i32
      %dma_wait3A_559 = arith.constant 0 : i32
      %dma_wait3A_560 = tpu.memref_slice %arg6[%dma_wait3A_550, %dma_wait3A_558, %dma_wait3A_559] : memref<4x128x32xf32, #tpu.memory_space<vmem>> -> memref<1x128x32xf32, #tpu.memory_space<vmem>>
      %dma_wait3A_561 = tpu.memref_squeeze %dma_wait3A_560 : memref<1x128x32xf32, #tpu.memory_space<vmem>> -> memref<128x32xf32, #tpu.memory_space<vmem>>
      %dma_wait3A_562 = arith.constant 0 : i32
      %dma_wait3A_563 = arith.constant 0 : i32
      %dma_wait3A_564 = tpu.memref_slice %arg3[%dma_wait3A_562, %dma_wait3A_563] : memref<1000000x32xf32, #tpu.memory_space<hbm>> -> memref<128x32xf32, #tpu.memory_space<hbm>>
      tpu.wait_dma2 semaphore(%arg9 : memref<!tpu.dma_semaphore, #tpu.memory_space<semaphore_mem>>) src(%dma_wait3A_564 : memref<128x32xf32, #tpu.memory_space<hbm>>) dst(%dma_wait3A_561 : memref<128x32xf32, #tpu.memory_space<vmem>>)
      %convert_element_type3A_565 = arith.extui %le3A_549 : i1 to i32
      %cond3A_566 = arith.constant 0 : i32
      %cond3A_567 = arith.cmpi ne, %convert_element_type3A_565, %cond3A_566 : i32
      scf.if %cond3A_567 {
        %jit3A_844 = arith.constant 128 : i32
        %div3A_845 = arith.divsi %add3A_544, %jit3A_844 : i32
        %sign3A_846 = arith.constant 0 : i32
        %sign3A_847 = arith.cmpi sgt, %add3A_544, %sign3A_846 : i32
        %sign3A_848 = arith.extui %sign3A_847 : i1 to i32
        %sign3A_849 = arith.constant 0 : i32
        %sign3A_850 = arith.cmpi slt, %add3A_544, %sign3A_849 : i32
        %sign3A_851 = arith.extui %sign3A_850 : i1 to i32
        %sign3A_852 = arith.subi %sign3A_848, %sign3A_851 : i32
        %sign3A_853 = arith.constant 0 : i32
        %sign3A_854 = arith.cmpi sgt, %jit3A_844, %sign3A_853 : i32
        %sign3A_855 = arith.extui %sign3A_854 : i1 to i32
        %sign3A_856 = arith.constant 0 : i32
        %sign3A_857 = arith.cmpi slt, %jit3A_844, %sign3A_856 : i32
        %sign3A_858 = arith.extui %sign3A_857 : i1 to i32
        %sign3A_859 = arith.subi %sign3A_855, %sign3A_858 : i32
        %ne3A_860 = arith.cmpi ne, %sign3A_852, %sign3A_859 : i32
        %rem3A_861 = arith.remsi %add3A_544, %jit3A_844 : i32
        %ne3A_862 = arith.constant 0 : i32
        %ne3A_863 = arith.cmpi ne, %rem3A_861, %ne3A_862 : i32
        %and3A_864 = arith.andi %ne3A_860, %ne3A_863 : i1
        %sub3A_865 = arith.constant 1 : i32
        %sub3A_866 = arith.subi %div3A_845, %sub3A_865 : i32
        %select_n3A_867 = arith.select %and3A_864, %sub3A_866, %div3A_845 : i32
        %jit3A_868 = arith.constant 128 : i32
        %eq3A_869 = arith.constant 0 : i32
        %eq3A_870 = arith.cmpi eq, %jit3A_868, %eq3A_869 : i32
        %jit3A_871 = arith.constant 1 : i32
        %select_n3A_872 = arith.select %eq3A_870, %jit3A_871, %jit3A_868 : i32
        %rem3A_873 = arith.remsi %add3A_544, %select_n3A_872 : i32
        %ne3A_874 = arith.constant 0 : i32
        %ne3A_875 = arith.cmpi ne, %rem3A_873, %ne3A_874 : i32
        %lt3A_876 = arith.constant 0 : i32
        %lt3A_877 = arith.cmpi slt, %rem3A_873, %lt3A_876 : i32
        %lt3A_878 = arith.constant 0 : i32
        %lt3A_879 = arith.cmpi slt, %select_n3A_872, %lt3A_878 : i32
        %ne3A_880 = arith.xori %lt3A_877, %lt3A_879 : i1
        %and3A_881 = arith.andi %ne3A_880, %ne3A_875 : i1
        %add3A_882 = arith.addi %rem3A_873, %select_n3A_872 : i32
        %select_n3A_883 = arith.select %and3A_881, %add3A_882, %rem3A_873 : i32
        %dma_start3A_884 = arith.constant 1 : i32
        %dma_start3A_885 = arith.constant 0 : i32
        %dma_start3A_886 = tpu.memref_slice %arg5[%dma_start3A_884, %dma_start3A_885] : memref<4x128xi32, #tpu.memory_space<vmem>> -> memref<1x128xi32, #tpu.memory_space<vmem>>
        %dma_start3A_887 = tpu.memref_squeeze %dma_start3A_886 : memref<1x128xi32, #tpu.memory_space<vmem>> -> memref<128xi32, #tpu.memory_space<vmem>>
        %dma_start3A_888 = arith.constant 0 : i32
        %dma_start3A_889 = tpu.memref_slice %arg2[%select_n3A_867, %select_n3A_883, %dma_start3A_888] : memref<26x128x128xi32, #tpu.memory_space<hbm>> -> memref<1x1x128xi32, #tpu.memory_space<hbm>>
        %dma_start3A_890 = tpu.memref_squeeze %dma_start3A_889 : memref<1x1x128xi32, #tpu.memory_space<hbm>> -> memref<128xi32, #tpu.memory_space<hbm>>
        %dma_start3A_891 = arith.constant 0 : i32
        %dma_start3A_892 = tpu.memref_slice %arg5[%dma_start3A_884, %dma_start3A_891] : memref<4x128xi32, #tpu.memory_space<vmem>> -> memref<1x128xi32, #tpu.memory_space<vmem>>
        %dma_start3A_893 = tpu.memref_squeeze %dma_start3A_892 : memref<1x128xi32, #tpu.memory_space<vmem>> -> memref<128xi32, #tpu.memory_space<vmem>>
        %dma_start3A_894 = arith.constant 0 : i32
        %dma_start3A_895 = tpu.memref_slice %arg2[%select_n3A_867, %select_n3A_883, %dma_start3A_894] : memref<26x128x128xi32, #tpu.memory_space<hbm>> -> memref<1x1x128xi32, #tpu.memory_space<hbm>>
        %dma_start3A_896 = tpu.memref_squeeze %dma_start3A_895 : memref<1x1x128xi32, #tpu.memory_space<hbm>> -> memref<128xi32, #tpu.memory_space<hbm>>
        tpu.enqueue_dma source(%dma_start3A_896 : memref<128xi32, #tpu.memory_space<hbm>>) target(%dma_start3A_893 : memref<128xi32, #tpu.memory_space<vmem>>) target_semaphore(%arg17 : memref<!tpu.dma_semaphore, #tpu.memory_space<semaphore_mem>>)
      } else {
      }
      %ge3A_568 = arith.constant 1 : i32
      %ge3A_569 = arith.cmpi sge, %scan3A_440, %ge3A_568 : i32
      %convert_element_type3A_570 = arith.extui %ge3A_569 : i1 to i32
      %cond3A_571 = arith.constant 0 : i32
      %cond3A_572 = arith.cmpi ne, %convert_element_type3A_570, %cond3A_571 : i32
      scf.if %cond3A_572 {
        %dma_wait3A_844 = arith.constant 1 : i32
        %dma_wait3A_845 = arith.constant 0 : i32
        %dma_wait3A_846 = arith.constant 0 : i32
        %dma_wait3A_847 = arith.constant 0 : i32
        %dma_wait3A_848 = arith.constant 0 : i32
        %dma_wait3A_849 = arith.constant 0 : i32
        %dma_wait3A_850 = tpu.memref_slice %arg7[%dma_wait3A_844, %dma_wait3A_847, %dma_wait3A_848, %dma_wait3A_849] : memref<4x4x8x128xf32, #tpu.memory_space<vmem>> -> memref<1x4x8x128xf32, #tpu.memory_space<vmem>>
        %dma_wait3A_851 = tpu.memref_squeeze %dma_wait3A_850 : memref<1x4x8x128xf32, #tpu.memory_space<vmem>> -> memref<4x8x128xf32, #tpu.memory_space<vmem>>
        %dma_wait3A_852 = arith.constant 0 : i32
        %dma_wait3A_853 = arith.constant 0 : i32
        %dma_wait3A_854 = arith.constant 0 : i32
        %dma_wait3A_855 = tpu.memref_slice %arg4[%dma_wait3A_845, %dma_wait3A_852, %dma_wait3A_846, %dma_wait3A_853, %dma_wait3A_854] : memref<26x4x128x8x128xf32, #tpu.memory_space<hbm>> -> memref<1x4x1x8x128xf32, #tpu.memory_space<hbm>>
        %dma_wait3A_856 = tpu.memref_squeeze %dma_wait3A_855 : memref<1x4x1x8x128xf32, #tpu.memory_space<hbm>> -> memref<4x8x128xf32, #tpu.memory_space<hbm>>
        %dma_wait3A_857 = arith.constant 0 : i32
        %dma_wait3A_858 = arith.constant 0 : i32
        %dma_wait3A_859 = arith.constant 0 : i32
        %dma_wait3A_860 = tpu.memref_slice %arg4[%dma_wait3A_845, %dma_wait3A_857, %dma_wait3A_846, %dma_wait3A_858, %dma_wait3A_859] : memref<26x4x128x8x128xf32, #tpu.memory_space<hbm>> -> memref<1x4x1x8x128xf32, #tpu.memory_space<hbm>>
        %dma_wait3A_861 = tpu.memref_squeeze %dma_wait3A_860 : memref<1x4x1x8x128xf32, #tpu.memory_space<hbm>> -> memref<4x8x128xf32, #tpu.memory_space<hbm>>
        %dma_wait3A_862 = arith.constant 0 : i32
        %dma_wait3A_863 = arith.constant 0 : i32
        %dma_wait3A_864 = arith.constant 0 : i32
        %dma_wait3A_865 = tpu.memref_slice %arg7[%dma_wait3A_844, %dma_wait3A_862, %dma_wait3A_863, %dma_wait3A_864] : memref<4x4x8x128xf32, #tpu.memory_space<vmem>> -> memref<1x4x8x128xf32, #tpu.memory_space<vmem>>
        %dma_wait3A_866 = tpu.memref_squeeze %dma_wait3A_865 : memref<1x4x8x128xf32, #tpu.memory_space<vmem>> -> memref<4x8x128xf32, #tpu.memory_space<vmem>>
        tpu.wait_dma2 semaphore(%arg13 : memref<!tpu.dma_semaphore, #tpu.memory_space<semaphore_mem>>) src(%dma_wait3A_866 : memref<4x8x128xf32, #tpu.memory_space<vmem>>) dst(%dma_wait3A_861 : memref<4x8x128xf32, #tpu.memory_space<hbm>>)
      } else {
      }
      %parallel_loop3A_573 = arith.constant 0 : i32
      %parallel_loop3A_574 = arith.constant 32 : i32
      %parallel_loop3A_575 = arith.constant 1 : i32
      scf.for %parallel_loop3A_844 = %parallel_loop3A_573 to %parallel_loop3A_574 step %parallel_loop3A_575  : i32 {
        %parallel_loop3A_845 = arith.constant 0 : i32
        %parallel_loop3A_846 = vector.broadcast %parallel_loop3A_845 : i32 to vector<16xi32>
        %parallel_loop3A_847 = vector.broadcast %parallel_loop3A_844 : i32 to vector<16xi32>
        %parallel_loop3A_848 = arith.addi %parallel_loop3A_846, %parallel_loop3A_847 : vector<16xi32>
        %parallel_loop3A_849 = arith.constant 8 : i32
        %parallel_loop3A_850 = arith.divsi %parallel_loop3A_844, %parallel_loop3A_849 : i32
        %parallel_loop3A_851 = arith.constant 0 : i32
        %parallel_loop3A_852 = arith.cmpi sgt, %parallel_loop3A_844, %parallel_loop3A_851 : i32
        %parallel_loop3A_853 = arith.extui %parallel_loop3A_852 : i1 to i32
        %parallel_loop3A_854 = arith.constant 0 : i32
        %parallel_loop3A_855 = arith.cmpi slt, %parallel_loop3A_844, %parallel_loop3A_854 : i32
        %parallel_loop3A_856 = arith.extui %parallel_loop3A_855 : i1 to i32
        %parallel_loop3A_857 = arith.subi %parallel_loop3A_853, %parallel_loop3A_856 : i32
        %parallel_loop3A_858 = arith.constant 0 : i32
        %parallel_loop3A_859 = arith.cmpi sgt, %parallel_loop3A_849, %parallel_loop3A_858 : i32
        %parallel_loop3A_860 = arith.extui %parallel_loop3A_859 : i1 to i32
        %parallel_loop3A_861 = arith.constant 0 : i32
        %parallel_loop3A_862 = arith.cmpi slt, %parallel_loop3A_849, %parallel_loop3A_861 : i32
        %parallel_loop3A_863 = arith.extui %parallel_loop3A_862 : i1 to i32
        %parallel_loop3A_864 = arith.subi %parallel_loop3A_860, %parallel_loop3A_863 : i32
        %parallel_loop3A_865 = arith.cmpi ne, %parallel_loop3A_857, %parallel_loop3A_864 : i32
        %parallel_loop3A_866 = arith.remsi %parallel_loop3A_844, %parallel_loop3A_849 : i32
        %parallel_loop3A_867 = arith.constant 0 : i32
        %parallel_loop3A_868 = arith.cmpi ne, %parallel_loop3A_866, %parallel_loop3A_867 : i32
        %parallel_loop3A_869 = arith.andi %parallel_loop3A_865, %parallel_loop3A_868 : i1
        %parallel_loop3A_870 = arith.constant 1 : i32
        %parallel_loop3A_871 = arith.subi %parallel_loop3A_850, %parallel_loop3A_870 : i32
        %parallel_loop3A_872 = arith.select %parallel_loop3A_869, %parallel_loop3A_871, %parallel_loop3A_850 : i32
        %parallel_loop3A_873 = arith.constant 8 : i32
        %parallel_loop3A_874 = arith.constant 0 : i32
        %parallel_loop3A_875 = arith.cmpi eq, %parallel_loop3A_873, %parallel_loop3A_874 : i32
        %parallel_loop3A_876 = arith.constant 1 : i32
        %parallel_loop3A_877 = arith.select %parallel_loop3A_875, %parallel_loop3A_876, %parallel_loop3A_873 : i32
        %parallel_loop3A_878 = arith.remsi %parallel_loop3A_844, %parallel_loop3A_877 : i32
        %parallel_loop3A_879 = arith.constant 0 : i32
        %parallel_loop3A_880 = arith.cmpi ne, %parallel_loop3A_878, %parallel_loop3A_879 : i32
        %parallel_loop3A_881 = arith.constant 0 : i32
        %parallel_loop3A_882 = arith.cmpi slt, %parallel_loop3A_878, %parallel_loop3A_881 : i32
        %parallel_loop3A_883 = arith.constant 0 : i32
        %parallel_loop3A_884 = arith.cmpi slt, %parallel_loop3A_877, %parallel_loop3A_883 : i32
        %parallel_loop3A_885 = arith.xori %parallel_loop3A_882, %parallel_loop3A_884 : i1
        %parallel_loop3A_886 = arith.andi %parallel_loop3A_885, %parallel_loop3A_880 : i1
        %parallel_loop3A_887 = arith.addi %parallel_loop3A_878, %parallel_loop3A_877 : i32
        %parallel_loop3A_888 = arith.select %parallel_loop3A_886, %parallel_loop3A_887, %parallel_loop3A_878 : i32
        %parallel_loop3A_889 = arith.constant 1 : i32
        %parallel_loop3A_890 = arith.constant 0 : i32
        %parallel_loop3A_891 = arith.constant 0 : i32
        %parallel_loop3A_892 = tpu.memref_slice %arg6[%parallel_loop3A_889, %parallel_loop3A_890, %parallel_loop3A_891] : memref<4x128x32xf32, #tpu.memory_space<vmem>> -> memref<1x128x32xf32, #tpu.memory_space<vmem>>
        %parallel_loop3A_893 = tpu.memref_squeeze %parallel_loop3A_892 : memref<1x128x32xf32, #tpu.memory_space<vmem>> -> memref<128x32xf32, #tpu.memory_space<vmem>>
        %parallel_loop3A_894 = tpu.vector_load_idx %parallel_loop3A_893[%add3A_5, %parallel_loop3A_848] : memref<128x32xf32, #tpu.memory_space<vmem>>[vector<16xi32>, vector<16xi32>], vector<16xf32>,
        %parallel_loop3A_895 = arith.constant 5.65685415 : f32
        %parallel_loop3A_896 = vector.broadcast %parallel_loop3A_895 : f32 to vector<16xf32>
        %parallel_loop3A_897 = arith.mulf %parallel_loop3A_894, %parallel_loop3A_896 : vector<16xf32>
        %parallel_loop3A_898 = arith.constant 1 : i32
        %parallel_loop3A_899 = arith.index_cast %parallel_loop3A_898 : i32 to index
        %parallel_loop3A_900 = arith.index_cast %parallel_loop3A_872 : i32 to index
        %parallel_loop3A_901 = arith.index_cast %parallel_loop3A_888 : i32 to index
        %parallel_loop3A_902 = arith.constant 0 : index
        %parallel_loop3A_903 = tpu.vector_load %arg7[%parallel_loop3A_899, %parallel_loop3A_900, %parallel_loop3A_901, %parallel_loop3A_902] {strides = array<i32>} : memref<4x4x8x128xf32, #tpu.memory_space<vmem>>, vector<16xf32>,
        tpu.vector_store %arg7[%parallel_loop3A_899, %parallel_loop3A_900, %parallel_loop3A_901, %parallel_loop3A_902], %parallel_loop3A_897 {strides = array<i32>} : memref<4x4x8x128xf32, #tpu.memory_space<vmem>>, vector<16xf32>,
        %parallel_loop3A_904 = arith.constant 1 : i32
        %parallel_loop3A_905 = arith.constant 0 : i32
        %parallel_loop3A_906 = arith.constant 0 : i32
        %parallel_loop3A_907 = tpu.memref_slice %arg6[%parallel_loop3A_904, %parallel_loop3A_905, %parallel_loop3A_906] : memref<4x128x32xf32, #tpu.memory_space<vmem>> -> memref<1x128x32xf32, #tpu.memory_space<vmem>>
        %parallel_loop3A_908 = tpu.memref_squeeze %parallel_loop3A_907 : memref<1x128x32xf32, #tpu.memory_space<vmem>> -> memref<128x32xf32, #tpu.memory_space<vmem>>
        %parallel_loop3A_909 = tpu.vector_load_idx %parallel_loop3A_908[%add3A_8, %parallel_loop3A_848] : memref<128x32xf32, #tpu.memory_space<vmem>>[vector<16xi32>, vector<16xi32>], vector<16xf32>,
        %parallel_loop3A_910 = arith.constant 5.65685415 : f32
        %parallel_loop3A_911 = vector.broadcast %parallel_loop3A_910 : f32 to vector<16xf32>
        %parallel_loop3A_912 = arith.mulf %parallel_loop3A_909, %parallel_loop3A_911 : vector<16xf32>
        %parallel_loop3A_913 = arith.constant 1 : i32
        %parallel_loop3A_914 = arith.index_cast %parallel_loop3A_913 : i32 to index
        %parallel_loop3A_915 = arith.index_cast %parallel_loop3A_872 : i32 to index
        %parallel_loop3A_916 = arith.index_cast %parallel_loop3A_888 : i32 to index
        %parallel_loop3A_917 = arith.constant 16 : index
        %parallel_loop3A_918 = tpu.vector_load %arg7[%parallel_loop3A_914, %parallel_loop3A_915, %parallel_loop3A_916, %parallel_loop3A_917] {strides = array<i32>} : memref<4x4x8x128xf32, #tpu.memory_space<vmem>>, vector<16xf32>,
        tpu.vector_store %arg7[%parallel_loop3A_914, %parallel_loop3A_915, %parallel_loop3A_916, %parallel_loop3A_917], %parallel_loop3A_912 {strides = array<i32>} : memref<4x4x8x128xf32, #tpu.memory_space<vmem>>, vector<16xf32>,
        %parallel_loop3A_919 = arith.constant 1 : i32
        %parallel_loop3A_920 = arith.constant 0 : i32
        %parallel_loop3A_921 = arith.constant 0 : i32
        %parallel_loop3A_922 = tpu.memref_slice %arg6[%parallel_loop3A_919, %parallel_loop3A_920, %parallel_loop3A_921] : memref<4x128x32xf32, #tpu.memory_space<vmem>> -> memref<1x128x32xf32, #tpu.memory_space<vmem>>
        %parallel_loop3A_923 = tpu.memref_squeeze %parallel_loop3A_922 : memref<1x128x32xf32, #tpu.memory_space<vmem>> -> memref<128x32xf32, #tpu.memory_space<vmem>>
        %parallel_loop3A_924 = tpu.vector_load_idx %parallel_loop3A_923[%add3A_11, %parallel_loop3A_848] : memref<128x32xf32, #tpu.memory_space<vmem>>[vector<16xi32>, vector<16xi32>], vector<16xf32>,
        %parallel_loop3A_925 = arith.constant 5.65685415 : f32
        %parallel_loop3A_926 = vector.broadcast %parallel_loop3A_925 : f32 to vector<16xf32>
        %parallel_loop3A_927 = arith.mulf %parallel_loop3A_924, %parallel_loop3A_926 : vector<16xf32>
        %parallel_loop3A_928 = arith.constant 1 : i32
        %parallel_loop3A_929 = arith.index_cast %parallel_loop3A_928 : i32 to index
        %parallel_loop3A_930 = arith.index_cast %parallel_loop3A_872 : i32 to index
        %parallel_loop3A_931 = arith.index_cast %parallel_loop3A_888 : i32 to index
        %parallel_loop3A_932 = arith.constant 32 : index
        %parallel_loop3A_933 = tpu.vector_load %arg7[%parallel_loop3A_929, %parallel_loop3A_930, %parallel_loop3A_931, %parallel_loop3A_932] {strides = array<i32>} : memref<4x4x8x128xf32, #tpu.memory_space<vmem>>, vector<16xf32>,
        tpu.vector_store %arg7[%parallel_loop3A_929, %parallel_loop3A_930, %parallel_loop3A_931, %parallel_loop3A_932], %parallel_loop3A_927 {strides = array<i32>} : memref<4x4x8x128xf32, #tpu.memory_space<vmem>>, vector<16xf32>,
        %parallel_loop3A_934 = arith.constant 1 : i32
        %parallel_loop3A_935 = arith.constant 0 : i32
        %parallel_loop3A_936 = arith.constant 0 : i32
        %parallel_loop3A_937 = tpu.memref_slice %arg6[%parallel_loop3A_934, %parallel_loop3A_935, %parallel_loop3A_936] : memref<4x128x32xf32, #tpu.memory_space<vmem>> -> memref<1x128x32xf32, #tpu.memory_space<vmem>>
        %parallel_loop3A_938 = tpu.memref_squeeze %parallel_loop3A_937 : memref<1x128x32xf32, #tpu.memory_space<vmem>> -> memref<128x32xf32, #tpu.memory_space<vmem>>
        %parallel_loop3A_939 = tpu.vector_load_idx %parallel_loop3A_938[%add3A_14, %parallel_loop3A_848] : memref<128x32xf32, #tpu.memory_space<vmem>>[vector<16xi32>, vector<16xi32>], vector<16xf32>,
        %parallel_loop3A_940 = arith.constant 5.65685415 : f32
        %parallel_loop3A_941 = vector.broadcast %parallel_loop3A_940 : f32 to vector<16xf32>
        %parallel_loop3A_942 = arith.mulf %parallel_loop3A_939, %parallel_loop3A_941 : vector<16xf32>
        %parallel_loop3A_943 = arith.constant 1 : i32
        %parallel_loop3A_944 = arith.index_cast %parallel_loop3A_943 : i32 to index
        %parallel_loop3A_945 = arith.index_cast %parallel_loop3A_872 : i32 to index
        %parallel_loop3A_946 = arith.index_cast %parallel_loop3A_888 : i32 to index
        %parallel_loop3A_947 = arith.constant 48 : index
        %parallel_loop3A_948 = tpu.vector_load %arg7[%parallel_loop3A_944, %parallel_loop3A_945, %parallel_loop3A_946, %parallel_loop3A_947] {strides = array<i32>} : memref<4x4x8x128xf32, #tpu.memory_space<vmem>>, vector<16xf32>,
        tpu.vector_store %arg7[%parallel_loop3A_944, %parallel_loop3A_945, %parallel_loop3A_946, %parallel_loop3A_947], %parallel_loop3A_942 {strides = array<i32>} : memref<4x4x8x128xf32, #tpu.memory_space<vmem>>, vector<16xf32>,
        %parallel_loop3A_949 = arith.constant 1 : i32
        %parallel_loop3A_950 = arith.constant 0 : i32
        %parallel_loop3A_951 = arith.constant 0 : i32
        %parallel_loop3A_952 = tpu.memref_slice %arg6[%parallel_loop3A_949, %parallel_loop3A_950, %parallel_loop3A_951] : memref<4x128x32xf32, #tpu.memory_space<vmem>> -> memref<1x128x32xf32, #tpu.memory_space<vmem>>
        %parallel_loop3A_953 = tpu.memref_squeeze %parallel_loop3A_952 : memref<1x128x32xf32, #tpu.memory_space<vmem>> -> memref<128x32xf32, #tpu.memory_space<vmem>>
        %parallel_loop3A_954 = tpu.vector_load_idx %parallel_loop3A_953[%add3A_17, %parallel_loop3A_848] : memref<128x32xf32, #tpu.memory_space<vmem>>[vector<16xi32>, vector<16xi32>], vector<16xf32>,
        %parallel_loop3A_955 = arith.constant 5.65685415 : f32
        %parallel_loop3A_956 = vector.broadcast %parallel_loop3A_955 : f32 to vector<16xf32>
        %parallel_loop3A_957 = arith.mulf %parallel_loop3A_954, %parallel_loop3A_956 : vector<16xf32>
        %parallel_loop3A_958 = arith.constant 1 : i32
        %parallel_loop3A_959 = arith.index_cast %parallel_loop3A_958 : i32 to index
        %parallel_loop3A_960 = arith.index_cast %parallel_loop3A_872 : i32 to index
        %parallel_loop3A_961 = arith.index_cast %parallel_loop3A_888 : i32 to index
        %parallel_loop3A_962 = arith.constant 64 : index
        %parallel_loop3A_963 = tpu.vector_load %arg7[%parallel_loop3A_959, %parallel_loop3A_960, %parallel_loop3A_961, %parallel_loop3A_962] {strides = array<i32>} : memref<4x4x8x128xf32, #tpu.memory_space<vmem>>, vector<16xf32>,
        tpu.vector_store %arg7[%parallel_loop3A_959, %parallel_loop3A_960, %parallel_loop3A_961, %parallel_loop3A_962], %parallel_loop3A_957 {strides = array<i32>} : memref<4x4x8x128xf32, #tpu.memory_space<vmem>>, vector<16xf32>,
        %parallel_loop3A_964 = arith.constant 1 : i32
        %parallel_loop3A_965 = arith.constant 0 : i32
        %parallel_loop3A_966 = arith.constant 0 : i32
        %parallel_loop3A_967 = tpu.memref_slice %arg6[%parallel_loop3A_964, %parallel_loop3A_965, %parallel_loop3A_966] : memref<4x128x32xf32, #tpu.memory_space<vmem>> -> memref<1x128x32xf32, #tpu.memory_space<vmem>>
        %parallel_loop3A_968 = tpu.memref_squeeze %parallel_loop3A_967 : memref<1x128x32xf32, #tpu.memory_space<vmem>> -> memref<128x32xf32, #tpu.memory_space<vmem>>
        %parallel_loop3A_969 = tpu.vector_load_idx %parallel_loop3A_968[%add3A_20, %parallel_loop3A_848] : memref<128x32xf32, #tpu.memory_space<vmem>>[vector<16xi32>, vector<16xi32>], vector<16xf32>,
        %parallel_loop3A_970 = arith.constant 5.65685415 : f32
        %parallel_loop3A_971 = vector.broadcast %parallel_loop3A_970 : f32 to vector<16xf32>
        %parallel_loop3A_972 = arith.mulf %parallel_loop3A_969, %parallel_loop3A_971 : vector<16xf32>
        %parallel_loop3A_973 = arith.constant 1 : i32
        %parallel_loop3A_974 = arith.index_cast %parallel_loop3A_973 : i32 to index
        %parallel_loop3A_975 = arith.index_cast %parallel_loop3A_872 : i32 to index
        %parallel_loop3A_976 = arith.index_cast %parallel_loop3A_888 : i32 to index
        %parallel_loop3A_977 = arith.constant 80 : index
        %parallel_loop3A_978 = tpu.vector_load %arg7[%parallel_loop3A_974, %parallel_loop3A_975, %parallel_loop3A_976, %parallel_loop3A_977] {strides = array<i32>} : memref<4x4x8x128xf32, #tpu.memory_space<vmem>>, vector<16xf32>,
        tpu.vector_store %arg7[%parallel_loop3A_974, %parallel_loop3A_975, %parallel_loop3A_976, %parallel_loop3A_977], %parallel_loop3A_972 {strides = array<i32>} : memref<4x4x8x128xf32, #tpu.memory_space<vmem>>, vector<16xf32>,
        %parallel_loop3A_979 = arith.constant 1 : i32
        %parallel_loop3A_980 = arith.constant 0 : i32
        %parallel_loop3A_981 = arith.constant 0 : i32
        %parallel_loop3A_982 = tpu.memref_slice %arg6[%parallel_loop3A_979, %parallel_loop3A_980, %parallel_loop3A_981] : memref<4x128x32xf32, #tpu.memory_space<vmem>> -> memref<1x128x32xf32, #tpu.memory_space<vmem>>
        %parallel_loop3A_983 = tpu.memref_squeeze %parallel_loop3A_982 : memref<1x128x32xf32, #tpu.memory_space<vmem>> -> memref<128x32xf32, #tpu.memory_space<vmem>>
        %parallel_loop3A_984 = tpu.vector_load_idx %parallel_loop3A_983[%add3A_23, %parallel_loop3A_848] : memref<128x32xf32, #tpu.memory_space<vmem>>[vector<16xi32>, vector<16xi32>], vector<16xf32>,
        %parallel_loop3A_985 = arith.constant 5.65685415 : f32
        %parallel_loop3A_986 = vector.broadcast %parallel_loop3A_985 : f32 to vector<16xf32>
        %parallel_loop3A_987 = arith.mulf %parallel_loop3A_984, %parallel_loop3A_986 : vector<16xf32>
        %parallel_loop3A_988 = arith.constant 1 : i32
        %parallel_loop3A_989 = arith.index_cast %parallel_loop3A_988 : i32 to index
        %parallel_loop3A_990 = arith.index_cast %parallel_loop3A_872 : i32 to index
        %parallel_loop3A_991 = arith.index_cast %parallel_loop3A_888 : i32 to index
        %parallel_loop3A_992 = arith.constant 96 : index
        %parallel_loop3A_993 = tpu.vector_load %arg7[%parallel_loop3A_989, %parallel_loop3A_990, %parallel_loop3A_991, %parallel_loop3A_992] {strides = array<i32>} : memref<4x4x8x128xf32, #tpu.memory_space<vmem>>, vector<16xf32>,
        tpu.vector_store %arg7[%parallel_loop3A_989, %parallel_loop3A_990, %parallel_loop3A_991, %parallel_loop3A_992], %parallel_loop3A_987 {strides = array<i32>} : memref<4x4x8x128xf32, #tpu.memory_space<vmem>>, vector<16xf32>,
        %parallel_loop3A_994 = arith.constant 1 : i32
        %parallel_loop3A_995 = arith.constant 0 : i32
        %parallel_loop3A_996 = arith.constant 0 : i32
        %parallel_loop3A_997 = tpu.memref_slice %arg6[%parallel_loop3A_994, %parallel_loop3A_995, %parallel_loop3A_996] : memref<4x128x32xf32, #tpu.memory_space<vmem>> -> memref<1x128x32xf32, #tpu.memory_space<vmem>>
        %parallel_loop3A_998 = tpu.memref_squeeze %parallel_loop3A_997 : memref<1x128x32xf32, #tpu.memory_space<vmem>> -> memref<128x32xf32, #tpu.memory_space<vmem>>
        %parallel_loop3A_999 = tpu.vector_load_idx %parallel_loop3A_998[%add3A_26, %parallel_loop3A_848] : memref<128x32xf32, #tpu.memory_space<vmem>>[vector<16xi32>, vector<16xi32>], vector<16xf32>,
        %parallel_loop3A_1000 = arith.constant 5.65685415 : f32
        %parallel_loop3A_1001 = vector.broadcast %parallel_loop3A_1000 : f32 to vector<16xf32>
        %parallel_loop3A_1002 = arith.mulf %parallel_loop3A_999, %parallel_loop3A_1001 : vector<16xf32>
        %parallel_loop3A_1003 = arith.constant 1 : i32
        %parallel_loop3A_1004 = arith.index_cast %parallel_loop3A_1003 : i32 to index
        %parallel_loop3A_1005 = arith.index_cast %parallel_loop3A_872 : i32 to index
        %parallel_loop3A_1006 = arith.index_cast %parallel_loop3A_888 : i32 to index
        %parallel_loop3A_1007 = arith.constant 112 : index
        %parallel_loop3A_1008 = tpu.vector_load %arg7[%parallel_loop3A_1004, %parallel_loop3A_1005, %parallel_loop3A_1006, %parallel_loop3A_1007] {strides = array<i32>} : memref<4x4x8x128xf32, #tpu.memory_space<vmem>>, vector<16xf32>,
        tpu.vector_store %arg7[%parallel_loop3A_1004, %parallel_loop3A_1005, %parallel_loop3A_1006, %parallel_loop3A_1007], %parallel_loop3A_1002 {strides = array<i32>} : memref<4x4x8x128xf32, #tpu.memory_space<vmem>>, vector<16xf32>,
      } {sc.loop_unroll_factor = 4 : i64, sc.parallel_access}
      %jit3A_576 = arith.constant 128 : i32
      %div3A_577 = arith.divsi %add3A_542, %jit3A_576 : i32
      %sign3A_578 = arith.constant 0 : i32
      %sign3A_579 = arith.cmpi sgt, %add3A_542, %sign3A_578 : i32
      %sign3A_580 = arith.extui %sign3A_579 : i1 to i32
      %sign3A_581 = arith.constant 0 : i32
      %sign3A_582 = arith.cmpi slt, %add3A_542, %sign3A_581 : i32
      %sign3A_583 = arith.extui %sign3A_582 : i1 to i32
      %sign3A_584 = arith.subi %sign3A_580, %sign3A_583 : i32
      %sign3A_585 = arith.constant 0 : i32
      %sign3A_586 = arith.cmpi sgt, %jit3A_576, %sign3A_585 : i32
      %sign3A_587 = arith.extui %sign3A_586 : i1 to i32
      %sign3A_588 = arith.constant 0 : i32
      %sign3A_589 = arith.cmpi slt, %jit3A_576, %sign3A_588 : i32
      %sign3A_590 = arith.extui %sign3A_589 : i1 to i32
      %sign3A_591 = arith.subi %sign3A_587, %sign3A_590 : i32
      %ne3A_592 = arith.cmpi ne, %sign3A_584, %sign3A_591 : i32
      %rem3A_593 = arith.remsi %add3A_542, %jit3A_576 : i32
      %ne3A_594 = arith.constant 0 : i32
      %ne3A_595 = arith.cmpi ne, %rem3A_593, %ne3A_594 : i32
      %and3A_596 = arith.andi %ne3A_592, %ne3A_595 : i1
      %sub3A_597 = arith.constant 1 : i32
      %sub3A_598 = arith.subi %div3A_577, %sub3A_597 : i32
      %select_n3A_599 = arith.select %and3A_596, %sub3A_598, %div3A_577 : i32
      %jit3A_600 = arith.constant 128 : i32
      %eq3A_601 = arith.constant 0 : i32
      %eq3A_602 = arith.cmpi eq, %jit3A_600, %eq3A_601 : i32
      %jit3A_603 = arith.constant 1 : i32
      %select_n3A_604 = arith.select %eq3A_602, %jit3A_603, %jit3A_600 : i32
      %rem3A_605 = arith.remsi %add3A_542, %select_n3A_604 : i32
      %ne3A_606 = arith.constant 0 : i32
      %ne3A_607 = arith.cmpi ne, %rem3A_605, %ne3A_606 : i32
      %lt3A_608 = arith.constant 0 : i32
      %lt3A_609 = arith.cmpi slt, %rem3A_605, %lt3A_608 : i32
      %lt3A_610 = arith.constant 0 : i32
      %lt3A_611 = arith.cmpi slt, %select_n3A_604, %lt3A_610 : i32
      %ne3A_612 = arith.xori %lt3A_609, %lt3A_611 : i1
      %and3A_613 = arith.andi %ne3A_612, %ne3A_607 : i1
      %add3A_614 = arith.addi %rem3A_605, %select_n3A_604 : i32
      %select_n3A_615 = arith.select %and3A_613, %add3A_614, %rem3A_605 : i32
      %dma_start3A_616 = arith.constant 1 : i32
      %dma_start3A_617 = arith.constant 0 : i32
      %dma_start3A_618 = arith.constant 0 : i32
      %dma_start3A_619 = arith.constant 0 : i32
      %dma_start3A_620 = tpu.memref_slice %arg7[%dma_start3A_616, %dma_start3A_617, %dma_start3A_618, %dma_start3A_619] : memref<4x4x8x128xf32, #tpu.memory_space<vmem>> -> memref<1x4x8x128xf32, #tpu.memory_space<vmem>>
      %dma_start3A_621 = tpu.memref_squeeze %dma_start3A_620 : memref<1x4x8x128xf32, #tpu.memory_space<vmem>> -> memref<4x8x128xf32, #tpu.memory_space<vmem>>
      %dma_start3A_622 = arith.constant 0 : i32
      %dma_start3A_623 = arith.constant 0 : i32
      %dma_start3A_624 = arith.constant 0 : i32
      %dma_start3A_625 = tpu.memref_slice %arg4[%select_n3A_599, %dma_start3A_622, %select_n3A_615, %dma_start3A_623, %dma_start3A_624] : memref<26x4x128x8x128xf32, #tpu.memory_space<hbm>> -> memref<1x4x1x8x128xf32, #tpu.memory_space<hbm>>
      %dma_start3A_626 = tpu.memref_squeeze %dma_start3A_625 : memref<1x4x1x8x128xf32, #tpu.memory_space<hbm>> -> memref<4x8x128xf32, #tpu.memory_space<hbm>>
      %dma_start3A_627 = arith.constant 0 : i32
      %dma_start3A_628 = arith.constant 0 : i32
      %dma_start3A_629 = arith.constant 0 : i32
      %dma_start3A_630 = tpu.memref_slice %arg4[%select_n3A_599, %dma_start3A_627, %select_n3A_615, %dma_start3A_628, %dma_start3A_629] : memref<26x4x128x8x128xf32, #tpu.memory_space<hbm>> -> memref<1x4x1x8x128xf32, #tpu.memory_space<hbm>>
      %dma_start3A_631 = tpu.memref_squeeze %dma_start3A_630 : memref<1x4x1x8x128xf32, #tpu.memory_space<hbm>> -> memref<4x8x128xf32, #tpu.memory_space<hbm>>
      %dma_start3A_632 = arith.constant 0 : i32
      %dma_start3A_633 = arith.constant 0 : i32
      %dma_start3A_634 = arith.constant 0 : i32
      %dma_start3A_635 = tpu.memref_slice %arg7[%dma_start3A_616, %dma_start3A_632, %dma_start3A_633, %dma_start3A_634] : memref<4x4x8x128xf32, #tpu.memory_space<vmem>> -> memref<1x4x8x128xf32, #tpu.memory_space<vmem>>
      %dma_start3A_636 = tpu.memref_squeeze %dma_start3A_635 : memref<1x4x8x128xf32, #tpu.memory_space<vmem>> -> memref<4x8x128xf32, #tpu.memory_space<vmem>>
      tpu.enqueue_dma source(%dma_start3A_636 : memref<4x8x128xf32, #tpu.memory_space<vmem>>) target(%dma_start3A_631 : memref<4x8x128xf32, #tpu.memory_space<hbm>>) target_semaphore(%arg13 : memref<!tpu.dma_semaphore, #tpu.memory_space<semaphore_mem>>)
      %convert_element_type3A_637 = arith.extui %le3A_549 : i1 to i32
      %cond3A_638 = arith.constant 0 : i32
      %cond3A_639 = arith.cmpi ne, %convert_element_type3A_637, %cond3A_638 : i32
      scf.if %cond3A_639 {
        %dma_wait3A_844 = arith.constant 0 : i32
        %dma_wait3A_845 = arith.constant 0 : i32
        %dma_wait3A_846 = arith.constant 1 : i32
        %dma_wait3A_847 = arith.constant 0 : i32
        %dma_wait3A_848 = tpu.memref_slice %arg5[%dma_wait3A_846, %dma_wait3A_847] : memref<4x128xi32, #tpu.memory_space<vmem>> -> memref<1x128xi32, #tpu.memory_space<vmem>>
        %dma_wait3A_849 = tpu.memref_squeeze %dma_wait3A_848 : memref<1x128xi32, #tpu.memory_space<vmem>> -> memref<128xi32, #tpu.memory_space<vmem>>
        %dma_wait3A_850 = arith.constant 0 : i32
        %dma_wait3A_851 = tpu.memref_slice %arg2[%dma_wait3A_844, %dma_wait3A_845, %dma_wait3A_850] : memref<26x128x128xi32, #tpu.memory_space<hbm>> -> memref<1x1x128xi32, #tpu.memory_space<hbm>>
        %dma_wait3A_852 = tpu.memref_squeeze %dma_wait3A_851 : memref<1x1x128xi32, #tpu.memory_space<hbm>> -> memref<128xi32, #tpu.memory_space<hbm>>
        %dma_wait3A_853 = arith.constant 0 : i32
        %dma_wait3A_854 = tpu.memref_slice %arg5[%dma_wait3A_846, %dma_wait3A_853] : memref<4x128xi32, #tpu.memory_space<vmem>> -> memref<1x128xi32, #tpu.memory_space<vmem>>
        %dma_wait3A_855 = tpu.memref_squeeze %dma_wait3A_854 : memref<1x128xi32, #tpu.memory_space<vmem>> -> memref<128xi32, #tpu.memory_space<vmem>>
        %dma_wait3A_856 = arith.constant 0 : i32
        %dma_wait3A_857 = tpu.memref_slice %arg2[%dma_wait3A_844, %dma_wait3A_845, %dma_wait3A_856] : memref<26x128x128xi32, #tpu.memory_space<hbm>> -> memref<1x1x128xi32, #tpu.memory_space<hbm>>
        %dma_wait3A_858 = tpu.memref_squeeze %dma_wait3A_857 : memref<1x1x128xi32, #tpu.memory_space<hbm>> -> memref<128xi32, #tpu.memory_space<hbm>>
        tpu.wait_dma2 semaphore(%arg17 : memref<!tpu.dma_semaphore, #tpu.memory_space<semaphore_mem>>) src(%dma_wait3A_858 : memref<128xi32, #tpu.memory_space<hbm>>) dst(%dma_wait3A_855 : memref<128xi32, #tpu.memory_space<vmem>>)
        %dma_start3A_859 = arith.constant 1 : i32
        %dma_start3A_860 = arith.constant 1 : i32
        %dma_start3A_861 = arith.constant 0 : i32
        %dma_start3A_862 = arith.constant 0 : i32
        %dma_start3A_863 = tpu.memref_slice %arg6[%dma_start3A_860, %dma_start3A_861, %dma_start3A_862] : memref<4x128x32xf32, #tpu.memory_space<vmem>> -> memref<1x128x32xf32, #tpu.memory_space<vmem>>
        %dma_start3A_864 = tpu.memref_squeeze %dma_start3A_863 : memref<1x128x32xf32, #tpu.memory_space<vmem>> -> memref<128x32xf32, #tpu.memory_space<vmem>>
        %dma_start3A_865 = arith.constant 0 : i32
        %dma_start3A_866 = tpu.memref_slice %arg5[%dma_start3A_859, %dma_start3A_865] : memref<4x128xi32, #tpu.memory_space<vmem>> -> memref<1x128xi32, #tpu.memory_space<vmem>>
        %dma_start3A_867 = tpu.memref_squeeze %dma_start3A_866 : memref<1x128xi32, #tpu.memory_space<vmem>> -> memref<128xi32, #tpu.memory_space<vmem>>
        %dma_start3A_868 = arith.constant 0 : i32
        %dma_start3A_869 = arith.constant 0 : i32
        %dma_start3A_870 = tpu.memref_slice %arg3[%dma_start3A_868, %dma_start3A_869] : memref<1000000x32xf32, #tpu.memory_space<hbm>> -> memref<1000000x32xf32, #tpu.memory_space<hbm>>
        tpu.enqueue_indirect_dma source(%dma_start3A_870 : memref<1000000x32xf32, #tpu.memory_space<hbm>>) target(%dma_start3A_864 : memref<128x32xf32, #tpu.memory_space<vmem>>) offsets(%dma_start3A_867 : memref<128xi32, #tpu.memory_space<vmem>>) semaphore(%arg9 : memref<!tpu.dma_semaphore, #tpu.memory_space<semaphore_mem>>)
      } else {
      }
      %mul3A_640 = arith.constant 4 : i32
      %mul3A_641 = arith.muli %scan3A_440, %mul3A_640 : i32
      %add3A_642 = arith.addi %mul3A_2, %mul3A_641 : i32
      %add3A_643 = arith.constant 2 : i32
      %add3A_644 = arith.addi %add3A_642, %add3A_643 : i32
      %add3A_645 = arith.constant 4 : i32
      %add3A_646 = arith.addi %add3A_644, %add3A_645 : i32
      %add3A_647 = arith.constant 104 : i32
      %add3A_648 = arith.addi %mul3A_2, %add3A_647 : i32
      %sub3A_649 = arith.constant 1 : i32
      %sub3A_650 = arith.subi %add3A_648, %sub3A_649 : i32
      %le3A_651 = arith.cmpi sle, %add3A_646, %sub3A_650 : i32
      %dma_wait3A_652 = arith.constant 2 : i32
      %dma_wait3A_653 = arith.constant 0 : i32
      %dma_wait3A_654 = arith.constant 0 : i32
      %dma_wait3A_655 = tpu.memref_slice %arg6[%dma_wait3A_652, %dma_wait3A_653, %dma_wait3A_654] : memref<4x128x32xf32, #tpu.memory_space<vmem>> -> memref<1x128x32xf32, #tpu.memory_space<vmem>>
      %dma_wait3A_656 = tpu.memref_squeeze %dma_wait3A_655 : memref<1x128x32xf32, #tpu.memory_space<vmem>> -> memref<128x32xf32, #tpu.memory_space<vmem>>
      %dma_wait3A_657 = arith.constant 0 : i32
      %dma_wait3A_658 = arith.constant 0 : i32
      %dma_wait3A_659 = tpu.memref_slice %arg3[%dma_wait3A_657, %dma_wait3A_658] : memref<1000000x32xf32, #tpu.memory_space<hbm>> -> memref<128x32xf32, #tpu.memory_space<hbm>>
      %dma_wait3A_660 = arith.constant 0 : i32
      %dma_wait3A_661 = arith.constant 0 : i32
      %dma_wait3A_662 = tpu.memref_slice %arg6[%dma_wait3A_652, %dma_wait3A_660, %dma_wait3A_661] : memref<4x128x32xf32, #tpu.memory_space<vmem>> -> memref<1x128x32xf32, #tpu.memory_space<vmem>>
      %dma_wait3A_663 = tpu.memref_squeeze %dma_wait3A_662 : memref<1x128x32xf32, #tpu.memory_space<vmem>> -> memref<128x32xf32, #tpu.memory_space<vmem>>
      %dma_wait3A_664 = arith.constant 0 : i32
      %dma_wait3A_665 = arith.constant 0 : i32
      %dma_wait3A_666 = tpu.memref_slice %arg3[%dma_wait3A_664, %dma_wait3A_665] : memref<1000000x32xf32, #tpu.memory_space<hbm>> -> memref<128x32xf32, #tpu.memory_space<hbm>>
      tpu.wait_dma2 semaphore(%arg10 : memref<!tpu.dma_semaphore, #tpu.memory_space<semaphore_mem>>) src(%dma_wait3A_666 : memref<128x32xf32, #tpu.memory_space<hbm>>) dst(%dma_wait3A_663 : memref<128x32xf32, #tpu.memory_space<vmem>>)
      %convert_element_type3A_667 = arith.extui %le3A_651 : i1 to i32
      %cond3A_668 = arith.constant 0 : i32
      %cond3A_669 = arith.cmpi ne, %convert_element_type3A_667, %cond3A_668 : i32
      scf.if %cond3A_669 {
        %jit3A_844 = arith.constant 128 : i32
        %div3A_845 = arith.divsi %add3A_646, %jit3A_844 : i32
        %sign3A_846 = arith.constant 0 : i32
        %sign3A_847 = arith.cmpi sgt, %add3A_646, %sign3A_846 : i32
        %sign3A_848 = arith.extui %sign3A_847 : i1 to i32
        %sign3A_849 = arith.constant 0 : i32
        %sign3A_850 = arith.cmpi slt, %add3A_646, %sign3A_849 : i32
        %sign3A_851 = arith.extui %sign3A_850 : i1 to i32
        %sign3A_852 = arith.subi %sign3A_848, %sign3A_851 : i32
        %sign3A_853 = arith.constant 0 : i32
        %sign3A_854 = arith.cmpi sgt, %jit3A_844, %sign3A_853 : i32
        %sign3A_855 = arith.extui %sign3A_854 : i1 to i32
        %sign3A_856 = arith.constant 0 : i32
        %sign3A_857 = arith.cmpi slt, %jit3A_844, %sign3A_856 : i32
        %sign3A_858 = arith.extui %sign3A_857 : i1 to i32
        %sign3A_859 = arith.subi %sign3A_855, %sign3A_858 : i32
        %ne3A_860 = arith.cmpi ne, %sign3A_852, %sign3A_859 : i32
        %rem3A_861 = arith.remsi %add3A_646, %jit3A_844 : i32
        %ne3A_862 = arith.constant 0 : i32
        %ne3A_863 = arith.cmpi ne, %rem3A_861, %ne3A_862 : i32
        %and3A_864 = arith.andi %ne3A_860, %ne3A_863 : i1
        %sub3A_865 = arith.constant 1 : i32
        %sub3A_866 = arith.subi %div3A_845, %sub3A_865 : i32
        %select_n3A_867 = arith.select %and3A_864, %sub3A_866, %div3A_845 : i32
        %jit3A_868 = arith.constant 128 : i32
        %eq3A_869 = arith.constant 0 : i32
        %eq3A_870 = arith.cmpi eq, %jit3A_868, %eq3A_869 : i32
        %jit3A_871 = arith.constant 1 : i32
        %select_n3A_872 = arith.select %eq3A_870, %jit3A_871, %jit3A_868 : i32
        %rem3A_873 = arith.remsi %add3A_646, %select_n3A_872 : i32
        %ne3A_874 = arith.constant 0 : i32
        %ne3A_875 = arith.cmpi ne, %rem3A_873, %ne3A_874 : i32
        %lt3A_876 = arith.constant 0 : i32
        %lt3A_877 = arith.cmpi slt, %rem3A_873, %lt3A_876 : i32
        %lt3A_878 = arith.constant 0 : i32
        %lt3A_879 = arith.cmpi slt, %select_n3A_872, %lt3A_878 : i32
        %ne3A_880 = arith.xori %lt3A_877, %lt3A_879 : i1
        %and3A_881 = arith.andi %ne3A_880, %ne3A_875 : i1
        %add3A_882 = arith.addi %rem3A_873, %select_n3A_872 : i32
        %select_n3A_883 = arith.select %and3A_881, %add3A_882, %rem3A_873 : i32
        %dma_start3A_884 = arith.constant 2 : i32
        %dma_start3A_885 = arith.constant 0 : i32
        %dma_start3A_886 = tpu.memref_slice %arg5[%dma_start3A_884, %dma_start3A_885] : memref<4x128xi32, #tpu.memory_space<vmem>> -> memref<1x128xi32, #tpu.memory_space<vmem>>
        %dma_start3A_887 = tpu.memref_squeeze %dma_start3A_886 : memref<1x128xi32, #tpu.memory_space<vmem>> -> memref<128xi32, #tpu.memory_space<vmem>>
        %dma_start3A_888 = arith.constant 0 : i32
        %dma_start3A_889 = tpu.memref_slice %arg2[%select_n3A_867, %select_n3A_883, %dma_start3A_888] : memref<26x128x128xi32, #tpu.memory_space<hbm>> -> memref<1x1x128xi32, #tpu.memory_space<hbm>>
        %dma_start3A_890 = tpu.memref_squeeze %dma_start3A_889 : memref<1x1x128xi32, #tpu.memory_space<hbm>> -> memref<128xi32, #tpu.memory_space<hbm>>
        %dma_start3A_891 = arith.constant 0 : i32
        %dma_start3A_892 = tpu.memref_slice %arg5[%dma_start3A_884, %dma_start3A_891] : memref<4x128xi32, #tpu.memory_space<vmem>> -> memref<1x128xi32, #tpu.memory_space<vmem>>
        %dma_start3A_893 = tpu.memref_squeeze %dma_start3A_892 : memref<1x128xi32, #tpu.memory_space<vmem>> -> memref<128xi32, #tpu.memory_space<vmem>>
        %dma_start3A_894 = arith.constant 0 : i32
        %dma_start3A_895 = tpu.memref_slice %arg2[%select_n3A_867, %select_n3A_883, %dma_start3A_894] : memref<26x128x128xi32, #tpu.memory_space<hbm>> -> memref<1x1x128xi32, #tpu.memory_space<hbm>>
        %dma_start3A_896 = tpu.memref_squeeze %dma_start3A_895 : memref<1x1x128xi32, #tpu.memory_space<hbm>> -> memref<128xi32, #tpu.memory_space<hbm>>
        tpu.enqueue_dma source(%dma_start3A_896 : memref<128xi32, #tpu.memory_space<hbm>>) target(%dma_start3A_893 : memref<128xi32, #tpu.memory_space<vmem>>) target_semaphore(%arg18 : memref<!tpu.dma_semaphore, #tpu.memory_space<semaphore_mem>>)
      } else {
      }
      %ge3A_670 = arith.constant 1 : i32
      %ge3A_671 = arith.cmpi sge, %scan3A_440, %ge3A_670 : i32
      %convert_element_type3A_672 = arith.extui %ge3A_671 : i1 to i32
      %cond3A_673 = arith.constant 0 : i32
      %cond3A_674 = arith.cmpi ne, %convert_element_type3A_672, %cond3A_673 : i32
      scf.if %cond3A_674 {
        %dma_wait3A_844 = arith.constant 2 : i32
        %dma_wait3A_845 = arith.constant 0 : i32
        %dma_wait3A_846 = arith.constant 0 : i32
        %dma_wait3A_847 = arith.constant 0 : i32
        %dma_wait3A_848 = arith.constant 0 : i32
        %dma_wait3A_849 = arith.constant 0 : i32
        %dma_wait3A_850 = tpu.memref_slice %arg7[%dma_wait3A_844, %dma_wait3A_847, %dma_wait3A_848, %dma_wait3A_849] : memref<4x4x8x128xf32, #tpu.memory_space<vmem>> -> memref<1x4x8x128xf32, #tpu.memory_space<vmem>>
        %dma_wait3A_851 = tpu.memref_squeeze %dma_wait3A_850 : memref<1x4x8x128xf32, #tpu.memory_space<vmem>> -> memref<4x8x128xf32, #tpu.memory_space<vmem>>
        %dma_wait3A_852 = arith.constant 0 : i32
        %dma_wait3A_853 = arith.constant 0 : i32
        %dma_wait3A_854 = arith.constant 0 : i32
        %dma_wait3A_855 = tpu.memref_slice %arg4[%dma_wait3A_845, %dma_wait3A_852, %dma_wait3A_846, %dma_wait3A_853, %dma_wait3A_854] : memref<26x4x128x8x128xf32, #tpu.memory_space<hbm>> -> memref<1x4x1x8x128xf32, #tpu.memory_space<hbm>>
        %dma_wait3A_856 = tpu.memref_squeeze %dma_wait3A_855 : memref<1x4x1x8x128xf32, #tpu.memory_space<hbm>> -> memref<4x8x128xf32, #tpu.memory_space<hbm>>
        %dma_wait3A_857 = arith.constant 0 : i32
        %dma_wait3A_858 = arith.constant 0 : i32
        %dma_wait3A_859 = arith.constant 0 : i32
        %dma_wait3A_860 = tpu.memref_slice %arg4[%dma_wait3A_845, %dma_wait3A_857, %dma_wait3A_846, %dma_wait3A_858, %dma_wait3A_859] : memref<26x4x128x8x128xf32, #tpu.memory_space<hbm>> -> memref<1x4x1x8x128xf32, #tpu.memory_space<hbm>>
        %dma_wait3A_861 = tpu.memref_squeeze %dma_wait3A_860 : memref<1x4x1x8x128xf32, #tpu.memory_space<hbm>> -> memref<4x8x128xf32, #tpu.memory_space<hbm>>
        %dma_wait3A_862 = arith.constant 0 : i32
        %dma_wait3A_863 = arith.constant 0 : i32
        %dma_wait3A_864 = arith.constant 0 : i32
        %dma_wait3A_865 = tpu.memref_slice %arg7[%dma_wait3A_844, %dma_wait3A_862, %dma_wait3A_863, %dma_wait3A_864] : memref<4x4x8x128xf32, #tpu.memory_space<vmem>> -> memref<1x4x8x128xf32, #tpu.memory_space<vmem>>
        %dma_wait3A_866 = tpu.memref_squeeze %dma_wait3A_865 : memref<1x4x8x128xf32, #tpu.memory_space<vmem>> -> memref<4x8x128xf32, #tpu.memory_space<vmem>>
        tpu.wait_dma2 semaphore(%arg14 : memref<!tpu.dma_semaphore, #tpu.memory_space<semaphore_mem>>) src(%dma_wait3A_866 : memref<4x8x128xf32, #tpu.memory_space<vmem>>) dst(%dma_wait3A_861 : memref<4x8x128xf32, #tpu.memory_space<hbm>>)
      } else {
      }
      %parallel_loop3A_675 = arith.constant 0 : i32
      %parallel_loop3A_676 = arith.constant 32 : i32
      %parallel_loop3A_677 = arith.constant 1 : i32
      scf.for %parallel_loop3A_844 = %parallel_loop3A_675 to %parallel_loop3A_676 step %parallel_loop3A_677  : i32 {
        %parallel_loop3A_845 = arith.constant 0 : i32
        %parallel_loop3A_846 = vector.broadcast %parallel_loop3A_845 : i32 to vector<16xi32>
        %parallel_loop3A_847 = vector.broadcast %parallel_loop3A_844 : i32 to vector<16xi32>
        %parallel_loop3A_848 = arith.addi %parallel_loop3A_846, %parallel_loop3A_847 : vector<16xi32>
        %parallel_loop3A_849 = arith.constant 8 : i32
        %parallel_loop3A_850 = arith.divsi %parallel_loop3A_844, %parallel_loop3A_849 : i32
        %parallel_loop3A_851 = arith.constant 0 : i32
        %parallel_loop3A_852 = arith.cmpi sgt, %parallel_loop3A_844, %parallel_loop3A_851 : i32
        %parallel_loop3A_853 = arith.extui %parallel_loop3A_852 : i1 to i32
        %parallel_loop3A_854 = arith.constant 0 : i32
        %parallel_loop3A_855 = arith.cmpi slt, %parallel_loop3A_844, %parallel_loop3A_854 : i32
        %parallel_loop3A_856 = arith.extui %parallel_loop3A_855 : i1 to i32
        %parallel_loop3A_857 = arith.subi %parallel_loop3A_853, %parallel_loop3A_856 : i32
        %parallel_loop3A_858 = arith.constant 0 : i32
        %parallel_loop3A_859 = arith.cmpi sgt, %parallel_loop3A_849, %parallel_loop3A_858 : i32
        %parallel_loop3A_860 = arith.extui %parallel_loop3A_859 : i1 to i32
        %parallel_loop3A_861 = arith.constant 0 : i32
        %parallel_loop3A_862 = arith.cmpi slt, %parallel_loop3A_849, %parallel_loop3A_861 : i32
        %parallel_loop3A_863 = arith.extui %parallel_loop3A_862 : i1 to i32
        %parallel_loop3A_864 = arith.subi %parallel_loop3A_860, %parallel_loop3A_863 : i32
        %parallel_loop3A_865 = arith.cmpi ne, %parallel_loop3A_857, %parallel_loop3A_864 : i32
        %parallel_loop3A_866 = arith.remsi %parallel_loop3A_844, %parallel_loop3A_849 : i32
        %parallel_loop3A_867 = arith.constant 0 : i32
        %parallel_loop3A_868 = arith.cmpi ne, %parallel_loop3A_866, %parallel_loop3A_867 : i32
        %parallel_loop3A_869 = arith.andi %parallel_loop3A_865, %parallel_loop3A_868 : i1
        %parallel_loop3A_870 = arith.constant 1 : i32
        %parallel_loop3A_871 = arith.subi %parallel_loop3A_850, %parallel_loop3A_870 : i32
        %parallel_loop3A_872 = arith.select %parallel_loop3A_869, %parallel_loop3A_871, %parallel_loop3A_850 : i32
        %parallel_loop3A_873 = arith.constant 8 : i32
        %parallel_loop3A_874 = arith.constant 0 : i32
        %parallel_loop3A_875 = arith.cmpi eq, %parallel_loop3A_873, %parallel_loop3A_874 : i32
        %parallel_loop3A_876 = arith.constant 1 : i32
        %parallel_loop3A_877 = arith.select %parallel_loop3A_875, %parallel_loop3A_876, %parallel_loop3A_873 : i32
        %parallel_loop3A_878 = arith.remsi %parallel_loop3A_844, %parallel_loop3A_877 : i32
        %parallel_loop3A_879 = arith.constant 0 : i32
        %parallel_loop3A_880 = arith.cmpi ne, %parallel_loop3A_878, %parallel_loop3A_879 : i32
        %parallel_loop3A_881 = arith.constant 0 : i32
        %parallel_loop3A_882 = arith.cmpi slt, %parallel_loop3A_878, %parallel_loop3A_881 : i32
        %parallel_loop3A_883 = arith.constant 0 : i32
        %parallel_loop3A_884 = arith.cmpi slt, %parallel_loop3A_877, %parallel_loop3A_883 : i32
        %parallel_loop3A_885 = arith.xori %parallel_loop3A_882, %parallel_loop3A_884 : i1
        %parallel_loop3A_886 = arith.andi %parallel_loop3A_885, %parallel_loop3A_880 : i1
        %parallel_loop3A_887 = arith.addi %parallel_loop3A_878, %parallel_loop3A_877 : i32
        %parallel_loop3A_888 = arith.select %parallel_loop3A_886, %parallel_loop3A_887, %parallel_loop3A_878 : i32
        %parallel_loop3A_889 = arith.constant 2 : i32
        %parallel_loop3A_890 = arith.constant 0 : i32
        %parallel_loop3A_891 = arith.constant 0 : i32
        %parallel_loop3A_892 = tpu.memref_slice %arg6[%parallel_loop3A_889, %parallel_loop3A_890, %parallel_loop3A_891] : memref<4x128x32xf32, #tpu.memory_space<vmem>> -> memref<1x128x32xf32, #tpu.memory_space<vmem>>
        %parallel_loop3A_893 = tpu.memref_squeeze %parallel_loop3A_892 : memref<1x128x32xf32, #tpu.memory_space<vmem>> -> memref<128x32xf32, #tpu.memory_space<vmem>>
        %parallel_loop3A_894 = tpu.vector_load_idx %parallel_loop3A_893[%add3A_5, %parallel_loop3A_848] : memref<128x32xf32, #tpu.memory_space<vmem>>[vector<16xi32>, vector<16xi32>], vector<16xf32>,
        %parallel_loop3A_895 = arith.constant 5.65685415 : f32
        %parallel_loop3A_896 = vector.broadcast %parallel_loop3A_895 : f32 to vector<16xf32>
        %parallel_loop3A_897 = arith.mulf %parallel_loop3A_894, %parallel_loop3A_896 : vector<16xf32>
        %parallel_loop3A_898 = arith.constant 2 : i32
        %parallel_loop3A_899 = arith.index_cast %parallel_loop3A_898 : i32 to index
        %parallel_loop3A_900 = arith.index_cast %parallel_loop3A_872 : i32 to index
        %parallel_loop3A_901 = arith.index_cast %parallel_loop3A_888 : i32 to index
        %parallel_loop3A_902 = arith.constant 0 : index
        %parallel_loop3A_903 = tpu.vector_load %arg7[%parallel_loop3A_899, %parallel_loop3A_900, %parallel_loop3A_901, %parallel_loop3A_902] {strides = array<i32>} : memref<4x4x8x128xf32, #tpu.memory_space<vmem>>, vector<16xf32>,
        tpu.vector_store %arg7[%parallel_loop3A_899, %parallel_loop3A_900, %parallel_loop3A_901, %parallel_loop3A_902], %parallel_loop3A_897 {strides = array<i32>} : memref<4x4x8x128xf32, #tpu.memory_space<vmem>>, vector<16xf32>,
        %parallel_loop3A_904 = arith.constant 2 : i32
        %parallel_loop3A_905 = arith.constant 0 : i32
        %parallel_loop3A_906 = arith.constant 0 : i32
        %parallel_loop3A_907 = tpu.memref_slice %arg6[%parallel_loop3A_904, %parallel_loop3A_905, %parallel_loop3A_906] : memref<4x128x32xf32, #tpu.memory_space<vmem>> -> memref<1x128x32xf32, #tpu.memory_space<vmem>>
        %parallel_loop3A_908 = tpu.memref_squeeze %parallel_loop3A_907 : memref<1x128x32xf32, #tpu.memory_space<vmem>> -> memref<128x32xf32, #tpu.memory_space<vmem>>
        %parallel_loop3A_909 = tpu.vector_load_idx %parallel_loop3A_908[%add3A_8, %parallel_loop3A_848] : memref<128x32xf32, #tpu.memory_space<vmem>>[vector<16xi32>, vector<16xi32>], vector<16xf32>,
        %parallel_loop3A_910 = arith.constant 5.65685415 : f32
        %parallel_loop3A_911 = vector.broadcast %parallel_loop3A_910 : f32 to vector<16xf32>
        %parallel_loop3A_912 = arith.mulf %parallel_loop3A_909, %parallel_loop3A_911 : vector<16xf32>
        %parallel_loop3A_913 = arith.constant 2 : i32
        %parallel_loop3A_914 = arith.index_cast %parallel_loop3A_913 : i32 to index
        %parallel_loop3A_915 = arith.index_cast %parallel_loop3A_872 : i32 to index
        %parallel_loop3A_916 = arith.index_cast %parallel_loop3A_888 : i32 to index
        %parallel_loop3A_917 = arith.constant 16 : index
        %parallel_loop3A_918 = tpu.vector_load %arg7[%parallel_loop3A_914, %parallel_loop3A_915, %parallel_loop3A_916, %parallel_loop3A_917] {strides = array<i32>} : memref<4x4x8x128xf32, #tpu.memory_space<vmem>>, vector<16xf32>,
        tpu.vector_store %arg7[%parallel_loop3A_914, %parallel_loop3A_915, %parallel_loop3A_916, %parallel_loop3A_917], %parallel_loop3A_912 {strides = array<i32>} : memref<4x4x8x128xf32, #tpu.memory_space<vmem>>, vector<16xf32>,
        %parallel_loop3A_919 = arith.constant 2 : i32
        %parallel_loop3A_920 = arith.constant 0 : i32
        %parallel_loop3A_921 = arith.constant 0 : i32
        %parallel_loop3A_922 = tpu.memref_slice %arg6[%parallel_loop3A_919, %parallel_loop3A_920, %parallel_loop3A_921] : memref<4x128x32xf32, #tpu.memory_space<vmem>> -> memref<1x128x32xf32, #tpu.memory_space<vmem>>
        %parallel_loop3A_923 = tpu.memref_squeeze %parallel_loop3A_922 : memref<1x128x32xf32, #tpu.memory_space<vmem>> -> memref<128x32xf32, #tpu.memory_space<vmem>>
        %parallel_loop3A_924 = tpu.vector_load_idx %parallel_loop3A_923[%add3A_11, %parallel_loop3A_848] : memref<128x32xf32, #tpu.memory_space<vmem>>[vector<16xi32>, vector<16xi32>], vector<16xf32>,
        %parallel_loop3A_925 = arith.constant 5.65685415 : f32
        %parallel_loop3A_926 = vector.broadcast %parallel_loop3A_925 : f32 to vector<16xf32>
        %parallel_loop3A_927 = arith.mulf %parallel_loop3A_924, %parallel_loop3A_926 : vector<16xf32>
        %parallel_loop3A_928 = arith.constant 2 : i32
        %parallel_loop3A_929 = arith.index_cast %parallel_loop3A_928 : i32 to index
        %parallel_loop3A_930 = arith.index_cast %parallel_loop3A_872 : i32 to index
        %parallel_loop3A_931 = arith.index_cast %parallel_loop3A_888 : i32 to index
        %parallel_loop3A_932 = arith.constant 32 : index
        %parallel_loop3A_933 = tpu.vector_load %arg7[%parallel_loop3A_929, %parallel_loop3A_930, %parallel_loop3A_931, %parallel_loop3A_932] {strides = array<i32>} : memref<4x4x8x128xf32, #tpu.memory_space<vmem>>, vector<16xf32>,
        tpu.vector_store %arg7[%parallel_loop3A_929, %parallel_loop3A_930, %parallel_loop3A_931, %parallel_loop3A_932], %parallel_loop3A_927 {strides = array<i32>} : memref<4x4x8x128xf32, #tpu.memory_space<vmem>>, vector<16xf32>,
        %parallel_loop3A_934 = arith.constant 2 : i32
        %parallel_loop3A_935 = arith.constant 0 : i32
        %parallel_loop3A_936 = arith.constant 0 : i32
        %parallel_loop3A_937 = tpu.memref_slice %arg6[%parallel_loop3A_934, %parallel_loop3A_935, %parallel_loop3A_936] : memref<4x128x32xf32, #tpu.memory_space<vmem>> -> memref<1x128x32xf32, #tpu.memory_space<vmem>>
        %parallel_loop3A_938 = tpu.memref_squeeze %parallel_loop3A_937 : memref<1x128x32xf32, #tpu.memory_space<vmem>> -> memref<128x32xf32, #tpu.memory_space<vmem>>
        %parallel_loop3A_939 = tpu.vector_load_idx %parallel_loop3A_938[%add3A_14, %parallel_loop3A_848] : memref<128x32xf32, #tpu.memory_space<vmem>>[vector<16xi32>, vector<16xi32>], vector<16xf32>,
        %parallel_loop3A_940 = arith.constant 5.65685415 : f32
        %parallel_loop3A_941 = vector.broadcast %parallel_loop3A_940 : f32 to vector<16xf32>
        %parallel_loop3A_942 = arith.mulf %parallel_loop3A_939, %parallel_loop3A_941 : vector<16xf32>
        %parallel_loop3A_943 = arith.constant 2 : i32
        %parallel_loop3A_944 = arith.index_cast %parallel_loop3A_943 : i32 to index
        %parallel_loop3A_945 = arith.index_cast %parallel_loop3A_872 : i32 to index
        %parallel_loop3A_946 = arith.index_cast %parallel_loop3A_888 : i32 to index
        %parallel_loop3A_947 = arith.constant 48 : index
        %parallel_loop3A_948 = tpu.vector_load %arg7[%parallel_loop3A_944, %parallel_loop3A_945, %parallel_loop3A_946, %parallel_loop3A_947] {strides = array<i32>} : memref<4x4x8x128xf32, #tpu.memory_space<vmem>>, vector<16xf32>,
        tpu.vector_store %arg7[%parallel_loop3A_944, %parallel_loop3A_945, %parallel_loop3A_946, %parallel_loop3A_947], %parallel_loop3A_942 {strides = array<i32>} : memref<4x4x8x128xf32, #tpu.memory_space<vmem>>, vector<16xf32>,
        %parallel_loop3A_949 = arith.constant 2 : i32
        %parallel_loop3A_950 = arith.constant 0 : i32
        %parallel_loop3A_951 = arith.constant 0 : i32
        %parallel_loop3A_952 = tpu.memref_slice %arg6[%parallel_loop3A_949, %parallel_loop3A_950, %parallel_loop3A_951] : memref<4x128x32xf32, #tpu.memory_space<vmem>> -> memref<1x128x32xf32, #tpu.memory_space<vmem>>
        %parallel_loop3A_953 = tpu.memref_squeeze %parallel_loop3A_952 : memref<1x128x32xf32, #tpu.memory_space<vmem>> -> memref<128x32xf32, #tpu.memory_space<vmem>>
        %parallel_loop3A_954 = tpu.vector_load_idx %parallel_loop3A_953[%add3A_17, %parallel_loop3A_848] : memref<128x32xf32, #tpu.memory_space<vmem>>[vector<16xi32>, vector<16xi32>], vector<16xf32>,
        %parallel_loop3A_955 = arith.constant 5.65685415 : f32
        %parallel_loop3A_956 = vector.broadcast %parallel_loop3A_955 : f32 to vector<16xf32>
        %parallel_loop3A_957 = arith.mulf %parallel_loop3A_954, %parallel_loop3A_956 : vector<16xf32>
        %parallel_loop3A_958 = arith.constant 2 : i32
        %parallel_loop3A_959 = arith.index_cast %parallel_loop3A_958 : i32 to index
        %parallel_loop3A_960 = arith.index_cast %parallel_loop3A_872 : i32 to index
        %parallel_loop3A_961 = arith.index_cast %parallel_loop3A_888 : i32 to index
        %parallel_loop3A_962 = arith.constant 64 : index
        %parallel_loop3A_963 = tpu.vector_load %arg7[%parallel_loop3A_959, %parallel_loop3A_960, %parallel_loop3A_961, %parallel_loop3A_962] {strides = array<i32>} : memref<4x4x8x128xf32, #tpu.memory_space<vmem>>, vector<16xf32>,
        tpu.vector_store %arg7[%parallel_loop3A_959, %parallel_loop3A_960, %parallel_loop3A_961, %parallel_loop3A_962], %parallel_loop3A_957 {strides = array<i32>} : memref<4x4x8x128xf32, #tpu.memory_space<vmem>>, vector<16xf32>,
        %parallel_loop3A_964 = arith.constant 2 : i32
        %parallel_loop3A_965 = arith.constant 0 : i32
        %parallel_loop3A_966 = arith.constant 0 : i32
        %parallel_loop3A_967 = tpu.memref_slice %arg6[%parallel_loop3A_964, %parallel_loop3A_965, %parallel_loop3A_966] : memref<4x128x32xf32, #tpu.memory_space<vmem>> -> memref<1x128x32xf32, #tpu.memory_space<vmem>>
        %parallel_loop3A_968 = tpu.memref_squeeze %parallel_loop3A_967 : memref<1x128x32xf32, #tpu.memory_space<vmem>> -> memref<128x32xf32, #tpu.memory_space<vmem>>
        %parallel_loop3A_969 = tpu.vector_load_idx %parallel_loop3A_968[%add3A_20, %parallel_loop3A_848] : memref<128x32xf32, #tpu.memory_space<vmem>>[vector<16xi32>, vector<16xi32>], vector<16xf32>,
        %parallel_loop3A_970 = arith.constant 5.65685415 : f32
        %parallel_loop3A_971 = vector.broadcast %parallel_loop3A_970 : f32 to vector<16xf32>
        %parallel_loop3A_972 = arith.mulf %parallel_loop3A_969, %parallel_loop3A_971 : vector<16xf32>
        %parallel_loop3A_973 = arith.constant 2 : i32
        %parallel_loop3A_974 = arith.index_cast %parallel_loop3A_973 : i32 to index
        %parallel_loop3A_975 = arith.index_cast %parallel_loop3A_872 : i32 to index
        %parallel_loop3A_976 = arith.index_cast %parallel_loop3A_888 : i32 to index
        %parallel_loop3A_977 = arith.constant 80 : index
        %parallel_loop3A_978 = tpu.vector_load %arg7[%parallel_loop3A_974, %parallel_loop3A_975, %parallel_loop3A_976, %parallel_loop3A_977] {strides = array<i32>} : memref<4x4x8x128xf32, #tpu.memory_space<vmem>>, vector<16xf32>,
        tpu.vector_store %arg7[%parallel_loop3A_974, %parallel_loop3A_975, %parallel_loop3A_976, %parallel_loop3A_977], %parallel_loop3A_972 {strides = array<i32>} : memref<4x4x8x128xf32, #tpu.memory_space<vmem>>, vector<16xf32>,
        %parallel_loop3A_979 = arith.constant 2 : i32
        %parallel_loop3A_980 = arith.constant 0 : i32
        %parallel_loop3A_981 = arith.constant 0 : i32
        %parallel_loop3A_982 = tpu.memref_slice %arg6[%parallel_loop3A_979, %parallel_loop3A_980, %parallel_loop3A_981] : memref<4x128x32xf32, #tpu.memory_space<vmem>> -> memref<1x128x32xf32, #tpu.memory_space<vmem>>
        %parallel_loop3A_983 = tpu.memref_squeeze %parallel_loop3A_982 : memref<1x128x32xf32, #tpu.memory_space<vmem>> -> memref<128x32xf32, #tpu.memory_space<vmem>>
        %parallel_loop3A_984 = tpu.vector_load_idx %parallel_loop3A_983[%add3A_23, %parallel_loop3A_848] : memref<128x32xf32, #tpu.memory_space<vmem>>[vector<16xi32>, vector<16xi32>], vector<16xf32>,
        %parallel_loop3A_985 = arith.constant 5.65685415 : f32
        %parallel_loop3A_986 = vector.broadcast %parallel_loop3A_985 : f32 to vector<16xf32>
        %parallel_loop3A_987 = arith.mulf %parallel_loop3A_984, %parallel_loop3A_986 : vector<16xf32>
        %parallel_loop3A_988 = arith.constant 2 : i32
        %parallel_loop3A_989 = arith.index_cast %parallel_loop3A_988 : i32 to index
        %parallel_loop3A_990 = arith.index_cast %parallel_loop3A_872 : i32 to index
        %parallel_loop3A_991 = arith.index_cast %parallel_loop3A_888 : i32 to index
        %parallel_loop3A_992 = arith.constant 96 : index
        %parallel_loop3A_993 = tpu.vector_load %arg7[%parallel_loop3A_989, %parallel_loop3A_990, %parallel_loop3A_991, %parallel_loop3A_992] {strides = array<i32>} : memref<4x4x8x128xf32, #tpu.memory_space<vmem>>, vector<16xf32>,
        tpu.vector_store %arg7[%parallel_loop3A_989, %parallel_loop3A_990, %parallel_loop3A_991, %parallel_loop3A_992], %parallel_loop3A_987 {strides = array<i32>} : memref<4x4x8x128xf32, #tpu.memory_space<vmem>>, vector<16xf32>,
        %parallel_loop3A_994 = arith.constant 2 : i32
        %parallel_loop3A_995 = arith.constant 0 : i32
        %parallel_loop3A_996 = arith.constant 0 : i32
        %parallel_loop3A_997 = tpu.memref_slice %arg6[%parallel_loop3A_994, %parallel_loop3A_995, %parallel_loop3A_996] : memref<4x128x32xf32, #tpu.memory_space<vmem>> -> memref<1x128x32xf32, #tpu.memory_space<vmem>>
        %parallel_loop3A_998 = tpu.memref_squeeze %parallel_loop3A_997 : memref<1x128x32xf32, #tpu.memory_space<vmem>> -> memref<128x32xf32, #tpu.memory_space<vmem>>
        %parallel_loop3A_999 = tpu.vector_load_idx %parallel_loop3A_998[%add3A_26, %parallel_loop3A_848] : memref<128x32xf32, #tpu.memory_space<vmem>>[vector<16xi32>, vector<16xi32>], vector<16xf32>,
        %parallel_loop3A_1000 = arith.constant 5.65685415 : f32
        %parallel_loop3A_1001 = vector.broadcast %parallel_loop3A_1000 : f32 to vector<16xf32>
        %parallel_loop3A_1002 = arith.mulf %parallel_loop3A_999, %parallel_loop3A_1001 : vector<16xf32>
        %parallel_loop3A_1003 = arith.constant 2 : i32
        %parallel_loop3A_1004 = arith.index_cast %parallel_loop3A_1003 : i32 to index
        %parallel_loop3A_1005 = arith.index_cast %parallel_loop3A_872 : i32 to index
        %parallel_loop3A_1006 = arith.index_cast %parallel_loop3A_888 : i32 to index
        %parallel_loop3A_1007 = arith.constant 112 : index
        %parallel_loop3A_1008 = tpu.vector_load %arg7[%parallel_loop3A_1004, %parallel_loop3A_1005, %parallel_loop3A_1006, %parallel_loop3A_1007] {strides = array<i32>} : memref<4x4x8x128xf32, #tpu.memory_space<vmem>>, vector<16xf32>,
        tpu.vector_store %arg7[%parallel_loop3A_1004, %parallel_loop3A_1005, %parallel_loop3A_1006, %parallel_loop3A_1007], %parallel_loop3A_1002 {strides = array<i32>} : memref<4x4x8x128xf32, #tpu.memory_space<vmem>>, vector<16xf32>,
      } {sc.loop_unroll_factor = 4 : i64, sc.parallel_access}
      %jit3A_678 = arith.constant 128 : i32
      %div3A_679 = arith.divsi %add3A_644, %jit3A_678 : i32
      %sign3A_680 = arith.constant 0 : i32
      %sign3A_681 = arith.cmpi sgt, %add3A_644, %sign3A_680 : i32
      %sign3A_682 = arith.extui %sign3A_681 : i1 to i32
      %sign3A_683 = arith.constant 0 : i32
      %sign3A_684 = arith.cmpi slt, %add3A_644, %sign3A_683 : i32
      %sign3A_685 = arith.extui %sign3A_684 : i1 to i32
      %sign3A_686 = arith.subi %sign3A_682, %sign3A_685 : i32
      %sign3A_687 = arith.constant 0 : i32
      %sign3A_688 = arith.cmpi sgt, %jit3A_678, %sign3A_687 : i32
      %sign3A_689 = arith.extui %sign3A_688 : i1 to i32
      %sign3A_690 = arith.constant 0 : i32
      %sign3A_691 = arith.cmpi slt, %jit3A_678, %sign3A_690 : i32
      %sign3A_692 = arith.extui %sign3A_691 : i1 to i32
      %sign3A_693 = arith.subi %sign3A_689, %sign3A_692 : i32
      %ne3A_694 = arith.cmpi ne, %sign3A_686, %sign3A_693 : i32
      %rem3A_695 = arith.remsi %add3A_644, %jit3A_678 : i32
      %ne3A_696 = arith.constant 0 : i32
      %ne3A_697 = arith.cmpi ne, %rem3A_695, %ne3A_696 : i32
      %and3A_698 = arith.andi %ne3A_694, %ne3A_697 : i1
      %sub3A_699 = arith.constant 1 : i32
      %sub3A_700 = arith.subi %div3A_679, %sub3A_699 : i32
      %select_n3A_701 = arith.select %and3A_698, %sub3A_700, %div3A_679 : i32
      %jit3A_702 = arith.constant 128 : i32
      %eq3A_703 = arith.constant 0 : i32
      %eq3A_704 = arith.cmpi eq, %jit3A_702, %eq3A_703 : i32
      %jit3A_705 = arith.constant 1 : i32
      %select_n3A_706 = arith.select %eq3A_704, %jit3A_705, %jit3A_702 : i32
      %rem3A_707 = arith.remsi %add3A_644, %select_n3A_706 : i32
      %ne3A_708 = arith.constant 0 : i32
      %ne3A_709 = arith.cmpi ne, %rem3A_707, %ne3A_708 : i32
      %lt3A_710 = arith.constant 0 : i32
      %lt3A_711 = arith.cmpi slt, %rem3A_707, %lt3A_710 : i32
      %lt3A_712 = arith.constant 0 : i32
      %lt3A_713 = arith.cmpi slt, %select_n3A_706, %lt3A_712 : i32
      %ne3A_714 = arith.xori %lt3A_711, %lt3A_713 : i1
      %and3A_715 = arith.andi %ne3A_714, %ne3A_709 : i1
      %add3A_716 = arith.addi %rem3A_707, %select_n3A_706 : i32
      %select_n3A_717 = arith.select %and3A_715, %add3A_716, %rem3A_707 : i32
      %dma_start3A_718 = arith.constant 2 : i32
      %dma_start3A_719 = arith.constant 0 : i32
      %dma_start3A_720 = arith.constant 0 : i32
      %dma_start3A_721 = arith.constant 0 : i32
      %dma_start3A_722 = tpu.memref_slice %arg7[%dma_start3A_718, %dma_start3A_719, %dma_start3A_720, %dma_start3A_721] : memref<4x4x8x128xf32, #tpu.memory_space<vmem>> -> memref<1x4x8x128xf32, #tpu.memory_space<vmem>>
      %dma_start3A_723 = tpu.memref_squeeze %dma_start3A_722 : memref<1x4x8x128xf32, #tpu.memory_space<vmem>> -> memref<4x8x128xf32, #tpu.memory_space<vmem>>
      %dma_start3A_724 = arith.constant 0 : i32
      %dma_start3A_725 = arith.constant 0 : i32
      %dma_start3A_726 = arith.constant 0 : i32
      %dma_start3A_727 = tpu.memref_slice %arg4[%select_n3A_701, %dma_start3A_724, %select_n3A_717, %dma_start3A_725, %dma_start3A_726] : memref<26x4x128x8x128xf32, #tpu.memory_space<hbm>> -> memref<1x4x1x8x128xf32, #tpu.memory_space<hbm>>
      %dma_start3A_728 = tpu.memref_squeeze %dma_start3A_727 : memref<1x4x1x8x128xf32, #tpu.memory_space<hbm>> -> memref<4x8x128xf32, #tpu.memory_space<hbm>>
      %dma_start3A_729 = arith.constant 0 : i32
      %dma_start3A_730 = arith.constant 0 : i32
      %dma_start3A_731 = arith.constant 0 : i32
      %dma_start3A_732 = tpu.memref_slice %arg4[%select_n3A_701, %dma_start3A_729, %select_n3A_717, %dma_start3A_730, %dma_start3A_731] : memref<26x4x128x8x128xf32, #tpu.memory_space<hbm>> -> memref<1x4x1x8x128xf32, #tpu.memory_space<hbm>>
      %dma_start3A_733 = tpu.memref_squeeze %dma_start3A_732 : memref<1x4x1x8x128xf32, #tpu.memory_space<hbm>> -> memref<4x8x128xf32, #tpu.memory_space<hbm>>
      %dma_start3A_734 = arith.constant 0 : i32
      %dma_start3A_735 = arith.constant 0 : i32
      %dma_start3A_736 = arith.constant 0 : i32
      %dma_start3A_737 = tpu.memref_slice %arg7[%dma_start3A_718, %dma_start3A_734, %dma_start3A_735, %dma_start3A_736] : memref<4x4x8x128xf32, #tpu.memory_space<vmem>> -> memref<1x4x8x128xf32, #tpu.memory_space<vmem>>
      %dma_start3A_738 = tpu.memref_squeeze %dma_start3A_737 : memref<1x4x8x128xf32, #tpu.memory_space<vmem>> -> memref<4x8x128xf32, #tpu.memory_space<vmem>>
      tpu.enqueue_dma source(%dma_start3A_738 : memref<4x8x128xf32, #tpu.memory_space<vmem>>) target(%dma_start3A_733 : memref<4x8x128xf32, #tpu.memory_space<hbm>>) target_semaphore(%arg14 : memref<!tpu.dma_semaphore, #tpu.memory_space<semaphore_mem>>)
      %convert_element_type3A_739 = arith.extui %le3A_651 : i1 to i32
      %cond3A_740 = arith.constant 0 : i32
      %cond3A_741 = arith.cmpi ne, %convert_element_type3A_739, %cond3A_740 : i32
      scf.if %cond3A_741 {
        %dma_wait3A_844 = arith.constant 0 : i32
        %dma_wait3A_845 = arith.constant 0 : i32
        %dma_wait3A_846 = arith.constant 2 : i32
        %dma_wait3A_847 = arith.constant 0 : i32
        %dma_wait3A_848 = tpu.memref_slice %arg5[%dma_wait3A_846, %dma_wait3A_847] : memref<4x128xi32, #tpu.memory_space<vmem>> -> memref<1x128xi32, #tpu.memory_space<vmem>>
        %dma_wait3A_849 = tpu.memref_squeeze %dma_wait3A_848 : memref<1x128xi32, #tpu.memory_space<vmem>> -> memref<128xi32, #tpu.memory_space<vmem>>
        %dma_wait3A_850 = arith.constant 0 : i32
        %dma_wait3A_851 = tpu.memref_slice %arg2[%dma_wait3A_844, %dma_wait3A_845, %dma_wait3A_850] : memref<26x128x128xi32, #tpu.memory_space<hbm>> -> memref<1x1x128xi32, #tpu.memory_space<hbm>>
        %dma_wait3A_852 = tpu.memref_squeeze %dma_wait3A_851 : memref<1x1x128xi32, #tpu.memory_space<hbm>> -> memref<128xi32, #tpu.memory_space<hbm>>
        %dma_wait3A_853 = arith.constant 0 : i32
        %dma_wait3A_854 = tpu.memref_slice %arg5[%dma_wait3A_846, %dma_wait3A_853] : memref<4x128xi32, #tpu.memory_space<vmem>> -> memref<1x128xi32, #tpu.memory_space<vmem>>
        %dma_wait3A_855 = tpu.memref_squeeze %dma_wait3A_854 : memref<1x128xi32, #tpu.memory_space<vmem>> -> memref<128xi32, #tpu.memory_space<vmem>>
        %dma_wait3A_856 = arith.constant 0 : i32
        %dma_wait3A_857 = tpu.memref_slice %arg2[%dma_wait3A_844, %dma_wait3A_845, %dma_wait3A_856] : memref<26x128x128xi32, #tpu.memory_space<hbm>> -> memref<1x1x128xi32, #tpu.memory_space<hbm>>
        %dma_wait3A_858 = tpu.memref_squeeze %dma_wait3A_857 : memref<1x1x128xi32, #tpu.memory_space<hbm>> -> memref<128xi32, #tpu.memory_space<hbm>>
        tpu.wait_dma2 semaphore(%arg18 : memref<!tpu.dma_semaphore, #tpu.memory_space<semaphore_mem>>) src(%dma_wait3A_858 : memref<128xi32, #tpu.memory_space<hbm>>) dst(%dma_wait3A_855 : memref<128xi32, #tpu.memory_space<vmem>>)
        %dma_start3A_859 = arith.constant 2 : i32
        %dma_start3A_860 = arith.constant 2 : i32
        %dma_start3A_861 = arith.constant 0 : i32
        %dma_start3A_862 = arith.constant 0 : i32
        %dma_start3A_863 = tpu.memref_slice %arg6[%dma_start3A_860, %dma_start3A_861, %dma_start3A_862] : memref<4x128x32xf32, #tpu.memory_space<vmem>> -> memref<1x128x32xf32, #tpu.memory_space<vmem>>
        %dma_start3A_864 = tpu.memref_squeeze %dma_start3A_863 : memref<1x128x32xf32, #tpu.memory_space<vmem>> -> memref<128x32xf32, #tpu.memory_space<vmem>>
        %dma_start3A_865 = arith.constant 0 : i32
        %dma_start3A_866 = tpu.memref_slice %arg5[%dma_start3A_859, %dma_start3A_865] : memref<4x128xi32, #tpu.memory_space<vmem>> -> memref<1x128xi32, #tpu.memory_space<vmem>>
        %dma_start3A_867 = tpu.memref_squeeze %dma_start3A_866 : memref<1x128xi32, #tpu.memory_space<vmem>> -> memref<128xi32, #tpu.memory_space<vmem>>
        %dma_start3A_868 = arith.constant 0 : i32
        %dma_start3A_869 = arith.constant 0 : i32
        %dma_start3A_870 = tpu.memref_slice %arg3[%dma_start3A_868, %dma_start3A_869] : memref<1000000x32xf32, #tpu.memory_space<hbm>> -> memref<1000000x32xf32, #tpu.memory_space<hbm>>
        tpu.enqueue_indirect_dma source(%dma_start3A_870 : memref<1000000x32xf32, #tpu.memory_space<hbm>>) target(%dma_start3A_864 : memref<128x32xf32, #tpu.memory_space<vmem>>) offsets(%dma_start3A_867 : memref<128xi32, #tpu.memory_space<vmem>>) semaphore(%arg10 : memref<!tpu.dma_semaphore, #tpu.memory_space<semaphore_mem>>)
      } else {
      }
      %mul3A_742 = arith.constant 4 : i32
      %mul3A_743 = arith.muli %scan3A_440, %mul3A_742 : i32
      %add3A_744 = arith.addi %mul3A_2, %mul3A_743 : i32
      %add3A_745 = arith.constant 3 : i32
      %add3A_746 = arith.addi %add3A_744, %add3A_745 : i32
      %add3A_747 = arith.constant 4 : i32
      %add3A_748 = arith.addi %add3A_746, %add3A_747 : i32
      %add3A_749 = arith.constant 104 : i32
      %add3A_750 = arith.addi %mul3A_2, %add3A_749 : i32
      %sub3A_751 = arith.constant 1 : i32
      %sub3A_752 = arith.subi %add3A_750, %sub3A_751 : i32
      %le3A_753 = arith.cmpi sle, %add3A_748, %sub3A_752 : i32
      %dma_wait3A_754 = arith.constant 3 : i32
      %dma_wait3A_755 = arith.constant 0 : i32
      %dma_wait3A_756 = arith.constant 0 : i32
      %dma_wait3A_757 = tpu.memref_slice %arg6[%dma_wait3A_754, %dma_wait3A_755, %dma_wait3A_756] : memref<4x128x32xf32, #tpu.memory_space<vmem>> -> memref<1x128x32xf32, #tpu.memory_space<vmem>>
      %dma_wait3A_758 = tpu.memref_squeeze %dma_wait3A_757 : memref<1x128x32xf32, #tpu.memory_space<vmem>> -> memref<128x32xf32, #tpu.memory_space<vmem>>
      %dma_wait3A_759 = arith.constant 0 : i32
      %dma_wait3A_760 = arith.constant 0 : i32
      %dma_wait3A_761 = tpu.memref_slice %arg3[%dma_wait3A_759, %dma_wait3A_760] : memref<1000000x32xf32, #tpu.memory_space<hbm>> -> memref<128x32xf32, #tpu.memory_space<hbm>>
      %dma_wait3A_762 = arith.constant 0 : i32
      %dma_wait3A_763 = arith.constant 0 : i32
      %dma_wait3A_764 = tpu.memref_slice %arg6[%dma_wait3A_754, %dma_wait3A_762, %dma_wait3A_763] : memref<4x128x32xf32, #tpu.memory_space<vmem>> -> memref<1x128x32xf32, #tpu.memory_space<vmem>>
      %dma_wait3A_765 = tpu.memref_squeeze %dma_wait3A_764 : memref<1x128x32xf32, #tpu.memory_space<vmem>> -> memref<128x32xf32, #tpu.memory_space<vmem>>
      %dma_wait3A_766 = arith.constant 0 : i32
      %dma_wait3A_767 = arith.constant 0 : i32
      %dma_wait3A_768 = tpu.memref_slice %arg3[%dma_wait3A_766, %dma_wait3A_767] : memref<1000000x32xf32, #tpu.memory_space<hbm>> -> memref<128x32xf32, #tpu.memory_space<hbm>>
      tpu.wait_dma2 semaphore(%arg11 : memref<!tpu.dma_semaphore, #tpu.memory_space<semaphore_mem>>) src(%dma_wait3A_768 : memref<128x32xf32, #tpu.memory_space<hbm>>) dst(%dma_wait3A_765 : memref<128x32xf32, #tpu.memory_space<vmem>>)
      %convert_element_type3A_769 = arith.extui %le3A_753 : i1 to i32
      %cond3A_770 = arith.constant 0 : i32
      %cond3A_771 = arith.cmpi ne, %convert_element_type3A_769, %cond3A_770 : i32
      scf.if %cond3A_771 {
        %jit3A_844 = arith.constant 128 : i32
        %div3A_845 = arith.divsi %add3A_748, %jit3A_844 : i32
        %sign3A_846 = arith.constant 0 : i32
        %sign3A_847 = arith.cmpi sgt, %add3A_748, %sign3A_846 : i32
        %sign3A_848 = arith.extui %sign3A_847 : i1 to i32
        %sign3A_849 = arith.constant 0 : i32
        %sign3A_850 = arith.cmpi slt, %add3A_748, %sign3A_849 : i32
        %sign3A_851 = arith.extui %sign3A_850 : i1 to i32
        %sign3A_852 = arith.subi %sign3A_848, %sign3A_851 : i32
        %sign3A_853 = arith.constant 0 : i32
        %sign3A_854 = arith.cmpi sgt, %jit3A_844, %sign3A_853 : i32
        %sign3A_855 = arith.extui %sign3A_854 : i1 to i32
        %sign3A_856 = arith.constant 0 : i32
        %sign3A_857 = arith.cmpi slt, %jit3A_844, %sign3A_856 : i32
        %sign3A_858 = arith.extui %sign3A_857 : i1 to i32
        %sign3A_859 = arith.subi %sign3A_855, %sign3A_858 : i32
        %ne3A_860 = arith.cmpi ne, %sign3A_852, %sign3A_859 : i32
        %rem3A_861 = arith.remsi %add3A_748, %jit3A_844 : i32
        %ne3A_862 = arith.constant 0 : i32
        %ne3A_863 = arith.cmpi ne, %rem3A_861, %ne3A_862 : i32
        %and3A_864 = arith.andi %ne3A_860, %ne3A_863 : i1
        %sub3A_865 = arith.constant 1 : i32
        %sub3A_866 = arith.subi %div3A_845, %sub3A_865 : i32
        %select_n3A_867 = arith.select %and3A_864, %sub3A_866, %div3A_845 : i32
        %jit3A_868 = arith.constant 128 : i32
        %eq3A_869 = arith.constant 0 : i32
        %eq3A_870 = arith.cmpi eq, %jit3A_868, %eq3A_869 : i32
        %jit3A_871 = arith.constant 1 : i32
        %select_n3A_872 = arith.select %eq3A_870, %jit3A_871, %jit3A_868 : i32
        %rem3A_873 = arith.remsi %add3A_748, %select_n3A_872 : i32
        %ne3A_874 = arith.constant 0 : i32
        %ne3A_875 = arith.cmpi ne, %rem3A_873, %ne3A_874 : i32
        %lt3A_876 = arith.constant 0 : i32
        %lt3A_877 = arith.cmpi slt, %rem3A_873, %lt3A_876 : i32
        %lt3A_878 = arith.constant 0 : i32
        %lt3A_879 = arith.cmpi slt, %select_n3A_872, %lt3A_878 : i32
        %ne3A_880 = arith.xori %lt3A_877, %lt3A_879 : i1
        %and3A_881 = arith.andi %ne3A_880, %ne3A_875 : i1
        %add3A_882 = arith.addi %rem3A_873, %select_n3A_872 : i32
        %select_n3A_883 = arith.select %and3A_881, %add3A_882, %rem3A_873 : i32
        %dma_start3A_884 = arith.constant 3 : i32
        %dma_start3A_885 = arith.constant 0 : i32
        %dma_start3A_886 = tpu.memref_slice %arg5[%dma_start3A_884, %dma_start3A_885] : memref<4x128xi32, #tpu.memory_space<vmem>> -> memref<1x128xi32, #tpu.memory_space<vmem>>
        %dma_start3A_887 = tpu.memref_squeeze %dma_start3A_886 : memref<1x128xi32, #tpu.memory_space<vmem>> -> memref<128xi32, #tpu.memory_space<vmem>>
        %dma_start3A_888 = arith.constant 0 : i32
        %dma_start3A_889 = tpu.memref_slice %arg2[%select_n3A_867, %select_n3A_883, %dma_start3A_888] : memref<26x128x128xi32, #tpu.memory_space<hbm>> -> memref<1x1x128xi32, #tpu.memory_space<hbm>>
        %dma_start3A_890 = tpu.memref_squeeze %dma_start3A_889 : memref<1x1x128xi32, #tpu.memory_space<hbm>> -> memref<128xi32, #tpu.memory_space<hbm>>
        %dma_start3A_891 = arith.constant 0 : i32
        %dma_start3A_892 = tpu.memref_slice %arg5[%dma_start3A_884, %dma_start3A_891] : memref<4x128xi32, #tpu.memory_space<vmem>> -> memref<1x128xi32, #tpu.memory_space<vmem>>
        %dma_start3A_893 = tpu.memref_squeeze %dma_start3A_892 : memref<1x128xi32, #tpu.memory_space<vmem>> -> memref<128xi32, #tpu.memory_space<vmem>>
        %dma_start3A_894 = arith.constant 0 : i32
        %dma_start3A_895 = tpu.memref_slice %arg2[%select_n3A_867, %select_n3A_883, %dma_start3A_894] : memref<26x128x128xi32, #tpu.memory_space<hbm>> -> memref<1x1x128xi32, #tpu.memory_space<hbm>>
        %dma_start3A_896 = tpu.memref_squeeze %dma_start3A_895 : memref<1x1x128xi32, #tpu.memory_space<hbm>> -> memref<128xi32, #tpu.memory_space<hbm>>
        tpu.enqueue_dma source(%dma_start3A_896 : memref<128xi32, #tpu.memory_space<hbm>>) target(%dma_start3A_893 : memref<128xi32, #tpu.memory_space<vmem>>) target_semaphore(%arg19 : memref<!tpu.dma_semaphore, #tpu.memory_space<semaphore_mem>>)
      } else {
      }
      %ge3A_772 = arith.constant 1 : i32
      %ge3A_773 = arith.cmpi sge, %scan3A_440, %ge3A_772 : i32
      %convert_element_type3A_774 = arith.extui %ge3A_773 : i1 to i32
      %cond3A_775 = arith.constant 0 : i32
      %cond3A_776 = arith.cmpi ne, %convert_element_type3A_774, %cond3A_775 : i32
      scf.if %cond3A_776 {
        %dma_wait3A_844 = arith.constant 3 : i32
        %dma_wait3A_845 = arith.constant 0 : i32
        %dma_wait3A_846 = arith.constant 0 : i32
        %dma_wait3A_847 = arith.constant 0 : i32
        %dma_wait3A_848 = arith.constant 0 : i32
        %dma_wait3A_849 = arith.constant 0 : i32
        %dma_wait3A_850 = tpu.memref_slice %arg7[%dma_wait3A_844, %dma_wait3A_847, %dma_wait3A_848, %dma_wait3A_849] : memref<4x4x8x128xf32, #tpu.memory_space<vmem>> -> memref<1x4x8x128xf32, #tpu.memory_space<vmem>>
        %dma_wait3A_851 = tpu.memref_squeeze %dma_wait3A_850 : memref<1x4x8x128xf32, #tpu.memory_space<vmem>> -> memref<4x8x128xf32, #tpu.memory_space<vmem>>
        %dma_wait3A_852 = arith.constant 0 : i32
        %dma_wait3A_853 = arith.constant 0 : i32
        %dma_wait3A_854 = arith.constant 0 : i32
        %dma_wait3A_855 = tpu.memref_slice %arg4[%dma_wait3A_845, %dma_wait3A_852, %dma_wait3A_846, %dma_wait3A_853, %dma_wait3A_854] : memref<26x4x128x8x128xf32, #tpu.memory_space<hbm>> -> memref<1x4x1x8x128xf32, #tpu.memory_space<hbm>>
        %dma_wait3A_856 = tpu.memref_squeeze %dma_wait3A_855 : memref<1x4x1x8x128xf32, #tpu.memory_space<hbm>> -> memref<4x8x128xf32, #tpu.memory_space<hbm>>
        %dma_wait3A_857 = arith.constant 0 : i32
        %dma_wait3A_858 = arith.constant 0 : i32
        %dma_wait3A_859 = arith.constant 0 : i32
        %dma_wait3A_860 = tpu.memref_slice %arg4[%dma_wait3A_845, %dma_wait3A_857, %dma_wait3A_846, %dma_wait3A_858, %dma_wait3A_859] : memref<26x4x128x8x128xf32, #tpu.memory_space<hbm>> -> memref<1x4x1x8x128xf32, #tpu.memory_space<hbm>>
        %dma_wait3A_861 = tpu.memref_squeeze %dma_wait3A_860 : memref<1x4x1x8x128xf32, #tpu.memory_space<hbm>> -> memref<4x8x128xf32, #tpu.memory_space<hbm>>
        %dma_wait3A_862 = arith.constant 0 : i32
        %dma_wait3A_863 = arith.constant 0 : i32
        %dma_wait3A_864 = arith.constant 0 : i32
        %dma_wait3A_865 = tpu.memref_slice %arg7[%dma_wait3A_844, %dma_wait3A_862, %dma_wait3A_863, %dma_wait3A_864] : memref<4x4x8x128xf32, #tpu.memory_space<vmem>> -> memref<1x4x8x128xf32, #tpu.memory_space<vmem>>
        %dma_wait3A_866 = tpu.memref_squeeze %dma_wait3A_865 : memref<1x4x8x128xf32, #tpu.memory_space<vmem>> -> memref<4x8x128xf32, #tpu.memory_space<vmem>>
        tpu.wait_dma2 semaphore(%arg15 : memref<!tpu.dma_semaphore, #tpu.memory_space<semaphore_mem>>) src(%dma_wait3A_866 : memref<4x8x128xf32, #tpu.memory_space<vmem>>) dst(%dma_wait3A_861 : memref<4x8x128xf32, #tpu.memory_space<hbm>>)
      } else {
      }
      %parallel_loop3A_777 = arith.constant 0 : i32
      %parallel_loop3A_778 = arith.constant 32 : i32
      %parallel_loop3A_779 = arith.constant 1 : i32
      scf.for %parallel_loop3A_844 = %parallel_loop3A_777 to %parallel_loop3A_778 step %parallel_loop3A_779  : i32 {
        %parallel_loop3A_845 = arith.constant 0 : i32
        %parallel_loop3A_846 = vector.broadcast %parallel_loop3A_845 : i32 to vector<16xi32>
        %parallel_loop3A_847 = vector.broadcast %parallel_loop3A_844 : i32 to vector<16xi32>
        %parallel_loop3A_848 = arith.addi %parallel_loop3A_846, %parallel_loop3A_847 : vector<16xi32>
        %parallel_loop3A_849 = arith.constant 8 : i32
        %parallel_loop3A_850 = arith.divsi %parallel_loop3A_844, %parallel_loop3A_849 : i32
        %parallel_loop3A_851 = arith.constant 0 : i32
        %parallel_loop3A_852 = arith.cmpi sgt, %parallel_loop3A_844, %parallel_loop3A_851 : i32
        %parallel_loop3A_853 = arith.extui %parallel_loop3A_852 : i1 to i32
        %parallel_loop3A_854 = arith.constant 0 : i32
        %parallel_loop3A_855 = arith.cmpi slt, %parallel_loop3A_844, %parallel_loop3A_854 : i32
        %parallel_loop3A_856 = arith.extui %parallel_loop3A_855 : i1 to i32
        %parallel_loop3A_857 = arith.subi %parallel_loop3A_853, %parallel_loop3A_856 : i32
        %parallel_loop3A_858 = arith.constant 0 : i32
        %parallel_loop3A_859 = arith.cmpi sgt, %parallel_loop3A_849, %parallel_loop3A_858 : i32
        %parallel_loop3A_860 = arith.extui %parallel_loop3A_859 : i1 to i32
        %parallel_loop3A_861 = arith.constant 0 : i32
        %parallel_loop3A_862 = arith.cmpi slt, %parallel_loop3A_849, %parallel_loop3A_861 : i32
        %parallel_loop3A_863 = arith.extui %parallel_loop3A_862 : i1 to i32
        %parallel_loop3A_864 = arith.subi %parallel_loop3A_860, %parallel_loop3A_863 : i32
        %parallel_loop3A_865 = arith.cmpi ne, %parallel_loop3A_857, %parallel_loop3A_864 : i32
        %parallel_loop3A_866 = arith.remsi %parallel_loop3A_844, %parallel_loop3A_849 : i32
        %parallel_loop3A_867 = arith.constant 0 : i32
        %parallel_loop3A_868 = arith.cmpi ne, %parallel_loop3A_866, %parallel_loop3A_867 : i32
        %parallel_loop3A_869 = arith.andi %parallel_loop3A_865, %parallel_loop3A_868 : i1
        %parallel_loop3A_870 = arith.constant 1 : i32
        %parallel_loop3A_871 = arith.subi %parallel_loop3A_850, %parallel_loop3A_870 : i32
        %parallel_loop3A_872 = arith.select %parallel_loop3A_869, %parallel_loop3A_871, %parallel_loop3A_850 : i32
        %parallel_loop3A_873 = arith.constant 8 : i32
        %parallel_loop3A_874 = arith.constant 0 : i32
        %parallel_loop3A_875 = arith.cmpi eq, %parallel_loop3A_873, %parallel_loop3A_874 : i32
        %parallel_loop3A_876 = arith.constant 1 : i32
        %parallel_loop3A_877 = arith.select %parallel_loop3A_875, %parallel_loop3A_876, %parallel_loop3A_873 : i32
        %parallel_loop3A_878 = arith.remsi %parallel_loop3A_844, %parallel_loop3A_877 : i32
        %parallel_loop3A_879 = arith.constant 0 : i32
        %parallel_loop3A_880 = arith.cmpi ne, %parallel_loop3A_878, %parallel_loop3A_879 : i32
        %parallel_loop3A_881 = arith.constant 0 : i32
        %parallel_loop3A_882 = arith.cmpi slt, %parallel_loop3A_878, %parallel_loop3A_881 : i32
        %parallel_loop3A_883 = arith.constant 0 : i32
        %parallel_loop3A_884 = arith.cmpi slt, %parallel_loop3A_877, %parallel_loop3A_883 : i32
        %parallel_loop3A_885 = arith.xori %parallel_loop3A_882, %parallel_loop3A_884 : i1
        %parallel_loop3A_886 = arith.andi %parallel_loop3A_885, %parallel_loop3A_880 : i1
        %parallel_loop3A_887 = arith.addi %parallel_loop3A_878, %parallel_loop3A_877 : i32
        %parallel_loop3A_888 = arith.select %parallel_loop3A_886, %parallel_loop3A_887, %parallel_loop3A_878 : i32
        %parallel_loop3A_889 = arith.constant 3 : i32
        %parallel_loop3A_890 = arith.constant 0 : i32
        %parallel_loop3A_891 = arith.constant 0 : i32
        %parallel_loop3A_892 = tpu.memref_slice %arg6[%parallel_loop3A_889, %parallel_loop3A_890, %parallel_loop3A_891] : memref<4x128x32xf32, #tpu.memory_space<vmem>> -> memref<1x128x32xf32, #tpu.memory_space<vmem>>
        %parallel_loop3A_893 = tpu.memref_squeeze %parallel_loop3A_892 : memref<1x128x32xf32, #tpu.memory_space<vmem>> -> memref<128x32xf32, #tpu.memory_space<vmem>>
        %parallel_loop3A_894 = tpu.vector_load_idx %parallel_loop3A_893[%add3A_5, %parallel_loop3A_848] : memref<128x32xf32, #tpu.memory_space<vmem>>[vector<16xi32>, vector<16xi32>], vector<16xf32>,
        %parallel_loop3A_895 = arith.constant 5.65685415 : f32
        %parallel_loop3A_896 = vector.broadcast %parallel_loop3A_895 : f32 to vector<16xf32>
        %parallel_loop3A_897 = arith.mulf %parallel_loop3A_894, %parallel_loop3A_896 : vector<16xf32>
        %parallel_loop3A_898 = arith.constant 3 : i32
        %parallel_loop3A_899 = arith.index_cast %parallel_loop3A_898 : i32 to index
        %parallel_loop3A_900 = arith.index_cast %parallel_loop3A_872 : i32 to index
        %parallel_loop3A_901 = arith.index_cast %parallel_loop3A_888 : i32 to index
        %parallel_loop3A_902 = arith.constant 0 : index
        %parallel_loop3A_903 = tpu.vector_load %arg7[%parallel_loop3A_899, %parallel_loop3A_900, %parallel_loop3A_901, %parallel_loop3A_902] {strides = array<i32>} : memref<4x4x8x128xf32, #tpu.memory_space<vmem>>, vector<16xf32>,
        tpu.vector_store %arg7[%parallel_loop3A_899, %parallel_loop3A_900, %parallel_loop3A_901, %parallel_loop3A_902], %parallel_loop3A_897 {strides = array<i32>} : memref<4x4x8x128xf32, #tpu.memory_space<vmem>>, vector<16xf32>,
        %parallel_loop3A_904 = arith.constant 3 : i32
        %parallel_loop3A_905 = arith.constant 0 : i32
        %parallel_loop3A_906 = arith.constant 0 : i32
        %parallel_loop3A_907 = tpu.memref_slice %arg6[%parallel_loop3A_904, %parallel_loop3A_905, %parallel_loop3A_906] : memref<4x128x32xf32, #tpu.memory_space<vmem>> -> memref<1x128x32xf32, #tpu.memory_space<vmem>>
        %parallel_loop3A_908 = tpu.memref_squeeze %parallel_loop3A_907 : memref<1x128x32xf32, #tpu.memory_space<vmem>> -> memref<128x32xf32, #tpu.memory_space<vmem>>
        %parallel_loop3A_909 = tpu.vector_load_idx %parallel_loop3A_908[%add3A_8, %parallel_loop3A_848] : memref<128x32xf32, #tpu.memory_space<vmem>>[vector<16xi32>, vector<16xi32>], vector<16xf32>,
        %parallel_loop3A_910 = arith.constant 5.65685415 : f32
        %parallel_loop3A_911 = vector.broadcast %parallel_loop3A_910 : f32 to vector<16xf32>
        %parallel_loop3A_912 = arith.mulf %parallel_loop3A_909, %parallel_loop3A_911 : vector<16xf32>
        %parallel_loop3A_913 = arith.constant 3 : i32
        %parallel_loop3A_914 = arith.index_cast %parallel_loop3A_913 : i32 to index
        %parallel_loop3A_915 = arith.index_cast %parallel_loop3A_872 : i32 to index
        %parallel_loop3A_916 = arith.index_cast %parallel_loop3A_888 : i32 to index
        %parallel_loop3A_917 = arith.constant 16 : index
        %parallel_loop3A_918 = tpu.vector_load %arg7[%parallel_loop3A_914, %parallel_loop3A_915, %parallel_loop3A_916, %parallel_loop3A_917] {strides = array<i32>} : memref<4x4x8x128xf32, #tpu.memory_space<vmem>>, vector<16xf32>,
        tpu.vector_store %arg7[%parallel_loop3A_914, %parallel_loop3A_915, %parallel_loop3A_916, %parallel_loop3A_917], %parallel_loop3A_912 {strides = array<i32>} : memref<4x4x8x128xf32, #tpu.memory_space<vmem>>, vector<16xf32>,
        %parallel_loop3A_919 = arith.constant 3 : i32
        %parallel_loop3A_920 = arith.constant 0 : i32
        %parallel_loop3A_921 = arith.constant 0 : i32
        %parallel_loop3A_922 = tpu.memref_slice %arg6[%parallel_loop3A_919, %parallel_loop3A_920, %parallel_loop3A_921] : memref<4x128x32xf32, #tpu.memory_space<vmem>> -> memref<1x128x32xf32, #tpu.memory_space<vmem>>
        %parallel_loop3A_923 = tpu.memref_squeeze %parallel_loop3A_922 : memref<1x128x32xf32, #tpu.memory_space<vmem>> -> memref<128x32xf32, #tpu.memory_space<vmem>>
        %parallel_loop3A_924 = tpu.vector_load_idx %parallel_loop3A_923[%add3A_11, %parallel_loop3A_848] : memref<128x32xf32, #tpu.memory_space<vmem>>[vector<16xi32>, vector<16xi32>], vector<16xf32>,
        %parallel_loop3A_925 = arith.constant 5.65685415 : f32
        %parallel_loop3A_926 = vector.broadcast %parallel_loop3A_925 : f32 to vector<16xf32>
        %parallel_loop3A_927 = arith.mulf %parallel_loop3A_924, %parallel_loop3A_926 : vector<16xf32>
        %parallel_loop3A_928 = arith.constant 3 : i32
        %parallel_loop3A_929 = arith.index_cast %parallel_loop3A_928 : i32 to index
        %parallel_loop3A_930 = arith.index_cast %parallel_loop3A_872 : i32 to index
        %parallel_loop3A_931 = arith.index_cast %parallel_loop3A_888 : i32 to index
        %parallel_loop3A_932 = arith.constant 32 : index
        %parallel_loop3A_933 = tpu.vector_load %arg7[%parallel_loop3A_929, %parallel_loop3A_930, %parallel_loop3A_931, %parallel_loop3A_932] {strides = array<i32>} : memref<4x4x8x128xf32, #tpu.memory_space<vmem>>, vector<16xf32>,
        tpu.vector_store %arg7[%parallel_loop3A_929, %parallel_loop3A_930, %parallel_loop3A_931, %parallel_loop3A_932], %parallel_loop3A_927 {strides = array<i32>} : memref<4x4x8x128xf32, #tpu.memory_space<vmem>>, vector<16xf32>,
        %parallel_loop3A_934 = arith.constant 3 : i32
        %parallel_loop3A_935 = arith.constant 0 : i32
        %parallel_loop3A_936 = arith.constant 0 : i32
        %parallel_loop3A_937 = tpu.memref_slice %arg6[%parallel_loop3A_934, %parallel_loop3A_935, %parallel_loop3A_936] : memref<4x128x32xf32, #tpu.memory_space<vmem>> -> memref<1x128x32xf32, #tpu.memory_space<vmem>>
        %parallel_loop3A_938 = tpu.memref_squeeze %parallel_loop3A_937 : memref<1x128x32xf32, #tpu.memory_space<vmem>> -> memref<128x32xf32, #tpu.memory_space<vmem>>
        %parallel_loop3A_939 = tpu.vector_load_idx %parallel_loop3A_938[%add3A_14, %parallel_loop3A_848] : memref<128x32xf32, #tpu.memory_space<vmem>>[vector<16xi32>, vector<16xi32>], vector<16xf32>,
        %parallel_loop3A_940 = arith.constant 5.65685415 : f32
        %parallel_loop3A_941 = vector.broadcast %parallel_loop3A_940 : f32 to vector<16xf32>
        %parallel_loop3A_942 = arith.mulf %parallel_loop3A_939, %parallel_loop3A_941 : vector<16xf32>
        %parallel_loop3A_943 = arith.constant 3 : i32
        %parallel_loop3A_944 = arith.index_cast %parallel_loop3A_943 : i32 to index
        %parallel_loop3A_945 = arith.index_cast %parallel_loop3A_872 : i32 to index
        %parallel_loop3A_946 = arith.index_cast %parallel_loop3A_888 : i32 to index
        %parallel_loop3A_947 = arith.constant 48 : index
        %parallel_loop3A_948 = tpu.vector_load %arg7[%parallel_loop3A_944, %parallel_loop3A_945, %parallel_loop3A_946, %parallel_loop3A_947] {strides = array<i32>} : memref<4x4x8x128xf32, #tpu.memory_space<vmem>>, vector<16xf32>,
        tpu.vector_store %arg7[%parallel_loop3A_944, %parallel_loop3A_945, %parallel_loop3A_946, %parallel_loop3A_947], %parallel_loop3A_942 {strides = array<i32>} : memref<4x4x8x128xf32, #tpu.memory_space<vmem>>, vector<16xf32>,
        %parallel_loop3A_949 = arith.constant 3 : i32
        %parallel_loop3A_950 = arith.constant 0 : i32
        %parallel_loop3A_951 = arith.constant 0 : i32
        %parallel_loop3A_952 = tpu.memref_slice %arg6[%parallel_loop3A_949, %parallel_loop3A_950, %parallel_loop3A_951] : memref<4x128x32xf32, #tpu.memory_space<vmem>> -> memref<1x128x32xf32, #tpu.memory_space<vmem>>
        %parallel_loop3A_953 = tpu.memref_squeeze %parallel_loop3A_952 : memref<1x128x32xf32, #tpu.memory_space<vmem>> -> memref<128x32xf32, #tpu.memory_space<vmem>>
        %parallel_loop3A_954 = tpu.vector_load_idx %parallel_loop3A_953[%add3A_17, %parallel_loop3A_848] : memref<128x32xf32, #tpu.memory_space<vmem>>[vector<16xi32>, vector<16xi32>], vector<16xf32>,
        %parallel_loop3A_955 = arith.constant 5.65685415 : f32
        %parallel_loop3A_956 = vector.broadcast %parallel_loop3A_955 : f32 to vector<16xf32>
        %parallel_loop3A_957 = arith.mulf %parallel_loop3A_954, %parallel_loop3A_956 : vector<16xf32>
        %parallel_loop3A_958 = arith.constant 3 : i32
        %parallel_loop3A_959 = arith.index_cast %parallel_loop3A_958 : i32 to index
        %parallel_loop3A_960 = arith.index_cast %parallel_loop3A_872 : i32 to index
        %parallel_loop3A_961 = arith.index_cast %parallel_loop3A_888 : i32 to index
        %parallel_loop3A_962 = arith.constant 64 : index
        %parallel_loop3A_963 = tpu.vector_load %arg7[%parallel_loop3A_959, %parallel_loop3A_960, %parallel_loop3A_961, %parallel_loop3A_962] {strides = array<i32>} : memref<4x4x8x128xf32, #tpu.memory_space<vmem>>, vector<16xf32>,
        tpu.vector_store %arg7[%parallel_loop3A_959, %parallel_loop3A_960, %parallel_loop3A_961, %parallel_loop3A_962], %parallel_loop3A_957 {strides = array<i32>} : memref<4x4x8x128xf32, #tpu.memory_space<vmem>>, vector<16xf32>,
        %parallel_loop3A_964 = arith.constant 3 : i32
        %parallel_loop3A_965 = arith.constant 0 : i32
        %parallel_loop3A_966 = arith.constant 0 : i32
        %parallel_loop3A_967 = tpu.memref_slice %arg6[%parallel_loop3A_964, %parallel_loop3A_965, %parallel_loop3A_966] : memref<4x128x32xf32, #tpu.memory_space<vmem>> -> memref<1x128x32xf32, #tpu.memory_space<vmem>>
        %parallel_loop3A_968 = tpu.memref_squeeze %parallel_loop3A_967 : memref<1x128x32xf32, #tpu.memory_space<vmem>> -> memref<128x32xf32, #tpu.memory_space<vmem>>
        %parallel_loop3A_969 = tpu.vector_load_idx %parallel_loop3A_968[%add3A_20, %parallel_loop3A_848] : memref<128x32xf32, #tpu.memory_space<vmem>>[vector<16xi32>, vector<16xi32>], vector<16xf32>,
        %parallel_loop3A_970 = arith.constant 5.65685415 : f32
        %parallel_loop3A_971 = vector.broadcast %parallel_loop3A_970 : f32 to vector<16xf32>
        %parallel_loop3A_972 = arith.mulf %parallel_loop3A_969, %parallel_loop3A_971 : vector<16xf32>
        %parallel_loop3A_973 = arith.constant 3 : i32
        %parallel_loop3A_974 = arith.index_cast %parallel_loop3A_973 : i32 to index
        %parallel_loop3A_975 = arith.index_cast %parallel_loop3A_872 : i32 to index
        %parallel_loop3A_976 = arith.index_cast %parallel_loop3A_888 : i32 to index
        %parallel_loop3A_977 = arith.constant 80 : index
        %parallel_loop3A_978 = tpu.vector_load %arg7[%parallel_loop3A_974, %parallel_loop3A_975, %parallel_loop3A_976, %parallel_loop3A_977] {strides = array<i32>} : memref<4x4x8x128xf32, #tpu.memory_space<vmem>>, vector<16xf32>,
        tpu.vector_store %arg7[%parallel_loop3A_974, %parallel_loop3A_975, %parallel_loop3A_976, %parallel_loop3A_977], %parallel_loop3A_972 {strides = array<i32>} : memref<4x4x8x128xf32, #tpu.memory_space<vmem>>, vector<16xf32>,
        %parallel_loop3A_979 = arith.constant 3 : i32
        %parallel_loop3A_980 = arith.constant 0 : i32
        %parallel_loop3A_981 = arith.constant 0 : i32
        %parallel_loop3A_982 = tpu.memref_slice %arg6[%parallel_loop3A_979, %parallel_loop3A_980, %parallel_loop3A_981] : memref<4x128x32xf32, #tpu.memory_space<vmem>> -> memref<1x128x32xf32, #tpu.memory_space<vmem>>
        %parallel_loop3A_983 = tpu.memref_squeeze %parallel_loop3A_982 : memref<1x128x32xf32, #tpu.memory_space<vmem>> -> memref<128x32xf32, #tpu.memory_space<vmem>>
        %parallel_loop3A_984 = tpu.vector_load_idx %parallel_loop3A_983[%add3A_23, %parallel_loop3A_848] : memref<128x32xf32, #tpu.memory_space<vmem>>[vector<16xi32>, vector<16xi32>], vector<16xf32>,
        %parallel_loop3A_985 = arith.constant 5.65685415 : f32
        %parallel_loop3A_986 = vector.broadcast %parallel_loop3A_985 : f32 to vector<16xf32>
        %parallel_loop3A_987 = arith.mulf %parallel_loop3A_984, %parallel_loop3A_986 : vector<16xf32>
        %parallel_loop3A_988 = arith.constant 3 : i32
        %parallel_loop3A_989 = arith.index_cast %parallel_loop3A_988 : i32 to index
        %parallel_loop3A_990 = arith.index_cast %parallel_loop3A_872 : i32 to index
        %parallel_loop3A_991 = arith.index_cast %parallel_loop3A_888 : i32 to index
        %parallel_loop3A_992 = arith.constant 96 : index
        %parallel_loop3A_993 = tpu.vector_load %arg7[%parallel_loop3A_989, %parallel_loop3A_990, %parallel_loop3A_991, %parallel_loop3A_992] {strides = array<i32>} : memref<4x4x8x128xf32, #tpu.memory_space<vmem>>, vector<16xf32>,
        tpu.vector_store %arg7[%parallel_loop3A_989, %parallel_loop3A_990, %parallel_loop3A_991, %parallel_loop3A_992], %parallel_loop3A_987 {strides = array<i32>} : memref<4x4x8x128xf32, #tpu.memory_space<vmem>>, vector<16xf32>,
        %parallel_loop3A_994 = arith.constant 3 : i32
        %parallel_loop3A_995 = arith.constant 0 : i32
        %parallel_loop3A_996 = arith.constant 0 : i32
        %parallel_loop3A_997 = tpu.memref_slice %arg6[%parallel_loop3A_994, %parallel_loop3A_995, %parallel_loop3A_996] : memref<4x128x32xf32, #tpu.memory_space<vmem>> -> memref<1x128x32xf32, #tpu.memory_space<vmem>>
        %parallel_loop3A_998 = tpu.memref_squeeze %parallel_loop3A_997 : memref<1x128x32xf32, #tpu.memory_space<vmem>> -> memref<128x32xf32, #tpu.memory_space<vmem>>
        %parallel_loop3A_999 = tpu.vector_load_idx %parallel_loop3A_998[%add3A_26, %parallel_loop3A_848] : memref<128x32xf32, #tpu.memory_space<vmem>>[vector<16xi32>, vector<16xi32>], vector<16xf32>,
        %parallel_loop3A_1000 = arith.constant 5.65685415 : f32
        %parallel_loop3A_1001 = vector.broadcast %parallel_loop3A_1000 : f32 to vector<16xf32>
        %parallel_loop3A_1002 = arith.mulf %parallel_loop3A_999, %parallel_loop3A_1001 : vector<16xf32>
        %parallel_loop3A_1003 = arith.constant 3 : i32
        %parallel_loop3A_1004 = arith.index_cast %parallel_loop3A_1003 : i32 to index
        %parallel_loop3A_1005 = arith.index_cast %parallel_loop3A_872 : i32 to index
        %parallel_loop3A_1006 = arith.index_cast %parallel_loop3A_888 : i32 to index
        %parallel_loop3A_1007 = arith.constant 112 : index
        %parallel_loop3A_1008 = tpu.vector_load %arg7[%parallel_loop3A_1004, %parallel_loop3A_1005, %parallel_loop3A_1006, %parallel_loop3A_1007] {strides = array<i32>} : memref<4x4x8x128xf32, #tpu.memory_space<vmem>>, vector<16xf32>,
        tpu.vector_store %arg7[%parallel_loop3A_1004, %parallel_loop3A_1005, %parallel_loop3A_1006, %parallel_loop3A_1007], %parallel_loop3A_1002 {strides = array<i32>} : memref<4x4x8x128xf32, #tpu.memory_space<vmem>>, vector<16xf32>,
      } {sc.loop_unroll_factor = 4 : i64, sc.parallel_access}
      %jit3A_780 = arith.constant 128 : i32
      %div3A_781 = arith.divsi %add3A_746, %jit3A_780 : i32
      %sign3A_782 = arith.constant 0 : i32
      %sign3A_783 = arith.cmpi sgt, %add3A_746, %sign3A_782 : i32
      %sign3A_784 = arith.extui %sign3A_783 : i1 to i32
      %sign3A_785 = arith.constant 0 : i32
      %sign3A_786 = arith.cmpi slt, %add3A_746, %sign3A_785 : i32
      %sign3A_787 = arith.extui %sign3A_786 : i1 to i32
      %sign3A_788 = arith.subi %sign3A_784, %sign3A_787 : i32
      %sign3A_789 = arith.constant 0 : i32
      %sign3A_790 = arith.cmpi sgt, %jit3A_780, %sign3A_789 : i32
      %sign3A_791 = arith.extui %sign3A_790 : i1 to i32
      %sign3A_792 = arith.constant 0 : i32
      %sign3A_793 = arith.cmpi slt, %jit3A_780, %sign3A_792 : i32
      %sign3A_794 = arith.extui %sign3A_793 : i1 to i32
      %sign3A_795 = arith.subi %sign3A_791, %sign3A_794 : i32
      %ne3A_796 = arith.cmpi ne, %sign3A_788, %sign3A_795 : i32
      %rem3A_797 = arith.remsi %add3A_746, %jit3A_780 : i32
      %ne3A_798 = arith.constant 0 : i32
      %ne3A_799 = arith.cmpi ne, %rem3A_797, %ne3A_798 : i32
      %and3A_800 = arith.andi %ne3A_796, %ne3A_799 : i1
      %sub3A_801 = arith.constant 1 : i32
      %sub3A_802 = arith.subi %div3A_781, %sub3A_801 : i32
      %select_n3A_803 = arith.select %and3A_800, %sub3A_802, %div3A_781 : i32
      %jit3A_804 = arith.constant 128 : i32
      %eq3A_805 = arith.constant 0 : i32
      %eq3A_806 = arith.cmpi eq, %jit3A_804, %eq3A_805 : i32
      %jit3A_807 = arith.constant 1 : i32
      %select_n3A_808 = arith.select %eq3A_806, %jit3A_807, %jit3A_804 : i32
      %rem3A_809 = arith.remsi %add3A_746, %select_n3A_808 : i32
      %ne3A_810 = arith.constant 0 : i32
      %ne3A_811 = arith.cmpi ne, %rem3A_809, %ne3A_810 : i32
      %lt3A_812 = arith.constant 0 : i32
      %lt3A_813 = arith.cmpi slt, %rem3A_809, %lt3A_812 : i32
      %lt3A_814 = arith.constant 0 : i32
      %lt3A_815 = arith.cmpi slt, %select_n3A_808, %lt3A_814 : i32
      %ne3A_816 = arith.xori %lt3A_813, %lt3A_815 : i1
      %and3A_817 = arith.andi %ne3A_816, %ne3A_811 : i1
      %add3A_818 = arith.addi %rem3A_809, %select_n3A_808 : i32
      %select_n3A_819 = arith.select %and3A_817, %add3A_818, %rem3A_809 : i32
      %dma_start3A_820 = arith.constant 3 : i32
      %dma_start3A_821 = arith.constant 0 : i32
      %dma_start3A_822 = arith.constant 0 : i32
      %dma_start3A_823 = arith.constant 0 : i32
      %dma_start3A_824 = tpu.memref_slice %arg7[%dma_start3A_820, %dma_start3A_821, %dma_start3A_822, %dma_start3A_823] : memref<4x4x8x128xf32, #tpu.memory_space<vmem>> -> memref<1x4x8x128xf32, #tpu.memory_space<vmem>>
      %dma_start3A_825 = tpu.memref_squeeze %dma_start3A_824 : memref<1x4x8x128xf32, #tpu.memory_space<vmem>> -> memref<4x8x128xf32, #tpu.memory_space<vmem>>
      %dma_start3A_826 = arith.constant 0 : i32
      %dma_start3A_827 = arith.constant 0 : i32
      %dma_start3A_828 = arith.constant 0 : i32
      %dma_start3A_829 = tpu.memref_slice %arg4[%select_n3A_803, %dma_start3A_826, %select_n3A_819, %dma_start3A_827, %dma_start3A_828] : memref<26x4x128x8x128xf32, #tpu.memory_space<hbm>> -> memref<1x4x1x8x128xf32, #tpu.memory_space<hbm>>
      %dma_start3A_830 = tpu.memref_squeeze %dma_start3A_829 : memref<1x4x1x8x128xf32, #tpu.memory_space<hbm>> -> memref<4x8x128xf32, #tpu.memory_space<hbm>>
      %dma_start3A_831 = arith.constant 0 : i32
      %dma_start3A_832 = arith.constant 0 : i32
      %dma_start3A_833 = arith.constant 0 : i32
      %dma_start3A_834 = tpu.memref_slice %arg4[%select_n3A_803, %dma_start3A_831, %select_n3A_819, %dma_start3A_832, %dma_start3A_833] : memref<26x4x128x8x128xf32, #tpu.memory_space<hbm>> -> memref<1x4x1x8x128xf32, #tpu.memory_space<hbm>>
      %dma_start3A_835 = tpu.memref_squeeze %dma_start3A_834 : memref<1x4x1x8x128xf32, #tpu.memory_space<hbm>> -> memref<4x8x128xf32, #tpu.memory_space<hbm>>
      %dma_start3A_836 = arith.constant 0 : i32
      %dma_start3A_837 = arith.constant 0 : i32
      %dma_start3A_838 = arith.constant 0 : i32
      %dma_start3A_839 = tpu.memref_slice %arg7[%dma_start3A_820, %dma_start3A_836, %dma_start3A_837, %dma_start3A_838] : memref<4x4x8x128xf32, #tpu.memory_space<vmem>> -> memref<1x4x8x128xf32, #tpu.memory_space<vmem>>
      %dma_start3A_840 = tpu.memref_squeeze %dma_start3A_839 : memref<1x4x8x128xf32, #tpu.memory_space<vmem>> -> memref<4x8x128xf32, #tpu.memory_space<vmem>>
      tpu.enqueue_dma source(%dma_start3A_840 : memref<4x8x128xf32, #tpu.memory_space<vmem>>) target(%dma_start3A_835 : memref<4x8x128xf32, #tpu.memory_space<hbm>>) target_semaphore(%arg15 : memref<!tpu.dma_semaphore, #tpu.memory_space<semaphore_mem>>)
      %convert_element_type3A_841 = arith.extui %le3A_753 : i1 to i32
      %cond3A_842 = arith.constant 0 : i32
      %cond3A_843 = arith.cmpi ne, %convert_element_type3A_841, %cond3A_842 : i32
      scf.if %cond3A_843 {
        %dma_wait3A_844 = arith.constant 0 : i32
        %dma_wait3A_845 = arith.constant 0 : i32
        %dma_wait3A_846 = arith.constant 3 : i32
        %dma_wait3A_847 = arith.constant 0 : i32
        %dma_wait3A_848 = tpu.memref_slice %arg5[%dma_wait3A_846, %dma_wait3A_847] : memref<4x128xi32, #tpu.memory_space<vmem>> -> memref<1x128xi32, #tpu.memory_space<vmem>>
        %dma_wait3A_849 = tpu.memref_squeeze %dma_wait3A_848 : memref<1x128xi32, #tpu.memory_space<vmem>> -> memref<128xi32, #tpu.memory_space<vmem>>
        %dma_wait3A_850 = arith.constant 0 : i32
        %dma_wait3A_851 = tpu.memref_slice %arg2[%dma_wait3A_844, %dma_wait3A_845, %dma_wait3A_850] : memref<26x128x128xi32, #tpu.memory_space<hbm>> -> memref<1x1x128xi32, #tpu.memory_space<hbm>>
        %dma_wait3A_852 = tpu.memref_squeeze %dma_wait3A_851 : memref<1x1x128xi32, #tpu.memory_space<hbm>> -> memref<128xi32, #tpu.memory_space<hbm>>
        %dma_wait3A_853 = arith.constant 0 : i32
        %dma_wait3A_854 = tpu.memref_slice %arg5[%dma_wait3A_846, %dma_wait3A_853] : memref<4x128xi32, #tpu.memory_space<vmem>> -> memref<1x128xi32, #tpu.memory_space<vmem>>
        %dma_wait3A_855 = tpu.memref_squeeze %dma_wait3A_854 : memref<1x128xi32, #tpu.memory_space<vmem>> -> memref<128xi32, #tpu.memory_space<vmem>>
        %dma_wait3A_856 = arith.constant 0 : i32
        %dma_wait3A_857 = tpu.memref_slice %arg2[%dma_wait3A_844, %dma_wait3A_845, %dma_wait3A_856] : memref<26x128x128xi32, #tpu.memory_space<hbm>> -> memref<1x1x128xi32, #tpu.memory_space<hbm>>
        %dma_wait3A_858 = tpu.memref_squeeze %dma_wait3A_857 : memref<1x1x128xi32, #tpu.memory_space<hbm>> -> memref<128xi32, #tpu.memory_space<hbm>>
        tpu.wait_dma2 semaphore(%arg19 : memref<!tpu.dma_semaphore, #tpu.memory_space<semaphore_mem>>) src(%dma_wait3A_858 : memref<128xi32, #tpu.memory_space<hbm>>) dst(%dma_wait3A_855 : memref<128xi32, #tpu.memory_space<vmem>>)
        %dma_start3A_859 = arith.constant 3 : i32
        %dma_start3A_860 = arith.constant 3 : i32
        %dma_start3A_861 = arith.constant 0 : i32
        %dma_start3A_862 = arith.constant 0 : i32
        %dma_start3A_863 = tpu.memref_slice %arg6[%dma_start3A_860, %dma_start3A_861, %dma_start3A_862] : memref<4x128x32xf32, #tpu.memory_space<vmem>> -> memref<1x128x32xf32, #tpu.memory_space<vmem>>
        %dma_start3A_864 = tpu.memref_squeeze %dma_start3A_863 : memref<1x128x32xf32, #tpu.memory_space<vmem>> -> memref<128x32xf32, #tpu.memory_space<vmem>>
        %dma_start3A_865 = arith.constant 0 : i32
        %dma_start3A_866 = tpu.memref_slice %arg5[%dma_start3A_859, %dma_start3A_865] : memref<4x128xi32, #tpu.memory_space<vmem>> -> memref<1x128xi32, #tpu.memory_space<vmem>>
        %dma_start3A_867 = tpu.memref_squeeze %dma_start3A_866 : memref<1x128xi32, #tpu.memory_space<vmem>> -> memref<128xi32, #tpu.memory_space<vmem>>
        %dma_start3A_868 = arith.constant 0 : i32
        %dma_start3A_869 = arith.constant 0 : i32
        %dma_start3A_870 = tpu.memref_slice %arg3[%dma_start3A_868, %dma_start3A_869] : memref<1000000x32xf32, #tpu.memory_space<hbm>> -> memref<1000000x32xf32, #tpu.memory_space<hbm>>
        tpu.enqueue_indirect_dma source(%dma_start3A_870 : memref<1000000x32xf32, #tpu.memory_space<hbm>>) target(%dma_start3A_864 : memref<128x32xf32, #tpu.memory_space<vmem>>) offsets(%dma_start3A_867 : memref<128xi32, #tpu.memory_space<vmem>>) semaphore(%arg11 : memref<!tpu.dma_semaphore, #tpu.memory_space<semaphore_mem>>)
      } else {
      }
    }
    %scan3A_347 = arith.constant 26 : i32
    %dma_wait3A_348 = arith.constant 0 : i32
    %dma_wait3A_349 = arith.constant 0 : i32
    %dma_wait3A_350 = arith.constant 0 : i32
    %dma_wait3A_351 = arith.constant 0 : i32
    %dma_wait3A_352 = arith.constant 0 : i32
    %dma_wait3A_353 = arith.constant 0 : i32
    %dma_wait3A_354 = tpu.memref_slice %arg7[%dma_wait3A_348, %dma_wait3A_351, %dma_wait3A_352, %dma_wait3A_353] : memref<4x4x8x128xf32, #tpu.memory_space<vmem>> -> memref<1x4x8x128xf32, #tpu.memory_space<vmem>>
    %dma_wait3A_355 = tpu.memref_squeeze %dma_wait3A_354 : memref<1x4x8x128xf32, #tpu.memory_space<vmem>> -> memref<4x8x128xf32, #tpu.memory_space<vmem>>
    %dma_wait3A_356 = arith.constant 0 : i32
    %dma_wait3A_357 = arith.constant 0 : i32
    %dma_wait3A_358 = arith.constant 0 : i32
    %dma_wait3A_359 = tpu.memref_slice %arg4[%dma_wait3A_349, %dma_wait3A_356, %dma_wait3A_350, %dma_wait3A_357, %dma_wait3A_358] : memref<26x4x128x8x128xf32, #tpu.memory_space<hbm>> -> memref<1x4x1x8x128xf32, #tpu.memory_space<hbm>>
    %dma_wait3A_360 = tpu.memref_squeeze %dma_wait3A_359 : memref<1x4x1x8x128xf32, #tpu.memory_space<hbm>> -> memref<4x8x128xf32, #tpu.memory_space<hbm>>
    %dma_wait3A_361 = arith.constant 0 : i32
    %dma_wait3A_362 = arith.constant 0 : i32
    %dma_wait3A_363 = arith.constant 0 : i32
    %dma_wait3A_364 = tpu.memref_slice %arg4[%dma_wait3A_349, %dma_wait3A_361, %dma_wait3A_350, %dma_wait3A_362, %dma_wait3A_363] : memref<26x4x128x8x128xf32, #tpu.memory_space<hbm>> -> memref<1x4x1x8x128xf32, #tpu.memory_space<hbm>>
    %dma_wait3A_365 = tpu.memref_squeeze %dma_wait3A_364 : memref<1x4x1x8x128xf32, #tpu.memory_space<hbm>> -> memref<4x8x128xf32, #tpu.memory_space<hbm>>
    %dma_wait3A_366 = arith.constant 0 : i32
    %dma_wait3A_367 = arith.constant 0 : i32
    %dma_wait3A_368 = arith.constant 0 : i32
    %dma_wait3A_369 = tpu.memref_slice %arg7[%dma_wait3A_348, %dma_wait3A_366, %dma_wait3A_367, %dma_wait3A_368] : memref<4x4x8x128xf32, #tpu.memory_space<vmem>> -> memref<1x4x8x128xf32, #tpu.memory_space<vmem>>
    %dma_wait3A_370 = tpu.memref_squeeze %dma_wait3A_369 : memref<1x4x8x128xf32, #tpu.memory_space<vmem>> -> memref<4x8x128xf32, #tpu.memory_space<vmem>>
    tpu.wait_dma2 semaphore(%arg12 : memref<!tpu.dma_semaphore, #tpu.memory_space<semaphore_mem>>) src(%dma_wait3A_370 : memref<4x8x128xf32, #tpu.memory_space<vmem>>) dst(%dma_wait3A_365 : memref<4x8x128xf32, #tpu.memory_space<hbm>>)
    %dma_wait3A_371 = arith.constant 1 : i32
    %dma_wait3A_372 = arith.constant 0 : i32
    %dma_wait3A_373 = arith.constant 0 : i32
    %dma_wait3A_374 = arith.constant 0 : i32
    %dma_wait3A_375 = arith.constant 0 : i32
    %dma_wait3A_376 = arith.constant 0 : i32
    %dma_wait3A_377 = tpu.memref_slice %arg7[%dma_wait3A_371, %dma_wait3A_374, %dma_wait3A_375, %dma_wait3A_376] : memref<4x4x8x128xf32, #tpu.memory_space<vmem>> -> memref<1x4x8x128xf32, #tpu.memory_space<vmem>>
    %dma_wait3A_378 = tpu.memref_squeeze %dma_wait3A_377 : memref<1x4x8x128xf32, #tpu.memory_space<vmem>> -> memref<4x8x128xf32, #tpu.memory_space<vmem>>
    %dma_wait3A_379 = arith.constant 0 : i32
    %dma_wait3A_380 = arith.constant 0 : i32
    %dma_wait3A_381 = arith.constant 0 : i32
    %dma_wait3A_382 = tpu.memref_slice %arg4[%dma_wait3A_372, %dma_wait3A_379, %dma_wait3A_373, %dma_wait3A_380, %dma_wait3A_381] : memref<26x4x128x8x128xf32, #tpu.memory_space<hbm>> -> memref<1x4x1x8x128xf32, #tpu.memory_space<hbm>>
    %dma_wait3A_383 = tpu.memref_squeeze %dma_wait3A_382 : memref<1x4x1x8x128xf32, #tpu.memory_space<hbm>> -> memref<4x8x128xf32, #tpu.memory_space<hbm>>
    %dma_wait3A_384 = arith.constant 0 : i32
    %dma_wait3A_385 = arith.constant 0 : i32
    %dma_wait3A_386 = arith.constant 0 : i32
    %dma_wait3A_387 = tpu.memref_slice %arg4[%dma_wait3A_372, %dma_wait3A_384, %dma_wait3A_373, %dma_wait3A_385, %dma_wait3A_386] : memref<26x4x128x8x128xf32, #tpu.memory_space<hbm>> -> memref<1x4x1x8x128xf32, #tpu.memory_space<hbm>>
    %dma_wait3A_388 = tpu.memref_squeeze %dma_wait3A_387 : memref<1x4x1x8x128xf32, #tpu.memory_space<hbm>> -> memref<4x8x128xf32, #tpu.memory_space<hbm>>
    %dma_wait3A_389 = arith.constant 0 : i32
    %dma_wait3A_390 = arith.constant 0 : i32
    %dma_wait3A_391 = arith.constant 0 : i32
    %dma_wait3A_392 = tpu.memref_slice %arg7[%dma_wait3A_371, %dma_wait3A_389, %dma_wait3A_390, %dma_wait3A_391] : memref<4x4x8x128xf32, #tpu.memory_space<vmem>> -> memref<1x4x8x128xf32, #tpu.memory_space<vmem>>
    %dma_wait3A_393 = tpu.memref_squeeze %dma_wait3A_392 : memref<1x4x8x128xf32, #tpu.memory_space<vmem>> -> memref<4x8x128xf32, #tpu.memory_space<vmem>>
    tpu.wait_dma2 semaphore(%arg13 : memref<!tpu.dma_semaphore, #tpu.memory_space<semaphore_mem>>) src(%dma_wait3A_393 : memref<4x8x128xf32, #tpu.memory_space<vmem>>) dst(%dma_wait3A_388 : memref<4x8x128xf32, #tpu.memory_space<hbm>>)
    %dma_wait3A_394 = arith.constant 2 : i32
    %dma_wait3A_395 = arith.constant 0 : i32
    %dma_wait3A_396 = arith.constant 0 : i32
    %dma_wait3A_397 = arith.constant 0 : i32
    %dma_wait3A_398 = arith.constant 0 : i32
    %dma_wait3A_399 = arith.constant 0 : i32
    %dma_wait3A_400 = tpu.memref_slice %arg7[%dma_wait3A_394, %dma_wait3A_397, %dma_wait3A_398, %dma_wait3A_399] : memref<4x4x8x128xf32, #tpu.memory_space<vmem>> -> memref<1x4x8x128xf32, #tpu.memory_space<vmem>>
    %dma_wait3A_401 = tpu.memref_squeeze %dma_wait3A_400 : memref<1x4x8x128xf32, #tpu.memory_space<vmem>> -> memref<4x8x128xf32, #tpu.memory_space<vmem>>
    %dma_wait3A_402 = arith.constant 0 : i32
    %dma_wait3A_403 = arith.constant 0 : i32
    %dma_wait3A_404 = arith.constant 0 : i32
    %dma_wait3A_405 = tpu.memref_slice %arg4[%dma_wait3A_395, %dma_wait3A_402, %dma_wait3A_396, %dma_wait3A_403, %dma_wait3A_404] : memref<26x4x128x8x128xf32, #tpu.memory_space<hbm>> -> memref<1x4x1x8x128xf32, #tpu.memory_space<hbm>>
    %dma_wait3A_406 = tpu.memref_squeeze %dma_wait3A_405 : memref<1x4x1x8x128xf32, #tpu.memory_space<hbm>> -> memref<4x8x128xf32, #tpu.memory_space<hbm>>
    %dma_wait3A_407 = arith.constant 0 : i32
    %dma_wait3A_408 = arith.constant 0 : i32
    %dma_wait3A_409 = arith.constant 0 : i32
    %dma_wait3A_410 = tpu.memref_slice %arg4[%dma_wait3A_395, %dma_wait3A_407, %dma_wait3A_396, %dma_wait3A_408, %dma_wait3A_409] : memref<26x4x128x8x128xf32, #tpu.memory_space<hbm>> -> memref<1x4x1x8x128xf32, #tpu.memory_space<hbm>>
    %dma_wait3A_411 = tpu.memref_squeeze %dma_wait3A_410 : memref<1x4x1x8x128xf32, #tpu.memory_space<hbm>> -> memref<4x8x128xf32, #tpu.memory_space<hbm>>
    %dma_wait3A_412 = arith.constant 0 : i32
    %dma_wait3A_413 = arith.constant 0 : i32
    %dma_wait3A_414 = arith.constant 0 : i32
    %dma_wait3A_415 = tpu.memref_slice %arg7[%dma_wait3A_394, %dma_wait3A_412, %dma_wait3A_413, %dma_wait3A_414] : memref<4x4x8x128xf32, #tpu.memory_space<vmem>> -> memref<1x4x8x128xf32, #tpu.memory_space<vmem>>
    %dma_wait3A_416 = tpu.memref_squeeze %dma_wait3A_415 : memref<1x4x8x128xf32, #tpu.memory_space<vmem>> -> memref<4x8x128xf32, #tpu.memory_space<vmem>>
    tpu.wait_dma2 semaphore(%arg14 : memref<!tpu.dma_semaphore, #tpu.memory_space<semaphore_mem>>) src(%dma_wait3A_416 : memref<4x8x128xf32, #tpu.memory_space<vmem>>) dst(%dma_wait3A_411 : memref<4x8x128xf32, #tpu.memory_space<hbm>>)
    %dma_wait3A_417 = arith.constant 3 : i32
    %dma_wait3A_418 = arith.constant 0 : i32
    %dma_wait3A_419 = arith.constant 0 : i32
    %dma_wait3A_420 = arith.constant 0 : i32
    %dma_wait3A_421 = arith.constant 0 : i32
    %dma_wait3A_422 = arith.constant 0 : i32
    %dma_wait3A_423 = tpu.memref_slice %arg7[%dma_wait3A_417, %dma_wait3A_420, %dma_wait3A_421, %dma_wait3A_422] : memref<4x4x8x128xf32, #tpu.memory_space<vmem>> -> memref<1x4x8x128xf32, #tpu.memory_space<vmem>>
    %dma_wait3A_424 = tpu.memref_squeeze %dma_wait3A_423 : memref<1x4x8x128xf32, #tpu.memory_space<vmem>> -> memref<4x8x128xf32, #tpu.memory_space<vmem>>
    %dma_wait3A_425 = arith.constant 0 : i32
    %dma_wait3A_426 = arith.constant 0 : i32
    %dma_wait3A_427 = arith.constant 0 : i32
    %dma_wait3A_428 = tpu.memref_slice %arg4[%dma_wait3A_418, %dma_wait3A_425, %dma_wait3A_419, %dma_wait3A_426, %dma_wait3A_427] : memref<26x4x128x8x128xf32, #tpu.memory_space<hbm>> -> memref<1x4x1x8x128xf32, #tpu.memory_space<hbm>>
    %dma_wait3A_429 = tpu.memref_squeeze %dma_wait3A_428 : memref<1x4x1x8x128xf32, #tpu.memory_space<hbm>> -> memref<4x8x128xf32, #tpu.memory_space<hbm>>
    %dma_wait3A_430 = arith.constant 0 : i32
    %dma_wait3A_431 = arith.constant 0 : i32
    %dma_wait3A_432 = arith.constant 0 : i32
    %dma_wait3A_433 = tpu.memref_slice %arg4[%dma_wait3A_418, %dma_wait3A_430, %dma_wait3A_419, %dma_wait3A_431, %dma_wait3A_432] : memref<26x4x128x8x128xf32, #tpu.memory_space<hbm>> -> memref<1x4x1x8x128xf32, #tpu.memory_space<hbm>>
    %dma_wait3A_434 = tpu.memref_squeeze %dma_wait3A_433 : memref<1x4x1x8x128xf32, #tpu.memory_space<hbm>> -> memref<4x8x128xf32, #tpu.memory_space<hbm>>
    %dma_wait3A_435 = arith.constant 0 : i32
    %dma_wait3A_436 = arith.constant 0 : i32
    %dma_wait3A_437 = arith.constant 0 : i32
    %dma_wait3A_438 = tpu.memref_slice %arg7[%dma_wait3A_417, %dma_wait3A_435, %dma_wait3A_436, %dma_wait3A_437] : memref<4x4x8x128xf32, #tpu.memory_space<vmem>> -> memref<1x4x8x128xf32, #tpu.memory_space<vmem>>
    %dma_wait3A_439 = tpu.memref_squeeze %dma_wait3A_438 : memref<1x4x8x128xf32, #tpu.memory_space<vmem>> -> memref<4x8x128xf32, #tpu.memory_space<vmem>>
    tpu.wait_dma2 semaphore(%arg15 : memref<!tpu.dma_semaphore, #tpu.memory_space<semaphore_mem>>) src(%dma_wait3A_439 : memref<4x8x128xf32, #tpu.memory_space<vmem>>) dst(%dma_wait3A_434 : memref<4x8x128xf32, #tpu.memory_space<hbm>>)
    return
  }
}

#map = affine_map<(d0, d1) -> (0, 0)>
module attributes {stable_mosaic.version = 14 : i64} {
  func.func @retile(%arg0: i32, %arg1: i32, %arg2: memref<32x1000000xf32, #tpu.memory_space<hbm>>, %arg3: memref<250000x128xf32, #tpu.memory_space<hbm>>, %arg4: memref<3x32x128xf32, #tpu.memory_space<vmem>>, %arg5: memref<3x32x128xf32, #tpu.memory_space<vmem>>, %arg6: memref<32x64xf32, #tpu.memory_space<vmem>>, %arg7: memref<16x128xf32, #tpu.memory_space<vmem>>, %arg8: memref<!tpu.dma_semaphore, #tpu.memory_space<semaphore_mem>>, %arg9: memref<!tpu.dma_semaphore, #tpu.memory_space<semaphore_mem>>, %arg10: memref<!tpu.dma_semaphore, #tpu.memory_space<semaphore_mem>>, %arg11: memref<!tpu.dma_semaphore, #tpu.memory_space<semaphore_mem>>, %arg12: memref<!tpu.dma_semaphore, #tpu.memory_space<semaphore_mem>>, %arg13: memref<!tpu.dma_semaphore, #tpu.memory_space<semaphore_mem>>) attributes {dimension_semantics = [#tpu.dimension_semantics<core_parallel>, #tpu.dimension_semantics<subcore_parallel>], iteration_bounds = array<i64: 2, 16>, scalar_prefetch = 0 : i64, scratch_operands = 10 : i64, tpu.core_type = #tpu.core_type<sc_vector_subcore>, window_params = [{transform_indices = #map}, {transform_indices = #map}]} {
    %mul3A = arith.constant 2 : i32
    %mul3A_0 = arith.muli %arg1, %mul3A : i32
    %add3A = arith.addi %mul3A_0, %arg0 : i32
    %iota3A = tpu.iota {dimensions = array<i32: 0>} : vector<16xi32>
    %add3A_1 = arith.constant 0 : i32
    %add3A_2 = vector.broadcast %add3A_1 : i32 to vector<16xi32>
    %add3A_3 = arith.addi %iota3A, %add3A_2 : vector<16xi32>
    %add3A_4 = arith.constant 16 : i32
    %add3A_5 = vector.broadcast %add3A_4 : i32 to vector<16xi32>
    %add3A_6 = arith.addi %iota3A, %add3A_5 : vector<16xi32>
    %add3A_7 = arith.constant 0 : i32
    %add3A_8 = arith.addi %add3A_7, %add3A : i32
    %lt3A = arith.constant 7812 : i32
    %lt3A_9 = arith.cmpi slt, %add3A_8, %lt3A : i32
    %convert_element_type3A = arith.extui %lt3A_9 : i1 to i32
    %cond3A = arith.constant 0 : i32
    %cond3A_10 = arith.cmpi ne, %convert_element_type3A, %cond3A : i32
    scf.if %cond3A_10 {
      %mul3A_55 = arith.constant 128 : i32
      %mul3A_56 = arith.muli %add3A_8, %mul3A_55 : i32
      %dma_start3A = arith.constant 0 : i32
      %dma_start3A_57 = arith.constant 0 : i32
      %dma_start3A_58 = arith.constant 0 : i32
      %dma_start3A_59 = tpu.memref_slice %arg4[%dma_start3A, %dma_start3A_57, %dma_start3A_58] : memref<3x32x128xf32, #tpu.memory_space<vmem>> -> memref<1x32x128xf32, #tpu.memory_space<vmem>>
      %dma_start3A_60 = tpu.memref_squeeze %dma_start3A_59 : memref<1x32x128xf32, #tpu.memory_space<vmem>> -> memref<32x128xf32, #tpu.memory_space<vmem>>
      %dma_start3A_61 = arith.constant 0 : i32
      %dma_start3A_62 = tpu.memref_slice %arg2[%dma_start3A_61, %mul3A_56] : memref<32x1000000xf32, #tpu.memory_space<hbm>> -> memref<32x128xf32, #tpu.memory_space<hbm>>
      %dma_start3A_63 = arith.constant 0 : i32
      %dma_start3A_64 = arith.constant 0 : i32
      %dma_start3A_65 = tpu.memref_slice %arg4[%dma_start3A, %dma_start3A_63, %dma_start3A_64] : memref<3x32x128xf32, #tpu.memory_space<vmem>> -> memref<1x32x128xf32, #tpu.memory_space<vmem>>
      %dma_start3A_66 = tpu.memref_squeeze %dma_start3A_65 : memref<1x32x128xf32, #tpu.memory_space<vmem>> -> memref<32x128xf32, #tpu.memory_space<vmem>>
      %dma_start3A_67 = arith.constant 0 : i32
      %dma_start3A_68 = tpu.memref_slice %arg2[%dma_start3A_67, %mul3A_56] : memref<32x1000000xf32, #tpu.memory_space<hbm>> -> memref<32x128xf32, #tpu.memory_space<hbm>>
      tpu.enqueue_dma source(%dma_start3A_68 : memref<32x128xf32, #tpu.memory_space<hbm>>) target(%dma_start3A_66 : memref<32x128xf32, #tpu.memory_space<vmem>>) target_semaphore(%arg8 : memref<!tpu.dma_semaphore, #tpu.memory_space<semaphore_mem>>)
    } else {
    }
    %add3A_11 = arith.constant 32 : i32
    %add3A_12 = arith.addi %add3A_11, %add3A : i32
    %lt3A_13 = arith.constant 7812 : i32
    %lt3A_14 = arith.cmpi slt, %add3A_12, %lt3A_13 : i32
    %convert_element_type3A_15 = arith.extui %lt3A_14 : i1 to i32
    %cond3A_16 = arith.constant 0 : i32
    %cond3A_17 = arith.cmpi ne, %convert_element_type3A_15, %cond3A_16 : i32
    scf.if %cond3A_17 {
      %mul3A_55 = arith.constant 128 : i32
      %mul3A_56 = arith.muli %add3A_12, %mul3A_55 : i32
      %dma_start3A = arith.constant 1 : i32
      %dma_start3A_57 = arith.constant 0 : i32
      %dma_start3A_58 = arith.constant 0 : i32
      %dma_start3A_59 = tpu.memref_slice %arg4[%dma_start3A, %dma_start3A_57, %dma_start3A_58] : memref<3x32x128xf32, #tpu.memory_space<vmem>> -> memref<1x32x128xf32, #tpu.memory_space<vmem>>
      %dma_start3A_60 = tpu.memref_squeeze %dma_start3A_59 : memref<1x32x128xf32, #tpu.memory_space<vmem>> -> memref<32x128xf32, #tpu.memory_space<vmem>>
      %dma_start3A_61 = arith.constant 0 : i32
      %dma_start3A_62 = tpu.memref_slice %arg2[%dma_start3A_61, %mul3A_56] : memref<32x1000000xf32, #tpu.memory_space<hbm>> -> memref<32x128xf32, #tpu.memory_space<hbm>>
      %dma_start3A_63 = arith.constant 0 : i32
      %dma_start3A_64 = arith.constant 0 : i32
      %dma_start3A_65 = tpu.memref_slice %arg4[%dma_start3A, %dma_start3A_63, %dma_start3A_64] : memref<3x32x128xf32, #tpu.memory_space<vmem>> -> memref<1x32x128xf32, #tpu.memory_space<vmem>>
      %dma_start3A_66 = tpu.memref_squeeze %dma_start3A_65 : memref<1x32x128xf32, #tpu.memory_space<vmem>> -> memref<32x128xf32, #tpu.memory_space<vmem>>
      %dma_start3A_67 = arith.constant 0 : i32
      %dma_start3A_68 = tpu.memref_slice %arg2[%dma_start3A_67, %mul3A_56] : memref<32x1000000xf32, #tpu.memory_space<hbm>> -> memref<32x128xf32, #tpu.memory_space<hbm>>
      tpu.enqueue_dma source(%dma_start3A_68 : memref<32x128xf32, #tpu.memory_space<hbm>>) target(%dma_start3A_66 : memref<32x128xf32, #tpu.memory_space<vmem>>) target_semaphore(%arg9 : memref<!tpu.dma_semaphore, #tpu.memory_space<semaphore_mem>>)
    } else {
    }
    %add3A_18 = arith.constant 64 : i32
    %add3A_19 = arith.addi %add3A_18, %add3A : i32
    %lt3A_20 = arith.constant 7812 : i32
    %lt3A_21 = arith.cmpi slt, %add3A_19, %lt3A_20 : i32
    %convert_element_type3A_22 = arith.extui %lt3A_21 : i1 to i32
    %cond3A_23 = arith.constant 0 : i32
    %cond3A_24 = arith.cmpi ne, %convert_element_type3A_22, %cond3A_23 : i32
    scf.if %cond3A_24 {
      %mul3A_55 = arith.constant 128 : i32
      %mul3A_56 = arith.muli %add3A_19, %mul3A_55 : i32
      %dma_start3A = arith.constant 2 : i32
      %dma_start3A_57 = arith.constant 0 : i32
      %dma_start3A_58 = arith.constant 0 : i32
      %dma_start3A_59 = tpu.memref_slice %arg4[%dma_start3A, %dma_start3A_57, %dma_start3A_58] : memref<3x32x128xf32, #tpu.memory_space<vmem>> -> memref<1x32x128xf32, #tpu.memory_space<vmem>>
      %dma_start3A_60 = tpu.memref_squeeze %dma_start3A_59 : memref<1x32x128xf32, #tpu.memory_space<vmem>> -> memref<32x128xf32, #tpu.memory_space<vmem>>
      %dma_start3A_61 = arith.constant 0 : i32
      %dma_start3A_62 = tpu.memref_slice %arg2[%dma_start3A_61, %mul3A_56] : memref<32x1000000xf32, #tpu.memory_space<hbm>> -> memref<32x128xf32, #tpu.memory_space<hbm>>
      %dma_start3A_63 = arith.constant 0 : i32
      %dma_start3A_64 = arith.constant 0 : i32
      %dma_start3A_65 = tpu.memref_slice %arg4[%dma_start3A, %dma_start3A_63, %dma_start3A_64] : memref<3x32x128xf32, #tpu.memory_space<vmem>> -> memref<1x32x128xf32, #tpu.memory_space<vmem>>
      %dma_start3A_66 = tpu.memref_squeeze %dma_start3A_65 : memref<1x32x128xf32, #tpu.memory_space<vmem>> -> memref<32x128xf32, #tpu.memory_space<vmem>>
      %dma_start3A_67 = arith.constant 0 : i32
      %dma_start3A_68 = tpu.memref_slice %arg2[%dma_start3A_67, %mul3A_56] : memref<32x1000000xf32, #tpu.memory_space<hbm>> -> memref<32x128xf32, #tpu.memory_space<hbm>>
      tpu.enqueue_dma source(%dma_start3A_68 : memref<32x128xf32, #tpu.memory_space<hbm>>) target(%dma_start3A_66 : memref<32x128xf32, #tpu.memory_space<vmem>>) target_semaphore(%arg10 : memref<!tpu.dma_semaphore, #tpu.memory_space<semaphore_mem>>)
    } else {
    }
    %scan3A = arith.constant 0 : i32
    %scan3A_25 = arith.constant 0 : i32
    %scan3A_26 = arith.constant 82 : i32
    %scan3A_27 = arith.addi %scan3A_25, %scan3A_26 : i32
    %scan3A_28 = arith.constant 1 : i32
    scf.for %scan3A_55 = %scan3A_25 to %scan3A_27 step %scan3A_28  : i32 {
      %mul3A_56 = arith.constant 3 : i32
      %mul3A_57 = arith.muli %scan3A_55, %mul3A_56 : i32
      %add3A_58 = arith.constant 0 : i32
      %add3A_59 = arith.addi %mul3A_57, %add3A_58 : i32
      %mul3A_60 = arith.constant 32 : i32
      %mul3A_61 = arith.muli %add3A_59, %mul3A_60 : i32
      %add3A_62 = arith.addi %mul3A_61, %add3A : i32
      %lt3A_63 = arith.constant 7812 : i32
      %lt3A_64 = arith.cmpi slt, %add3A_62, %lt3A_63 : i32
      %convert_element_type3A_65 = arith.extui %lt3A_64 : i1 to i32
      %cond3A_66 = arith.constant 0 : i32
      %cond3A_67 = arith.cmpi ne, %convert_element_type3A_65, %cond3A_66 : i32
      scf.if %cond3A_67 {
        %dma_wait3A = arith.constant 0 : i32
        %dma_wait3A_92 = arith.constant 0 : i32
        %dma_wait3A_93 = arith.constant 0 : i32
        %dma_wait3A_94 = tpu.memref_slice %arg4[%dma_wait3A, %dma_wait3A_92, %dma_wait3A_93] : memref<3x32x128xf32, #tpu.memory_space<vmem>> -> memref<1x32x128xf32, #tpu.memory_space<vmem>>
        %dma_wait3A_95 = tpu.memref_squeeze %dma_wait3A_94 : memref<1x32x128xf32, #tpu.memory_space<vmem>> -> memref<32x128xf32, #tpu.memory_space<vmem>>
        %dma_wait3A_96 = arith.constant 0 : i32
        %dma_wait3A_97 = arith.constant 0 : i32
        %dma_wait3A_98 = tpu.memref_slice %arg2[%dma_wait3A_96, %dma_wait3A_97] : memref<32x1000000xf32, #tpu.memory_space<hbm>> -> memref<32x128xf32, #tpu.memory_space<hbm>>
        %dma_wait3A_99 = arith.constant 0 : i32
        %dma_wait3A_100 = arith.constant 0 : i32
        %dma_wait3A_101 = tpu.memref_slice %arg4[%dma_wait3A, %dma_wait3A_99, %dma_wait3A_100] : memref<3x32x128xf32, #tpu.memory_space<vmem>> -> memref<1x32x128xf32, #tpu.memory_space<vmem>>
        %dma_wait3A_102 = tpu.memref_squeeze %dma_wait3A_101 : memref<1x32x128xf32, #tpu.memory_space<vmem>> -> memref<32x128xf32, #tpu.memory_space<vmem>>
        %dma_wait3A_103 = arith.constant 0 : i32
        %dma_wait3A_104 = arith.constant 0 : i32
        %dma_wait3A_105 = tpu.memref_slice %arg2[%dma_wait3A_103, %dma_wait3A_104] : memref<32x1000000xf32, #tpu.memory_space<hbm>> -> memref<32x128xf32, #tpu.memory_space<hbm>>
        tpu.wait_dma2 semaphore(%arg8 : memref<!tpu.dma_semaphore, #tpu.memory_space<semaphore_mem>>) src(%dma_wait3A_105 : memref<32x128xf32, #tpu.memory_space<hbm>>) dst(%dma_wait3A_102 : memref<32x128xf32, #tpu.memory_space<vmem>>)
        %ge3A = arith.constant 3 : i32
        %ge3A_106 = arith.cmpi sge, %add3A_59, %ge3A : i32
        %convert_element_type3A_107 = arith.extui %ge3A_106 : i1 to i32
        %cond3A_108 = arith.constant 0 : i32
        %cond3A_109 = arith.cmpi ne, %convert_element_type3A_107, %cond3A_108 : i32
        scf.if %cond3A_109 {
          %dma_wait3A_135 = arith.constant 0 : i32
          %dma_wait3A_136 = arith.constant 0 : i32
          %dma_wait3A_137 = arith.constant 0 : i32
          %dma_wait3A_138 = tpu.memref_slice %arg5[%dma_wait3A_135, %dma_wait3A_136, %dma_wait3A_137] : memref<3x32x128xf32, #tpu.memory_space<vmem>> -> memref<1x32x128xf32, #tpu.memory_space<vmem>>
          %dma_wait3A_139 = tpu.memref_squeeze %dma_wait3A_138 : memref<1x32x128xf32, #tpu.memory_space<vmem>> -> memref<32x128xf32, #tpu.memory_space<vmem>>
          %dma_wait3A_140 = arith.constant 0 : i32
          %dma_wait3A_141 = arith.constant 0 : i32
          %dma_wait3A_142 = tpu.memref_slice %arg3[%dma_wait3A_140, %dma_wait3A_141] : memref<250000x128xf32, #tpu.memory_space<hbm>> -> memref<32x128xf32, #tpu.memory_space<hbm>>
          %dma_wait3A_143 = arith.constant 0 : i32
          %dma_wait3A_144 = arith.constant 0 : i32
          %dma_wait3A_145 = tpu.memref_slice %arg3[%dma_wait3A_143, %dma_wait3A_144] : memref<250000x128xf32, #tpu.memory_space<hbm>> -> memref<32x128xf32, #tpu.memory_space<hbm>>
          %dma_wait3A_146 = arith.constant 0 : i32
          %dma_wait3A_147 = arith.constant 0 : i32
          %dma_wait3A_148 = tpu.memref_slice %arg5[%dma_wait3A_135, %dma_wait3A_146, %dma_wait3A_147] : memref<3x32x128xf32, #tpu.memory_space<vmem>> -> memref<1x32x128xf32, #tpu.memory_space<vmem>>
          %dma_wait3A_149 = tpu.memref_squeeze %dma_wait3A_148 : memref<1x32x128xf32, #tpu.memory_space<vmem>> -> memref<32x128xf32, #tpu.memory_space<vmem>>
          tpu.wait_dma2 semaphore(%arg11 : memref<!tpu.dma_semaphore, #tpu.memory_space<semaphore_mem>>) src(%dma_wait3A_149 : memref<32x128xf32, #tpu.memory_space<vmem>>) dst(%dma_wait3A_145 : memref<32x128xf32, #tpu.memory_space<hbm>>)
        } else {
        }
        %parallel_loop3A = arith.constant 0 : i32
        %parallel_loop3A_110 = arith.constant 128 : i32
        %parallel_loop3A_111 = arith.constant 1 : i32
        %parallel_loop3A_112 = arith.constant 0 : i32
        %parallel_loop3A_113 = arith.constant 0 : i32
        scf.for %parallel_loop3A_135 = %parallel_loop3A to %parallel_loop3A_110 step %parallel_loop3A_111  : i32 {
          %parallel_loop3A_136 = arith.constant 0 : i32
          %parallel_loop3A_137 = vector.broadcast %parallel_loop3A_136 : i32 to vector<16xi32>
          %parallel_loop3A_138 = vector.broadcast %parallel_loop3A_135 : i32 to vector<16xi32>
          %parallel_loop3A_139 = arith.addi %parallel_loop3A_137, %parallel_loop3A_138 : vector<16xi32>
          %parallel_loop3A_140 = arith.constant 32 : i32
          %parallel_loop3A_141 = arith.muli %parallel_loop3A_135, %parallel_loop3A_140 : i32
          %parallel_loop3A_142 = arith.constant 0 : i32
          %parallel_loop3A_143 = arith.constant 0 : i32
          %parallel_loop3A_144 = tpu.memref_slice %arg4[%parallel_loop3A_112, %parallel_loop3A_142, %parallel_loop3A_143] : memref<3x32x128xf32, #tpu.memory_space<vmem>> -> memref<1x32x128xf32, #tpu.memory_space<vmem>>
          %parallel_loop3A_145 = tpu.memref_squeeze %parallel_loop3A_144 : memref<1x32x128xf32, #tpu.memory_space<vmem>> -> memref<32x128xf32, #tpu.memory_space<vmem>>
          %parallel_loop3A_146 = tpu.vector_load_idx %parallel_loop3A_145[%add3A_3, %parallel_loop3A_139] : memref<32x128xf32, #tpu.memory_space<vmem>>[vector<16xi32>, vector<16xi32>], vector<16xf32>,
          %parallel_loop3A_147 = arith.constant 0 : i32
          %parallel_loop3A_148 = arith.addi %parallel_loop3A_141, %parallel_loop3A_147 : i32
          %parallel_loop3A_149 = arith.constant 128 : i32
          %parallel_loop3A_150 = arith.divsi %parallel_loop3A_148, %parallel_loop3A_149 : i32
          %parallel_loop3A_151 = arith.constant 0 : i32
          %parallel_loop3A_152 = arith.cmpi sgt, %parallel_loop3A_148, %parallel_loop3A_151 : i32
          %parallel_loop3A_153 = arith.extui %parallel_loop3A_152 : i1 to i32
          %parallel_loop3A_154 = arith.constant 0 : i32
          %parallel_loop3A_155 = arith.cmpi slt, %parallel_loop3A_148, %parallel_loop3A_154 : i32
          %parallel_loop3A_156 = arith.extui %parallel_loop3A_155 : i1 to i32
          %parallel_loop3A_157 = arith.subi %parallel_loop3A_153, %parallel_loop3A_156 : i32
          %parallel_loop3A_158 = arith.constant 0 : i32
          %parallel_loop3A_159 = arith.cmpi sgt, %parallel_loop3A_149, %parallel_loop3A_158 : i32
          %parallel_loop3A_160 = arith.extui %parallel_loop3A_159 : i1 to i32
          %parallel_loop3A_161 = arith.constant 0 : i32
          %parallel_loop3A_162 = arith.cmpi slt, %parallel_loop3A_149, %parallel_loop3A_161 : i32
          %parallel_loop3A_163 = arith.extui %parallel_loop3A_162 : i1 to i32
          %parallel_loop3A_164 = arith.subi %parallel_loop3A_160, %parallel_loop3A_163 : i32
          %parallel_loop3A_165 = arith.cmpi ne, %parallel_loop3A_157, %parallel_loop3A_164 : i32
          %parallel_loop3A_166 = arith.remsi %parallel_loop3A_148, %parallel_loop3A_149 : i32
          %parallel_loop3A_167 = arith.constant 0 : i32
          %parallel_loop3A_168 = arith.cmpi ne, %parallel_loop3A_166, %parallel_loop3A_167 : i32
          %parallel_loop3A_169 = arith.andi %parallel_loop3A_165, %parallel_loop3A_168 : i1
          %parallel_loop3A_170 = arith.constant 1 : i32
          %parallel_loop3A_171 = arith.subi %parallel_loop3A_150, %parallel_loop3A_170 : i32
          %parallel_loop3A_172 = arith.select %parallel_loop3A_169, %parallel_loop3A_171, %parallel_loop3A_150 : i32
          %parallel_loop3A_173 = arith.constant 128 : i32
          %parallel_loop3A_174 = arith.constant 0 : i32
          %parallel_loop3A_175 = arith.cmpi eq, %parallel_loop3A_173, %parallel_loop3A_174 : i32
          %parallel_loop3A_176 = arith.constant 1 : i32
          %parallel_loop3A_177 = arith.select %parallel_loop3A_175, %parallel_loop3A_176, %parallel_loop3A_173 : i32
          %parallel_loop3A_178 = arith.remsi %parallel_loop3A_148, %parallel_loop3A_177 : i32
          %parallel_loop3A_179 = arith.constant 0 : i32
          %parallel_loop3A_180 = arith.cmpi ne, %parallel_loop3A_178, %parallel_loop3A_179 : i32
          %parallel_loop3A_181 = arith.constant 0 : i32
          %parallel_loop3A_182 = arith.cmpi slt, %parallel_loop3A_178, %parallel_loop3A_181 : i32
          %parallel_loop3A_183 = arith.constant 0 : i32
          %parallel_loop3A_184 = arith.cmpi slt, %parallel_loop3A_177, %parallel_loop3A_183 : i32
          %parallel_loop3A_185 = arith.xori %parallel_loop3A_182, %parallel_loop3A_184 : i1
          %parallel_loop3A_186 = arith.andi %parallel_loop3A_185, %parallel_loop3A_180 : i1
          %parallel_loop3A_187 = arith.addi %parallel_loop3A_178, %parallel_loop3A_177 : i32
          %parallel_loop3A_188 = arith.select %parallel_loop3A_186, %parallel_loop3A_187, %parallel_loop3A_178 : i32
          %parallel_loop3A_189 = arith.constant 0 : i32
          %parallel_loop3A_190 = arith.constant 0 : i32
          %parallel_loop3A_191 = tpu.memref_slice %arg5[%parallel_loop3A_113, %parallel_loop3A_189, %parallel_loop3A_190] : memref<3x32x128xf32, #tpu.memory_space<vmem>> -> memref<1x32x128xf32, #tpu.memory_space<vmem>>
          %parallel_loop3A_192 = tpu.memref_squeeze %parallel_loop3A_191 : memref<1x32x128xf32, #tpu.memory_space<vmem>> -> memref<32x128xf32, #tpu.memory_space<vmem>>
          %parallel_loop3A_193 = arith.index_cast %parallel_loop3A_172 : i32 to index
          %parallel_loop3A_194 = arith.index_cast %parallel_loop3A_188 : i32 to index
          %parallel_loop3A_195 = tpu.vector_load %parallel_loop3A_192[%parallel_loop3A_193, %parallel_loop3A_194] {strides = array<i32>} : memref<32x128xf32, #tpu.memory_space<vmem>>, vector<16xf32>,
          tpu.vector_store %parallel_loop3A_192[%parallel_loop3A_193, %parallel_loop3A_194], %parallel_loop3A_146 {strides = array<i32>} : memref<32x128xf32, #tpu.memory_space<vmem>>, vector<16xf32>,
          %parallel_loop3A_196 = arith.constant 0 : i32
          %parallel_loop3A_197 = arith.constant 0 : i32
          %parallel_loop3A_198 = tpu.memref_slice %arg4[%parallel_loop3A_112, %parallel_loop3A_196, %parallel_loop3A_197] : memref<3x32x128xf32, #tpu.memory_space<vmem>> -> memref<1x32x128xf32, #tpu.memory_space<vmem>>
          %parallel_loop3A_199 = tpu.memref_squeeze %parallel_loop3A_198 : memref<1x32x128xf32, #tpu.memory_space<vmem>> -> memref<32x128xf32, #tpu.memory_space<vmem>>
          %parallel_loop3A_200 = tpu.vector_load_idx %parallel_loop3A_199[%add3A_6, %parallel_loop3A_139] : memref<32x128xf32, #tpu.memory_space<vmem>>[vector<16xi32>, vector<16xi32>], vector<16xf32>,
          %parallel_loop3A_201 = arith.constant 16 : i32
          %parallel_loop3A_202 = arith.addi %parallel_loop3A_141, %parallel_loop3A_201 : i32
          %parallel_loop3A_203 = arith.constant 128 : i32
          %parallel_loop3A_204 = arith.divsi %parallel_loop3A_202, %parallel_loop3A_203 : i32
          %parallel_loop3A_205 = arith.constant 0 : i32
          %parallel_loop3A_206 = arith.cmpi sgt, %parallel_loop3A_202, %parallel_loop3A_205 : i32
          %parallel_loop3A_207 = arith.extui %parallel_loop3A_206 : i1 to i32
          %parallel_loop3A_208 = arith.constant 0 : i32
          %parallel_loop3A_209 = arith.cmpi slt, %parallel_loop3A_202, %parallel_loop3A_208 : i32
          %parallel_loop3A_210 = arith.extui %parallel_loop3A_209 : i1 to i32
          %parallel_loop3A_211 = arith.subi %parallel_loop3A_207, %parallel_loop3A_210 : i32
          %parallel_loop3A_212 = arith.constant 0 : i32
          %parallel_loop3A_213 = arith.cmpi sgt, %parallel_loop3A_203, %parallel_loop3A_212 : i32
          %parallel_loop3A_214 = arith.extui %parallel_loop3A_213 : i1 to i32
          %parallel_loop3A_215 = arith.constant 0 : i32
          %parallel_loop3A_216 = arith.cmpi slt, %parallel_loop3A_203, %parallel_loop3A_215 : i32
          %parallel_loop3A_217 = arith.extui %parallel_loop3A_216 : i1 to i32
          %parallel_loop3A_218 = arith.subi %parallel_loop3A_214, %parallel_loop3A_217 : i32
          %parallel_loop3A_219 = arith.cmpi ne, %parallel_loop3A_211, %parallel_loop3A_218 : i32
          %parallel_loop3A_220 = arith.remsi %parallel_loop3A_202, %parallel_loop3A_203 : i32
          %parallel_loop3A_221 = arith.constant 0 : i32
          %parallel_loop3A_222 = arith.cmpi ne, %parallel_loop3A_220, %parallel_loop3A_221 : i32
          %parallel_loop3A_223 = arith.andi %parallel_loop3A_219, %parallel_loop3A_222 : i1
          %parallel_loop3A_224 = arith.constant 1 : i32
          %parallel_loop3A_225 = arith.subi %parallel_loop3A_204, %parallel_loop3A_224 : i32
          %parallel_loop3A_226 = arith.select %parallel_loop3A_223, %parallel_loop3A_225, %parallel_loop3A_204 : i32
          %parallel_loop3A_227 = arith.constant 128 : i32
          %parallel_loop3A_228 = arith.constant 0 : i32
          %parallel_loop3A_229 = arith.cmpi eq, %parallel_loop3A_227, %parallel_loop3A_228 : i32
          %parallel_loop3A_230 = arith.constant 1 : i32
          %parallel_loop3A_231 = arith.select %parallel_loop3A_229, %parallel_loop3A_230, %parallel_loop3A_227 : i32
          %parallel_loop3A_232 = arith.remsi %parallel_loop3A_202, %parallel_loop3A_231 : i32
          %parallel_loop3A_233 = arith.constant 0 : i32
          %parallel_loop3A_234 = arith.cmpi ne, %parallel_loop3A_232, %parallel_loop3A_233 : i32
          %parallel_loop3A_235 = arith.constant 0 : i32
          %parallel_loop3A_236 = arith.cmpi slt, %parallel_loop3A_232, %parallel_loop3A_235 : i32
          %parallel_loop3A_237 = arith.constant 0 : i32
          %parallel_loop3A_238 = arith.cmpi slt, %parallel_loop3A_231, %parallel_loop3A_237 : i32
          %parallel_loop3A_239 = arith.xori %parallel_loop3A_236, %parallel_loop3A_238 : i1
          %parallel_loop3A_240 = arith.andi %parallel_loop3A_239, %parallel_loop3A_234 : i1
          %parallel_loop3A_241 = arith.addi %parallel_loop3A_232, %parallel_loop3A_231 : i32
          %parallel_loop3A_242 = arith.select %parallel_loop3A_240, %parallel_loop3A_241, %parallel_loop3A_232 : i32
          %parallel_loop3A_243 = arith.constant 0 : i32
          %parallel_loop3A_244 = arith.constant 0 : i32
          %parallel_loop3A_245 = tpu.memref_slice %arg5[%parallel_loop3A_113, %parallel_loop3A_243, %parallel_loop3A_244] : memref<3x32x128xf32, #tpu.memory_space<vmem>> -> memref<1x32x128xf32, #tpu.memory_space<vmem>>
          %parallel_loop3A_246 = tpu.memref_squeeze %parallel_loop3A_245 : memref<1x32x128xf32, #tpu.memory_space<vmem>> -> memref<32x128xf32, #tpu.memory_space<vmem>>
          %parallel_loop3A_247 = arith.index_cast %parallel_loop3A_226 : i32 to index
          %parallel_loop3A_248 = arith.index_cast %parallel_loop3A_242 : i32 to index
          %parallel_loop3A_249 = tpu.vector_load %parallel_loop3A_246[%parallel_loop3A_247, %parallel_loop3A_248] {strides = array<i32>} : memref<32x128xf32, #tpu.memory_space<vmem>>, vector<16xf32>,
          tpu.vector_store %parallel_loop3A_246[%parallel_loop3A_247, %parallel_loop3A_248], %parallel_loop3A_200 {strides = array<i32>} : memref<32x128xf32, #tpu.memory_space<vmem>>, vector<16xf32>,
        } {sc.loop_unroll_factor = 8 : i64, sc.parallel_access}
        %mul3A_114 = arith.constant 32 : i32
        %mul3A_115 = arith.muli %add3A_62, %mul3A_114 : i32
        %dma_start3A = arith.constant 0 : i32
        %dma_start3A_116 = arith.constant 0 : i32
        %dma_start3A_117 = arith.constant 0 : i32
        %dma_start3A_118 = tpu.memref_slice %arg5[%dma_start3A, %dma_start3A_116, %dma_start3A_117] : memref<3x32x128xf32, #tpu.memory_space<vmem>> -> memref<1x32x128xf32, #tpu.memory_space<vmem>>
        %dma_start3A_119 = tpu.memref_squeeze %dma_start3A_118 : memref<1x32x128xf32, #tpu.memory_space<vmem>> -> memref<32x128xf32, #tpu.memory_space<vmem>>
        %dma_start3A_120 = arith.constant 0 : i32
        %dma_start3A_121 = tpu.memref_slice %arg3[%mul3A_115, %dma_start3A_120] : memref<250000x128xf32, #tpu.memory_space<hbm>> -> memref<32x128xf32, #tpu.memory_space<hbm>>
        %dma_start3A_122 = arith.constant 0 : i32
        %dma_start3A_123 = tpu.memref_slice %arg3[%mul3A_115, %dma_start3A_122] : memref<250000x128xf32, #tpu.memory_space<hbm>> -> memref<32x128xf32, #tpu.memory_space<hbm>>
        %dma_start3A_124 = arith.constant 0 : i32
        %dma_start3A_125 = arith.constant 0 : i32
        %dma_start3A_126 = tpu.memref_slice %arg5[%dma_start3A, %dma_start3A_124, %dma_start3A_125] : memref<3x32x128xf32, #tpu.memory_space<vmem>> -> memref<1x32x128xf32, #tpu.memory_space<vmem>>
        %dma_start3A_127 = tpu.memref_squeeze %dma_start3A_126 : memref<1x32x128xf32, #tpu.memory_space<vmem>> -> memref<32x128xf32, #tpu.memory_space<vmem>>
        tpu.enqueue_dma source(%dma_start3A_127 : memref<32x128xf32, #tpu.memory_space<vmem>>) target(%dma_start3A_123 : memref<32x128xf32, #tpu.memory_space<hbm>>) target_semaphore(%arg11 : memref<!tpu.dma_semaphore, #tpu.memory_space<semaphore_mem>>)
        %add3A_128 = arith.constant 96 : i32
        %add3A_129 = arith.addi %add3A_62, %add3A_128 : i32
        %lt3A_130 = arith.constant 7812 : i32
        %lt3A_131 = arith.cmpi slt, %add3A_129, %lt3A_130 : i32
        %convert_element_type3A_132 = arith.extui %lt3A_131 : i1 to i32
        %cond3A_133 = arith.constant 0 : i32
        %cond3A_134 = arith.cmpi ne, %convert_element_type3A_132, %cond3A_133 : i32
        scf.if %cond3A_134 {
          %mul3A_135 = arith.constant 128 : i32
          %mul3A_136 = arith.muli %add3A_129, %mul3A_135 : i32
          %dma_start3A_137 = arith.constant 0 : i32
          %dma_start3A_138 = arith.constant 0 : i32
          %dma_start3A_139 = arith.constant 0 : i32
          %dma_start3A_140 = tpu.memref_slice %arg4[%dma_start3A_137, %dma_start3A_138, %dma_start3A_139] : memref<3x32x128xf32, #tpu.memory_space<vmem>> -> memref<1x32x128xf32, #tpu.memory_space<vmem>>
          %dma_start3A_141 = tpu.memref_squeeze %dma_start3A_140 : memref<1x32x128xf32, #tpu.memory_space<vmem>> -> memref<32x128xf32, #tpu.memory_space<vmem>>
          %dma_start3A_142 = arith.constant 0 : i32
          %dma_start3A_143 = tpu.memref_slice %arg2[%dma_start3A_142, %mul3A_136] : memref<32x1000000xf32, #tpu.memory_space<hbm>> -> memref<32x128xf32, #tpu.memory_space<hbm>>
          %dma_start3A_144 = arith.constant 0 : i32
          %dma_start3A_145 = arith.constant 0 : i32
          %dma_start3A_146 = tpu.memref_slice %arg4[%dma_start3A_137, %dma_start3A_144, %dma_start3A_145] : memref<3x32x128xf32, #tpu.memory_space<vmem>> -> memref<1x32x128xf32, #tpu.memory_space<vmem>>
          %dma_start3A_147 = tpu.memref_squeeze %dma_start3A_146 : memref<1x32x128xf32, #tpu.memory_space<vmem>> -> memref<32x128xf32, #tpu.memory_space<vmem>>
          %dma_start3A_148 = arith.constant 0 : i32
          %dma_start3A_149 = tpu.memref_slice %arg2[%dma_start3A_148, %mul3A_136] : memref<32x1000000xf32, #tpu.memory_space<hbm>> -> memref<32x128xf32, #tpu.memory_space<hbm>>
          tpu.enqueue_dma source(%dma_start3A_149 : memref<32x128xf32, #tpu.memory_space<hbm>>) target(%dma_start3A_147 : memref<32x128xf32, #tpu.memory_space<vmem>>) target_semaphore(%arg8 : memref<!tpu.dma_semaphore, #tpu.memory_space<semaphore_mem>>)
        } else {
        }
      } else {
      }
      %mul3A_68 = arith.constant 3 : i32
      %mul3A_69 = arith.muli %scan3A_55, %mul3A_68 : i32
      %add3A_70 = arith.constant 1 : i32
      %add3A_71 = arith.addi %mul3A_69, %add3A_70 : i32
      %mul3A_72 = arith.constant 32 : i32
      %mul3A_73 = arith.muli %add3A_71, %mul3A_72 : i32
      %add3A_74 = arith.addi %mul3A_73, %add3A : i32
      %lt3A_75 = arith.constant 7812 : i32
      %lt3A_76 = arith.cmpi slt, %add3A_74, %lt3A_75 : i32
      %convert_element_type3A_77 = arith.extui %lt3A_76 : i1 to i32
      %cond3A_78 = arith.constant 0 : i32
      %cond3A_79 = arith.cmpi ne, %convert_element_type3A_77, %cond3A_78 : i32
      scf.if %cond3A_79 {
        %dma_wait3A = arith.constant 1 : i32
        %dma_wait3A_92 = arith.constant 0 : i32
        %dma_wait3A_93 = arith.constant 0 : i32
        %dma_wait3A_94 = tpu.memref_slice %arg4[%dma_wait3A, %dma_wait3A_92, %dma_wait3A_93] : memref<3x32x128xf32, #tpu.memory_space<vmem>> -> memref<1x32x128xf32, #tpu.memory_space<vmem>>
        %dma_wait3A_95 = tpu.memref_squeeze %dma_wait3A_94 : memref<1x32x128xf32, #tpu.memory_space<vmem>> -> memref<32x128xf32, #tpu.memory_space<vmem>>
        %dma_wait3A_96 = arith.constant 0 : i32
        %dma_wait3A_97 = arith.constant 0 : i32
        %dma_wait3A_98 = tpu.memref_slice %arg2[%dma_wait3A_96, %dma_wait3A_97] : memref<32x1000000xf32, #tpu.memory_space<hbm>> -> memref<32x128xf32, #tpu.memory_space<hbm>>
        %dma_wait3A_99 = arith.constant 0 : i32
        %dma_wait3A_100 = arith.constant 0 : i32
        %dma_wait3A_101 = tpu.memref_slice %arg4[%dma_wait3A, %dma_wait3A_99, %dma_wait3A_100] : memref<3x32x128xf32, #tpu.memory_space<vmem>> -> memref<1x32x128xf32, #tpu.memory_space<vmem>>
        %dma_wait3A_102 = tpu.memref_squeeze %dma_wait3A_101 : memref<1x32x128xf32, #tpu.memory_space<vmem>> -> memref<32x128xf32, #tpu.memory_space<vmem>>
        %dma_wait3A_103 = arith.constant 0 : i32
        %dma_wait3A_104 = arith.constant 0 : i32
        %dma_wait3A_105 = tpu.memref_slice %arg2[%dma_wait3A_103, %dma_wait3A_104] : memref<32x1000000xf32, #tpu.memory_space<hbm>> -> memref<32x128xf32, #tpu.memory_space<hbm>>
        tpu.wait_dma2 semaphore(%arg9 : memref<!tpu.dma_semaphore, #tpu.memory_space<semaphore_mem>>) src(%dma_wait3A_105 : memref<32x128xf32, #tpu.memory_space<hbm>>) dst(%dma_wait3A_102 : memref<32x128xf32, #tpu.memory_space<vmem>>)
        %ge3A = arith.constant 3 : i32
        %ge3A_106 = arith.cmpi sge, %add3A_71, %ge3A : i32
        %convert_element_type3A_107 = arith.extui %ge3A_106 : i1 to i32
        %cond3A_108 = arith.constant 0 : i32
        %cond3A_109 = arith.cmpi ne, %convert_element_type3A_107, %cond3A_108 : i32
        scf.if %cond3A_109 {
          %dma_wait3A_135 = arith.constant 1 : i32
          %dma_wait3A_136 = arith.constant 0 : i32
          %dma_wait3A_137 = arith.constant 0 : i32
          %dma_wait3A_138 = tpu.memref_slice %arg5[%dma_wait3A_135, %dma_wait3A_136, %dma_wait3A_137] : memref<3x32x128xf32, #tpu.memory_space<vmem>> -> memref<1x32x128xf32, #tpu.memory_space<vmem>>
          %dma_wait3A_139 = tpu.memref_squeeze %dma_wait3A_138 : memref<1x32x128xf32, #tpu.memory_space<vmem>> -> memref<32x128xf32, #tpu.memory_space<vmem>>
          %dma_wait3A_140 = arith.constant 0 : i32
          %dma_wait3A_141 = arith.constant 0 : i32
          %dma_wait3A_142 = tpu.memref_slice %arg3[%dma_wait3A_140, %dma_wait3A_141] : memref<250000x128xf32, #tpu.memory_space<hbm>> -> memref<32x128xf32, #tpu.memory_space<hbm>>
          %dma_wait3A_143 = arith.constant 0 : i32
          %dma_wait3A_144 = arith.constant 0 : i32
          %dma_wait3A_145 = tpu.memref_slice %arg3[%dma_wait3A_143, %dma_wait3A_144] : memref<250000x128xf32, #tpu.memory_space<hbm>> -> memref<32x128xf32, #tpu.memory_space<hbm>>
          %dma_wait3A_146 = arith.constant 0 : i32
          %dma_wait3A_147 = arith.constant 0 : i32
          %dma_wait3A_148 = tpu.memref_slice %arg5[%dma_wait3A_135, %dma_wait3A_146, %dma_wait3A_147] : memref<3x32x128xf32, #tpu.memory_space<vmem>> -> memref<1x32x128xf32, #tpu.memory_space<vmem>>
          %dma_wait3A_149 = tpu.memref_squeeze %dma_wait3A_148 : memref<1x32x128xf32, #tpu.memory_space<vmem>> -> memref<32x128xf32, #tpu.memory_space<vmem>>
          tpu.wait_dma2 semaphore(%arg12 : memref<!tpu.dma_semaphore, #tpu.memory_space<semaphore_mem>>) src(%dma_wait3A_149 : memref<32x128xf32, #tpu.memory_space<vmem>>) dst(%dma_wait3A_145 : memref<32x128xf32, #tpu.memory_space<hbm>>)
        } else {
        }
        %parallel_loop3A = arith.constant 0 : i32
        %parallel_loop3A_110 = arith.constant 128 : i32
        %parallel_loop3A_111 = arith.constant 1 : i32
        %parallel_loop3A_112 = arith.constant 1 : i32
        %parallel_loop3A_113 = arith.constant 1 : i32
        scf.for %parallel_loop3A_135 = %parallel_loop3A to %parallel_loop3A_110 step %parallel_loop3A_111  : i32 {
          %parallel_loop3A_136 = arith.constant 0 : i32
          %parallel_loop3A_137 = vector.broadcast %parallel_loop3A_136 : i32 to vector<16xi32>
          %parallel_loop3A_138 = vector.broadcast %parallel_loop3A_135 : i32 to vector<16xi32>
          %parallel_loop3A_139 = arith.addi %parallel_loop3A_137, %parallel_loop3A_138 : vector<16xi32>
          %parallel_loop3A_140 = arith.constant 32 : i32
          %parallel_loop3A_141 = arith.muli %parallel_loop3A_135, %parallel_loop3A_140 : i32
          %parallel_loop3A_142 = arith.constant 0 : i32
          %parallel_loop3A_143 = arith.constant 0 : i32
          %parallel_loop3A_144 = tpu.memref_slice %arg4[%parallel_loop3A_112, %parallel_loop3A_142, %parallel_loop3A_143] : memref<3x32x128xf32, #tpu.memory_space<vmem>> -> memref<1x32x128xf32, #tpu.memory_space<vmem>>
          %parallel_loop3A_145 = tpu.memref_squeeze %parallel_loop3A_144 : memref<1x32x128xf32, #tpu.memory_space<vmem>> -> memref<32x128xf32, #tpu.memory_space<vmem>>
          %parallel_loop3A_146 = tpu.vector_load_idx %parallel_loop3A_145[%add3A_3, %parallel_loop3A_139] : memref<32x128xf32, #tpu.memory_space<vmem>>[vector<16xi32>, vector<16xi32>], vector<16xf32>,
          %parallel_loop3A_147 = arith.constant 0 : i32
          %parallel_loop3A_148 = arith.addi %parallel_loop3A_141, %parallel_loop3A_147 : i32
          %parallel_loop3A_149 = arith.constant 128 : i32
          %parallel_loop3A_150 = arith.divsi %parallel_loop3A_148, %parallel_loop3A_149 : i32
          %parallel_loop3A_151 = arith.constant 0 : i32
          %parallel_loop3A_152 = arith.cmpi sgt, %parallel_loop3A_148, %parallel_loop3A_151 : i32
          %parallel_loop3A_153 = arith.extui %parallel_loop3A_152 : i1 to i32
          %parallel_loop3A_154 = arith.constant 0 : i32
          %parallel_loop3A_155 = arith.cmpi slt, %parallel_loop3A_148, %parallel_loop3A_154 : i32
          %parallel_loop3A_156 = arith.extui %parallel_loop3A_155 : i1 to i32
          %parallel_loop3A_157 = arith.subi %parallel_loop3A_153, %parallel_loop3A_156 : i32
          %parallel_loop3A_158 = arith.constant 0 : i32
          %parallel_loop3A_159 = arith.cmpi sgt, %parallel_loop3A_149, %parallel_loop3A_158 : i32
          %parallel_loop3A_160 = arith.extui %parallel_loop3A_159 : i1 to i32
          %parallel_loop3A_161 = arith.constant 0 : i32
          %parallel_loop3A_162 = arith.cmpi slt, %parallel_loop3A_149, %parallel_loop3A_161 : i32
          %parallel_loop3A_163 = arith.extui %parallel_loop3A_162 : i1 to i32
          %parallel_loop3A_164 = arith.subi %parallel_loop3A_160, %parallel_loop3A_163 : i32
          %parallel_loop3A_165 = arith.cmpi ne, %parallel_loop3A_157, %parallel_loop3A_164 : i32
          %parallel_loop3A_166 = arith.remsi %parallel_loop3A_148, %parallel_loop3A_149 : i32
          %parallel_loop3A_167 = arith.constant 0 : i32
          %parallel_loop3A_168 = arith.cmpi ne, %parallel_loop3A_166, %parallel_loop3A_167 : i32
          %parallel_loop3A_169 = arith.andi %parallel_loop3A_165, %parallel_loop3A_168 : i1
          %parallel_loop3A_170 = arith.constant 1 : i32
          %parallel_loop3A_171 = arith.subi %parallel_loop3A_150, %parallel_loop3A_170 : i32
          %parallel_loop3A_172 = arith.select %parallel_loop3A_169, %parallel_loop3A_171, %parallel_loop3A_150 : i32
          %parallel_loop3A_173 = arith.constant 128 : i32
          %parallel_loop3A_174 = arith.constant 0 : i32
          %parallel_loop3A_175 = arith.cmpi eq, %parallel_loop3A_173, %parallel_loop3A_174 : i32
          %parallel_loop3A_176 = arith.constant 1 : i32
          %parallel_loop3A_177 = arith.select %parallel_loop3A_175, %parallel_loop3A_176, %parallel_loop3A_173 : i32
          %parallel_loop3A_178 = arith.remsi %parallel_loop3A_148, %parallel_loop3A_177 : i32
          %parallel_loop3A_179 = arith.constant 0 : i32
          %parallel_loop3A_180 = arith.cmpi ne, %parallel_loop3A_178, %parallel_loop3A_179 : i32
          %parallel_loop3A_181 = arith.constant 0 : i32
          %parallel_loop3A_182 = arith.cmpi slt, %parallel_loop3A_178, %parallel_loop3A_181 : i32
          %parallel_loop3A_183 = arith.constant 0 : i32
          %parallel_loop3A_184 = arith.cmpi slt, %parallel_loop3A_177, %parallel_loop3A_183 : i32
          %parallel_loop3A_185 = arith.xori %parallel_loop3A_182, %parallel_loop3A_184 : i1
          %parallel_loop3A_186 = arith.andi %parallel_loop3A_185, %parallel_loop3A_180 : i1
          %parallel_loop3A_187 = arith.addi %parallel_loop3A_178, %parallel_loop3A_177 : i32
          %parallel_loop3A_188 = arith.select %parallel_loop3A_186, %parallel_loop3A_187, %parallel_loop3A_178 : i32
          %parallel_loop3A_189 = arith.constant 0 : i32
          %parallel_loop3A_190 = arith.constant 0 : i32
          %parallel_loop3A_191 = tpu.memref_slice %arg5[%parallel_loop3A_113, %parallel_loop3A_189, %parallel_loop3A_190] : memref<3x32x128xf32, #tpu.memory_space<vmem>> -> memref<1x32x128xf32, #tpu.memory_space<vmem>>
          %parallel_loop3A_192 = tpu.memref_squeeze %parallel_loop3A_191 : memref<1x32x128xf32, #tpu.memory_space<vmem>> -> memref<32x128xf32, #tpu.memory_space<vmem>>
          %parallel_loop3A_193 = arith.index_cast %parallel_loop3A_172 : i32 to index
          %parallel_loop3A_194 = arith.index_cast %parallel_loop3A_188 : i32 to index
          %parallel_loop3A_195 = tpu.vector_load %parallel_loop3A_192[%parallel_loop3A_193, %parallel_loop3A_194] {strides = array<i32>} : memref<32x128xf32, #tpu.memory_space<vmem>>, vector<16xf32>,
          tpu.vector_store %parallel_loop3A_192[%parallel_loop3A_193, %parallel_loop3A_194], %parallel_loop3A_146 {strides = array<i32>} : memref<32x128xf32, #tpu.memory_space<vmem>>, vector<16xf32>,
          %parallel_loop3A_196 = arith.constant 0 : i32
          %parallel_loop3A_197 = arith.constant 0 : i32
          %parallel_loop3A_198 = tpu.memref_slice %arg4[%parallel_loop3A_112, %parallel_loop3A_196, %parallel_loop3A_197] : memref<3x32x128xf32, #tpu.memory_space<vmem>> -> memref<1x32x128xf32, #tpu.memory_space<vmem>>
          %parallel_loop3A_199 = tpu.memref_squeeze %parallel_loop3A_198 : memref<1x32x128xf32, #tpu.memory_space<vmem>> -> memref<32x128xf32, #tpu.memory_space<vmem>>
          %parallel_loop3A_200 = tpu.vector_load_idx %parallel_loop3A_199[%add3A_6, %parallel_loop3A_139] : memref<32x128xf32, #tpu.memory_space<vmem>>[vector<16xi32>, vector<16xi32>], vector<16xf32>,
          %parallel_loop3A_201 = arith.constant 16 : i32
          %parallel_loop3A_202 = arith.addi %parallel_loop3A_141, %parallel_loop3A_201 : i32
          %parallel_loop3A_203 = arith.constant 128 : i32
          %parallel_loop3A_204 = arith.divsi %parallel_loop3A_202, %parallel_loop3A_203 : i32
          %parallel_loop3A_205 = arith.constant 0 : i32
          %parallel_loop3A_206 = arith.cmpi sgt, %parallel_loop3A_202, %parallel_loop3A_205 : i32
          %parallel_loop3A_207 = arith.extui %parallel_loop3A_206 : i1 to i32
          %parallel_loop3A_208 = arith.constant 0 : i32
          %parallel_loop3A_209 = arith.cmpi slt, %parallel_loop3A_202, %parallel_loop3A_208 : i32
          %parallel_loop3A_210 = arith.extui %parallel_loop3A_209 : i1 to i32
          %parallel_loop3A_211 = arith.subi %parallel_loop3A_207, %parallel_loop3A_210 : i32
          %parallel_loop3A_212 = arith.constant 0 : i32
          %parallel_loop3A_213 = arith.cmpi sgt, %parallel_loop3A_203, %parallel_loop3A_212 : i32
          %parallel_loop3A_214 = arith.extui %parallel_loop3A_213 : i1 to i32
          %parallel_loop3A_215 = arith.constant 0 : i32
          %parallel_loop3A_216 = arith.cmpi slt, %parallel_loop3A_203, %parallel_loop3A_215 : i32
          %parallel_loop3A_217 = arith.extui %parallel_loop3A_216 : i1 to i32
          %parallel_loop3A_218 = arith.subi %parallel_loop3A_214, %parallel_loop3A_217 : i32
          %parallel_loop3A_219 = arith.cmpi ne, %parallel_loop3A_211, %parallel_loop3A_218 : i32
          %parallel_loop3A_220 = arith.remsi %parallel_loop3A_202, %parallel_loop3A_203 : i32
          %parallel_loop3A_221 = arith.constant 0 : i32
          %parallel_loop3A_222 = arith.cmpi ne, %parallel_loop3A_220, %parallel_loop3A_221 : i32
          %parallel_loop3A_223 = arith.andi %parallel_loop3A_219, %parallel_loop3A_222 : i1
          %parallel_loop3A_224 = arith.constant 1 : i32
          %parallel_loop3A_225 = arith.subi %parallel_loop3A_204, %parallel_loop3A_224 : i32
          %parallel_loop3A_226 = arith.select %parallel_loop3A_223, %parallel_loop3A_225, %parallel_loop3A_204 : i32
          %parallel_loop3A_227 = arith.constant 128 : i32
          %parallel_loop3A_228 = arith.constant 0 : i32
          %parallel_loop3A_229 = arith.cmpi eq, %parallel_loop3A_227, %parallel_loop3A_228 : i32
          %parallel_loop3A_230 = arith.constant 1 : i32
          %parallel_loop3A_231 = arith.select %parallel_loop3A_229, %parallel_loop3A_230, %parallel_loop3A_227 : i32
          %parallel_loop3A_232 = arith.remsi %parallel_loop3A_202, %parallel_loop3A_231 : i32
          %parallel_loop3A_233 = arith.constant 0 : i32
          %parallel_loop3A_234 = arith.cmpi ne, %parallel_loop3A_232, %parallel_loop3A_233 : i32
          %parallel_loop3A_235 = arith.constant 0 : i32
          %parallel_loop3A_236 = arith.cmpi slt, %parallel_loop3A_232, %parallel_loop3A_235 : i32
          %parallel_loop3A_237 = arith.constant 0 : i32
          %parallel_loop3A_238 = arith.cmpi slt, %parallel_loop3A_231, %parallel_loop3A_237 : i32
          %parallel_loop3A_239 = arith.xori %parallel_loop3A_236, %parallel_loop3A_238 : i1
          %parallel_loop3A_240 = arith.andi %parallel_loop3A_239, %parallel_loop3A_234 : i1
          %parallel_loop3A_241 = arith.addi %parallel_loop3A_232, %parallel_loop3A_231 : i32
          %parallel_loop3A_242 = arith.select %parallel_loop3A_240, %parallel_loop3A_241, %parallel_loop3A_232 : i32
          %parallel_loop3A_243 = arith.constant 0 : i32
          %parallel_loop3A_244 = arith.constant 0 : i32
          %parallel_loop3A_245 = tpu.memref_slice %arg5[%parallel_loop3A_113, %parallel_loop3A_243, %parallel_loop3A_244] : memref<3x32x128xf32, #tpu.memory_space<vmem>> -> memref<1x32x128xf32, #tpu.memory_space<vmem>>
          %parallel_loop3A_246 = tpu.memref_squeeze %parallel_loop3A_245 : memref<1x32x128xf32, #tpu.memory_space<vmem>> -> memref<32x128xf32, #tpu.memory_space<vmem>>
          %parallel_loop3A_247 = arith.index_cast %parallel_loop3A_226 : i32 to index
          %parallel_loop3A_248 = arith.index_cast %parallel_loop3A_242 : i32 to index
          %parallel_loop3A_249 = tpu.vector_load %parallel_loop3A_246[%parallel_loop3A_247, %parallel_loop3A_248] {strides = array<i32>} : memref<32x128xf32, #tpu.memory_space<vmem>>, vector<16xf32>,
          tpu.vector_store %parallel_loop3A_246[%parallel_loop3A_247, %parallel_loop3A_248], %parallel_loop3A_200 {strides = array<i32>} : memref<32x128xf32, #tpu.memory_space<vmem>>, vector<16xf32>,
        } {sc.loop_unroll_factor = 8 : i64, sc.parallel_access}
        %mul3A_114 = arith.constant 32 : i32
        %mul3A_115 = arith.muli %add3A_74, %mul3A_114 : i32
        %dma_start3A = arith.constant 1 : i32
        %dma_start3A_116 = arith.constant 0 : i32
        %dma_start3A_117 = arith.constant 0 : i32
        %dma_start3A_118 = tpu.memref_slice %arg5[%dma_start3A, %dma_start3A_116, %dma_start3A_117] : memref<3x32x128xf32, #tpu.memory_space<vmem>> -> memref<1x32x128xf32, #tpu.memory_space<vmem>>
        %dma_start3A_119 = tpu.memref_squeeze %dma_start3A_118 : memref<1x32x128xf32, #tpu.memory_space<vmem>> -> memref<32x128xf32, #tpu.memory_space<vmem>>
        %dma_start3A_120 = arith.constant 0 : i32
        %dma_start3A_121 = tpu.memref_slice %arg3[%mul3A_115, %dma_start3A_120] : memref<250000x128xf32, #tpu.memory_space<hbm>> -> memref<32x128xf32, #tpu.memory_space<hbm>>
        %dma_start3A_122 = arith.constant 0 : i32
        %dma_start3A_123 = tpu.memref_slice %arg3[%mul3A_115, %dma_start3A_122] : memref<250000x128xf32, #tpu.memory_space<hbm>> -> memref<32x128xf32, #tpu.memory_space<hbm>>
        %dma_start3A_124 = arith.constant 0 : i32
        %dma_start3A_125 = arith.constant 0 : i32
        %dma_start3A_126 = tpu.memref_slice %arg5[%dma_start3A, %dma_start3A_124, %dma_start3A_125] : memref<3x32x128xf32, #tpu.memory_space<vmem>> -> memref<1x32x128xf32, #tpu.memory_space<vmem>>
        %dma_start3A_127 = tpu.memref_squeeze %dma_start3A_126 : memref<1x32x128xf32, #tpu.memory_space<vmem>> -> memref<32x128xf32, #tpu.memory_space<vmem>>
        tpu.enqueue_dma source(%dma_start3A_127 : memref<32x128xf32, #tpu.memory_space<vmem>>) target(%dma_start3A_123 : memref<32x128xf32, #tpu.memory_space<hbm>>) target_semaphore(%arg12 : memref<!tpu.dma_semaphore, #tpu.memory_space<semaphore_mem>>)
        %add3A_128 = arith.constant 96 : i32
        %add3A_129 = arith.addi %add3A_74, %add3A_128 : i32
        %lt3A_130 = arith.constant 7812 : i32
        %lt3A_131 = arith.cmpi slt, %add3A_129, %lt3A_130 : i32
        %convert_element_type3A_132 = arith.extui %lt3A_131 : i1 to i32
        %cond3A_133 = arith.constant 0 : i32
        %cond3A_134 = arith.cmpi ne, %convert_element_type3A_132, %cond3A_133 : i32
        scf.if %cond3A_134 {
          %mul3A_135 = arith.constant 128 : i32
          %mul3A_136 = arith.muli %add3A_129, %mul3A_135 : i32
          %dma_start3A_137 = arith.constant 1 : i32
          %dma_start3A_138 = arith.constant 0 : i32
          %dma_start3A_139 = arith.constant 0 : i32
          %dma_start3A_140 = tpu.memref_slice %arg4[%dma_start3A_137, %dma_start3A_138, %dma_start3A_139] : memref<3x32x128xf32, #tpu.memory_space<vmem>> -> memref<1x32x128xf32, #tpu.memory_space<vmem>>
          %dma_start3A_141 = tpu.memref_squeeze %dma_start3A_140 : memref<1x32x128xf32, #tpu.memory_space<vmem>> -> memref<32x128xf32, #tpu.memory_space<vmem>>
          %dma_start3A_142 = arith.constant 0 : i32
          %dma_start3A_143 = tpu.memref_slice %arg2[%dma_start3A_142, %mul3A_136] : memref<32x1000000xf32, #tpu.memory_space<hbm>> -> memref<32x128xf32, #tpu.memory_space<hbm>>
          %dma_start3A_144 = arith.constant 0 : i32
          %dma_start3A_145 = arith.constant 0 : i32
          %dma_start3A_146 = tpu.memref_slice %arg4[%dma_start3A_137, %dma_start3A_144, %dma_start3A_145] : memref<3x32x128xf32, #tpu.memory_space<vmem>> -> memref<1x32x128xf32, #tpu.memory_space<vmem>>
          %dma_start3A_147 = tpu.memref_squeeze %dma_start3A_146 : memref<1x32x128xf32, #tpu.memory_space<vmem>> -> memref<32x128xf32, #tpu.memory_space<vmem>>
          %dma_start3A_148 = arith.constant 0 : i32
          %dma_start3A_149 = tpu.memref_slice %arg2[%dma_start3A_148, %mul3A_136] : memref<32x1000000xf32, #tpu.memory_space<hbm>> -> memref<32x128xf32, #tpu.memory_space<hbm>>
          tpu.enqueue_dma source(%dma_start3A_149 : memref<32x128xf32, #tpu.memory_space<hbm>>) target(%dma_start3A_147 : memref<32x128xf32, #tpu.memory_space<vmem>>) target_semaphore(%arg9 : memref<!tpu.dma_semaphore, #tpu.memory_space<semaphore_mem>>)
        } else {
        }
      } else {
      }
      %mul3A_80 = arith.constant 3 : i32
      %mul3A_81 = arith.muli %scan3A_55, %mul3A_80 : i32
      %add3A_82 = arith.constant 2 : i32
      %add3A_83 = arith.addi %mul3A_81, %add3A_82 : i32
      %mul3A_84 = arith.constant 32 : i32
      %mul3A_85 = arith.muli %add3A_83, %mul3A_84 : i32
      %add3A_86 = arith.addi %mul3A_85, %add3A : i32
      %lt3A_87 = arith.constant 7812 : i32
      %lt3A_88 = arith.cmpi slt, %add3A_86, %lt3A_87 : i32
      %convert_element_type3A_89 = arith.extui %lt3A_88 : i1 to i32
      %cond3A_90 = arith.constant 0 : i32
      %cond3A_91 = arith.cmpi ne, %convert_element_type3A_89, %cond3A_90 : i32
      scf.if %cond3A_91 {
        %dma_wait3A = arith.constant 2 : i32
        %dma_wait3A_92 = arith.constant 0 : i32
        %dma_wait3A_93 = arith.constant 0 : i32
        %dma_wait3A_94 = tpu.memref_slice %arg4[%dma_wait3A, %dma_wait3A_92, %dma_wait3A_93] : memref<3x32x128xf32, #tpu.memory_space<vmem>> -> memref<1x32x128xf32, #tpu.memory_space<vmem>>
        %dma_wait3A_95 = tpu.memref_squeeze %dma_wait3A_94 : memref<1x32x128xf32, #tpu.memory_space<vmem>> -> memref<32x128xf32, #tpu.memory_space<vmem>>
        %dma_wait3A_96 = arith.constant 0 : i32
        %dma_wait3A_97 = arith.constant 0 : i32
        %dma_wait3A_98 = tpu.memref_slice %arg2[%dma_wait3A_96, %dma_wait3A_97] : memref<32x1000000xf32, #tpu.memory_space<hbm>> -> memref<32x128xf32, #tpu.memory_space<hbm>>
        %dma_wait3A_99 = arith.constant 0 : i32
        %dma_wait3A_100 = arith.constant 0 : i32
        %dma_wait3A_101 = tpu.memref_slice %arg4[%dma_wait3A, %dma_wait3A_99, %dma_wait3A_100] : memref<3x32x128xf32, #tpu.memory_space<vmem>> -> memref<1x32x128xf32, #tpu.memory_space<vmem>>
        %dma_wait3A_102 = tpu.memref_squeeze %dma_wait3A_101 : memref<1x32x128xf32, #tpu.memory_space<vmem>> -> memref<32x128xf32, #tpu.memory_space<vmem>>
        %dma_wait3A_103 = arith.constant 0 : i32
        %dma_wait3A_104 = arith.constant 0 : i32
        %dma_wait3A_105 = tpu.memref_slice %arg2[%dma_wait3A_103, %dma_wait3A_104] : memref<32x1000000xf32, #tpu.memory_space<hbm>> -> memref<32x128xf32, #tpu.memory_space<hbm>>
        tpu.wait_dma2 semaphore(%arg10 : memref<!tpu.dma_semaphore, #tpu.memory_space<semaphore_mem>>) src(%dma_wait3A_105 : memref<32x128xf32, #tpu.memory_space<hbm>>) dst(%dma_wait3A_102 : memref<32x128xf32, #tpu.memory_space<vmem>>)
        %ge3A = arith.constant 3 : i32
        %ge3A_106 = arith.cmpi sge, %add3A_83, %ge3A : i32
        %convert_element_type3A_107 = arith.extui %ge3A_106 : i1 to i32
        %cond3A_108 = arith.constant 0 : i32
        %cond3A_109 = arith.cmpi ne, %convert_element_type3A_107, %cond3A_108 : i32
        scf.if %cond3A_109 {
          %dma_wait3A_135 = arith.constant 2 : i32
          %dma_wait3A_136 = arith.constant 0 : i32
          %dma_wait3A_137 = arith.constant 0 : i32
          %dma_wait3A_138 = tpu.memref_slice %arg5[%dma_wait3A_135, %dma_wait3A_136, %dma_wait3A_137] : memref<3x32x128xf32, #tpu.memory_space<vmem>> -> memref<1x32x128xf32, #tpu.memory_space<vmem>>
          %dma_wait3A_139 = tpu.memref_squeeze %dma_wait3A_138 : memref<1x32x128xf32, #tpu.memory_space<vmem>> -> memref<32x128xf32, #tpu.memory_space<vmem>>
          %dma_wait3A_140 = arith.constant 0 : i32
          %dma_wait3A_141 = arith.constant 0 : i32
          %dma_wait3A_142 = tpu.memref_slice %arg3[%dma_wait3A_140, %dma_wait3A_141] : memref<250000x128xf32, #tpu.memory_space<hbm>> -> memref<32x128xf32, #tpu.memory_space<hbm>>
          %dma_wait3A_143 = arith.constant 0 : i32
          %dma_wait3A_144 = arith.constant 0 : i32
          %dma_wait3A_145 = tpu.memref_slice %arg3[%dma_wait3A_143, %dma_wait3A_144] : memref<250000x128xf32, #tpu.memory_space<hbm>> -> memref<32x128xf32, #tpu.memory_space<hbm>>
          %dma_wait3A_146 = arith.constant 0 : i32
          %dma_wait3A_147 = arith.constant 0 : i32
          %dma_wait3A_148 = tpu.memref_slice %arg5[%dma_wait3A_135, %dma_wait3A_146, %dma_wait3A_147] : memref<3x32x128xf32, #tpu.memory_space<vmem>> -> memref<1x32x128xf32, #tpu.memory_space<vmem>>
          %dma_wait3A_149 = tpu.memref_squeeze %dma_wait3A_148 : memref<1x32x128xf32, #tpu.memory_space<vmem>> -> memref<32x128xf32, #tpu.memory_space<vmem>>
          tpu.wait_dma2 semaphore(%arg13 : memref<!tpu.dma_semaphore, #tpu.memory_space<semaphore_mem>>) src(%dma_wait3A_149 : memref<32x128xf32, #tpu.memory_space<vmem>>) dst(%dma_wait3A_145 : memref<32x128xf32, #tpu.memory_space<hbm>>)
        } else {
        }
        %parallel_loop3A = arith.constant 0 : i32
        %parallel_loop3A_110 = arith.constant 128 : i32
        %parallel_loop3A_111 = arith.constant 1 : i32
        %parallel_loop3A_112 = arith.constant 2 : i32
        %parallel_loop3A_113 = arith.constant 2 : i32
        scf.for %parallel_loop3A_135 = %parallel_loop3A to %parallel_loop3A_110 step %parallel_loop3A_111  : i32 {
          %parallel_loop3A_136 = arith.constant 0 : i32
          %parallel_loop3A_137 = vector.broadcast %parallel_loop3A_136 : i32 to vector<16xi32>
          %parallel_loop3A_138 = vector.broadcast %parallel_loop3A_135 : i32 to vector<16xi32>
          %parallel_loop3A_139 = arith.addi %parallel_loop3A_137, %parallel_loop3A_138 : vector<16xi32>
          %parallel_loop3A_140 = arith.constant 32 : i32
          %parallel_loop3A_141 = arith.muli %parallel_loop3A_135, %parallel_loop3A_140 : i32
          %parallel_loop3A_142 = arith.constant 0 : i32
          %parallel_loop3A_143 = arith.constant 0 : i32
          %parallel_loop3A_144 = tpu.memref_slice %arg4[%parallel_loop3A_112, %parallel_loop3A_142, %parallel_loop3A_143] : memref<3x32x128xf32, #tpu.memory_space<vmem>> -> memref<1x32x128xf32, #tpu.memory_space<vmem>>
          %parallel_loop3A_145 = tpu.memref_squeeze %parallel_loop3A_144 : memref<1x32x128xf32, #tpu.memory_space<vmem>> -> memref<32x128xf32, #tpu.memory_space<vmem>>
          %parallel_loop3A_146 = tpu.vector_load_idx %parallel_loop3A_145[%add3A_3, %parallel_loop3A_139] : memref<32x128xf32, #tpu.memory_space<vmem>>[vector<16xi32>, vector<16xi32>], vector<16xf32>,
          %parallel_loop3A_147 = arith.constant 0 : i32
          %parallel_loop3A_148 = arith.addi %parallel_loop3A_141, %parallel_loop3A_147 : i32
          %parallel_loop3A_149 = arith.constant 128 : i32
          %parallel_loop3A_150 = arith.divsi %parallel_loop3A_148, %parallel_loop3A_149 : i32
          %parallel_loop3A_151 = arith.constant 0 : i32
          %parallel_loop3A_152 = arith.cmpi sgt, %parallel_loop3A_148, %parallel_loop3A_151 : i32
          %parallel_loop3A_153 = arith.extui %parallel_loop3A_152 : i1 to i32
          %parallel_loop3A_154 = arith.constant 0 : i32
          %parallel_loop3A_155 = arith.cmpi slt, %parallel_loop3A_148, %parallel_loop3A_154 : i32
          %parallel_loop3A_156 = arith.extui %parallel_loop3A_155 : i1 to i32
          %parallel_loop3A_157 = arith.subi %parallel_loop3A_153, %parallel_loop3A_156 : i32
          %parallel_loop3A_158 = arith.constant 0 : i32
          %parallel_loop3A_159 = arith.cmpi sgt, %parallel_loop3A_149, %parallel_loop3A_158 : i32
          %parallel_loop3A_160 = arith.extui %parallel_loop3A_159 : i1 to i32
          %parallel_loop3A_161 = arith.constant 0 : i32
          %parallel_loop3A_162 = arith.cmpi slt, %parallel_loop3A_149, %parallel_loop3A_161 : i32
          %parallel_loop3A_163 = arith.extui %parallel_loop3A_162 : i1 to i32
          %parallel_loop3A_164 = arith.subi %parallel_loop3A_160, %parallel_loop3A_163 : i32
          %parallel_loop3A_165 = arith.cmpi ne, %parallel_loop3A_157, %parallel_loop3A_164 : i32
          %parallel_loop3A_166 = arith.remsi %parallel_loop3A_148, %parallel_loop3A_149 : i32
          %parallel_loop3A_167 = arith.constant 0 : i32
          %parallel_loop3A_168 = arith.cmpi ne, %parallel_loop3A_166, %parallel_loop3A_167 : i32
          %parallel_loop3A_169 = arith.andi %parallel_loop3A_165, %parallel_loop3A_168 : i1
          %parallel_loop3A_170 = arith.constant 1 : i32
          %parallel_loop3A_171 = arith.subi %parallel_loop3A_150, %parallel_loop3A_170 : i32
          %parallel_loop3A_172 = arith.select %parallel_loop3A_169, %parallel_loop3A_171, %parallel_loop3A_150 : i32
          %parallel_loop3A_173 = arith.constant 128 : i32
          %parallel_loop3A_174 = arith.constant 0 : i32
          %parallel_loop3A_175 = arith.cmpi eq, %parallel_loop3A_173, %parallel_loop3A_174 : i32
          %parallel_loop3A_176 = arith.constant 1 : i32
          %parallel_loop3A_177 = arith.select %parallel_loop3A_175, %parallel_loop3A_176, %parallel_loop3A_173 : i32
          %parallel_loop3A_178 = arith.remsi %parallel_loop3A_148, %parallel_loop3A_177 : i32
          %parallel_loop3A_179 = arith.constant 0 : i32
          %parallel_loop3A_180 = arith.cmpi ne, %parallel_loop3A_178, %parallel_loop3A_179 : i32
          %parallel_loop3A_181 = arith.constant 0 : i32
          %parallel_loop3A_182 = arith.cmpi slt, %parallel_loop3A_178, %parallel_loop3A_181 : i32
          %parallel_loop3A_183 = arith.constant 0 : i32
          %parallel_loop3A_184 = arith.cmpi slt, %parallel_loop3A_177, %parallel_loop3A_183 : i32
          %parallel_loop3A_185 = arith.xori %parallel_loop3A_182, %parallel_loop3A_184 : i1
          %parallel_loop3A_186 = arith.andi %parallel_loop3A_185, %parallel_loop3A_180 : i1
          %parallel_loop3A_187 = arith.addi %parallel_loop3A_178, %parallel_loop3A_177 : i32
          %parallel_loop3A_188 = arith.select %parallel_loop3A_186, %parallel_loop3A_187, %parallel_loop3A_178 : i32
          %parallel_loop3A_189 = arith.constant 0 : i32
          %parallel_loop3A_190 = arith.constant 0 : i32
          %parallel_loop3A_191 = tpu.memref_slice %arg5[%parallel_loop3A_113, %parallel_loop3A_189, %parallel_loop3A_190] : memref<3x32x128xf32, #tpu.memory_space<vmem>> -> memref<1x32x128xf32, #tpu.memory_space<vmem>>
          %parallel_loop3A_192 = tpu.memref_squeeze %parallel_loop3A_191 : memref<1x32x128xf32, #tpu.memory_space<vmem>> -> memref<32x128xf32, #tpu.memory_space<vmem>>
          %parallel_loop3A_193 = arith.index_cast %parallel_loop3A_172 : i32 to index
          %parallel_loop3A_194 = arith.index_cast %parallel_loop3A_188 : i32 to index
          %parallel_loop3A_195 = tpu.vector_load %parallel_loop3A_192[%parallel_loop3A_193, %parallel_loop3A_194] {strides = array<i32>} : memref<32x128xf32, #tpu.memory_space<vmem>>, vector<16xf32>,
          tpu.vector_store %parallel_loop3A_192[%parallel_loop3A_193, %parallel_loop3A_194], %parallel_loop3A_146 {strides = array<i32>} : memref<32x128xf32, #tpu.memory_space<vmem>>, vector<16xf32>,
          %parallel_loop3A_196 = arith.constant 0 : i32
          %parallel_loop3A_197 = arith.constant 0 : i32
          %parallel_loop3A_198 = tpu.memref_slice %arg4[%parallel_loop3A_112, %parallel_loop3A_196, %parallel_loop3A_197] : memref<3x32x128xf32, #tpu.memory_space<vmem>> -> memref<1x32x128xf32, #tpu.memory_space<vmem>>
          %parallel_loop3A_199 = tpu.memref_squeeze %parallel_loop3A_198 : memref<1x32x128xf32, #tpu.memory_space<vmem>> -> memref<32x128xf32, #tpu.memory_space<vmem>>
          %parallel_loop3A_200 = tpu.vector_load_idx %parallel_loop3A_199[%add3A_6, %parallel_loop3A_139] : memref<32x128xf32, #tpu.memory_space<vmem>>[vector<16xi32>, vector<16xi32>], vector<16xf32>,
          %parallel_loop3A_201 = arith.constant 16 : i32
          %parallel_loop3A_202 = arith.addi %parallel_loop3A_141, %parallel_loop3A_201 : i32
          %parallel_loop3A_203 = arith.constant 128 : i32
          %parallel_loop3A_204 = arith.divsi %parallel_loop3A_202, %parallel_loop3A_203 : i32
          %parallel_loop3A_205 = arith.constant 0 : i32
          %parallel_loop3A_206 = arith.cmpi sgt, %parallel_loop3A_202, %parallel_loop3A_205 : i32
          %parallel_loop3A_207 = arith.extui %parallel_loop3A_206 : i1 to i32
          %parallel_loop3A_208 = arith.constant 0 : i32
          %parallel_loop3A_209 = arith.cmpi slt, %parallel_loop3A_202, %parallel_loop3A_208 : i32
          %parallel_loop3A_210 = arith.extui %parallel_loop3A_209 : i1 to i32
          %parallel_loop3A_211 = arith.subi %parallel_loop3A_207, %parallel_loop3A_210 : i32
          %parallel_loop3A_212 = arith.constant 0 : i32
          %parallel_loop3A_213 = arith.cmpi sgt, %parallel_loop3A_203, %parallel_loop3A_212 : i32
          %parallel_loop3A_214 = arith.extui %parallel_loop3A_213 : i1 to i32
          %parallel_loop3A_215 = arith.constant 0 : i32
          %parallel_loop3A_216 = arith.cmpi slt, %parallel_loop3A_203, %parallel_loop3A_215 : i32
          %parallel_loop3A_217 = arith.extui %parallel_loop3A_216 : i1 to i32
          %parallel_loop3A_218 = arith.subi %parallel_loop3A_214, %parallel_loop3A_217 : i32
          %parallel_loop3A_219 = arith.cmpi ne, %parallel_loop3A_211, %parallel_loop3A_218 : i32
          %parallel_loop3A_220 = arith.remsi %parallel_loop3A_202, %parallel_loop3A_203 : i32
          %parallel_loop3A_221 = arith.constant 0 : i32
          %parallel_loop3A_222 = arith.cmpi ne, %parallel_loop3A_220, %parallel_loop3A_221 : i32
          %parallel_loop3A_223 = arith.andi %parallel_loop3A_219, %parallel_loop3A_222 : i1
          %parallel_loop3A_224 = arith.constant 1 : i32
          %parallel_loop3A_225 = arith.subi %parallel_loop3A_204, %parallel_loop3A_224 : i32
          %parallel_loop3A_226 = arith.select %parallel_loop3A_223, %parallel_loop3A_225, %parallel_loop3A_204 : i32
          %parallel_loop3A_227 = arith.constant 128 : i32
          %parallel_loop3A_228 = arith.constant 0 : i32
          %parallel_loop3A_229 = arith.cmpi eq, %parallel_loop3A_227, %parallel_loop3A_228 : i32
          %parallel_loop3A_230 = arith.constant 1 : i32
          %parallel_loop3A_231 = arith.select %parallel_loop3A_229, %parallel_loop3A_230, %parallel_loop3A_227 : i32
          %parallel_loop3A_232 = arith.remsi %parallel_loop3A_202, %parallel_loop3A_231 : i32
          %parallel_loop3A_233 = arith.constant 0 : i32
          %parallel_loop3A_234 = arith.cmpi ne, %parallel_loop3A_232, %parallel_loop3A_233 : i32
          %parallel_loop3A_235 = arith.constant 0 : i32
          %parallel_loop3A_236 = arith.cmpi slt, %parallel_loop3A_232, %parallel_loop3A_235 : i32
          %parallel_loop3A_237 = arith.constant 0 : i32
          %parallel_loop3A_238 = arith.cmpi slt, %parallel_loop3A_231, %parallel_loop3A_237 : i32
          %parallel_loop3A_239 = arith.xori %parallel_loop3A_236, %parallel_loop3A_238 : i1
          %parallel_loop3A_240 = arith.andi %parallel_loop3A_239, %parallel_loop3A_234 : i1
          %parallel_loop3A_241 = arith.addi %parallel_loop3A_232, %parallel_loop3A_231 : i32
          %parallel_loop3A_242 = arith.select %parallel_loop3A_240, %parallel_loop3A_241, %parallel_loop3A_232 : i32
          %parallel_loop3A_243 = arith.constant 0 : i32
          %parallel_loop3A_244 = arith.constant 0 : i32
          %parallel_loop3A_245 = tpu.memref_slice %arg5[%parallel_loop3A_113, %parallel_loop3A_243, %parallel_loop3A_244] : memref<3x32x128xf32, #tpu.memory_space<vmem>> -> memref<1x32x128xf32, #tpu.memory_space<vmem>>
          %parallel_loop3A_246 = tpu.memref_squeeze %parallel_loop3A_245 : memref<1x32x128xf32, #tpu.memory_space<vmem>> -> memref<32x128xf32, #tpu.memory_space<vmem>>
          %parallel_loop3A_247 = arith.index_cast %parallel_loop3A_226 : i32 to index
          %parallel_loop3A_248 = arith.index_cast %parallel_loop3A_242 : i32 to index
          %parallel_loop3A_249 = tpu.vector_load %parallel_loop3A_246[%parallel_loop3A_247, %parallel_loop3A_248] {strides = array<i32>} : memref<32x128xf32, #tpu.memory_space<vmem>>, vector<16xf32>,
          tpu.vector_store %parallel_loop3A_246[%parallel_loop3A_247, %parallel_loop3A_248], %parallel_loop3A_200 {strides = array<i32>} : memref<32x128xf32, #tpu.memory_space<vmem>>, vector<16xf32>,
        } {sc.loop_unroll_factor = 8 : i64, sc.parallel_access}
        %mul3A_114 = arith.constant 32 : i32
        %mul3A_115 = arith.muli %add3A_86, %mul3A_114 : i32
        %dma_start3A = arith.constant 2 : i32
        %dma_start3A_116 = arith.constant 0 : i32
        %dma_start3A_117 = arith.constant 0 : i32
        %dma_start3A_118 = tpu.memref_slice %arg5[%dma_start3A, %dma_start3A_116, %dma_start3A_117] : memref<3x32x128xf32, #tpu.memory_space<vmem>> -> memref<1x32x128xf32, #tpu.memory_space<vmem>>
        %dma_start3A_119 = tpu.memref_squeeze %dma_start3A_118 : memref<1x32x128xf32, #tpu.memory_space<vmem>> -> memref<32x128xf32, #tpu.memory_space<vmem>>
        %dma_start3A_120 = arith.constant 0 : i32
        %dma_start3A_121 = tpu.memref_slice %arg3[%mul3A_115, %dma_start3A_120] : memref<250000x128xf32, #tpu.memory_space<hbm>> -> memref<32x128xf32, #tpu.memory_space<hbm>>
        %dma_start3A_122 = arith.constant 0 : i32
        %dma_start3A_123 = tpu.memref_slice %arg3[%mul3A_115, %dma_start3A_122] : memref<250000x128xf32, #tpu.memory_space<hbm>> -> memref<32x128xf32, #tpu.memory_space<hbm>>
        %dma_start3A_124 = arith.constant 0 : i32
        %dma_start3A_125 = arith.constant 0 : i32
        %dma_start3A_126 = tpu.memref_slice %arg5[%dma_start3A, %dma_start3A_124, %dma_start3A_125] : memref<3x32x128xf32, #tpu.memory_space<vmem>> -> memref<1x32x128xf32, #tpu.memory_space<vmem>>
        %dma_start3A_127 = tpu.memref_squeeze %dma_start3A_126 : memref<1x32x128xf32, #tpu.memory_space<vmem>> -> memref<32x128xf32, #tpu.memory_space<vmem>>
        tpu.enqueue_dma source(%dma_start3A_127 : memref<32x128xf32, #tpu.memory_space<vmem>>) target(%dma_start3A_123 : memref<32x128xf32, #tpu.memory_space<hbm>>) target_semaphore(%arg13 : memref<!tpu.dma_semaphore, #tpu.memory_space<semaphore_mem>>)
        %add3A_128 = arith.constant 96 : i32
        %add3A_129 = arith.addi %add3A_86, %add3A_128 : i32
        %lt3A_130 = arith.constant 7812 : i32
        %lt3A_131 = arith.cmpi slt, %add3A_129, %lt3A_130 : i32
        %convert_element_type3A_132 = arith.extui %lt3A_131 : i1 to i32
        %cond3A_133 = arith.constant 0 : i32
        %cond3A_134 = arith.cmpi ne, %convert_element_type3A_132, %cond3A_133 : i32
        scf.if %cond3A_134 {
          %mul3A_135 = arith.constant 128 : i32
          %mul3A_136 = arith.muli %add3A_129, %mul3A_135 : i32
          %dma_start3A_137 = arith.constant 2 : i32
          %dma_start3A_138 = arith.constant 0 : i32
          %dma_start3A_139 = arith.constant 0 : i32
          %dma_start3A_140 = tpu.memref_slice %arg4[%dma_start3A_137, %dma_start3A_138, %dma_start3A_139] : memref<3x32x128xf32, #tpu.memory_space<vmem>> -> memref<1x32x128xf32, #tpu.memory_space<vmem>>
          %dma_start3A_141 = tpu.memref_squeeze %dma_start3A_140 : memref<1x32x128xf32, #tpu.memory_space<vmem>> -> memref<32x128xf32, #tpu.memory_space<vmem>>
          %dma_start3A_142 = arith.constant 0 : i32
          %dma_start3A_143 = tpu.memref_slice %arg2[%dma_start3A_142, %mul3A_136] : memref<32x1000000xf32, #tpu.memory_space<hbm>> -> memref<32x128xf32, #tpu.memory_space<hbm>>
          %dma_start3A_144 = arith.constant 0 : i32
          %dma_start3A_145 = arith.constant 0 : i32
          %dma_start3A_146 = tpu.memref_slice %arg4[%dma_start3A_137, %dma_start3A_144, %dma_start3A_145] : memref<3x32x128xf32, #tpu.memory_space<vmem>> -> memref<1x32x128xf32, #tpu.memory_space<vmem>>
          %dma_start3A_147 = tpu.memref_squeeze %dma_start3A_146 : memref<1x32x128xf32, #tpu.memory_space<vmem>> -> memref<32x128xf32, #tpu.memory_space<vmem>>
          %dma_start3A_148 = arith.constant 0 : i32
          %dma_start3A_149 = tpu.memref_slice %arg2[%dma_start3A_148, %mul3A_136] : memref<32x1000000xf32, #tpu.memory_space<hbm>> -> memref<32x128xf32, #tpu.memory_space<hbm>>
          tpu.enqueue_dma source(%dma_start3A_149 : memref<32x128xf32, #tpu.memory_space<hbm>>) target(%dma_start3A_147 : memref<32x128xf32, #tpu.memory_space<vmem>>) target_semaphore(%arg10 : memref<!tpu.dma_semaphore, #tpu.memory_space<semaphore_mem>>)
        } else {
        }
      } else {
      }
    }
    %scan3A_29 = arith.constant 82 : i32
    %add3A_30 = arith.constant 0 : i32
    %add3A_31 = arith.addi %add3A_30, %add3A : i32
    %lt3A_32 = arith.constant 7812 : i32
    %lt3A_33 = arith.cmpi slt, %add3A_31, %lt3A_32 : i32
    %convert_element_type3A_34 = arith.extui %lt3A_33 : i1 to i32
    %cond3A_35 = arith.constant 0 : i32
    %cond3A_36 = arith.cmpi ne, %convert_element_type3A_34, %cond3A_35 : i32
    scf.if %cond3A_36 {
      %dma_wait3A = arith.constant 0 : i32
      %dma_wait3A_55 = arith.constant 0 : i32
      %dma_wait3A_56 = arith.constant 0 : i32
      %dma_wait3A_57 = tpu.memref_slice %arg5[%dma_wait3A, %dma_wait3A_55, %dma_wait3A_56] : memref<3x32x128xf32, #tpu.memory_space<vmem>> -> memref<1x32x128xf32, #tpu.memory_space<vmem>>
      %dma_wait3A_58 = tpu.memref_squeeze %dma_wait3A_57 : memref<1x32x128xf32, #tpu.memory_space<vmem>> -> memref<32x128xf32, #tpu.memory_space<vmem>>
      %dma_wait3A_59 = arith.constant 0 : i32
      %dma_wait3A_60 = arith.constant 0 : i32
      %dma_wait3A_61 = tpu.memref_slice %arg3[%dma_wait3A_59, %dma_wait3A_60] : memref<250000x128xf32, #tpu.memory_space<hbm>> -> memref<32x128xf32, #tpu.memory_space<hbm>>
      %dma_wait3A_62 = arith.constant 0 : i32
      %dma_wait3A_63 = arith.constant 0 : i32
      %dma_wait3A_64 = tpu.memref_slice %arg3[%dma_wait3A_62, %dma_wait3A_63] : memref<250000x128xf32, #tpu.memory_space<hbm>> -> memref<32x128xf32, #tpu.memory_space<hbm>>
      %dma_wait3A_65 = arith.constant 0 : i32
      %dma_wait3A_66 = arith.constant 0 : i32
      %dma_wait3A_67 = tpu.memref_slice %arg5[%dma_wait3A, %dma_wait3A_65, %dma_wait3A_66] : memref<3x32x128xf32, #tpu.memory_space<vmem>> -> memref<1x32x128xf32, #tpu.memory_space<vmem>>
      %dma_wait3A_68 = tpu.memref_squeeze %dma_wait3A_67 : memref<1x32x128xf32, #tpu.memory_space<vmem>> -> memref<32x128xf32, #tpu.memory_space<vmem>>
      tpu.wait_dma2 semaphore(%arg11 : memref<!tpu.dma_semaphore, #tpu.memory_space<semaphore_mem>>) src(%dma_wait3A_68 : memref<32x128xf32, #tpu.memory_space<vmem>>) dst(%dma_wait3A_64 : memref<32x128xf32, #tpu.memory_space<hbm>>)
    } else {
    }
    %add3A_37 = arith.constant 32 : i32
    %add3A_38 = arith.addi %add3A_37, %add3A : i32
    %lt3A_39 = arith.constant 7812 : i32
    %lt3A_40 = arith.cmpi slt, %add3A_38, %lt3A_39 : i32
    %convert_element_type3A_41 = arith.extui %lt3A_40 : i1 to i32
    %cond3A_42 = arith.constant 0 : i32
    %cond3A_43 = arith.cmpi ne, %convert_element_type3A_41, %cond3A_42 : i32
    scf.if %cond3A_43 {
      %dma_wait3A = arith.constant 1 : i32
      %dma_wait3A_55 = arith.constant 0 : i32
      %dma_wait3A_56 = arith.constant 0 : i32
      %dma_wait3A_57 = tpu.memref_slice %arg5[%dma_wait3A, %dma_wait3A_55, %dma_wait3A_56] : memref<3x32x128xf32, #tpu.memory_space<vmem>> -> memref<1x32x128xf32, #tpu.memory_space<vmem>>
      %dma_wait3A_58 = tpu.memref_squeeze %dma_wait3A_57 : memref<1x32x128xf32, #tpu.memory_space<vmem>> -> memref<32x128xf32, #tpu.memory_space<vmem>>
      %dma_wait3A_59 = arith.constant 0 : i32
      %dma_wait3A_60 = arith.constant 0 : i32
      %dma_wait3A_61 = tpu.memref_slice %arg3[%dma_wait3A_59, %dma_wait3A_60] : memref<250000x128xf32, #tpu.memory_space<hbm>> -> memref<32x128xf32, #tpu.memory_space<hbm>>
      %dma_wait3A_62 = arith.constant 0 : i32
      %dma_wait3A_63 = arith.constant 0 : i32
      %dma_wait3A_64 = tpu.memref_slice %arg3[%dma_wait3A_62, %dma_wait3A_63] : memref<250000x128xf32, #tpu.memory_space<hbm>> -> memref<32x128xf32, #tpu.memory_space<hbm>>
      %dma_wait3A_65 = arith.constant 0 : i32
      %dma_wait3A_66 = arith.constant 0 : i32
      %dma_wait3A_67 = tpu.memref_slice %arg5[%dma_wait3A, %dma_wait3A_65, %dma_wait3A_66] : memref<3x32x128xf32, #tpu.memory_space<vmem>> -> memref<1x32x128xf32, #tpu.memory_space<vmem>>
      %dma_wait3A_68 = tpu.memref_squeeze %dma_wait3A_67 : memref<1x32x128xf32, #tpu.memory_space<vmem>> -> memref<32x128xf32, #tpu.memory_space<vmem>>
      tpu.wait_dma2 semaphore(%arg12 : memref<!tpu.dma_semaphore, #tpu.memory_space<semaphore_mem>>) src(%dma_wait3A_68 : memref<32x128xf32, #tpu.memory_space<vmem>>) dst(%dma_wait3A_64 : memref<32x128xf32, #tpu.memory_space<hbm>>)
    } else {
    }
    %add3A_44 = arith.constant 64 : i32
    %add3A_45 = arith.addi %add3A_44, %add3A : i32
    %lt3A_46 = arith.constant 7812 : i32
    %lt3A_47 = arith.cmpi slt, %add3A_45, %lt3A_46 : i32
    %convert_element_type3A_48 = arith.extui %lt3A_47 : i1 to i32
    %cond3A_49 = arith.constant 0 : i32
    %cond3A_50 = arith.cmpi ne, %convert_element_type3A_48, %cond3A_49 : i32
    scf.if %cond3A_50 {
      %dma_wait3A = arith.constant 2 : i32
      %dma_wait3A_55 = arith.constant 0 : i32
      %dma_wait3A_56 = arith.constant 0 : i32
      %dma_wait3A_57 = tpu.memref_slice %arg5[%dma_wait3A, %dma_wait3A_55, %dma_wait3A_56] : memref<3x32x128xf32, #tpu.memory_space<vmem>> -> memref<1x32x128xf32, #tpu.memory_space<vmem>>
      %dma_wait3A_58 = tpu.memref_squeeze %dma_wait3A_57 : memref<1x32x128xf32, #tpu.memory_space<vmem>> -> memref<32x128xf32, #tpu.memory_space<vmem>>
      %dma_wait3A_59 = arith.constant 0 : i32
      %dma_wait3A_60 = arith.constant 0 : i32
      %dma_wait3A_61 = tpu.memref_slice %arg3[%dma_wait3A_59, %dma_wait3A_60] : memref<250000x128xf32, #tpu.memory_space<hbm>> -> memref<32x128xf32, #tpu.memory_space<hbm>>
      %dma_wait3A_62 = arith.constant 0 : i32
      %dma_wait3A_63 = arith.constant 0 : i32
      %dma_wait3A_64 = tpu.memref_slice %arg3[%dma_wait3A_62, %dma_wait3A_63] : memref<250000x128xf32, #tpu.memory_space<hbm>> -> memref<32x128xf32, #tpu.memory_space<hbm>>
      %dma_wait3A_65 = arith.constant 0 : i32
      %dma_wait3A_66 = arith.constant 0 : i32
      %dma_wait3A_67 = tpu.memref_slice %arg5[%dma_wait3A, %dma_wait3A_65, %dma_wait3A_66] : memref<3x32x128xf32, #tpu.memory_space<vmem>> -> memref<1x32x128xf32, #tpu.memory_space<vmem>>
      %dma_wait3A_68 = tpu.memref_squeeze %dma_wait3A_67 : memref<1x32x128xf32, #tpu.memory_space<vmem>> -> memref<32x128xf32, #tpu.memory_space<vmem>>
      tpu.wait_dma2 semaphore(%arg13 : memref<!tpu.dma_semaphore, #tpu.memory_space<semaphore_mem>>) src(%dma_wait3A_68 : memref<32x128xf32, #tpu.memory_space<vmem>>) dst(%dma_wait3A_64 : memref<32x128xf32, #tpu.memory_space<hbm>>)
    } else {
    }
    %eq3A = arith.constant 31 : i32
    %eq3A_51 = arith.cmpi eq, %add3A, %eq3A : i32
    %convert_element_type3A_52 = arith.extui %eq3A_51 : i1 to i32
    %cond3A_53 = arith.constant 0 : i32
    %cond3A_54 = arith.cmpi ne, %convert_element_type3A_52, %cond3A_53 : i32
    scf.if %cond3A_54 {
      "tpu.region"() ({
        %run_scoped3A = tpu.sem_alloc : memref<!tpu.dma_semaphore, #tpu.memory_space<semaphore_mem>>
        %dma_start3A = arith.constant 0 : i32
        %dma_start3A_57 = arith.constant 999936 : i32
        %dma_start3A_58 = tpu.memref_slice %arg2[%dma_start3A, %dma_start3A_57] : memref<32x1000000xf32, #tpu.memory_space<hbm>> -> memref<32x64xf32, #tpu.memory_space<hbm>>
        %dma_start3A_59 = arith.constant 0 : i32
        %dma_start3A_60 = arith.constant 999936 : i32
        %dma_start3A_61 = tpu.memref_slice %arg2[%dma_start3A_59, %dma_start3A_60] : memref<32x1000000xf32, #tpu.memory_space<hbm>> -> memref<32x64xf32, #tpu.memory_space<hbm>>
        tpu.enqueue_dma source(%dma_start3A_61 : memref<32x64xf32, #tpu.memory_space<hbm>>) target(%arg6 : memref<32x64xf32, #tpu.memory_space<vmem>>) target_semaphore(%run_scoped3A : memref<!tpu.dma_semaphore, #tpu.memory_space<semaphore_mem>>)
        %dma_wait3A = arith.constant 0 : i32
        %dma_wait3A_62 = arith.constant 999936 : i32
        %dma_wait3A_63 = tpu.memref_slice %arg2[%dma_wait3A, %dma_wait3A_62] : memref<32x1000000xf32, #tpu.memory_space<hbm>> -> memref<32x64xf32, #tpu.memory_space<hbm>>
        %dma_wait3A_64 = arith.constant 0 : i32
        %dma_wait3A_65 = arith.constant 999936 : i32
        %dma_wait3A_66 = tpu.memref_slice %arg2[%dma_wait3A_64, %dma_wait3A_65] : memref<32x1000000xf32, #tpu.memory_space<hbm>> -> memref<32x64xf32, #tpu.memory_space<hbm>>
        tpu.wait_dma2 semaphore(%run_scoped3A : memref<!tpu.dma_semaphore, #tpu.memory_space<semaphore_mem>>) src(%dma_wait3A_66 : memref<32x64xf32, #tpu.memory_space<hbm>>) dst(%arg6 : memref<32x64xf32, #tpu.memory_space<vmem>>)
        tpu.yield
      }) : () -> ()
      %parallel_loop3A = arith.constant 0 : i32
      %parallel_loop3A_55 = arith.constant 64 : i32
      %parallel_loop3A_56 = arith.constant 1 : i32
      scf.for %parallel_loop3A_57 = %parallel_loop3A to %parallel_loop3A_55 step %parallel_loop3A_56  : i32 {
        %parallel_loop3A_58 = arith.constant 0 : i32
        %parallel_loop3A_59 = vector.broadcast %parallel_loop3A_58 : i32 to vector<16xi32>
        %parallel_loop3A_60 = vector.broadcast %parallel_loop3A_57 : i32 to vector<16xi32>
        %parallel_loop3A_61 = arith.addi %parallel_loop3A_59, %parallel_loop3A_60 : vector<16xi32>
        %parallel_loop3A_62 = arith.constant 32 : i32
        %parallel_loop3A_63 = arith.muli %parallel_loop3A_57, %parallel_loop3A_62 : i32
        %parallel_loop3A_64 = tpu.vector_load_idx %arg6[%add3A_3, %parallel_loop3A_61] : memref<32x64xf32, #tpu.memory_space<vmem>>[vector<16xi32>, vector<16xi32>], vector<16xf32>,
        %parallel_loop3A_65 = arith.constant 0 : i32
        %parallel_loop3A_66 = arith.addi %parallel_loop3A_63, %parallel_loop3A_65 : i32
        %parallel_loop3A_67 = arith.constant 128 : i32
        %parallel_loop3A_68 = arith.divsi %parallel_loop3A_66, %parallel_loop3A_67 : i32
        %parallel_loop3A_69 = arith.constant 0 : i32
        %parallel_loop3A_70 = arith.cmpi sgt, %parallel_loop3A_66, %parallel_loop3A_69 : i32
        %parallel_loop3A_71 = arith.extui %parallel_loop3A_70 : i1 to i32
        %parallel_loop3A_72 = arith.constant 0 : i32
        %parallel_loop3A_73 = arith.cmpi slt, %parallel_loop3A_66, %parallel_loop3A_72 : i32
        %parallel_loop3A_74 = arith.extui %parallel_loop3A_73 : i1 to i32
        %parallel_loop3A_75 = arith.subi %parallel_loop3A_71, %parallel_loop3A_74 : i32
        %parallel_loop3A_76 = arith.constant 0 : i32
        %parallel_loop3A_77 = arith.cmpi sgt, %parallel_loop3A_67, %parallel_loop3A_76 : i32
        %parallel_loop3A_78 = arith.extui %parallel_loop3A_77 : i1 to i32
        %parallel_loop3A_79 = arith.constant 0 : i32
        %parallel_loop3A_80 = arith.cmpi slt, %parallel_loop3A_67, %parallel_loop3A_79 : i32
        %parallel_loop3A_81 = arith.extui %parallel_loop3A_80 : i1 to i32
        %parallel_loop3A_82 = arith.subi %parallel_loop3A_78, %parallel_loop3A_81 : i32
        %parallel_loop3A_83 = arith.cmpi ne, %parallel_loop3A_75, %parallel_loop3A_82 : i32
        %parallel_loop3A_84 = arith.remsi %parallel_loop3A_66, %parallel_loop3A_67 : i32
        %parallel_loop3A_85 = arith.constant 0 : i32
        %parallel_loop3A_86 = arith.cmpi ne, %parallel_loop3A_84, %parallel_loop3A_85 : i32
        %parallel_loop3A_87 = arith.andi %parallel_loop3A_83, %parallel_loop3A_86 : i1
        %parallel_loop3A_88 = arith.constant 1 : i32
        %parallel_loop3A_89 = arith.subi %parallel_loop3A_68, %parallel_loop3A_88 : i32
        %parallel_loop3A_90 = arith.select %parallel_loop3A_87, %parallel_loop3A_89, %parallel_loop3A_68 : i32
        %parallel_loop3A_91 = arith.constant 128 : i32
        %parallel_loop3A_92 = arith.constant 0 : i32
        %parallel_loop3A_93 = arith.cmpi eq, %parallel_loop3A_91, %parallel_loop3A_92 : i32
        %parallel_loop3A_94 = arith.constant 1 : i32
        %parallel_loop3A_95 = arith.select %parallel_loop3A_93, %parallel_loop3A_94, %parallel_loop3A_91 : i32
        %parallel_loop3A_96 = arith.remsi %parallel_loop3A_66, %parallel_loop3A_95 : i32
        %parallel_loop3A_97 = arith.constant 0 : i32
        %parallel_loop3A_98 = arith.cmpi ne, %parallel_loop3A_96, %parallel_loop3A_97 : i32
        %parallel_loop3A_99 = arith.constant 0 : i32
        %parallel_loop3A_100 = arith.cmpi slt, %parallel_loop3A_96, %parallel_loop3A_99 : i32
        %parallel_loop3A_101 = arith.constant 0 : i32
        %parallel_loop3A_102 = arith.cmpi slt, %parallel_loop3A_95, %parallel_loop3A_101 : i32
        %parallel_loop3A_103 = arith.xori %parallel_loop3A_100, %parallel_loop3A_102 : i1
        %parallel_loop3A_104 = arith.andi %parallel_loop3A_103, %parallel_loop3A_98 : i1
        %parallel_loop3A_105 = arith.addi %parallel_loop3A_96, %parallel_loop3A_95 : i32
        %parallel_loop3A_106 = arith.select %parallel_loop3A_104, %parallel_loop3A_105, %parallel_loop3A_96 : i32
        %parallel_loop3A_107 = arith.index_cast %parallel_loop3A_90 : i32 to index
        %parallel_loop3A_108 = arith.index_cast %parallel_loop3A_106 : i32 to index
        %parallel_loop3A_109 = tpu.vector_load %arg7[%parallel_loop3A_107, %parallel_loop3A_108] {strides = array<i32>} : memref<16x128xf32, #tpu.memory_space<vmem>>, vector<16xf32>,
        tpu.vector_store %arg7[%parallel_loop3A_107, %parallel_loop3A_108], %parallel_loop3A_64 {strides = array<i32>} : memref<16x128xf32, #tpu.memory_space<vmem>>, vector<16xf32>,
        %parallel_loop3A_110 = tpu.vector_load_idx %arg6[%add3A_6, %parallel_loop3A_61] : memref<32x64xf32, #tpu.memory_space<vmem>>[vector<16xi32>, vector<16xi32>], vector<16xf32>,
        %parallel_loop3A_111 = arith.constant 16 : i32
        %parallel_loop3A_112 = arith.addi %parallel_loop3A_63, %parallel_loop3A_111 : i32
        %parallel_loop3A_113 = arith.constant 128 : i32
        %parallel_loop3A_114 = arith.divsi %parallel_loop3A_112, %parallel_loop3A_113 : i32
        %parallel_loop3A_115 = arith.constant 0 : i32
        %parallel_loop3A_116 = arith.cmpi sgt, %parallel_loop3A_112, %parallel_loop3A_115 : i32
        %parallel_loop3A_117 = arith.extui %parallel_loop3A_116 : i1 to i32
        %parallel_loop3A_118 = arith.constant 0 : i32
        %parallel_loop3A_119 = arith.cmpi slt, %parallel_loop3A_112, %parallel_loop3A_118 : i32
        %parallel_loop3A_120 = arith.extui %parallel_loop3A_119 : i1 to i32
        %parallel_loop3A_121 = arith.subi %parallel_loop3A_117, %parallel_loop3A_120 : i32
        %parallel_loop3A_122 = arith.constant 0 : i32
        %parallel_loop3A_123 = arith.cmpi sgt, %parallel_loop3A_113, %parallel_loop3A_122 : i32
        %parallel_loop3A_124 = arith.extui %parallel_loop3A_123 : i1 to i32
        %parallel_loop3A_125 = arith.constant 0 : i32
        %parallel_loop3A_126 = arith.cmpi slt, %parallel_loop3A_113, %parallel_loop3A_125 : i32
        %parallel_loop3A_127 = arith.extui %parallel_loop3A_126 : i1 to i32
        %parallel_loop3A_128 = arith.subi %parallel_loop3A_124, %parallel_loop3A_127 : i32
        %parallel_loop3A_129 = arith.cmpi ne, %parallel_loop3A_121, %parallel_loop3A_128 : i32
        %parallel_loop3A_130 = arith.remsi %parallel_loop3A_112, %parallel_loop3A_113 : i32
        %parallel_loop3A_131 = arith.constant 0 : i32
        %parallel_loop3A_132 = arith.cmpi ne, %parallel_loop3A_130, %parallel_loop3A_131 : i32
        %parallel_loop3A_133 = arith.andi %parallel_loop3A_129, %parallel_loop3A_132 : i1
        %parallel_loop3A_134 = arith.constant 1 : i32
        %parallel_loop3A_135 = arith.subi %parallel_loop3A_114, %parallel_loop3A_134 : i32
        %parallel_loop3A_136 = arith.select %parallel_loop3A_133, %parallel_loop3A_135, %parallel_loop3A_114 : i32
        %parallel_loop3A_137 = arith.constant 128 : i32
        %parallel_loop3A_138 = arith.constant 0 : i32
        %parallel_loop3A_139 = arith.cmpi eq, %parallel_loop3A_137, %parallel_loop3A_138 : i32
        %parallel_loop3A_140 = arith.constant 1 : i32
        %parallel_loop3A_141 = arith.select %parallel_loop3A_139, %parallel_loop3A_140, %parallel_loop3A_137 : i32
        %parallel_loop3A_142 = arith.remsi %parallel_loop3A_112, %parallel_loop3A_141 : i32
        %parallel_loop3A_143 = arith.constant 0 : i32
        %parallel_loop3A_144 = arith.cmpi ne, %parallel_loop3A_142, %parallel_loop3A_143 : i32
        %parallel_loop3A_145 = arith.constant 0 : i32
        %parallel_loop3A_146 = arith.cmpi slt, %parallel_loop3A_142, %parallel_loop3A_145 : i32
        %parallel_loop3A_147 = arith.constant 0 : i32
        %parallel_loop3A_148 = arith.cmpi slt, %parallel_loop3A_141, %parallel_loop3A_147 : i32
        %parallel_loop3A_149 = arith.xori %parallel_loop3A_146, %parallel_loop3A_148 : i1
        %parallel_loop3A_150 = arith.andi %parallel_loop3A_149, %parallel_loop3A_144 : i1
        %parallel_loop3A_151 = arith.addi %parallel_loop3A_142, %parallel_loop3A_141 : i32
        %parallel_loop3A_152 = arith.select %parallel_loop3A_150, %parallel_loop3A_151, %parallel_loop3A_142 : i32
        %parallel_loop3A_153 = arith.index_cast %parallel_loop3A_136 : i32 to index
        %parallel_loop3A_154 = arith.index_cast %parallel_loop3A_152 : i32 to index
        %parallel_loop3A_155 = tpu.vector_load %arg7[%parallel_loop3A_153, %parallel_loop3A_154] {strides = array<i32>} : memref<16x128xf32, #tpu.memory_space<vmem>>, vector<16xf32>,
        tpu.vector_store %arg7[%parallel_loop3A_153, %parallel_loop3A_154], %parallel_loop3A_110 {strides = array<i32>} : memref<16x128xf32, #tpu.memory_space<vmem>>, vector<16xf32>,
      } {sc.loop_unroll_factor = 8 : i64, sc.parallel_access}
      "tpu.region"() ({
        %run_scoped3A = tpu.sem_alloc : memref<!tpu.dma_semaphore, #tpu.memory_space<semaphore_mem>>
        %dma_start3A = arith.constant 249984 : i32
        %dma_start3A_57 = arith.constant 0 : i32
        %dma_start3A_58 = tpu.memref_slice %arg3[%dma_start3A, %dma_start3A_57] : memref<250000x128xf32, #tpu.memory_space<hbm>> -> memref<16x128xf32, #tpu.memory_space<hbm>>
        %dma_start3A_59 = arith.constant 249984 : i32
        %dma_start3A_60 = arith.constant 0 : i32
        %dma_start3A_61 = tpu.memref_slice %arg3[%dma_start3A_59, %dma_start3A_60] : memref<250000x128xf32, #tpu.memory_space<hbm>> -> memref<16x128xf32, #tpu.memory_space<hbm>>
        tpu.enqueue_dma source(%arg7 : memref<16x128xf32, #tpu.memory_space<vmem>>) target(%dma_start3A_61 : memref<16x128xf32, #tpu.memory_space<hbm>>) target_semaphore(%run_scoped3A : memref<!tpu.dma_semaphore, #tpu.memory_space<semaphore_mem>>)
        %dma_wait3A = arith.constant 249984 : i32
        %dma_wait3A_62 = arith.constant 0 : i32
        %dma_wait3A_63 = tpu.memref_slice %arg3[%dma_wait3A, %dma_wait3A_62] : memref<250000x128xf32, #tpu.memory_space<hbm>> -> memref<16x128xf32, #tpu.memory_space<hbm>>
        %dma_wait3A_64 = arith.constant 249984 : i32
        %dma_wait3A_65 = arith.constant 0 : i32
        %dma_wait3A_66 = tpu.memref_slice %arg3[%dma_wait3A_64, %dma_wait3A_65] : memref<250000x128xf32, #tpu.memory_space<hbm>> -> memref<16x128xf32, #tpu.memory_space<hbm>>
        tpu.wait_dma2 semaphore(%run_scoped3A : memref<!tpu.dma_semaphore, #tpu.memory_space<semaphore_mem>>) src(%arg7 : memref<16x128xf32, #tpu.memory_space<vmem>>) dst(%dma_wait3A_66 : memref<16x128xf32, #tpu.memory_space<hbm>>)
        tpu.yield
      }) : () -> ()
    } else {
    }
    return
  }
}

</mosaic_0001>

<sc_bundles>
// kernel: kernel.4.cloned.1.call-start
scs
__scs_entry_jumppad:
0x0: {  	(pc) =	sbr.rel $0x88, $3  }
0x1: {  	(tag) =	ssettag $0x0;
	lr =	simm.s32 $0x1  }
0x2: {  	[smem:$0x3F9F] =	sst lr;
	_ =	strace $0xD0000000  }
0x3: {  	_ = 	snop  }
0x4: {  	_ = 	snop  }
0x5: {  	_ = 	snop  }
0x6: {  	_ = 	snop  }
0x7: {  	_ = 	snop  }
__scs_overlays_trampoline_lowered:
0x8: {  	[smem:$0x3FAE] =	sst s0  }
0x9: {  	[smem:$0x3FAF] =	sst s1  }
0xa: {  	[smem:$0x3FB0] =	sst s2  }
0xb: {  	[smem:$0x3FB1] =	sst s3  }
0xc: {  	[smem:$0x3FB2] =	sst s4  }
0xd: {  	[smem:$0x3FB3] =	sst s5  }
0xe: {  	[smem:$0x3FB4] =	sst s6  }
0xf: {  	[smem:$0x3FB5] =	sst s7  }
0x10: {  	[smem:$0x3FB6] =	sst s8  }
0x11: {  	[smem:$0x3FB7] =	sst s9;
	s0 =	simm.s32 @!p0 $0x0  }
0x12: {  	s1 =	sld [smem:$0x3F9D];
	s0 =	simm.s32 @p0 $0x1  }
0x13: {  	[smem:$0x3FB8] =	sst s0;
	s0 =	simm.s32 @!p1 $0x0  }
0x14: {  	s2 =	sld [smem:$0x3F9C];
	s0 =	simm.s32 @p1 $0x1  }
0x15: {  	[smem:$0x3FB9] =	sst s0;
	s0 =	simm.s32 @!p2 $0x0  }
0x16: {  	s3 =	sld [smem:$0x3FDB];
	s0 =	simm.s32 @p2 $0x1  }
0x17: {  	s4 =	simm.s32 $0x1BF5;
	[smem:$0x3FBB] =	sst s0  }
0x18: {  	s0 =	sld [smem:$0x3F9E];
	_ =	swait.ge [sflag:s4], $0x0  }
0x19: {  	s7 =	sld [smem:$0x3F9F]  }
0x1a: {  	s8 =	sadd.s32 $0xFFFFE003, lr  }
0x1b: {  	s9 =	sadd.s32 $0xFFFFFEF7, lr;
	s5 =	simm.s32 $0xFFFFFFFF;
	p2 =	slt.u32 s8, $0xFFFFF086  }
0x1c: {  	p1 =	slt.u32 s9, $0xF7A;
	s5 =	simm.s32 @!p2 $0x0  }
0x1d: {  	s5 =	simm.s32 @p1 $0x1;
	p0 =	seq.s32 s7, s2  }
0x1e: {  	s7 =	smul.u32 @!p0 $0xF7A, s2;
	p2 =	seq.s32 @!p0 s5, $0x0  }
0x1f: {  	s9 =	smul.u32 $0xF7A, s1;
	s8 =	simm.s32 @!p0 $0x1BF5;
	p2 =	por !p2, p0  }
0x20: {  	[sflag:s8] =	ssyncset.s32 @!p0 $0xFFFFF086;
	s6 =	sadd.s32 @!p0 s3, s7;
	s7 =	simm.s32 @!p0 $0x108  }
0x21: {  	s3 =	sadd.s32 s3, s9;
	s6 =	sadd.s32 @!p0 $0x88, s6;
	s7 =	simm.s32 @p2 $0x1082  }
0x22: {  	[simem:s7], [sflag:s8] =	dma.local @!p0 [hbm:s6], $0xF7A  }
0x23: {  	s9 =	sor.u32 $0xD0000000, s2;
	s6 =	simm.s32 $0x108;
	_ =	swait.ge @!p0 [sflag:s8], $0x0  }
0x24: {  	s3 =	sadd.s32 $0x88, s3;
	s6 =	simm.s32 @!p1 $0x1082;
	[sflag:s4] =	ssyncset.s32 $0xFFFFF086  }
0x25: {  	[simem:s6], [sflag:s4] =	dma.local [hbm:s3], $0xF7A  }
0x26: {  	[smem:$0x3F9F] =	sst s1;
	(tag) =	ssettag s2;
	_ =	strace s9  }
0x27: {  	s1 =	sld [smem:$0x3FAF]  }
0x28: {  	s2 =	sld [smem:$0x3FB0]  }
0x29: {  	s4 =	sld [smem:$0x3FB2]  }
0x2a: {  	p0 =	seq.s32 s5, $0x0;
	s5 =	sld [smem:$0x3FB3]  }
0x2b: {  	s6 =	sld [smem:$0x3FB4]  }
0x2c: {  	s7 =	sld [smem:$0x3FB5]  }
0x2d: {  	s3 =	simm.s32 $0x108;
	s8 =	sld [smem:$0x3FB6]  }
0x2e: {  	s3 =	simm.s32 @!p0 $0x1082;
	s9 =	sld [smem:$0x3FB7]  }
0x2f: {  	lr =	sadd.s32 s0, s3;
	s0 =	sld [smem:$0x3FAE]  }
0x30: {  	s3 =	sld [smem:$0x3FB1]  }
0x31: {  	[smem:$0x3FBA] =	sst s10  }
0x32: {  	s10 =	sld [smem:$0x3FB8];
	_ =	sdelay $0x3  }
0x33: {  	p0 =	seq.s32 s10, $0x1;
	s10 =	sld [smem:$0x3FBA];
	_ =	sdelay $0x3  }
0x34: {  	[smem:$0x3FBA] =	sst s10  }
0x35: {  	s10 =	sld [smem:$0x3FB9];
	_ =	sdelay $0x3  }
0x36: {  	p1 =	seq.s32 s10, $0x1;
	s10 =	sld [smem:$0x3FBA];
	_ =	sdelay $0x3  }
0x37: {  	[smem:$0x3FBA] =	sst s10  }
0x38: {  	s10 =	sld [smem:$0x3FBB]  }
0x39: {  	_ = 	snop;
	(pc) =	sbr.ind lr, $3  }
0x3a: {  	_ = 	snop  }
0x3b: {  	_ = 	snop  }
0x3c: {  	p2 =	seq.s32 s10, $0x1;
	s10 =	sld [smem:$0x3FBA]  }
0x3d: {  	_ =	shalt  }
0x3e: {  	_ =	shalt  }
0x3f: {  	_ =	shalt  }
0x40: {  	_ =	shalt  }
0x41: {  	_ =	shalt  }
0x42: {  	_ =	shalt  }
0x43: {  	_ =	shalt  }
0x44: {  	_ =	shalt  }
0x45: {  	_ =	shalt  }
0x46: {  	_ =	shalt  }
0x47: {  	_ =	shalt  }
0x48: {  	_ =	shalt  }
0x49: {  	_ =	shalt  }
0x4a: {  	_ =	shalt  }
0x4b: {  	_ =	shalt  }
0x4c: {  	_ =	shalt  }
0x4d: {  	_ =	shalt  }
0x4e: {  	_ =	shalt  }
0x4f: {  	_ =	shalt  }
0x50: {  	_ =	shalt  }
0x51: {  	_ =	shalt  }
0x52: {  	_ =	shalt  }
0x53: {  	_ =	shalt  }
0x54: {  	_ =	shalt  }
0x55: {  	_ =	shalt  }
0x56: {  	_ =	shalt  }
0x57: {  	_ =	shalt  }
0x58: {  	_ =	shalt  }
0x59: {  	_ =	shalt  }
0x5a: {  	_ =	shalt  }
0x5b: {  	_ =	shalt  }
0x5c: {  	_ =	shalt  }
0x5d: {  	_ =	shalt  }
0x5e: {  	_ =	shalt  }
0x5f: {  	_ =	shalt  }
0x60: {  	_ =	shalt  }
0x61: {  	_ =	shalt  }
0x62: {  	_ =	shalt  }
0x63: {  	_ =	shalt  }
0x64: {  	_ =	shalt  }
0x65: {  	_ =	shalt  }
0x66: {  	_ =	shalt  }
0x67: {  	_ =	shalt  }
0x68: {  	_ =	shalt  }
0x69: {  	_ =	shalt  }
0x6a: {  	_ =	shalt  }
0x6b: {  	_ =	shalt  }
0x6c: {  	_ =	shalt  }
0x6d: {  	_ =	shalt  }
0x6e: {  	_ =	shalt  }
0x6f: {  	_ =	shalt  }
0x70: {  	_ =	shalt  }
0x71: {  	_ =	shalt  }
0x72: {  	_ =	shalt  }
0x73: {  	_ =	shalt  }
0x74: {  	_ =	shalt  }
0x75: {  	_ =	shalt  }
0x76: {  	_ =	shalt  }
0x77: {  	_ =	shalt  }
0x78: {  	_ =	shalt  }
0x79: {  	_ =	shalt  }
0x7a: {  	_ =	shalt  }
0x7b: {  	_ =	shalt  }
0x7c: {  	_ =	shalt  }
0x7d: {  	_ =	shalt  }
0x7e: {  	_ =	shalt  }
0x7f: {  	_ =	shalt  }
0x80: {  	_ =	shalt  }
0x81: {  	_ =	shalt  }
0x82: {  	_ =	shalt  }
0x83: {  	_ =	shalt  }
0x84: {  	_ =	shalt  }
0x85: {  	_ =	shalt  }
0x86: {  	_ =	shalt  }
0x87: {  	_ =	shalt  }
.Lfunc_end0:
.L_simem_size_0:
called_computation_lowered:
.L_overlay_start_0:
0x88: {  	s2 =	sld [smem:$0x3FD9]  }
0x89: {  	s3 =	sld [smem:$0x3FFE];
	_ =	sdelay $0x1  }
0x8a: {  	s1 =	srdreg.scid  }
0x8b: {  	s0 =	sand.u32 $0x1, s1  }
0x8c: {  	s17 =	sshll.u32 s0, $0xA;
	s2 =	sadd.s32 s3, s2  }
0x8d: {  	s2 =	sadd.s32 s2, s17  }
0x8e: {  	[smem:$0x3FC6] =	sst s2  }
0x8f: {  	_ = 	snop  }
0x90: {  	s2 =	sld [smem:$0x3FC8];
	(tm) =	ssettm $0x1  }
0x91: {  	s18 =	sld [smem:$0x3FFB];
	_ =	sdelay $0x3  }
0x92: {  	_ =	strace s18  }
0x93: {  	s3 =	sld [smem:$0x3FFC];
	_ =	sdelay $0x3  }
0x94: {  	_ =	strace s3  }
0x95: {  	s3 =	sld [smem:$0x3FFD];
	_ =	sdelay $0x3  }
0x96: {  	_ =	strace s3  }
0x97: {  	_ =	strace $0x8FFFFFFF  }
0x98: {  	s19 =	sld [smem:$0x3FDB];
	_ =	sdelay $0x1  }
0x99: {  	s4 =	simm.s32 $_scs_section_size  }
0x9a: {  	s5 =	simm.s32 $_size__tile_overlayer_lowered;
	s6 =	simm.s32 $_tile_overlayer_lowered  }
0x9b: {  	s22 =	simm.s32 $0x1BFF;
	s21 =	sshll.u32 s6, $0x1;
	s3 =	sadd.s32 s4, s19  }
0x9c: {  	s7 =	simm.s32 $0x0;
	s20 =	sshll.u32 s5, $0x1;
	s5 =	sadd.s32 s21, s3  }
0x9d: {  	[timem:s7], [sflag:s22] =	dma.local [hbm:s5], s20  }
0x9e: {  	_ =	swait.ge [sflag:s22], s20  }
0x9f: {  	s4 =	ssub.s32 $0x0, s20;
	[sflag:s22] =	ssyncset.done $0x0  }
0xa0: {  	[sflag:s22] =	ssyncadd.s32 s4;
	_ =	sdelay $0x1  }
0xa1: {  	s23 =	simm.s32 $0x1B8B  }
0xa2: {  	_ =	swait.ge [sflag:s23], $0x1  }
0xa3: {  	[sflag:s23] =	ssyncset.done $0x0  }
0xa4: {  	s25 =	simm.s32 $0x1B8E;
	s24 =	sld [smem:$0x3FFE];
	[sflag:s23] =	ssyncadd.s32 $0xFFFFFFFF  }
0xa5: {  	s26 =	simm.s32 $execute0_lowered;
	[smem:$0x3FD2] =	sst s25  }
0xa6: {  	s5 =	sshll.u32 s26, $0x1;
	_ =	strace $0x80000046;
	[dreg:$0x1] =	wrdreg $0xFFFFFFFF  }
0xa7: {  	s28 =	simm.s32 $_size_execute0_lowered;
	s3 =	sadd.s32 s3, s5;
	[dreg:$0x0] =	wrdreg $0x0  }
0xa8: {  	s5 =	sshll.u32 s28, $0x1;
	[dreg:$0x2] =	wrdreg s3  }
0xa9: {  	[dreg:$0x3] =	wrdreg s5  }
0xaa: {  	[dreg:$0x4] =	wrdreg $0xC0  }
0xab: {  	_ =	task [dreg:s7], $0x5FFFF  }
0xac: {  	[dreg:$0x1] =	wrdreg $0xFFFFFFFF  }
0xad: {  	[dreg:$0x0] =	wrdreg $0x60  }
0xae: {  	[dreg:$0x2] =	wrdreg s2  }
0xaf: {  	[dreg:$0x3] =	wrdreg s24  }
0xb0: {  	[dreg:$0x4] =	wrdreg $0x9  }
0xb1: {  	_ =	task.clear_ibuf [dreg:s7], $0x5FFFF;
	_ =	strace $0x90000046  }
0xb2: {  	s29 =	simm.s32 $0x9;
	_ =	strace $0x80000048  }
0xb3: {  	_ =	swait.ge [sflag:s29], $0x1  }
0xb4: {  	[sflag:s29] =	ssyncadd.s32 $0xFFFFFFFF  }
0xb5: {  	_ =	strace $0x90000048  }
0xb6: {  	_ =	sfence  }
0xb7: {  	s30 =	sld [smem:$0x0];
	_ =	sdelay $0x2  }
0xb8: {  	s31 =	sshll.u32 s1, $0xD;
	s1 =	sshrl.u32 s1, $0x2  }
0xb9: {  	s3 =	sand.u32 $0x4000, s31;
	s1 =	sadd.s32 s1, s30  }
0xba: {  	s0 =	sor.u32 s3, s0;
	s1 =	sshll.u32 s1, $0x11  }
0xbb: {  	s0 =	sor.u32 s1, s0  }
0xbc: {  	s0 =	sadd.s32 $0x8F2B, s0  }
0xbd: {  	[sflag:s0] =	ssyncadd.remote.s32 $0x1  }
0xbe: {  	_ =	sfence.sel $0xFFFF  }
0xbf: {  	[dreg:$0x0] =	wrdreg $0xFFFFFFFF;
	(pc) =	sbr.abs _section_cstart, $3  }
0xc0: {  	[dreg:$0x1] =	wrdreg $0xFFFFFFFF  }
0xc1: {  	_ =	task.clear_ibuf [dreg:s7], $0x2FFFF;
	_ =	strace $0x9FFFFFFF  }
0xc2: {  	(tm) =	ssettm $0x7FFFFFFF  }
0xc3: {  	_ =	shalt  }
tec
execute0_lowered:
.L_overlay_start_1:
0x0: {  	(tag) =	ssettag $0x1  }
0x1: {  	s0 =	rddreg [dreg:$0x0]  }
0x2: {  	s1 =	rddreg [dreg:$0x1]  }
0x3: {  	s3 =	srdreg.scid;
	s5 =	stileid.u32;
	s2 =	simm.s32 $0x0  }
0x4: {  	s14 =	simm.s32 $0x400;
	s15 =	simm.s32 $0x7A1400;
	s16 =	simm.s32 $0x1000  }
0x5: {  	s17 =	simm.s32 $0x2000;
	s18 =	simm.s32 $0x1;
	s19 =	simm.s32 $0x3000  }
0x6: {  	s20 =	simm.s32 $0x2;
	s21 =	simm.s32 $0x4000;
	s28 =	simm.s32 $0x6000  }
0x7: {  	s29 =	simm.s32 $0x7;
	s31 =	simm.s32 $0x0;
	s4 =	sand.u32 $0x1, s3  }
0x8: {  	s22 =	sshll.u32 s5, $0x1;
	[smem:$0x7FF] =	sst s2;
	s10 =	sadd.s32 $0x3000, s0  }
0x9: {  	s26 =	sadd.s32 $0x3D1200, s1;
	s3 =	sor.u32 s4, s22;
	_ =	strace $0x80000047  }
0xa: {  	s6 =	ssub.s32 $0x2, s4;
	s4 =	sadd.s32 $0xA00, s1;
	[dreg:$0x6] =	wrdreg s26  }
0xb: {  	s22 =	simm.s32 $0x3;
	s26 =	simm.s32 $0x6;
	s23 =	sshll.u32 s3, $0x7  }
0xc: {  	s7 =	sshrl.u32 s6, $0x1;
	s8 =	sor.u32 $0x20, s3;
	s9 =	sor.u32 $0x40, s3  }
.Ltmp0:
0xd: {  	s5 =	sadd.s32 s0, s23;
	s0 =	sadd.s32 $0xF4200, s0;
	(pc) =	sbr.rel .LBB2_1-.Ltmp0, $4  }
0xe: {  	v0 =	vlaneseq.u32;
	p0 =	sne.s32 s3, $0x1F;
	s24 =	sadd.s32 $0x1000, s5;
	[dreg:$0x5] =	wrdreg s0  }
0xf: {  	v0 =	vmul.u32 $0x80, v0;
	s6 =	ssub.s32 s6, s7;
	s25 =	sadd.s32 $0x2000, s5;
	[dreg:$0x3] =	wrdreg s24  }
0x10: {  	s23 =	simm.s32 $0x5000;
	s30 =	smax.u32 s6, $0x1;
	[dreg:$0x4] =	wrdreg s25  }
0x11: {  	v1 =	vor.u32 $0x800, v0;
	[dreg:$0x7] =	wrdreg s30;
	s24 =	simm.s32 $0x4;
	s25 =	simm.s32 $0x5  }
.LBB2_17:
0x12: {  	s31 =	sadd.s32 $0x1, s31;
	s0 =	rddreg [dreg:$0x7]  }
0x13: {  	p1 =	sne.s32 s31, s0  }
.Ltmp1:
0x14: {  	_ = 	snop;
	(pc) =	sbr.rel @!p1 .LBB2_18-.Ltmp1, $1  }
0x15: {  	_ =	sdelay $0x3  }
.LBB2_1:
0x16: {  	[tilespmem:s2], [sflag:$0x1] =	stream.strided.gather [hbm4b:s5+s14], $0x1000, s15, s14, $0x38;
	[tilespmem:$0x7800] =	vst v63  }
.Ltmp2:
0x17: {  	_ = 	snop;
	(pc) =	sbr.rel .LBB2_2-.Ltmp2, $4  }
0x18: {  	s0 =	rddreg [dreg:$0x3]  }
0x19: {  	[tilespmem:s16], [sflag:$0x2] =	stream.strided.gather [hbm4b:s0+s14], $0x1000, s15, s14, $0x38;
	[tilespmem:$0x7800] =	vst v63  }
0x1a: {  	s30 =	rddreg [dreg:$0x4];
	s0 =	simm.s32 $0x0  }
0x1b: {  	[tilespmem:s17], [sflag:$0x3] =	stream.strided.gather [hbm4b:s30+s14], $0x1000, s15, s14, $0x38;
	[tilespmem:$0x7800] =	vst v63  }
.LBB2_12:
0x1c: {  	s0 =	sadd.s32 $0x1, s0  }
0x1d: {  	p1 =	sne.s32 s0, $0x52  }
.Ltmp3:
0x1e: {  	_ = 	snop;
	(pc) =	sbr.rel @!p1 .LBB2_13-.Ltmp3, $1  }
0x1f: {  	_ =	sdelay $0x3  }
.LBB2_2:
0x20: {  	s1 =	simm.s32 $0x0  }
0x21: {  	s11 =	simm.s32 $0x1;
	s6 =	simm.s32 $0x2;
	s12 =	simm.s32 $0x3;
	v2 =	vmov s1  }
0x22: {  	s13 =	simm.s32 $0x4;
	s7 =	simm.s32 $0x7;
	v3 =	vmov s11;
	v4 =	vmov s6;
	v5 =	vmov s12  }
0x23: {  	s11 =	simm.s32 $0x5;
	v6 =	vmov s13;
	v7 =	vmov s7;
	v2 =	vand.u32 $0x78, v2  }
0x24: {  	s12 =	simm.s32 $0x6;
	v8 =	vmov s11;
	v7 =	vand.u32 $0x7F, v7;
	v2 =	vbroadcast v2, $0x0  }
0x25: {  	_ =	swait.ge [sflag:s18], $0x1000;
	v9 =	vmov s12;
	v3 =	vand.u32 $0x79, v3;
	v7 =	vbroadcast v7, $0x0  }
0x26: {  	p1 =	seq.s32 s0, $0x0;
	[sflag:s18] =	ssyncset.done $0x0;
	v11 =	vbroadcast v3, $0x0;
	v3 =	vand.u32 $0x7A, v4;
	v10 =	vor.u32 v0, v2  }
0x27: {  	s1 =	simm.s32 @!p1 $0x4;
	[sflag:s18] =	ssyncadd.s32 $0xFFFFF000;
	v13 =	vbroadcast v3, $0x0;
	v3 =	vand.u32 $0x7B, v5;
	v12 =	vor.u32 v0, v7  }
0x28: {  	_ =	swait.ge @!p1 [sflag:s1], $0x1000;
	v14 =	vor.u32 v0, v11;
	v16 =	vbroadcast v3, $0x0;
	v3 =	vand.u32 $0x7C, v6  }
0x29: {  	[sflag:s1] =	ssyncset.done @!p1 $0x0;
	v6 =	vor.u32 v0, v13;
	v21 =	vbroadcast v3, $0x0;
	v3 =	vand.u32 $0x7D, v8  }
0x2a: {  	v4 =	vand.u32 $0x7E, v9;
	[sflag:s1] =	ssyncadd.s32 @!p1 $0xFFFFF000;
	v15 =	vor.u32 v0, v16;
	v5 =	vbroadcast v3, $0x0  }
0x2b: {  	v4 =	vbroadcast v4, $0x0;
	v9 =	vor.u32 v0, v21;
	v3 =	vld.idx.msk [tilespmem:v10+s2+$0x0], $0xffff  }
0x2c: {  	v22 =	vor.u32 v0, v5;
	v23 =	vld.idx.msk [tilespmem:v12+s2+$0x0], $0xffff  }
0x2d: {  	v24 =	vor.u32 v0, v4;
	v12 =	vld.idx.msk [tilespmem:v14+s2+$0x0], $0xffff  }
0x2e: {  	s7 =	simm.s32 $0xA;
	v17 =	vor.u32 v1, v7;
	v8 =	vld.idx.msk [tilespmem:v6+s2+$0x0], $0xffff  }
0x2f: {  	s13 =	simm.s32 $0x9;
	s12 =	simm.s32 $0x8;
	v19 =	vmov s7;
	v14 =	vor.u32 v1, v11;
	v10 =	vld.idx.msk [tilespmem:v15+s2+$0x0], $0xffff  }
0x30: {  	s7 =	simm.s32 $0xC;
	s1 =	smul.u32 $0x60, s0;
	v18 =	vor.u32 v1, v13;
	v20 =	vor.u32 v1, v16;
	v15 =	vmov s13;
	s13 =	simm.s32 $0xB;
	v13 =	vld.idx.msk [tilespmem:v9+s2+$0x0], $0xffff  }
0x31: {  	s11 =	simm.s32 $0x3080;
	v11 =	vmov s7;
	v6 =	vmov s12;
	v9 =	vmov s13;
	s13 =	simm.s32 $0xD;
	v16 =	vld.idx.msk [tilespmem:v22+s2+$0x0], $0xffff  }
0x32: {  	s6 =	simm.s32 $0x10;
	s30 =	sor.u32 s3, s1;
	s7 =	simm.s32 $0xF;
	v6 =	vand.u32 $0x78, v6;
	v7 =	vmov s13;
	v22 =	vor.u32 v1, v21;
	v21 =	vld.idx.msk [tilespmem:v24+s2+$0x0], $0xffff;
	[tilespmem:s11+$0x60] =	vst v23  }
.LBB2_3:
0x33: {  	p2 =	slt.u32 s6, $0x78;
	v6 =	vbroadcast v6, $0x0;
	s13 =	sadd.s32 $0x6, s12;
	v23 =	vmov s7;
	[tilespmem:s11+$0xFFFFFFA0] =	vst v12;
	v5 =	vor.u32 v1, v5;
	v12 =	vld.idx.msk [tilespmem:v17+s2+$0x0], $0xffff;
	s12 =	smov.u32 s6  }
0x34: {  	v4 =	vor.u32 v1, v4;
	v17 =	vmov s13;
	v23 =	vand.u32 $0x7F, v23;
	v14 =	vld.idx.msk [tilespmem:v14+s2+$0x0], $0xffff;
	[tilespmem:s11+$0xFFFFFFC0] =	vst v8  }
0x35: {  	v15 =	vand.u32 $0x79, v15;
	v8 =	vor.u32 v0, v6;
	v23 =	vbroadcast v23, $0x0;
	v18 =	vld.idx.msk [tilespmem:v18+s2+$0x0], $0xffff;
	[tilespmem:s11+$0xFFFFFFE0] =	vst v10  }
0x36: {  	v10 =	vbroadcast v15, $0x0;
	v15 =	vand.u32 $0x7A, v19;
	v19 =	vor.u32 v1, v2;
	v2 =	vmovc v6;
	v20 =	vld.idx.msk [tilespmem:v20+s2+$0x0], $0xffff;
	[tilespmem:s11+$0x0] =	vst v13  }
0x37: {  	v6 =	vand.u32 $0x7B, v9;
	v13 =	vbroadcast v15, $0x0;
	v9 =	vor.u32 v0, v23;
	v15 =	vld.idx.msk [tilespmem:v22+s2+$0x0], $0xffff;
	[tilespmem:s11+$0x20] =	vst v16  }
0x38: {  	v16 =	vor.u32 v0, v10;
	v22 =	vbroadcast v6, $0x0;
	v6 =	vand.u32 $0x7C, v11;
	v11 =	vld.idx.msk [tilespmem:v5+s2+$0x0], $0xffff;
	[tilespmem:s11+$0x40] =	vst v21  }
0x39: {  	v21 =	vor.u32 v0, v13;
	v24 =	vbroadcast v6, $0x0;
	v5 =	vand.u32 $0x7D, v7;
	v7 =	vld.idx.msk [tilespmem:v4+s2+$0x0], $0xffff;
	[tilespmem:s11+$0x70] =	vst v12  }
0x3a: {  	v6 =	vor.u32 v0, v22;
	v5 =	vbroadcast v5, $0x0;
	v4 =	vand.u32 $0x7E, v17;
	[tilespmem:s11+$0xFFFFFF80] =	vst v3;
	v3 =	vld.idx.msk [tilespmem:v8+s2+$0x0], $0xffff  }
0x3b: {  	v25 =	vor.u32 v0, v24;
	v4 =	vbroadcast v4, $0x0;
	v26 =	vld.idx.msk [tilespmem:v19+s2+$0x0], $0xffff;
	[tilespmem:s11+$0xFFFFFFB0] =	vst v14  }
0x3c: {  	v27 =	vor.u32 v0, v5;
	v28 =	vld.idx.msk [tilespmem:v9+s2+$0x0], $0xffff;
	[tilespmem:s11+$0xFFFFFFD0] =	vst v18  }
0x3d: {  	v29 =	vor.u32 v0, v4;
	v12 =	vld.idx.msk [tilespmem:v16+s2+$0x0], $0xffff;
	[tilespmem:s11+$0xFFFFFFF0] =	vst v20  }
.Ltmp4:
0x3e: {  	v17 =	vor.u32 v1, v23;
	v8 =	vld.idx.msk [tilespmem:v21+s2+$0x0], $0xffff;
	[tilespmem:s11+$0x10] =	vst v15;
	(pc) =	sbr.rel @p2 .LBB2_3-.Ltmp4, $4  }
0x3f: {  	s7 =	sadd.s32 $0x1, s6;
	v14 =	vor.u32 v1, v10;
	v9 =	vmov s6;
	v10 =	vld.idx.msk [tilespmem:v6+s2+$0x0], $0xffff;
	[tilespmem:s11+$0x30] =	vst v11  }
0x40: {  	s13 =	sadd.s32 $0x3, s6;
	v18 =	vor.u32 v1, v13;
	v15 =	vmov s7;
	s7 =	sadd.s32 $0x2, s6;
	v6 =	vand.u32 $0x78, v9;
	v13 =	vld.idx.msk [tilespmem:v25+s2+$0x0], $0xffff;
	[tilespmem:s11+$0x50] =	vst v7  }
0x41: {  	v20 =	vor.u32 v1, v22;
	v19 =	vmov s7;
	v9 =	vmov s13;
	s7 =	sadd.s32 $0x4, s6;
	s13 =	sadd.s32 $0x5, s6;
	v16 =	vld.idx.msk [tilespmem:v27+s2+$0x0], $0xffff;
	[tilespmem:s11+$0xFFFFFF90] =	vst v26;
	s11 =	sadd.s32 $0x100, s11  }
0x42: {  	v22 =	vor.u32 v1, v24;
	s6 =	sadd.s32 $0x8, s6;
	v11 =	vmov s7;
	v7 =	vmov s13;
	s7 =	sadd.s32 $0x7, s12;
	v21 =	vld.idx.msk [tilespmem:v29+s2+$0x0], $0xffff;
	[tilespmem:s11+$0x60] =	vst v28  }
0x43: {  	_ =	sdelay $0x1  }
0x44: {  	[tilespmem:s11+$0xFFFFFFA0] =	vst v12  }
0x45: {  	v43 =	vmov s7;
	[tilespmem:s11+$0xFFFFFFC0] =	vst v8  }
0x46: {  	v17 =	vld.idx.msk [tilespmem:v17+s2+$0x0], $0xffff;
	v5 =	vor.u32 v1, v5;
	v4 =	vor.u32 v1, v4;
	v46 =	vand.u32 $0x79, v15;
	[tilespmem:s11+$0xFFFFFF80] =	vst v3  }
0x47: {  	v48 =	vand.u32 $0x7A, v19;
	v2 =	vor.u32 v1, v2;
	[tilespmem:s11+$0xFFFFFFE0] =	vst v10;
	v45 =	vld.idx.msk [tilespmem:v14+s2+$0x0], $0xffff;
	v14 =	vbroadcast v46, $0x0  }
0x48: {  	v9 =	vand.u32 $0x7B, v9;
	v11 =	vand.u32 $0x7C, v11;
	v47 =	vld.idx.msk [tilespmem:v18+s2+$0x0], $0xffff;
	v15 =	vbroadcast v48, $0x0;
	[tilespmem:s11+$0x0] =	vst v13  }
0x49: {  	s6 =	sadd.s32 $0x6, s12;
	v7 =	vand.u32 $0x7D, v7;
	v9 =	vbroadcast v9, $0x0;
	v49 =	vld.idx.msk [tilespmem:v20+s2+$0x0], $0xffff;
	[tilespmem:s11+$0x20] =	vst v16;
	v52 =	vor.u32 v0, v14  }
0x4a: {  	v44 =	vmov s6;
	v11 =	vbroadcast v11, $0x0;
	v51 =	vld.idx.msk [tilespmem:v22+s2+$0x0], $0xffff;
	v53 =	vor.u32 v0, v15;
	[tilespmem:s11+$0x40] =	vst v21  }
0x4b: {  	v12 =	vand.u32 $0x7F, v43;
	v7 =	vbroadcast v7, $0x0;
	v54 =	vor.u32 v0, v9;
	[tilespmem:s11+$0x70] =	vst v17;
	v5 =	vld.idx.msk [tilespmem:v5+s2+$0x0], $0xffff  }
0x4c: {  	v12 =	vbroadcast v12, $0x0;
	v8 =	vand.u32 $0x7E, v44;
	v55 =	vor.u32 v0, v11;
	v3 =	vld.idx.msk [tilespmem:v4+s2+$0x0], $0xffff;
	[tilespmem:s11+$0xFFFFFFB0] =	vst v45  }
0x4d: {  	v8 =	vbroadcast v8, $0x0;
	v56 =	vor.u32 v0, v7;
	v2 =	vld.idx.msk [tilespmem:v2+s2+$0x0], $0xffff;
	[tilespmem:s11+$0xFFFFFFD0] =	vst v47  }
0x4e: {  	v6 =	vbroadcast v6, $0x0;
	v50 =	vor.u32 v0, v12;
	[tilespmem:s11+$0xFFFFFFF0] =	vst v49;
	v57 =	vld.idx.msk [tilespmem:v52+s2+$0x0], $0xffff  }
0x4f: {  	v58 =	vor.u32 v0, v8;
	[tilespmem:s11+$0x10] =	vst v51;
	v17 =	vld.idx.msk [tilespmem:v53+s2+$0x0], $0xffff  }
0x50: {  	v59 =	vor.u32 v0, v6;
	v4 =	vld.idx.msk [tilespmem:v54+s2+$0x0], $0xffff;
	[tilespmem:s11+$0x30] =	vst v5  }
0x51: {  	v9 =	vor.u32 v1, v9;
	v10 =	vld.idx.msk [tilespmem:v55+s2+$0x0], $0xffff;
	[tilespmem:s11+$0x50] =	vst v3  }
0x52: {  	v11 =	vor.u32 v1, v11;
	v13 =	vld.idx.msk [tilespmem:v56+s2+$0x0], $0xffff;
	[tilespmem:s11+$0xFFFFFF90] =	vst v2;
	s11 =	sadd.s32 $0x100, s11  }
0x53: {  	v18 =	vld.idx.msk [tilespmem:v50+s2+$0x0], $0xffff;
	v3 =	vor.u32 v1, v14;
	[tilespmem:s11+$0xFFFFFFA0] =	vst v57  }
0x54: {  	v7 =	vor.u32 v1, v7;
	v60 =	vld.idx.msk [tilespmem:v58+s2+$0x0], $0xffff;
	[tilespmem:s11+$0xFFFFFFC0] =	vst v17  }
0x55: {  	v12 =	vor.u32 v1, v12;
	v5 =	vld.idx.msk [tilespmem:v59+s2+$0x0], $0xffff;
	[tilespmem:s11+$0xFFFFFFE0] =	vst v4  }
0x56: {  	v2 =	vor.u32 v1, v15;
	[tilespmem:s11+$0x0] =	vst v10;
	v62 =	vld.idx.msk [tilespmem:v9+s2+$0x0], $0xffff  }
0x57: {  	v61 =	vor.u32 v1, v8;
	[tilespmem:s11+$0x20] =	vst v13;
	v63 =	vld.idx.msk [tilespmem:v11+s2+$0x0], $0xffff  }
0x58: {  	v6 =	vor.u32 v1, v6;
	[tilespmem:s11+$0x60] =	vst v18;
	v3 =	vld.idx.msk [tilespmem:v3+s2+$0x0], $0xffff  }
0x59: {  	v7 =	vld.idx.msk [tilespmem:v7+s2+$0x0], $0xffff;
	[tilespmem:s11+$0x40] =	vst v60  }
0x5a: {  	v12 =	vld.idx.msk [tilespmem:v12+s2+$0x0], $0xffff;
	[tilespmem:s11+$0xFFFFFF80] =	vst v5  }
0x5b: {  	v2 =	vld.idx.msk [tilespmem:v2+s2+$0x0], $0xffff;
	[tilespmem:s11+$0xFFFFFFF0] =	vst v62  }
0x5c: {  	v4 =	vld.idx.msk [tilespmem:v61+s2+$0x0], $0xffff;
	[tilespmem:s11+$0x10] =	vst v63  }
0x5d: {  	[tilespmem:s11+$0xFFFFFFB0] =	vst v3;
	v3 =	vld.idx.msk [tilespmem:v6+s2+$0x0], $0xffff  }
0x5e: {  	[tilespmem:s11+$0x30] =	vst v7  }
0x5f: {  	[tilespmem:s11+$0x70] =	vst v12  }
0x60: {  	s12 =	sshll.u32 s30, $0x9;
	[tilespmem:s11+$0xFFFFFFD0] =	vst v2  }
0x61: {  	p2 =	sgt.u32 s30, $0x1E23;
	s13 =	sadd.s32 s4, s12;
	[tilespmem:s11+$0x50] =	vst v4  }
0x62: {  	s6 =	sshll.u32 @!p2 s30, $0x7;
	s7 =	simm.s32 @!p2 $0x400;
	s12 =	simm.s32 @!p2 $0x0;
	[tilespmem:s11+$0xFFFFFF90] =	vst v3  }
0x63: {  	[hbm4b:s13+s2] =	stream.linear.scatter [tilespmem:s19], [sflag:$0x4], $0x1000, $0x38;
	[tilespmem:$0x7800] =	vst v63  }
0x64: {  	s30 =	sadd.s32 s8, s1;
	s6 =	sadd.s32 @!p2 s6, s10;
	s11 =	simm.s32 @!p2 $0x7A1400  }
0x65: {  	[tilespmem:s12], [sflag:$0x1] =	stream.strided.gather @!p2 [hbm4b:s6+s7], $0x1000, s11, s7, $0x38;
	[tilespmem:$0x7800] =	vst v63  }
0x66: {  	p2 =	sgt.u32 s30, $0x1E83  }
.Ltmp5:
0x67: {  	_ = 	snop;
	(pc) =	sbr.rel @p2 .LBB2_8-.Ltmp5, $1  }
0x68: {  	_ =	sdelay $0x3  }
0x69: {  	s6 =	simm.s32 $0x0  }
0x6a: {  	s12 =	simm.s32 $0x1;
	s7 =	simm.s32 $0x2;
	s13 =	simm.s32 $0x3;
	v2 =	vmov s6  }
0x6b: {  	s11 =	simm.s32 $0x7;
	v3 =	vmov s12;
	v4 =	vmov s7;
	s12 =	simm.s32 $0x4;
	v5 =	vmov s13  }
0x6c: {  	s13 =	simm.s32 $0x5;
	v7 =	vmov s11;
	v2 =	vand.u32 $0x78, v2;
	v6 =	vmov s12  }
0x6d: {  	v8 =	vmov s13;
	s12 =	simm.s32 $0x6;
	v7 =	vand.u32 $0x7F, v7;
	v2 =	vbroadcast v2, $0x0  }
0x6e: {  	_ =	swait.ge [sflag:s20], $0x1000;
	v3 =	vand.u32 $0x79, v3;
	v9 =	vmov s12;
	v7 =	vbroadcast v7, $0x0  }
0x6f: {  	[sflag:s20] =	ssyncset.done $0x0;
	v11 =	vbroadcast v3, $0x0;
	v3 =	vand.u32 $0x7A, v4;
	v10 =	vor.u32 v0, v2  }
0x70: {  	s6 =	simm.s32 @!p1 $0x5;
	[sflag:s20] =	ssyncadd.s32 $0xFFFFF000;
	v12 =	vbroadcast v3, $0x0;
	v3 =	vand.u32 $0x7B, v5;
	v13 =	vor.u32 v0, v7  }
0x71: {  	_ =	swait.ge @!p1 [sflag:s6], $0x1000;
	v14 =	vor.u32 v0, v11;
	v16 =	vbroadcast v3, $0x0;
	v3 =	vand.u32 $0x7C, v6  }
0x72: {  	[sflag:s6] =	ssyncset.done @!p1 $0x0;
	v6 =	vor.u32 v0, v12;
	v20 =	vbroadcast v3, $0x0;
	v3 =	vand.u32 $0x7D, v8  }
0x73: {  	v4 =	vand.u32 $0x7E, v9;
	[sflag:s6] =	ssyncadd.s32 @!p1 $0xFFFFF000;
	v8 =	vor.u32 v0, v16;
	v5 =	vbroadcast v3, $0x0  }
0x74: {  	v4 =	vbroadcast v4, $0x0;
	v9 =	vor.u32 v0, v20;
	v3 =	vld.idx.msk [tilespmem:v10+s16+$0x0], $0xffff  }
0x75: {  	v22 =	vor.u32 v0, v5;
	v23 =	vld.idx.msk [tilespmem:v13+s16+$0x0], $0xffff  }
0x76: {  	v24 =	vor.u32 v0, v4;
	v13 =	vld.idx.msk [tilespmem:v14+s16+$0x0], $0xffff  }
0x77: {  	s7 =	simm.s32 $0xA;
	v18 =	vor.u32 v1, v7;
	v10 =	vld.idx.msk [tilespmem:v6+s16+$0x0], $0xffff  }
0x78: {  	s13 =	simm.s32 $0x9;
	v19 =	vmov s7;
	s12 =	simm.s32 $0x8;
	v14 =	vor.u32 v1, v11;
	v11 =	vld.idx.msk [tilespmem:v8+s16+$0x0], $0xffff  }
0x79: {  	v15 =	vmov s13;
	s13 =	simm.s32 $0xB;
	v17 =	vor.u32 v1, v12;
	v6 =	vmov s12;
	v12 =	vld.idx.msk [tilespmem:v9+s16+$0x0], $0xffff  }
0x7a: {  	s11 =	simm.s32 $0x40F0;
	s7 =	simm.s32 $0xC;
	v21 =	vor.u32 v1, v16;
	v6 =	vand.u32 $0x78, v6;
	v8 =	vmov s13;
	s13 =	simm.s32 $0xD;
	v16 =	vld.idx.msk [tilespmem:v22+s16+$0x0], $0xffff  }
0x7b: {  	s6 =	simm.s32 $0x10;
	v9 =	vmov s7;
	v7 =	vmov s13;
	s7 =	simm.s32 $0xF;
	v22 =	vor.u32 v1, v20;
	v20 =	vld.idx.msk [tilespmem:v24+s16+$0x0], $0xffff;
	[tilespmem:s11+$0xFFFFFFF0] =	vst v23  }
.LBB2_6:
0x7c: {  	p2 =	slt.u32 s6, $0x78;
	v6 =	vbroadcast v6, $0x0;
	s13 =	sadd.s32 $0x6, s12;
	v23 =	vmov s7;
	[tilespmem:s11+$0xFFFFFF30] =	vst v13;
	v5 =	vor.u32 v1, v5;
	v13 =	vld.idx.msk [tilespmem:v18+s16+$0x0], $0xffff;
	s12 =	smov.u32 s6  }
0x7d: {  	v4 =	vor.u32 v1, v4;
	v18 =	vmov s13;
	v23 =	vand.u32 $0x7F, v23;
	v14 =	vld.idx.msk [tilespmem:v14+s16+$0x0], $0xffff;
	[tilespmem:s11+$0xFFFFFF50] =	vst v10  }
0x7e: {  	v15 =	vand.u32 $0x79, v15;
	v10 =	vor.u32 v0, v6;
	v23 =	vbroadcast v23, $0x0;
	v17 =	vld.idx.msk [tilespmem:v17+s16+$0x0], $0xffff;
	[tilespmem:s11+$0xFFFFFF70] =	vst v11  }
0x7f: {  	v11 =	vbroadcast v15, $0x0;
	v15 =	vand.u32 $0x7A, v19;
	v19 =	vor.u32 v1, v2;
	v2 =	vmovc v6;
	v21 =	vld.idx.msk [tilespmem:v21+s16+$0x0], $0xffff;
	[tilespmem:s11+$0xFFFFFF90] =	vst v12  }
0x80: {  	v6 =	vand.u32 $0x7B, v8;
	v12 =	vbroadcast v15, $0x0;
	v8 =	vor.u32 v0, v23;
	v15 =	vld.idx.msk [tilespmem:v22+s16+$0x0], $0xffff;
	[tilespmem:s11+$0xFFFFFFB0] =	vst v16  }
0x81: {  	v16 =	vor.u32 v0, v11;
	v22 =	vbroadcast v6, $0x0;
	v6 =	vand.u32 $0x7C, v9;
	v9 =	vld.idx.msk [tilespmem:v5+s16+$0x0], $0xffff;
	[tilespmem:s11+$0xFFFFFFD0] =	vst v20  }
0x82: {  	v20 =	vor.u32 v0, v12;
	v24 =	vbroadcast v6, $0x0;
	v5 =	vand.u32 $0x7D, v7;
	v7 =	vld.idx.msk [tilespmem:v4+s16+$0x0], $0xffff;
	[tilespmem:s11+$0x0] =	vst v13  }
0x83: {  	v6 =	vor.u32 v0, v22;
	v5 =	vbroadcast v5, $0x0;
	v4 =	vand.u32 $0x7E, v18;
	[tilespmem:s11+$0xFFFFFF10] =	vst v3;
	v3 =	vld.idx.msk [tilespmem:v10+s16+$0x0], $0xffff  }
0x84: {  	v25 =	vor.u32 v0, v24;
	v4 =	vbroadcast v4, $0x0;
	v26 =	vld.idx.msk [tilespmem:v19+s16+$0x0], $0xffff;
	[tilespmem:s11+$0xFFFFFF40] =	vst v14  }
0x85: {  	v27 =	vor.u32 v0, v5;
	v28 =	vld.idx.msk [tilespmem:v8+s16+$0x0], $0xffff;
	[tilespmem:s11+$0xFFFFFF60] =	vst v17  }
0x86: {  	v29 =	vor.u32 v0, v4;
	v13 =	vld.idx.msk [tilespmem:v16+s16+$0x0], $0xffff;
	[tilespmem:s11+$0xFFFFFF80] =	vst v21  }
.Ltmp6:
0x87: {  	v18 =	vor.u32 v1, v23;
	v10 =	vld.idx.msk [tilespmem:v20+s16+$0x0], $0xffff;
	[tilespmem:s11+$0xFFFFFFA0] =	vst v15;
	(pc) =	sbr.rel @p2 .LBB2_6-.Ltmp6, $4  }
0x88: {  	s7 =	sadd.s32 $0x1, s6;
	v14 =	vor.u32 v1, v11;
	v8 =	vmov s6;
	v11 =	vld.idx.msk [tilespmem:v6+s16+$0x0], $0xffff;
	[tilespmem:s11+$0xFFFFFFC0] =	vst v9  }
0x89: {  	s13 =	sadd.s32 $0x3, s6;
	v17 =	vor.u32 v1, v12;
	v15 =	vmov s7;
	s7 =	sadd.s32 $0x2, s6;
	v6 =	vand.u32 $0x78, v8;
	v12 =	vld.idx.msk [tilespmem:v25+s16+$0x0], $0xffff;
	[tilespmem:s11+$0xFFFFFFE0] =	vst v7  }
0x8a: {  	v21 =	vor.u32 v1, v22;
	v19 =	vmov s7;
	v8 =	vmov s13;
	s7 =	sadd.s32 $0x4, s6;
	s13 =	sadd.s32 $0x5, s6;
	v16 =	vld.idx.msk [tilespmem:v27+s16+$0x0], $0xffff;
	[tilespmem:s11+$0xFFFFFF20] =	vst v26;
	s11 =	sadd.s32 $0x100, s11  }
0x8b: {  	v22 =	vor.u32 v1, v24;
	s6 =	sadd.s32 $0x8, s6;
	v9 =	vmov s7;
	v7 =	vmov s13;
	s7 =	sadd.s32 $0x7, s12;
	v20 =	vld.idx.msk [tilespmem:v29+s16+$0x0], $0xffff;
	[tilespmem:s11+$0xFFFFFFF0] =	vst v28  }
0x8c: {  	_ =	sdelay $0x1  }
0x8d: {  	[tilespmem:s11+$0xFFFFFF30] =	vst v13  }
0x8e: {  	v45 =	vmov s7;
	[tilespmem:s11+$0xFFFFFF50] =	vst v10  }
0x8f: {  	v18 =	vld.idx.msk [tilespmem:v18+s16+$0x0], $0xffff;
	v5 =	vor.u32 v1, v5;
	v4 =	vor.u32 v1, v4;
	v48 =	vand.u32 $0x79, v15;
	[tilespmem:s11+$0xFFFFFF10] =	vst v3  }
0x90: {  	v50 =	vand.u32 $0x7A, v19;
	v2 =	vor.u32 v1, v2;
	[tilespmem:s11+$0xFFFFFF70] =	vst v11;
	v47 =	vld.idx.msk [tilespmem:v14+s16+$0x0], $0xffff;
	v14 =	vbroadcast v48, $0x0  }
0x91: {  	v8 =	vand.u32 $0x7B, v8;
	v9 =	vand.u32 $0x7C, v9;
	v49 =	vld.idx.msk [tilespmem:v17+s16+$0x0], $0xffff;
	v15 =	vbroadcast v50, $0x0;
	[tilespmem:s11+$0xFFFFFF90] =	vst v12  }
0x92: {  	s6 =	sadd.s32 $0x6, s12;
	v7 =	vand.u32 $0x7D, v7;
	v8 =	vbroadcast v8, $0x0;
	v51 =	vld.idx.msk [tilespmem:v21+s16+$0x0], $0xffff;
	[tilespmem:s11+$0xFFFFFFB0] =	vst v16;
	v54 =	vor.u32 v0, v14  }
0x93: {  	v46 =	vmov s6;
	v9 =	vbroadcast v9, $0x0;
	v53 =	vld.idx.msk [tilespmem:v22+s16+$0x0], $0xffff;
	v55 =	vor.u32 v0, v15;
	[tilespmem:s11+$0xFFFFFFD0] =	vst v20  }
0x94: {  	v13 =	vand.u32 $0x7F, v45;
	v7 =	vbroadcast v7, $0x0;
	v56 =	vor.u32 v0, v8;
	[tilespmem:s11+$0x0] =	vst v18;
	v5 =	vld.idx.msk [tilespmem:v5+s16+$0x0], $0xffff  }
0x95: {  	v13 =	vbroadcast v13, $0x0;
	v10 =	vand.u32 $0x7E, v46;
	v57 =	vor.u32 v0, v9;
	v3 =	vld.idx.msk [tilespmem:v4+s16+$0x0], $0xffff;
	[tilespmem:s11+$0xFFFFFF40] =	vst v47  }
0x96: {  	v10 =	vbroadcast v10, $0x0;
	v58 =	vor.u32 v0, v7;
	v2 =	vld.idx.msk [tilespmem:v2+s16+$0x0], $0xffff;
	[tilespmem:s11+$0xFFFFFF60] =	vst v49  }
0x97: {  	v6 =	vbroadcast v6, $0x0;
	v52 =	vor.u32 v0, v13;
	[tilespmem:s11+$0xFFFFFF80] =	vst v51;
	v59 =	vld.idx.msk [tilespmem:v54+s16+$0x0], $0xffff  }
0x98: {  	v60 =	vor.u32 v0, v10;
	[tilespmem:s11+$0xFFFFFFA0] =	vst v53;
	v18 =	vld.idx.msk [tilespmem:v55+s16+$0x0], $0xffff  }
0x99: {  	v61 =	vor.u32 v0, v6;
	v4 =	vld.idx.msk [tilespmem:v56+s16+$0x0], $0xffff;
	[tilespmem:s11+$0xFFFFFFC0] =	vst v5  }
0x9a: {  	v8 =	vor.u32 v1, v8;
	v11 =	vld.idx.msk [tilespmem:v57+s16+$0x0], $0xffff;
	[tilespmem:s11+$0xFFFFFFE0] =	vst v3  }
0x9b: {  	v9 =	vor.u32 v1, v9;
	v12 =	vld.idx.msk [tilespmem:v58+s16+$0x0], $0xffff;
	[tilespmem:s11+$0xFFFFFF20] =	vst v2;
	s11 =	sadd.s32 $0x100, s11  }
0x9c: {  	v17 =	vld.idx.msk [tilespmem:v52+s16+$0x0], $0xffff;
	v3 =	vor.u32 v1, v14;
	[tilespmem:s11+$0xFFFFFF30] =	vst v59  }
0x9d: {  	v7 =	vor.u32 v1, v7;
	v62 =	vld.idx.msk [tilespmem:v60+s16+$0x0], $0xffff;
	[tilespmem:s11+$0xFFFFFF50] =	vst v18  }
0x9e: {  	v13 =	vor.u32 v1, v13;
	v5 =	vld.idx.msk [tilespmem:v61+s16+$0x0], $0xffff;
	[tilespmem:s11+$0xFFFFFF70] =	vst v4  }
0x9f: {  	v2 =	vor.u32 v1, v15;
	[tilespmem:s11+$0xFFFFFF90] =	vst v11;
	v8 =	vld.idx.msk [tilespmem:v8+s16+$0x0], $0xffff  }
0xa0: {  	v63 =	vor.u32 v1, v10;
	[tilespmem:s11+$0xFFFFFFB0] =	vst v12;
	v9 =	vld.idx.msk [tilespmem:v9+s16+$0x0], $0xffff  }
0xa1: {  	v6 =	vor.u32 v1, v6;
	[tilespmem:s11+$0xFFFFFFF0] =	vst v17;
	v3 =	vld.idx.msk [tilespmem:v3+s16+$0x0], $0xffff  }
0xa2: {  	v7 =	vld.idx.msk [tilespmem:v7+s16+$0x0], $0xffff;
	[tilespmem:s11+$0xFFFFFFD0] =	vst v62  }
0xa3: {  	v13 =	vld.idx.msk [tilespmem:v13+s16+$0x0], $0xffff;
	[tilespmem:s11+$0xFFFFFF10] =	vst v5  }
0xa4: {  	v2 =	vld.idx.msk [tilespmem:v2+s16+$0x0], $0xffff;
	[tilespmem:s11+$0xFFFFFF80] =	vst v8  }
0xa5: {  	v4 =	vld.idx.msk [tilespmem:v63+s16+$0x0], $0xffff;
	[tilespmem:s11+$0xFFFFFFA0] =	vst v9  }
0xa6: {  	[tilespmem:s11+$0xFFFFFF40] =	vst v3;
	v3 =	vld.idx.msk [tilespmem:v6+s16+$0x0], $0xffff  }
0xa7: {  	[tilespmem:s11+$0xFFFFFFC0] =	vst v7  }
0xa8: {  	[tilespmem:s11+$0x0] =	vst v13  }
0xa9: {  	[tilespmem:s11+$0xFFFFFF60] =	vst v2  }
0xaa: {  	s12 =	sshll.u32 s30, $0x9;
	p2 =	sgt.u32 s30, $0x1E23;
	[tilespmem:s11+$0xFFFFFFE0] =	vst v4  }
0xab: {  	s13 =	sadd.s32 s4, s12;
	s6 =	sshll.u32 @!p2 s30, $0x7;
	s7 =	simm.s32 @!p2 $0x400;
	[tilespmem:s11+$0xFFFFFF20] =	vst v3  }
0xac: {  	[hbm4b:s13+s2] =	stream.linear.scatter [tilespmem:s21], [sflag:$0x5], $0x1000, $0x38;
	[tilespmem:$0x7800] =	vst v63  }
0xad: {  	s12 =	simm.s32 @!p2 $0x1000;
	s6 =	sadd.s32 @!p2 s6, s10;
	s11 =	simm.s32 @!p2 $0x7A1400  }
0xae: {  	[tilespmem:s12], [sflag:$0x2] =	stream.strided.gather @!p2 [hbm4b:s6+s7], $0x1000, s11, s7, $0x38;
	[tilespmem:$0x7800] =	vst v63  }
.LBB2_8:
0xaf: {  	s1 =	sadd.s32 s9, s1  }
0xb0: {  	p2 =	sgt.u32 s1, $0x1E83  }
.Ltmp7:
0xb1: {  	_ = 	snop;
	(pc) =	sbr.rel @p2 .LBB2_12-.Ltmp7, $1  }
0xb2: {  	_ =	sdelay $0x3  }
0xb3: {  	s6 =	simm.s32 $0x0  }
0xb4: {  	s11 =	simm.s32 $0x1;
	s7 =	simm.s32 $0x2;
	s12 =	simm.s32 $0x3;
	v2 =	vmov s6  }
0xb5: {  	s13 =	simm.s32 $0x4;
	v3 =	vmov s11;
	v4 =	vmov s7;
	s11 =	simm.s32 $0x7;
	v5 =	vmov s12  }
0xb6: {  	s30 =	simm.s32 $0x5;
	v6 =	vmov s13;
	v2 =	vand.u32 $0x78, v2;
	v7 =	vmov s11  }
0xb7: {  	v8 =	vmov s30;
	s7 =	simm.s32 $0x6;
	v2 =	vbroadcast v2, $0x0;
	v7 =	vand.u32 $0x7F, v7  }
0xb8: {  	_ =	swait.ge [sflag:s22], $0x1000;
	v9 =	vmov s7;
	v3 =	vand.u32 $0x79, v3;
	v7 =	vbroadcast v7, $0x0  }
0xb9: {  	[sflag:s22] =	ssyncset.done $0x0;
	v11 =	vbroadcast v3, $0x0;
	v3 =	vand.u32 $0x7A, v4;
	v10 =	vor.u32 v0, v2  }
0xba: {  	s6 =	simm.s32 @!p1 $0x6;
	[sflag:s22] =	ssyncadd.s32 $0xFFFFF000;
	v12 =	vbroadcast v3, $0x0;
	v3 =	vand.u32 $0x7B, v5;
	v13 =	vor.u32 v0, v7  }
0xbb: {  	_ =	swait.ge @!p1 [sflag:s6], $0x1000;
	v14 =	vor.u32 v0, v11;
	v16 =	vbroadcast v3, $0x0;
	v3 =	vand.u32 $0x7C, v6  }
0xbc: {  	[sflag:s6] =	ssyncset.done @!p1 $0x0;
	v6 =	vor.u32 v0, v12;
	v20 =	vbroadcast v3, $0x0;
	v3 =	vand.u32 $0x7D, v8  }
0xbd: {  	v4 =	vand.u32 $0x7E, v9;
	[sflag:s6] =	ssyncadd.s32 @!p1 $0xFFFFF000;
	v8 =	vor.u32 v0, v16;
	v5 =	vbroadcast v3, $0x0  }
0xbe: {  	v4 =	vbroadcast v4, $0x0;
	v9 =	vor.u32 v0, v20;
	v3 =	vld.idx.msk [tilespmem:v10+s17+$0x0], $0xffff  }
0xbf: {  	v22 =	vor.u32 v0, v5;
	v23 =	vld.idx.msk [tilespmem:v13+s17+$0x0], $0xffff  }
0xc0: {  	v24 =	vor.u32 v0, v4;
	v13 =	vld.idx.msk [tilespmem:v14+s17+$0x0], $0xffff  }
0xc1: {  	s13 =	simm.s32 $0xA;
	v18 =	vor.u32 v1, v7;
	v10 =	vld.idx.msk [tilespmem:v6+s17+$0x0], $0xffff  }
0xc2: {  	s12 =	simm.s32 $0x8;
	s11 =	simm.s32 $0x9;
	v19 =	vmov s13;
	v14 =	vor.u32 v1, v11;
	v11 =	vld.idx.msk [tilespmem:v8+s17+$0x0], $0xffff  }
0xc3: {  	s30 =	simm.s32 $0xB;
	v15 =	vmov s11;
	v17 =	vor.u32 v1, v12;
	v6 =	vmov s12;
	v12 =	vld.idx.msk [tilespmem:v9+s17+$0x0], $0xffff  }
0xc4: {  	s13 =	simm.s32 $0xC;
	s11 =	simm.s32 $0x50F0;
	v21 =	vor.u32 v1, v16;
	v6 =	vand.u32 $0x78, v6;
	v8 =	vmov s30;
	s30 =	simm.s32 $0xD;
	v16 =	vld.idx.msk [tilespmem:v22+s17+$0x0], $0xffff  }
0xc5: {  	s7 =	simm.s32 $0xF;
	s6 =	simm.s32 $0x10;
	v9 =	vmov s13;
	v7 =	vmov s30;
	v22 =	vor.u32 v1, v20;
	v20 =	vld.idx.msk [tilespmem:v24+s17+$0x0], $0xffff;
	[tilespmem:s11+$0xFFFFFFF0] =	vst v23  }
.LBB2_10:
0xc6: {  	p1 =	slt.u32 s6, $0x78;
	v6 =	vbroadcast v6, $0x0;
	s13 =	sadd.s32 $0x6, s12;
	v23 =	vmov s7;
	[tilespmem:s11+$0xFFFFFF30] =	vst v13;
	v5 =	vor.u32 v1, v5;
	v13 =	vld.idx.msk [tilespmem:v18+s17+$0x0], $0xffff;
	s12 =	smov.u32 s6  }
0xc7: {  	v4 =	vor.u32 v1, v4;
	v18 =	vmov s13;
	v23 =	vand.u32 $0x7F, v23;
	v14 =	vld.idx.msk [tilespmem:v14+s17+$0x0], $0xffff;
	[tilespmem:s11+$0xFFFFFF50] =	vst v10  }
0xc8: {  	v15 =	vand.u32 $0x79, v15;
	v10 =	vor.u32 v0, v6;
	v23 =	vbroadcast v23, $0x0;
	v17 =	vld.idx.msk [tilespmem:v17+s17+$0x0], $0xffff;
	[tilespmem:s11+$0xFFFFFF70] =	vst v11  }
0xc9: {  	v11 =	vbroadcast v15, $0x0;
	v15 =	vand.u32 $0x7A, v19;
	v19 =	vor.u32 v1, v2;
	v2 =	vmovc v6;
	v21 =	vld.idx.msk [tilespmem:v21+s17+$0x0], $0xffff;
	[tilespmem:s11+$0xFFFFFF90] =	vst v12  }
0xca: {  	v6 =	vand.u32 $0x7B, v8;
	v12 =	vbroadcast v15, $0x0;
	v8 =	vor.u32 v0, v23;
	v15 =	vld.idx.msk [tilespmem:v22+s17+$0x0], $0xffff;
	[tilespmem:s11+$0xFFFFFFB0] =	vst v16  }
0xcb: {  	v16 =	vor.u32 v0, v11;
	v22 =	vbroadcast v6, $0x0;
	v6 =	vand.u32 $0x7C, v9;
	v9 =	vld.idx.msk [tilespmem:v5+s17+$0x0], $0xffff;
	[tilespmem:s11+$0xFFFFFFD0] =	vst v20  }
0xcc: {  	v20 =	vor.u32 v0, v12;
	v24 =	vbroadcast v6, $0x0;
	v5 =	vand.u32 $0x7D, v7;
	v7 =	vld.idx.msk [tilespmem:v4+s17+$0x0], $0xffff;
	[tilespmem:s11+$0x0] =	vst v13  }
0xcd: {  	v6 =	vor.u32 v0, v22;
	v5 =	vbroadcast v5, $0x0;
	v4 =	vand.u32 $0x7E, v18;
	[tilespmem:s11+$0xFFFFFF10] =	vst v3;
	v3 =	vld.idx.msk [tilespmem:v10+s17+$0x0], $0xffff  }
0xce: {  	v25 =	vor.u32 v0, v24;
	v4 =	vbroadcast v4, $0x0;
	v26 =	vld.idx.msk [tilespmem:v19+s17+$0x0], $0xffff;
	[tilespmem:s11+$0xFFFFFF40] =	vst v14  }
0xcf: {  	v27 =	vor.u32 v0, v5;
	v28 =	vld.idx.msk [tilespmem:v8+s17+$0x0], $0xffff;
	[tilespmem:s11+$0xFFFFFF60] =	vst v17  }
0xd0: {  	v29 =	vor.u32 v0, v4;
	v13 =	vld.idx.msk [tilespmem:v16+s17+$0x0], $0xffff;
	[tilespmem:s11+$0xFFFFFF80] =	vst v21  }
.Ltmp8:
0xd1: {  	v18 =	vor.u32 v1, v23;
	v10 =	vld.idx.msk [tilespmem:v20+s17+$0x0], $0xffff;
	[tilespmem:s11+$0xFFFFFFA0] =	vst v15;
	(pc) =	sbr.rel @p1 .LBB2_10-.Ltmp8, $4  }
0xd2: {  	s7 =	sadd.s32 $0x1, s6;
	v14 =	vor.u32 v1, v11;
	v8 =	vmov s6;
	v11 =	vld.idx.msk [tilespmem:v6+s17+$0x0], $0xffff;
	[tilespmem:s11+$0xFFFFFFC0] =	vst v9  }
0xd3: {  	s13 =	sadd.s32 $0x3, s6;
	v17 =	vor.u32 v1, v12;
	v15 =	vmov s7;
	s7 =	sadd.s32 $0x2, s6;
	v6 =	vand.u32 $0x78, v8;
	v12 =	vld.idx.msk [tilespmem:v25+s17+$0x0], $0xffff;
	[tilespmem:s11+$0xFFFFFFE0] =	vst v7  }
0xd4: {  	v21 =	vor.u32 v1, v22;
	v19 =	vmov s7;
	v8 =	vmov s13;
	s7 =	sadd.s32 $0x4, s6;
	s13 =	sadd.s32 $0x5, s6;
	v16 =	vld.idx.msk [tilespmem:v27+s17+$0x0], $0xffff;
	[tilespmem:s11+$0xFFFFFF20] =	vst v26;
	s11 =	sadd.s32 $0x100, s11  }
0xd5: {  	v22 =	vor.u32 v1, v24;
	s6 =	sadd.s32 $0x8, s6;
	v9 =	vmov s7;
	v7 =	vmov s13;
	s7 =	sadd.s32 $0x7, s12;
	v20 =	vld.idx.msk [tilespmem:v29+s17+$0x0], $0xffff;
	[tilespmem:s11+$0xFFFFFFF0] =	vst v28  }
0xd6: {  	_ =	sdelay $0x1  }
0xd7: {  	[tilespmem:s11+$0xFFFFFF30] =	vst v13  }
0xd8: {  	v45 =	vmov s7;
	[tilespmem:s11+$0xFFFFFF50] =	vst v10  }
0xd9: {  	v18 =	vld.idx.msk [tilespmem:v18+s17+$0x0], $0xffff;
	v5 =	vor.u32 v1, v5;
	v4 =	vor.u32 v1, v4;
	v48 =	vand.u32 $0x79, v15;
	[tilespmem:s11+$0xFFFFFF10] =	vst v3  }
0xda: {  	v50 =	vand.u32 $0x7A, v19;
	v2 =	vor.u32 v1, v2;
	[tilespmem:s11+$0xFFFFFF70] =	vst v11;
	v47 =	vld.idx.msk [tilespmem:v14+s17+$0x0], $0xffff;
	v14 =	vbroadcast v48, $0x0  }
0xdb: {  	v8 =	vand.u32 $0x7B, v8;
	v9 =	vand.u32 $0x7C, v9;
	v49 =	vld.idx.msk [tilespmem:v17+s17+$0x0], $0xffff;
	v15 =	vbroadcast v50, $0x0;
	[tilespmem:s11+$0xFFFFFF90] =	vst v12  }
0xdc: {  	s6 =	sadd.s32 $0x6, s12;
	v7 =	vand.u32 $0x7D, v7;
	v8 =	vbroadcast v8, $0x0;
	v51 =	vld.idx.msk [tilespmem:v21+s17+$0x0], $0xffff;
	[tilespmem:s11+$0xFFFFFFB0] =	vst v16;
	v54 =	vor.u32 v0, v14  }
0xdd: {  	v46 =	vmov s6;
	v9 =	vbroadcast v9, $0x0;
	v53 =	vld.idx.msk [tilespmem:v22+s17+$0x0], $0xffff;
	v55 =	vor.u32 v0, v15;
	[tilespmem:s11+$0xFFFFFFD0] =	vst v20  }
0xde: {  	v13 =	vand.u32 $0x7F, v45;
	v7 =	vbroadcast v7, $0x0;
	v56 =	vor.u32 v0, v8;
	[tilespmem:s11+$0x0] =	vst v18;
	v5 =	vld.idx.msk [tilespmem:v5+s17+$0x0], $0xffff  }
0xdf: {  	v13 =	vbroadcast v13, $0x0;
	v10 =	vand.u32 $0x7E, v46;
	v57 =	vor.u32 v0, v9;
	v3 =	vld.idx.msk [tilespmem:v4+s17+$0x0], $0xffff;
	[tilespmem:s11+$0xFFFFFF40] =	vst v47  }
0xe0: {  	v10 =	vbroadcast v10, $0x0;
	v58 =	vor.u32 v0, v7;
	v2 =	vld.idx.msk [tilespmem:v2+s17+$0x0], $0xffff;
	[tilespmem:s11+$0xFFFFFF60] =	vst v49  }
0xe1: {  	v6 =	vbroadcast v6, $0x0;
	v52 =	vor.u32 v0, v13;
	[tilespmem:s11+$0xFFFFFF80] =	vst v51;
	v59 =	vld.idx.msk [tilespmem:v54+s17+$0x0], $0xffff  }
0xe2: {  	v60 =	vor.u32 v0, v10;
	[tilespmem:s11+$0xFFFFFFA0] =	vst v53;
	v18 =	vld.idx.msk [tilespmem:v55+s17+$0x0], $0xffff  }
0xe3: {  	v61 =	vor.u32 v0, v6;
	v4 =	vld.idx.msk [tilespmem:v56+s17+$0x0], $0xffff;
	[tilespmem:s11+$0xFFFFFFC0] =	vst v5  }
0xe4: {  	v8 =	vor.u32 v1, v8;
	v11 =	vld.idx.msk [tilespmem:v57+s17+$0x0], $0xffff;
	[tilespmem:s11+$0xFFFFFFE0] =	vst v3  }
0xe5: {  	s12 =	sadd.s32 $0x100, s11;
	v9 =	vor.u32 v1, v9;
	v12 =	vld.idx.msk [tilespmem:v58+s17+$0x0], $0xffff;
	[tilespmem:s11+$0xFFFFFF20] =	vst v2  }
0xe6: {  	v17 =	vld.idx.msk [tilespmem:v52+s17+$0x0], $0xffff;
	v3 =	vor.u32 v1, v14;
	[tilespmem:s12+$0xFFFFFF30] =	vst v59  }
0xe7: {  	v7 =	vor.u32 v1, v7;
	v62 =	vld.idx.msk [tilespmem:v60+s17+$0x0], $0xffff;
	[tilespmem:s12+$0xFFFFFF50] =	vst v18  }
0xe8: {  	v13 =	vor.u32 v1, v13;
	v5 =	vld.idx.msk [tilespmem:v61+s17+$0x0], $0xffff;
	[tilespmem:s12+$0xFFFFFF70] =	vst v4  }
0xe9: {  	v2 =	vor.u32 v1, v15;
	[tilespmem:s12+$0xFFFFFF90] =	vst v11;
	v8 =	vld.idx.msk [tilespmem:v8+s17+$0x0], $0xffff  }
0xea: {  	v63 =	vor.u32 v1, v10;
	[tilespmem:s12+$0xFFFFFFB0] =	vst v12;
	v9 =	vld.idx.msk [tilespmem:v9+s17+$0x0], $0xffff  }
0xeb: {  	v6 =	vor.u32 v1, v6;
	[tilespmem:s12+$0xFFFFFFF0] =	vst v17;
	v3 =	vld.idx.msk [tilespmem:v3+s17+$0x0], $0xffff  }
0xec: {  	v7 =	vld.idx.msk [tilespmem:v7+s17+$0x0], $0xffff;
	[tilespmem:s12+$0xFFFFFFD0] =	vst v62  }
0xed: {  	v13 =	vld.idx.msk [tilespmem:v13+s17+$0x0], $0xffff;
	[tilespmem:s12+$0xFFFFFF10] =	vst v5  }
0xee: {  	v2 =	vld.idx.msk [tilespmem:v2+s17+$0x0], $0xffff;
	[tilespmem:s12+$0xFFFFFF80] =	vst v8  }
0xef: {  	v4 =	vld.idx.msk [tilespmem:v63+s17+$0x0], $0xffff;
	[tilespmem:s12+$0xFFFFFFA0] =	vst v9  }
0xf0: {  	[tilespmem:s12+$0xFFFFFF40] =	vst v3;
	v3 =	vld.idx.msk [tilespmem:v6+s17+$0x0], $0xffff  }
0xf1: {  	[tilespmem:s12+$0xFFFFFFC0] =	vst v7  }
0xf2: {  	[tilespmem:s12+$0x0] =	vst v13  }
0xf3: {  	[tilespmem:s12+$0xFFFFFF60] =	vst v2  }
.Ltmp9:
0xf4: {  	s13 =	sshll.u32 s1, $0x9;
	p1 =	sgt.u32 s1, $0x1E23;
	[tilespmem:s12+$0xFFFFFFE0] =	vst v4;
	(pc) =	sbr.rel .LBB2_12-.Ltmp9, $4  }
0xf5: {  	s30 =	sadd.s32 s4, s13;
	s1 =	sshll.u32 @!p1 s1, $0x7;
	s6 =	simm.s32 @!p1 $0x400;
	[tilespmem:s12+$0xFFFFFF20] =	vst v3  }
0xf6: {  	[hbm4b:s30+s2] =	stream.linear.scatter [tilespmem:s23], [sflag:$0x6], $0x1000, $0x38;
	[tilespmem:$0x7800] =	vst v63  }
0xf7: {  	s7 =	simm.s32 @!p1 $0x7A1400;
	s1 =	sadd.s32 @!p1 s1, s10;
	s11 =	simm.s32 @!p1 $0x2000  }
0xf8: {  	[tilespmem:s11], [sflag:$0x3] =	stream.strided.gather @!p1 [hbm4b:s1+s6], $0x1000, s7, s6, $0x38;
	[tilespmem:$0x7800] =	vst v63  }
.LBB2_13:
0xf9: {  	_ =	swait.ge [sflag:s24], $0x1000  }
0xfa: {  	[sflag:s24] =	ssyncset.done $0x0  }
0xfb: {  	[sflag:s24] =	ssyncadd.s32 $0xFFFFF000  }
0xfc: {  	_ =	swait.ge [sflag:s25], $0x1000  }
.Ltmp10:
0xfd: {  	[sflag:s25] =	ssyncset.done $0x0;
	(pc) =	sbr.rel @p0 .LBB2_17-.Ltmp10, $4  }
0xfe: {  	[sflag:s25] =	ssyncadd.s32 $0xFFFFF000  }
0xff: {  	_ =	swait.ge [sflag:s26], $0x1000  }
0x100: {  	[sflag:s26] =	ssyncset.done $0x0  }
0x101: {  	[sflag:s26] =	ssyncadd.s32 $0xFFFFF000  }
0x102: {  	s0 =	simm.s32 $0x0  }
0x103: {  	s11 =	simm.s32 $0x1;
	s1 =	simm.s32 $0x2;
	s12 =	simm.s32 $0x3;
	v2 =	vmov s0  }
0x104: {  	s13 =	simm.s32 $0x4;
	s6 =	simm.s32 $0x7;
	v3 =	vmov s11;
	v4 =	vmov s1;
	v5 =	vmov s12  }
0x105: {  	s30 =	simm.s32 $0x5;
	v6 =	vmov s13;
	v7 =	vmov s6;
	v2 =	vand.u32 $0x78, v2  }
0x106: {  	v8 =	vmov s30;
	s6 =	simm.s32 $0x6;
	v7 =	vand.u32 $0x7F, v7;
	v2 =	vbroadcast v2, $0x0  }
0x107: {  	v9 =	vmov s6;
	v3 =	vand.u32 $0x79, v3;
	v7 =	vbroadcast v7, $0x0  }
0x108: {  	s7 =	rddreg [dreg:$0x5];
	v11 =	vbroadcast v3, $0x0;
	v3 =	vand.u32 $0x7A, v4;
	v10 =	vor.u32 v0, v2  }
0x109: {  	[tilespmem:s28], [sflag:$0x7] =	stream.strided.gather [hbm4b:s7+s14], $0x1000, s15, s14, $0x38;
	v12 =	vbroadcast v3, $0x0;
	v3 =	vand.u32 $0x7B, v5;
	v13 =	vor.u32 v0, v7;
	[tilespmem:$0x7800] =	vst v63  }
0x10a: {  	_ =	swait.ge [sflag:s29], $0x1000;
	v14 =	vor.u32 v0, v11;
	v16 =	vbroadcast v3, $0x0;
	v3 =	vand.u32 $0x7C, v6  }
0x10b: {  	[sflag:s29] =	ssyncset.done $0x0;
	v6 =	vor.u32 v0, v12;
	v20 =	vbroadcast v3, $0x0;
	v3 =	vand.u32 $0x7D, v8  }
0x10c: {  	v4 =	vand.u32 $0x7E, v9;
	[sflag:s29] =	ssyncadd.s32 $0xFFFFF000;
	v8 =	vor.u32 v0, v16;
	v5 =	vbroadcast v3, $0x0  }
0x10d: {  	v4 =	vbroadcast v4, $0x0;
	v9 =	vor.u32 v0, v20;
	v3 =	vld.idx.msk [tilespmem:v10+s28+$0x0], $0xffff  }
0x10e: {  	v22 =	vor.u32 v0, v5;
	v23 =	vld.idx.msk [tilespmem:v13+s28+$0x0], $0xffff  }
0x10f: {  	v24 =	vor.u32 v0, v4;
	v13 =	vld.idx.msk [tilespmem:v14+s28+$0x0], $0xffff  }
0x110: {  	s11 =	simm.s32 $0x9;
	v18 =	vor.u32 v1, v7;
	v10 =	vld.idx.msk [tilespmem:v6+s28+$0x0], $0xffff  }
0x111: {  	s1 =	simm.s32 $0x8;
	s12 =	simm.s32 $0xA;
	v15 =	vmov s11;
	v14 =	vor.u32 v1, v11;
	v11 =	vld.idx.msk [tilespmem:v8+s28+$0x0], $0xffff  }
0x112: {  	s30 =	simm.s32 $0xD;
	v19 =	vmov s12;
	v17 =	vor.u32 v1, v12;
	v6 =	vmov s1;
	v12 =	vld.idx.msk [tilespmem:v9+s28+$0x0], $0xffff  }
0x113: {  	s7 =	simm.s32 $0xB;
	s0 =	simm.s32 $0x7080;
	s13 =	simm.s32 $0xC;
	v7 =	vmov s30;
	v21 =	vor.u32 v1, v16;
	v6 =	vand.u32 $0x78, v6;
	v16 =	vld.idx.msk [tilespmem:v22+s28+$0x0], $0xffff  }
0x114: {  	s6 =	simm.s32 $0x10;
	v8 =	vmov s7;
	s7 =	simm.s32 $0xF;
	v9 =	vmov s13;
	v22 =	vor.u32 v1, v20;
	v20 =	vld.idx.msk [tilespmem:v24+s28+$0x0], $0xffff;
	[tilespmem:s0+$0x60] =	vst v23  }
.LBB2_15:
0x115: {  	p1 =	slt.u32 s6, $0x38;
	v6 =	vbroadcast v6, $0x0;
	s11 =	sadd.s32 $0x6, s1;
	v23 =	vmov s7;
	[tilespmem:s0+$0xFFFFFFA0] =	vst v13;
	v5 =	vor.u32 v1, v5;
	v13 =	vld.idx.msk [tilespmem:v18+s28+$0x0], $0xffff;
	s1 =	smov.u32 s6  }
0x116: {  	v4 =	vor.u32 v1, v4;
	v18 =	vmov s11;
	v23 =	vand.u32 $0x7F, v23;
	v14 =	vld.idx.msk [tilespmem:v14+s28+$0x0], $0xffff;
	[tilespmem:s0+$0xFFFFFFC0] =	vst v10  }
0x117: {  	v15 =	vand.u32 $0x79, v15;
	v10 =	vor.u32 v0, v6;
	v23 =	vbroadcast v23, $0x0;
	v17 =	vld.idx.msk [tilespmem:v17+s28+$0x0], $0xffff;
	[tilespmem:s0+$0xFFFFFFE0] =	vst v11  }
0x118: {  	v11 =	vbroadcast v15, $0x0;
	v15 =	vand.u32 $0x7A, v19;
	v19 =	vor.u32 v1, v2;
	v2 =	vmovc v6;
	v21 =	vld.idx.msk [tilespmem:v21+s28+$0x0], $0xffff;
	[tilespmem:s0+$0x0] =	vst v12  }
0x119: {  	v6 =	vand.u32 $0x7B, v8;
	v12 =	vbroadcast v15, $0x0;
	v8 =	vor.u32 v0, v23;
	v15 =	vld.idx.msk [tilespmem:v22+s28+$0x0], $0xffff;
	[tilespmem:s0+$0x20] =	vst v16  }
0x11a: {  	v16 =	vor.u32 v0, v11;
	v22 =	vbroadcast v6, $0x0;
	v6 =	vand.u32 $0x7C, v9;
	v9 =	vld.idx.msk [tilespmem:v5+s28+$0x0], $0xffff;
	[tilespmem:s0+$0x40] =	vst v20  }
0x11b: {  	v20 =	vor.u32 v0, v12;
	v24 =	vbroadcast v6, $0x0;
	v5 =	vand.u32 $0x7D, v7;
	v7 =	vld.idx.msk [tilespmem:v4+s28+$0x0], $0xffff;
	[tilespmem:s0+$0x70] =	vst v13  }
0x11c: {  	v6 =	vor.u32 v0, v22;
	v5 =	vbroadcast v5, $0x0;
	v4 =	vand.u32 $0x7E, v18;
	[tilespmem:s0+$0xFFFFFF80] =	vst v3;
	v3 =	vld.idx.msk [tilespmem:v10+s28+$0x0], $0xffff  }
0x11d: {  	v25 =	vor.u32 v0, v24;
	v4 =	vbroadcast v4, $0x0;
	v26 =	vld.idx.msk [tilespmem:v19+s28+$0x0], $0xffff;
	[tilespmem:s0+$0xFFFFFFB0] =	vst v14  }
0x11e: {  	v27 =	vor.u32 v0, v5;
	v28 =	vld.idx.msk [tilespmem:v8+s28+$0x0], $0xffff;
	[tilespmem:s0+$0xFFFFFFD0] =	vst v17  }
0x11f: {  	v29 =	vor.u32 v0, v4;
	v13 =	vld.idx.msk [tilespmem:v16+s28+$0x0], $0xffff;
	[tilespmem:s0+$0xFFFFFFF0] =	vst v21  }
.Ltmp11:
0x120: {  	v18 =	vor.u32 v1, v23;
	v10 =	vld.idx.msk [tilespmem:v20+s28+$0x0], $0xffff;
	[tilespmem:s0+$0x10] =	vst v15;
	(pc) =	sbr.rel @p1 .LBB2_15-.Ltmp11, $4  }
0x121: {  	s7 =	sadd.s32 $0x1, s6;
	v14 =	vor.u32 v1, v11;
	v8 =	vmov s6;
	v11 =	vld.idx.msk [tilespmem:v6+s28+$0x0], $0xffff;
	[tilespmem:s0+$0x30] =	vst v9  }
0x122: {  	s11 =	sadd.s32 $0x3, s6;
	v17 =	vor.u32 v1, v12;
	v15 =	vmov s7;
	s7 =	sadd.s32 $0x2, s6;
	v6 =	vand.u32 $0x78, v8;
	v12 =	vld.idx.msk [tilespmem:v25+s28+$0x0], $0xffff;
	[tilespmem:s0+$0x50] =	vst v7  }
0x123: {  	v21 =	vor.u32 v1, v22;
	v19 =	vmov s7;
	v8 =	vmov s11;
	s7 =	sadd.s32 $0x4, s6;
	s11 =	sadd.s32 $0x5, s6;
	v16 =	vld.idx.msk [tilespmem:v27+s28+$0x0], $0xffff;
	[tilespmem:s0+$0xFFFFFF90] =	vst v26;
	s0 =	sadd.s32 $0x100, s0  }
0x124: {  	v22 =	vor.u32 v1, v24;
	s6 =	sadd.s32 $0x8, s6;
	v9 =	vmov s7;
	v7 =	vmov s11;
	s7 =	sadd.s32 $0x7, s1;
	v20 =	vld.idx.msk [tilespmem:v29+s28+$0x0], $0xffff;
	[tilespmem:s0+$0x60] =	vst v28  }
0x125: {  	_ =	sdelay $0x1  }
0x126: {  	[tilespmem:s0+$0xFFFFFFA0] =	vst v13  }
0x127: {  	v45 =	vmov s7;
	[tilespmem:s0+$0xFFFFFFC0] =	vst v10  }
0x128: {  	v18 =	vld.idx.msk [tilespmem:v18+s28+$0x0], $0xffff;
	v5 =	vor.u32 v1, v5;
	v4 =	vor.u32 v1, v4;
	v48 =	vand.u32 $0x79, v15;
	[tilespmem:s0+$0xFFFFFF80] =	vst v3  }
0x129: {  	v50 =	vand.u32 $0x7A, v19;
	v2 =	vor.u32 v1, v2;
	[tilespmem:s0+$0xFFFFFFE0] =	vst v11;
	v47 =	vld.idx.msk [tilespmem:v14+s28+$0x0], $0xffff;
	v14 =	vbroadcast v48, $0x0  }
0x12a: {  	v8 =	vand.u32 $0x7B, v8;
	v9 =	vand.u32 $0x7C, v9;
	v49 =	vld.idx.msk [tilespmem:v17+s28+$0x0], $0xffff;
	v15 =	vbroadcast v50, $0x0;
	[tilespmem:s0+$0x0] =	vst v12  }
0x12b: {  	s1 =	sadd.s32 $0x6, s1;
	v7 =	vand.u32 $0x7D, v7;
	v8 =	vbroadcast v8, $0x0;
	v51 =	vld.idx.msk [tilespmem:v21+s28+$0x0], $0xffff;
	[tilespmem:s0+$0x20] =	vst v16;
	v54 =	vor.u32 v0, v14  }
0x12c: {  	v46 =	vmov s1;
	v9 =	vbroadcast v9, $0x0;
	v53 =	vld.idx.msk [tilespmem:v22+s28+$0x0], $0xffff;
	v55 =	vor.u32 v0, v15;
	[tilespmem:s0+$0x40] =	vst v20  }
0x12d: {  	v13 =	vand.u32 $0x7F, v45;
	v7 =	vbroadcast v7, $0x0;
	v56 =	vor.u32 v0, v8;
	[tilespmem:s0+$0x70] =	vst v18;
	v5 =	vld.idx.msk [tilespmem:v5+s28+$0x0], $0xffff  }
0x12e: {  	v13 =	vbroadcast v13, $0x0;
	v10 =	vand.u32 $0x7E, v46;
	v57 =	vor.u32 v0, v9;
	v3 =	vld.idx.msk [tilespmem:v4+s28+$0x0], $0xffff;
	[tilespmem:s0+$0xFFFFFFB0] =	vst v47  }
0x12f: {  	v10 =	vbroadcast v10, $0x0;
	v58 =	vor.u32 v0, v7;
	v2 =	vld.idx.msk [tilespmem:v2+s28+$0x0], $0xffff;
	[tilespmem:s0+$0xFFFFFFD0] =	vst v49  }
0x130: {  	v6 =	vbroadcast v6, $0x0;
	v52 =	vor.u32 v0, v13;
	[tilespmem:s0+$0xFFFFFFF0] =	vst v51;
	v59 =	vld.idx.msk [tilespmem:v54+s28+$0x0], $0xffff  }
0x131: {  	v60 =	vor.u32 v0, v10;
	[tilespmem:s0+$0x10] =	vst v53;
	v18 =	vld.idx.msk [tilespmem:v55+s28+$0x0], $0xffff  }
0x132: {  	v61 =	vor.u32 v0, v6;
	v4 =	vld.idx.msk [tilespmem:v56+s28+$0x0], $0xffff;
	[tilespmem:s0+$0x30] =	vst v5  }
0x133: {  	v8 =	vor.u32 v1, v8;
	v11 =	vld.idx.msk [tilespmem:v57+s28+$0x0], $0xffff;
	[tilespmem:s0+$0x50] =	vst v3  }
0x134: {  	s13 =	sadd.s32 $0x100, s0;
	v9 =	vor.u32 v1, v9;
	v12 =	vld.idx.msk [tilespmem:v58+s28+$0x0], $0xffff;
	[tilespmem:s0+$0xFFFFFF90] =	vst v2  }
0x135: {  	v17 =	vld.idx.msk [tilespmem:v52+s28+$0x0], $0xffff;
	v3 =	vor.u32 v1, v14;
	[tilespmem:s13+$0xFFFFFFA0] =	vst v59  }
0x136: {  	v7 =	vor.u32 v1, v7;
	v62 =	vld.idx.msk [tilespmem:v60+s28+$0x0], $0xffff;
	[tilespmem:s13+$0xFFFFFFC0] =	vst v18  }
0x137: {  	v13 =	vor.u32 v1, v13;
	v5 =	vld.idx.msk [tilespmem:v61+s28+$0x0], $0xffff;
	[tilespmem:s13+$0xFFFFFFE0] =	vst v4  }
0x138: {  	v2 =	vor.u32 v1, v15;
	[tilespmem:s13+$0x0] =	vst v11;
	v8 =	vld.idx.msk [tilespmem:v8+s28+$0x0], $0xffff  }
0x139: {  	v63 =	vor.u32 v1, v10;
	[tilespmem:s13+$0x20] =	vst v12;
	v9 =	vld.idx.msk [tilespmem:v9+s28+$0x0], $0xffff  }
0x13a: {  	v6 =	vor.u32 v1, v6;
	[tilespmem:s13+$0x60] =	vst v17;
	v3 =	vld.idx.msk [tilespmem:v3+s28+$0x0], $0xffff  }
0x13b: {  	v7 =	vld.idx.msk [tilespmem:v7+s28+$0x0], $0xffff;
	[tilespmem:s13+$0x40] =	vst v62  }
0x13c: {  	v13 =	vld.idx.msk [tilespmem:v13+s28+$0x0], $0xffff;
	[tilespmem:s13+$0xFFFFFF80] =	vst v5  }
0x13d: {  	v2 =	vld.idx.msk [tilespmem:v2+s28+$0x0], $0xffff;
	[tilespmem:s13+$0xFFFFFFF0] =	vst v8  }
0x13e: {  	v4 =	vld.idx.msk [tilespmem:v63+s28+$0x0], $0xffff;
	[tilespmem:s13+$0x10] =	vst v9  }
0x13f: {  	[tilespmem:s13+$0xFFFFFFB0] =	vst v3;
	v3 =	vld.idx.msk [tilespmem:v6+s28+$0x0], $0xffff  }
0x140: {  	[tilespmem:s13+$0x30] =	vst v7  }
0x141: {  	[tilespmem:s13+$0x70] =	vst v13  }
0x142: {  	[tilespmem:s13+$0xFFFFFFD0] =	vst v2  }
0x143: {  	[tilespmem:s13+$0x50] =	vst v4  }
0x144: {  	[tilespmem:s13+$0xFFFFFF90] =	vst v3  }
.Ltmp12:
0x145: {  	s30 =	simm.s32 $0x7000;
	s0 =	rddreg [dreg:$0x6];
	(pc) =	sbr.rel .LBB2_17-.Ltmp12, $4  }
0x146: {  	[hbm4b:s0+s2] =	stream.linear.scatter [tilespmem:s30], [sflag:$0x7], $0x800, $0x38;
	[tilespmem:$0x7800] =	vst v63  }
0x147: {  	_ =	swait.ge [sflag:s29], $0x800  }
0x148: {  	[sflag:s29] =	ssyncset.done $0x0  }
0x149: {  	[sflag:s29] =	ssyncadd.s32 $0xFFFFF800  }
.LBB2_18:
0x14a: {  	_ =	sfence.sel $0x180000  }
0x14b: {  	[bflag:$0x0] =	sbarrier.arrive $0xFFFF  }
0x14c: {  	_ =	strace $0x90000047  }
0x14d: {  	s0 =	stileid.u32;
	[bflag:$0x2] =	sbarrier.arrive $0xFFFF  }
0x14e: {  	p0 =	sne.s32 s0, $0x0;
	s0 =	rddreg [dreg:$0x2]  }
0x14f: {  	s0 =	sadd.s32 @!p0 $0x100000, s0  }
0x150: {  	[sflag:s0] =	ssyncadd.tile.s32 @!p0 $0x1;
	_ =	shalt  }
.Lfunc_end2:
_tile_overlayer_lowered:
.L_overlay_start_2:
0x151: {  	(tag) =	ssettag $0x2  }
0x152: {  	s0 =	rddreg [dreg:$0x0];
	s2 =	stileid.u32  }
0x153: {  	s1 =	rddreg [dreg:$0x1];
	p0 =	sne.s32 s2, $0x0  }
0x154: {  	s3 =	rddreg [dreg:$0x2];
	[bflag:$0x3] =	sbarrier.arrive $0xFFFF;
	s2 =	simm.s32 @!p0 $0x1C07  }
0x155: {  	[timem:s3], [sflag:s2] =	dma.local @!p0 [hbm:s0], s1  }
0x156: {  	s0 =	simm.s32 @!p0 $0x7  }
0x157: {  	_ =	swait.ge @!p0 [sflag:s0], s1  }
0x158: {  	s1 =	ssub.s32 @!p0 $0x0, s1;
	[sflag:s0] =	ssyncset.done @!p0 $0x0  }
0x159: {  	[sflag:s0] =	ssyncadd.s32 @!p0 s1  }
0x15a: {  	[bflag:$0x3] =	sbarrier.arrive $0xFFFF  }
0x15b: {  	_ =	shalt  }

// kernel: kernel.7.cloned.1.call-start
scs
__scs_entry_jumppad:
0x0: {  	(pc) =	sbr.rel $0x88, $3  }
0x1: {  	(tag) =	ssettag $0x0;
	lr =	simm.s32 $0x1  }
0x2: {  	[smem:$0x3F9F] =	sst lr;
	_ =	strace $0xD0000000  }
0x3: {  	_ = 	snop  }
0x4: {  	_ = 	snop  }
0x5: {  	_ = 	snop  }
0x6: {  	_ = 	snop  }
0x7: {  	_ = 	snop  }
__scs_overlays_trampoline_lowered:
0x8: {  	[smem:$0x3FAE] =	sst s0  }
0x9: {  	[smem:$0x3FAF] =	sst s1  }
0xa: {  	[smem:$0x3FB0] =	sst s2  }
0xb: {  	[smem:$0x3FB1] =	sst s3  }
0xc: {  	[smem:$0x3FB2] =	sst s4  }
0xd: {  	[smem:$0x3FB3] =	sst s5  }
0xe: {  	[smem:$0x3FB4] =	sst s6  }
0xf: {  	[smem:$0x3FB5] =	sst s7  }
0x10: {  	[smem:$0x3FB6] =	sst s8  }
0x11: {  	[smem:$0x3FB7] =	sst s9;
	s0 =	simm.s32 @!p0 $0x0  }
0x12: {  	s1 =	sld [smem:$0x3F9D];
	s0 =	simm.s32 @p0 $0x1  }
0x13: {  	[smem:$0x3FB8] =	sst s0;
	s0 =	simm.s32 @!p1 $0x0  }
0x14: {  	s2 =	sld [smem:$0x3F9C];
	s0 =	simm.s32 @p1 $0x1  }
0x15: {  	[smem:$0x3FB9] =	sst s0;
	s0 =	simm.s32 @!p2 $0x0  }
0x16: {  	s3 =	sld [smem:$0x3FDB];
	s0 =	simm.s32 @p2 $0x1  }
0x17: {  	s4 =	simm.s32 $0x1BF5;
	[smem:$0x3FBB] =	sst s0  }
0x18: {  	s0 =	sld [smem:$0x3F9E];
	_ =	swait.ge [sflag:s4], $0x0  }
0x19: {  	s7 =	sld [smem:$0x3F9F]  }
0x1a: {  	s8 =	sadd.s32 $0xFFFFE003, lr  }
0x1b: {  	s9 =	sadd.s32 $0xFFFFFEF7, lr;
	s5 =	simm.s32 $0xFFFFFFFF;
	p2 =	slt.u32 s8, $0xFFFFF086  }
0x1c: {  	p1 =	slt.u32 s9, $0xF7A;
	s5 =	simm.s32 @!p2 $0x0  }
0x1d: {  	s5 =	simm.s32 @p1 $0x1;
	p0 =	seq.s32 s7, s2  }
0x1e: {  	s7 =	smul.u32 @!p0 $0xF7A, s2;
	p2 =	seq.s32 @!p0 s5, $0x0  }
0x1f: {  	s9 =	smul.u32 $0xF7A, s1;
	s8 =	simm.s32 @!p0 $0x1BF5;
	p2 =	por !p2, p0  }
0x20: {  	[sflag:s8] =	ssyncset.s32 @!p0 $0xFFFFF086;
	s6 =	sadd.s32 @!p0 s3, s7;
	s7 =	simm.s32 @!p0 $0x108  }
0x21: {  	s3 =	sadd.s32 s3, s9;
	s6 =	sadd.s32 @!p0 $0x88, s6;
	s7 =	simm.s32 @p2 $0x1082  }
0x22: {  	[simem:s7], [sflag:s8] =	dma.local @!p0 [hbm:s6], $0xF7A  }
0x23: {  	s9 =	sor.u32 $0xD0000000, s2;
	s6 =	simm.s32 $0x108;
	_ =	swait.ge @!p0 [sflag:s8], $0x0  }
0x24: {  	s3 =	sadd.s32 $0x88, s3;
	s6 =	simm.s32 @!p1 $0x1082;
	[sflag:s4] =	ssyncset.s32 $0xFFFFF086  }
0x25: {  	[simem:s6], [sflag:s4] =	dma.local [hbm:s3], $0xF7A  }
0x26: {  	[smem:$0x3F9F] =	sst s1;
	(tag) =	ssettag s2;
	_ =	strace s9  }
0x27: {  	s1 =	sld [smem:$0x3FAF]  }
0x28: {  	s2 =	sld [smem:$0x3FB0]  }
0x29: {  	s4 =	sld [smem:$0x3FB2]  }
0x2a: {  	p0 =	seq.s32 s5, $0x0;
	s5 =	sld [smem:$0x3FB3]  }
0x2b: {  	s6 =	sld [smem:$0x3FB4]  }
0x2c: {  	s7 =	sld [smem:$0x3FB5]  }
0x2d: {  	s3 =	simm.s32 $0x108;
	s8 =	sld [smem:$0x3FB6]  }
0x2e: {  	s3 =	simm.s32 @!p0 $0x1082;
	s9 =	sld [smem:$0x3FB7]  }
0x2f: {  	lr =	sadd.s32 s0, s3;
	s0 =	sld [smem:$0x3FAE]  }
0x30: {  	s3 =	sld [smem:$0x3FB1]  }
0x31: {  	[smem:$0x3FBA] =	sst s10  }
0x32: {  	s10 =	sld [smem:$0x3FB8];
	_ =	sdelay $0x3  }
0x33: {  	p0 =	seq.s32 s10, $0x1;
	s10 =	sld [smem:$0x3FBA];
	_ =	sdelay $0x3  }
0x34: {  	[smem:$0x3FBA] =	sst s10  }
0x35: {  	s10 =	sld [smem:$0x3FB9];
	_ =	sdelay $0x3  }
0x36: {  	p1 =	seq.s32 s10, $0x1;
	s10 =	sld [smem:$0x3FBA];
	_ =	sdelay $0x3  }
0x37: {  	[smem:$0x3FBA] =	sst s10  }
0x38: {  	s10 =	sld [smem:$0x3FBB]  }
0x39: {  	_ = 	snop;
	(pc) =	sbr.ind lr, $3  }
0x3a: {  	_ = 	snop  }
0x3b: {  	_ = 	snop  }
0x3c: {  	p2 =	seq.s32 s10, $0x1;
	s10 =	sld [smem:$0x3FBA]  }
0x3d: {  	_ =	shalt  }
0x3e: {  	_ =	shalt  }
0x3f: {  	_ =	shalt  }
0x40: {  	_ =	shalt  }
0x41: {  	_ =	shalt  }
0x42: {  	_ =	shalt  }
0x43: {  	_ =	shalt  }
0x44: {  	_ =	shalt  }
0x45: {  	_ =	shalt  }
0x46: {  	_ =	shalt  }
0x47: {  	_ =	shalt  }
0x48: {  	_ =	shalt  }
0x49: {  	_ =	shalt  }
0x4a: {  	_ =	shalt  }
0x4b: {  	_ =	shalt  }
0x4c: {  	_ =	shalt  }
0x4d: {  	_ =	shalt  }
0x4e: {  	_ =	shalt  }
0x4f: {  	_ =	shalt  }
0x50: {  	_ =	shalt  }
0x51: {  	_ =	shalt  }
0x52: {  	_ =	shalt  }
0x53: {  	_ =	shalt  }
0x54: {  	_ =	shalt  }
0x55: {  	_ =	shalt  }
0x56: {  	_ =	shalt  }
0x57: {  	_ =	shalt  }
0x58: {  	_ =	shalt  }
0x59: {  	_ =	shalt  }
0x5a: {  	_ =	shalt  }
0x5b: {  	_ =	shalt  }
0x5c: {  	_ =	shalt  }
0x5d: {  	_ =	shalt  }
0x5e: {  	_ =	shalt  }
0x5f: {  	_ =	shalt  }
0x60: {  	_ =	shalt  }
0x61: {  	_ =	shalt  }
0x62: {  	_ =	shalt  }
0x63: {  	_ =	shalt  }
0x64: {  	_ =	shalt  }
0x65: {  	_ =	shalt  }
0x66: {  	_ =	shalt  }
0x67: {  	_ =	shalt  }
0x68: {  	_ =	shalt  }
0x69: {  	_ =	shalt  }
0x6a: {  	_ =	shalt  }
0x6b: {  	_ =	shalt  }
0x6c: {  	_ =	shalt  }
0x6d: {  	_ =	shalt  }
0x6e: {  	_ =	shalt  }
0x6f: {  	_ =	shalt  }
0x70: {  	_ =	shalt  }
0x71: {  	_ =	shalt  }
0x72: {  	_ =	shalt  }
0x73: {  	_ =	shalt  }
0x74: {  	_ =	shalt  }
0x75: {  	_ =	shalt  }
0x76: {  	_ =	shalt  }
0x77: {  	_ =	shalt  }
0x78: {  	_ =	shalt  }
0x79: {  	_ =	shalt  }
0x7a: {  	_ =	shalt  }
0x7b: {  	_ =	shalt  }
0x7c: {  	_ =	shalt  }
0x7d: {  	_ =	shalt  }
0x7e: {  	_ =	shalt  }
0x7f: {  	_ =	shalt  }
0x80: {  	_ =	shalt  }
0x81: {  	_ =	shalt  }
0x82: {  	_ =	shalt  }
0x83: {  	_ =	shalt  }
0x84: {  	_ =	shalt  }
0x85: {  	_ =	shalt  }
0x86: {  	_ =	shalt  }
0x87: {  	_ =	shalt  }
.Lfunc_end0:
.L_simem_size_0:
called_computation.1_lowered:
.L_overlay_start_0:
0x88: {  	s2 =	sld [smem:$0x3FD9]  }
0x89: {  	s3 =	sld [smem:$0x3FFE];
	_ =	sdelay $0x1  }
0x8a: {  	s1 =	srdreg.scid  }
0x8b: {  	s0 =	sand.u32 $0x1, s1  }
0x8c: {  	s17 =	sshll.u32 s0, $0xA;
	s2 =	sadd.s32 s3, s2  }
0x8d: {  	s2 =	sadd.s32 s2, s17  }
0x8e: {  	[smem:$0x3FC6] =	sst s2  }
0x8f: {  	_ = 	snop  }
0x90: {  	s2 =	sld [smem:$0x3FD0];
	(tm) =	ssettm $0x1  }
0x91: {  	s18 =	sld [smem:$0x3FFB];
	_ =	sdelay $0x3  }
0x92: {  	_ =	strace s18  }
0x93: {  	s3 =	sld [smem:$0x3FFC];
	_ =	sdelay $0x3  }
0x94: {  	_ =	strace s3  }
0x95: {  	s3 =	sld [smem:$0x3FFD];
	_ =	sdelay $0x3  }
0x96: {  	_ =	strace s3  }
0x97: {  	_ =	strace $0x8FFFFFFF  }
0x98: {  	s19 =	sld [smem:$0x3FDB];
	_ =	sdelay $0x1  }
0x99: {  	s4 =	simm.s32 $_scs_section_size  }
0x9a: {  	s5 =	simm.s32 $_size__tile_overlayer_lowered;
	s6 =	simm.s32 $_tile_overlayer_lowered  }
0x9b: {  	s22 =	simm.s32 $0x1BFF;
	s21 =	sshll.u32 s6, $0x1;
	s3 =	sadd.s32 s4, s19  }
0x9c: {  	s7 =	simm.s32 $0x0;
	s20 =	sshll.u32 s5, $0x1;
	s5 =	sadd.s32 s21, s3  }
0x9d: {  	[timem:s7], [sflag:s22] =	dma.local [hbm:s5], s20  }
0x9e: {  	_ =	swait.ge [sflag:s22], s20  }
0x9f: {  	s4 =	ssub.s32 $0x0, s20;
	[sflag:s22] =	ssyncset.done $0x0  }
0xa0: {  	[sflag:s22] =	ssyncadd.s32 s4;
	_ =	sdelay $0x1  }
0xa1: {  	s23 =	simm.s32 $0x1B8B  }
0xa2: {  	_ =	swait.ge [sflag:s23], $0x1  }
0xa3: {  	[sflag:s23] =	ssyncset.done $0x0  }
0xa4: {  	s25 =	simm.s32 $0x1B8E;
	s24 =	sld [smem:$0x3FFE];
	[sflag:s23] =	ssyncadd.s32 $0xFFFFFFFF  }
0xa5: {  	s26 =	simm.s32 $execute0_lowered;
	[smem:$0x3FD2] =	sst s25  }
0xa6: {  	s5 =	sshll.u32 s26, $0x1;
	_ =	strace $0x80000049;
	[dreg:$0x1] =	wrdreg $0xFFFFFFFF  }
0xa7: {  	s28 =	simm.s32 $_size_execute0_lowered;
	s3 =	sadd.s32 s3, s5;
	[dreg:$0x0] =	wrdreg $0x0  }
0xa8: {  	s5 =	sshll.u32 s28, $0x1;
	[dreg:$0x2] =	wrdreg s3  }
0xa9: {  	[dreg:$0x3] =	wrdreg s5  }
0xaa: {  	[dreg:$0x4] =	wrdreg $0xC0  }
0xab: {  	_ =	task [dreg:s7], $0x5FFFF  }
0xac: {  	[dreg:$0x1] =	wrdreg $0xFFFFFFFF  }
0xad: {  	[dreg:$0x0] =	wrdreg $0x60  }
0xae: {  	[dreg:$0x2] =	wrdreg s24  }
0xaf: {  	[dreg:$0x3] =	wrdreg s2  }
0xb0: {  	[dreg:$0x4] =	wrdreg $0x9  }
0xb1: {  	_ =	task.clear_ibuf [dreg:s7], $0x5FFFF;
	_ =	strace $0x90000049  }
0xb2: {  	s29 =	simm.s32 $0x9;
	_ =	strace $0x8000004B  }
0xb3: {  	_ =	swait.ge [sflag:s29], $0x1  }
0xb4: {  	[sflag:s29] =	ssyncadd.s32 $0xFFFFFFFF  }
0xb5: {  	_ =	strace $0x9000004B  }
0xb6: {  	_ =	sfence  }
0xb7: {  	s30 =	sld [smem:$0x0];
	_ =	sdelay $0x2  }
0xb8: {  	s31 =	sshll.u32 s1, $0xD;
	s1 =	sshrl.u32 s1, $0x2  }
0xb9: {  	s3 =	sand.u32 $0x4000, s31;
	s1 =	sadd.s32 s1, s30  }
0xba: {  	s0 =	sor.u32 s3, s0;
	s1 =	sshll.u32 s1, $0x11  }
0xbb: {  	s0 =	sor.u32 s1, s0  }
0xbc: {  	s0 =	sadd.s32 $0x8F2B, s0  }
0xbd: {  	[sflag:s0] =	ssyncadd.remote.s32 $0x1  }
0xbe: {  	_ =	sfence.sel $0xFFFF  }
0xbf: {  	[dreg:$0x0] =	wrdreg $0xFFFFFFFF;
	(pc) =	sbr.abs _section_cstart, $3  }
0xc0: {  	[dreg:$0x1] =	wrdreg $0xFFFFFFFF  }
0xc1: {  	_ =	task.clear_ibuf [dreg:s7], $0x2FFFF;
	_ =	strace $0x9FFFFFFF  }
0xc2: {  	(tm) =	ssettm $0x7FFFFFFF  }
0xc3: {  	_ =	shalt  }
tec
execute0_lowered:
.L_overlay_start_1:
0x0: {  	(tag) =	ssettag $0x1  }
0x1: {  	s1 =	srdreg.scid;
	s2 =	stileid.u32  }
0x2: {  	s1 =	sand.u32 $0x1, s1;
	s2 =	sshll.u32 s2, $0x1  }
0x3: {  	s0 =	rddreg [dreg:$0x0];
	s3 =	simm.s32 $0x0;
	s2 =	sor.u32 s1, s2  }
0x4: {  	[smem:$0x7FF] =	sst s3;
	s24 =	smul.u32 $0x680, s2  }
0x5: {  	s31 =	sadd.s32 $0x3D1400, s0;
	s0 =	sadd.s32 $0xA00, s0;
	s2 =	smul.u32 $0x68, s2  }
0x6: {  	_ =	strace $0x8000004A;
	s1 =	ssub.s32 $0x2, s1;
	[dreg:$0x5] =	wrdreg s0  }
0x7: {  	s5 =	sshrl.u32 s1, $0x1;
	s3 =	sadd.s32 s31, s24;
	[dreg:$0x3] =	wrdreg s2  }
0x8: {  	v0 =	vlaneseq.u32;
	s25 =	ssub.s32 s1, s5;
	s30 =	sadd.s32 $0x67, s2;
	[dreg:$0x4] =	wrdreg s3  }
0x9: {  	v0 =	vmul.u32 $0x20, v0;
	s0 =	smax.u32 s25, $0x1;
	[dreg:$0x9] =	wrdreg s30  }
0xa: {  	s15 =	simm.s32 $0x200;
	s26 =	sadd.s32 $0x10, s3;
	[dreg:$0xa] =	wrdreg s0  }
0xb: {  	s17 =	simm.s32 $0x1200;
	v1 =	vor.u32 $0x200, v0;
	s28 =	sadd.s32 $0x20, s3;
	[dreg:$0x6] =	wrdreg s26  }
0xc: {  	s20 =	simm.s32 $0x2200;
	v2 =	vor.u32 $0x400, v0;
	v3 =	vor.u32 $0x600, v0;
	v4 =	vor.u32 $0x800, v0;
	s29 =	sadd.s32 $0x30, s3;
	[dreg:$0x7] =	wrdreg s28  }
0xd: {  	s23 =	simm.s32 $0x3200;
	v5 =	vor.u32 $0xA00, v0;
	v6 =	vor.u32 $0xC00, v0;
	v7 =	vor.u32 $0xE00, v0;
	s2 =	simm.s32 $0x0;
	[dreg:$0x8] =	wrdreg s29  }
.LBB2_1:
0xe: {  	[dreg:$0xb] =	wrdreg s2  }
0xf: {  	s0 =	simm.s32 $0x0;
	s1 =	rddreg [dreg:$0x4];
	s19 =	simm.s32 $0x9  }
0x10: {  	[tilespmem:s0], [sflag:$0x9] =	stream.linear.gather [hbm4b:s1+s0], $0x80, $0x38;
	[tilespmem:$0x8200] =	vst v63  }
0x11: {  	_ =	swait.ge [sflag:s19], $0x80  }
0x12: {  	[sflag:s19] =	ssyncset.done $0x0  }
0x13: {  	s3 =	simm.s32 $0x80;
	s21 =	rddreg [dreg:$0x5];
	[sflag:s19] =	ssyncadd.s32 $0xFFFFFF80  }
0x14: {  	[tilespmem:s15], [sflag:$0x1] =	stream.indirect.gather [hbm4b:s21+s3], $0x20, s0, s3, $0xb8;
	[tilespmem:$0x8200] =	vst v63  }
0x15: {  	s24 =	simm.s32 $0xA;
	s22 =	rddreg [dreg:$0x6]  }
0x16: {  	[tilespmem:s3], [sflag:$0xA] =	stream.linear.gather [hbm4b:s22+s0], $0x80, $0x38;
	[tilespmem:$0x8200] =	vst v63  }
0x17: {  	_ =	swait.ge [sflag:s24], $0x80  }
0x18: {  	[sflag:s24] =	ssyncset.done $0x0  }
0x19: {  	[sflag:s24] =	ssyncadd.s32 $0xFFFFFF80  }
0x1a: {  	[tilespmem:s17], [sflag:$0x2] =	stream.indirect.gather [hbm4b:s21+s3], $0x20, s3, s3, $0xb8;
	[tilespmem:$0x8200] =	vst v63  }
0x1b: {  	s4 =	simm.s32 $0x100;
	s26 =	simm.s32 $0xB;
	s25 =	rddreg [dreg:$0x7]  }
0x1c: {  	[tilespmem:s4], [sflag:$0xB] =	stream.linear.gather [hbm4b:s25+s0], $0x80, $0x38;
	[tilespmem:$0x8200] =	vst v63  }
0x1d: {  	_ =	swait.ge [sflag:s26], $0x80  }
0x1e: {  	[sflag:s26] =	ssyncset.done $0x0  }
0x1f: {  	[sflag:s26] =	ssyncadd.s32 $0xFFFFFF80  }
0x20: {  	[tilespmem:s20], [sflag:$0x3] =	stream.indirect.gather [hbm4b:s21+s3], $0x20, s4, s3, $0xb8;
	[tilespmem:$0x8200] =	vst v63  }
0x21: {  	s29 =	simm.s32 $0x180;
	s30 =	simm.s32 $0xC;
	s28 =	rddreg [dreg:$0x8]  }
0x22: {  	[tilespmem:s29], [sflag:$0xC] =	stream.linear.gather [hbm4b:s28+s0], $0x80, $0x38;
	[tilespmem:$0x8200] =	vst v63  }
0x23: {  	_ =	swait.ge [sflag:s30], $0x80  }
0x24: {  	[sflag:s30] =	ssyncset.done $0x0  }
0x25: {  	s6 =	simm.s32 $0x0;
	[sflag:s30] =	ssyncadd.s32 $0xFFFFFF80  }
0x26: {  	[tilespmem:s23], [sflag:$0x4] =	stream.indirect.gather [hbm4b:s21+s3], $0x20, s29, s3, $0xb8;
	[tilespmem:$0x8200] =	vst v63  }
.LBB2_2:
0x27: {  	s0 =	sshll.u32 s6, $0x2;
	s1 =	rddreg [dreg:$0x3]  }
0x28: {  	s13 =	sadd.s32 s1, s0  }
0x29: {  	s14 =	rddreg [dreg:$0x9];
	s16 =	simm.s32 $0x2;
	s0 =	sadd.s32 $0x4, s13  }
0x2a: {  	s2 =	simm.s32 $0x1;
	v8 =	vmov s16;
	p1 =	sgt.u32 s0, s14  }
0x2b: {  	_ =	swait.ge [sflag:s2], $0x1000;
	v8 =	vand.u32 $0x1E, v8;
	s0 =	sshll.u32 @!p1 s0, $0x4  }
0x2c: {  	p0 =	seq.s32 s6, $0x0;
	[sflag:s2] =	ssyncset.done $0x0;
	v21 =	vbroadcast v8, $0x0;
	s0 =	sand.u32 @!p1 $0xFFFFFC0, s0  }
0x2d: {  	[sflag:s2] =	ssyncadd.s32 $0xFFFFF000;
	s1 =	simm.s32 @!p1 $0x0;
	s0 =	sadd.s32 @!p1 s31, s0  }
0x2e: {  	v8 =	vor.u32 v0, v21;
	[tilespmem:s1], [sflag:$0x9] =	stream.linear.gather @!p1 [hbm4b:s0+s1], $0x80, $0x38;
	[tilespmem:$0x8200] =	vst v63  }
0x2f: {  	s18 =	simm.s32 $0x0;
	s0 =	simm.s32 @!p0 $0x5  }
0x30: {  	v9 =	vmov s18;
	_ =	swait.ge @!p0 [sflag:s0], $0x1000  }
0x31: {  	v9 =	vand.u32 $0x1C, v9;
	[sflag:s0] =	ssyncset.done @!p0 $0x0  }
0x32: {  	v22 =	vbroadcast v9, $0x0;
	[sflag:s0] =	ssyncadd.s32 @!p0 $0xFFFFF000  }
0x33: {  	v8 =	vld.idx.msk [tilespmem:v8+s15+$0x0], $0xffff  }
0x34: {  	v9 =	vor.u32 v0, v22  }
0x35: {  	s19 =	simm.s32 $0x3  }
0x36: {  	s21 =	simm.s32 $0x0;
	v10 =	vmov s19;
	v11 =	vor.u32 v1, v21  }
0x37: {  	s22 =	simm.s32 $0x100;
	v10 =	vand.u32 $0x1F, v10;
	s0 =	sand.u32 $0xC00, s21  }
0x38: {  	s26 =	simm.s32 $0x6;
	s25 =	sand.u32 $0x300, s22;
	v20 =	vbroadcast v10, $0x0;
	s24 =	sor.u32 $0x4200, s0;
	v8 =	vmul.f32 $5.656854150e+00, v8  }
0x39: {  	v12 =	vld.idx.msk [tilespmem:v9+s15+$0x0], $0xffff;
	v9 =	vmov s26;
	s10 =	sadd.s32 s25, s24  }
0x3a: {  	v10 =	vor.u32 v0, v20;
	v9 =	vand.u32 $0x1E, v9;
	[tilespmem:s10+$0x0] =	vst v8  }
0x3b: {  	s30 =	simm.s32 $0x1;
	v9 =	vbroadcast v9, $0x0;
	v8 =	vld.idx.msk [tilespmem:v11+s15+$0x0], $0xffff  }
0x3c: {  	v13 =	vmov s30;
	v11 =	vor.u32 v1, v22  }
0x3d: {  	v13 =	vand.u32 $0x1D, v13;
	v15 =	vor.u32 v0, v9  }
0x3e: {  	v24 =	vbroadcast v13, $0x0;
	v14 =	vor.u32 v2, v21;
	v12 =	vmul.f32 $5.656854150e+00, v12  }
0x3f: {  	s3 =	simm.s32 $0x4240;
	v10 =	vld.idx.msk [tilespmem:v10+s15+$0x0], $0xffff  }
0x40: {  	s7 =	smov.u32 s31;
	v16 =	vor.u32 v0, v24;
	s31 =	simm.s32 $0x4;
	[tilespmem:s3+$0xFFFFFFC0] =	vst v12;
	v8 =	vmul.f32 $5.656854150e+00, v8  }
0x41: {  	v12 =	vmov s31;
	v11 =	vld.idx.msk [tilespmem:v11+s15+$0x0], $0xffff  }
0x42: {  	v13 =	vor.u32 v1, v20;
	v15 =	vld.idx.msk [tilespmem:v15+s15+$0x0], $0xffff;
	[tilespmem:s10+$0x10] =	vst v8;
	v8 =	vand.u32 $0x1C, v12  }
0x43: {  	s2 =	simm.s32 $0x180;
	v17 =	vld.idx.msk [tilespmem:v14+s15+$0x0], $0xffff;
	v12 =	vbroadcast v8, $0x0  }
0x44: {  	s4 =	simm.s32 $0x7;
	s0 =	sand.u32 $0x380, s2;
	v10 =	vmul.f32 $5.656854150e+00, v10;
	v8 =	vor.u32 v2, v22  }
0x45: {  	s5 =	simm.s32 $0x200;
	v16 =	vld.idx.msk [tilespmem:v16+s15+$0x0], $0xffff;
	s12 =	sadd.s32 s0, s24;
	v14 =	vmov s4;
	v18 =	vor.u32 v0, v12  }
0x46: {  	s8 =	simm.s32 $0x300;
	s0 =	sand.u32 $0xC00, s5;
	v19 =	vor.u32 v1, v9;
	[tilespmem:s12+$0x0] =	vst v10;
	v10 =	vand.u32 $0x1F, v14;
	v11 =	vmul.f32 $5.656854150e+00, v11  }
0x47: {  	s2 =	sand.u32 $0x300, s8;
	s0 =	sor.u32 $0x4200, s0;
	v15 =	vmul.f32 $5.656854150e+00, v15;
	v14 =	vbroadcast v10, $0x0;
	v10 =	vld.idx.msk [tilespmem:v13+s15+$0x0], $0xffff  }
0x48: {  	v25 =	vor.u32 v1, v24;
	s16 =	sadd.s32 s2, s0;
	[tilespmem:s3+$0xFFFFFFD0] =	vst v11;
	v17 =	vmul.f32 $5.656854150e+00, v17  }
0x49: {  	s9 =	simm.s32 $0x80;
	s5 =	simm.s32 $0x5;
	[tilespmem:s16+$0x0] =	vst v15;
	v23 =	vor.u32 v0, v14;
	v8 =	vld.idx.msk [tilespmem:v8+s15+$0x0], $0xffff  }
0x4a: {  	s2 =	sand.u32 $0x280, s9;
	v16 =	vmul.f32 $5.656854150e+00, v16;
	v15 =	vmov s5;
	v11 =	vor.u32 v2, v20;
	[tilespmem:s10+$0x20] =	vst v17;
	v17 =	vld.idx.msk [tilespmem:v18+s15+$0x0], $0xffff  }
0x4b: {  	s28 =	sadd.s32 s2, s24;
	v15 =	vand.u32 $0x1D, v15;
	v13 =	vor.u32 v3, v21;
	v18 =	vld.idx.msk [tilespmem:v19+s15+$0x0], $0xffff  }
0x4c: {  	[tilespmem:s28+$0x0] =	vst v16;
	v15 =	vbroadcast v15, $0x0;
	v10 =	vmul.f32 $5.656854150e+00, v10  }
0x4d: {  	v25 =	vld.idx.msk [tilespmem:v25+s15+$0x0], $0xffff  }
0x4e: {  	v26 =	vor.u32 v0, v15;
	[tilespmem:s12+$0x10] =	vst v10;
	v10 =	vld.idx.msk [tilespmem:v23+s15+$0x0], $0xffff  }
0x4f: {  	v19 =	vor.u32 v1, v12;
	v11 =	vld.idx.msk [tilespmem:v11+s15+$0x0], $0xffff;
	v8 =	vmul.f32 $5.656854150e+00, v8  }
0x50: {  	s11 =	simm.s32 $0xA;
	v13 =	vld.idx.msk [tilespmem:v13+s15+$0x0], $0xffff;
	v16 =	vmul.f32 $5.656854150e+00, v17;
	v17 =	vor.u32 v2, v9;
	v18 =	vmul.f32 $5.656854150e+00, v18  }
0x51: {  	v28 =	vor.u32 v2, v24;
	v30 =	vor.u32 v3, v20;
	[tilespmem:s3+$0xFFFFFFE0] =	vst v8;
	v8 =	vmov s11  }
0x52: {  	s18 =	simm.s32 $0x380;
	s21 =	simm.s32 $0x4440;
	v27 =	vor.u32 v1, v14;
	v8 =	vand.u32 $0x1E, v8;
	[tilespmem:s16+$0x10] =	vst v18;
	v18 =	vmul.f32 $5.656854150e+00, v25  }
0x53: {  	s19 =	simm.s32 $0xB;
	s14 =	simm.s32 $0x8;
	s2 =	sand.u32 $0x380, s18;
	[tilespmem:s21+$0xFFFFFFC0] =	vst v16;
	v16 =	vor.u32 v4, v21;
	v10 =	vmul.f32 $5.656854150e+00, v10;
	v8 =	vbroadcast v8, $0x0;
	v25 =	vld.idx.msk [tilespmem:v26+s15+$0x0], $0xffff  }
0x54: {  	v26 =	vmov s19;
	v19 =	vld.idx.msk [tilespmem:v19+s15+$0x0], $0xffff;
	v29 =	vmul.f32 $5.656854150e+00, v11;
	v11 =	vmov s14;
	s14 =	sadd.s32 s2, s0;
	[tilespmem:s28+$0x10] =	vst v18  }
0x55: {  	v23 =	vor.u32 v3, v22;
	v13 =	vmul.f32 $5.656854150e+00, v13;
	v26 =	vand.u32 $0x1F, v26;
	[tilespmem:s14+$0x0] =	vst v10;
	v17 =	vld.idx.msk [tilespmem:v17+s15+$0x0], $0xffff  }
0x56: {  	v11 =	vand.u32 $0x1C, v11;
	v31 =	vor.u32 v0, v8;
	v10 =	vbroadcast v26, $0x0;
	v26 =	vld.idx.msk [tilespmem:v28+s15+$0x0], $0xffff;
	[tilespmem:s12+$0x20] =	vst v29  }
0x57: {  	[tilespmem:s10+$0x30] =	vst v13;
	v13 =	vor.u32 v2, v12;
	v11 =	vbroadcast v11, $0x0;
	v29 =	vld.idx.msk [tilespmem:v30+s15+$0x0], $0xffff  }
0x58: {  	v30 =	vor.u32 v0, v10;
	v16 =	vld.idx.msk [tilespmem:v16+s15+$0x0], $0xffff  }
0x59: {  	v27 =	vld.idx.msk [tilespmem:v27+s15+$0x0], $0xffff;
	v28 =	vor.u32 v0, v11;
	v19 =	vmul.f32 $5.656854150e+00, v19  }
0x5a: {  	v23 =	vld.idx.msk [tilespmem:v23+s15+$0x0], $0xffff;
	v18 =	vor.u32 v3, v9  }
0x5b: {  	v32 =	vor.u32 v3, v24;
	v31 =	vld.idx.msk [tilespmem:v31+s15+$0x0], $0xffff;
	v17 =	vmul.f32 $5.656854150e+00, v17;
	[tilespmem:s21+$0xFFFFFFD0] =	vst v19  }
0x5c: {  	v33 =	vor.u32 v2, v14;
	v26 =	vmul.f32 $5.656854150e+00, v26;
	v19 =	vld.idx.msk [tilespmem:v13+s15+$0x0], $0xffff  }
0x5d: {  	s22 =	simm.s32 $0x9;
	s26 =	simm.s32 $0x280;
	s24 =	simm.s32 $0x400;
	v30 =	vld.idx.msk [tilespmem:v30+s15+$0x0], $0xffff;
	[tilespmem:s16+$0x20] =	vst v17;
	v17 =	vor.u32 v5, v21;
	v16 =	vmul.f32 $5.656854150e+00, v16  }
0x5e: {  	v34 =	vor.u32 v4, v20;
	s25 =	simm.s32 $0x500;
	s1 =	sand.u32 $0xC00, s24;
	v27 =	vmul.f32 $5.656854150e+00, v27;
	v13 =	vmov s22;
	v28 =	vld.idx.msk [tilespmem:v28+s15+$0x0], $0xffff;
	[tilespmem:s28+$0x20] =	vst v26  }
0x5f: {  	s1 =	sor.u32 $0x4200, s1;
	s2 =	sand.u32 $0x300, s25;
	v35 =	vor.u32 v1, v8;
	v13 =	vand.u32 $0x1D, v13;
	v18 =	vld.idx.msk [tilespmem:v18+s15+$0x0], $0xffff;
	[tilespmem:s10+$0x40] =	vst v16;
	v16 =	vmul.f32 $5.656854150e+00, v29  }
0x60: {  	v61 =	vor.u32 v1, v15;
	s19 =	sadd.s32 s2, s1;
	s2 =	sand.u32 $0x280, s26;
	v25 =	vmul.f32 $5.656854150e+00, v25;
	[tilespmem:s14+$0x10] =	vst v27;
	v13 =	vbroadcast v13, $0x0;
	v29 =	vld.idx.msk [tilespmem:v32+s15+$0x0], $0xffff  }
0x61: {  	s22 =	sadd.s32 s2, s0;
	v26 =	vor.u32 v3, v12;
	v27 =	vmul.f32 $5.656854150e+00, v31;
	[tilespmem:s12+$0x30] =	vst v16;
	v16 =	vmul.f32 $5.656854150e+00, v19;
	v19 =	vld.idx.msk [tilespmem:v33+s15+$0x0], $0xffff  }
0x62: {  	[tilespmem:s22+$0x0] =	vst v25;
	v31 =	vor.u32 v4, v22;
	v17 =	vld.idx.msk [tilespmem:v17+s15+$0x0], $0xffff  }
0x63: {  	v58 =	vor.u32 v0, v13;
	[tilespmem:s19+$0x0] =	vst v27;
	v59 =	vld.idx.msk [tilespmem:v34+s15+$0x0], $0xffff  }
0x64: {  	v23 =	vmul.f32 $5.656854150e+00, v23;
	v60 =	vor.u32 v1, v11;
	[tilespmem:s21+$0xFFFFFFE0] =	vst v16;
	v16 =	vld.idx.msk [tilespmem:v35+s15+$0x0], $0xffff  }
0x65: {  	v62 =	vor.u32 v4, v9;
	v35 =	vld.idx.msk [tilespmem:v61+s15+$0x0], $0xffff  }
0x66: {  	[tilespmem:s3+$0xFFFFFFF0] =	vst v23;
	v27 =	vor.u32 v4, v24;
	v23 =	vmul.f32 $5.656854150e+00, v28;
	v26 =	vld.idx.msk [tilespmem:v26+s15+$0x0], $0xffff  }
0x67: {  	s8 =	simm.s32 $0x4640;
	v63 =	vor.u32 v3, v14;
	v18 =	vmul.f32 $5.656854150e+00, v18;
	v31 =	vld.idx.msk [tilespmem:v31+s15+$0x0], $0xffff  }
0x68: {  	v37 =	vor.u32 v6, v21;
	v29 =	vmul.f32 $5.656854150e+00, v29;
	[tilespmem:s8+$0xFFFFFFC0] =	vst v23;
	v28 =	vld.idx.msk [tilespmem:v58+s15+$0x0], $0xffff  }
0x69: {  	v36 =	vor.u32 v2, v8;
	v25 =	vmul.f32 $5.656854150e+00, v30;
	v30 =	vld.idx.msk [tilespmem:v60+s15+$0x0], $0xffff;
	[tilespmem:s16+$0x30] =	vst v18;
	v18 =	vmul.f32 $5.656854150e+00, v19  }
0x6a: {  	v38 =	vor.u32 v5, v24;
	s5 =	simm.s32 $0xE;
	[tilespmem:s28+$0x30] =	vst v29;
	v29 =	vor.u32 v1, v10;
	v32 =	vld.idx.msk [tilespmem:v62+s15+$0x0], $0xffff;
	v17 =	vmul.f32 $5.656854150e+00, v17  }
0x6b: {  	s30 =	simm.s32 $0x580;
	s4 =	simm.s32 $0xF;
	v45 =	vmov s5;
	v23 =	vld.idx.msk [tilespmem:v27+s15+$0x0], $0xffff;
	v27 =	vor.u32 v5, v20;
	v16 =	vmul.f32 $5.656854150e+00, v16;
	[tilespmem:s14+$0x20] =	vst v18  }
0x6c: {  	v44 =	vmov s4;
	v46 =	vand.u32 $0x1E, v45;
	s0 =	sand.u32 $0x380, s30;
	v19 =	vor.u32 v5, v22;
	v34 =	vld.idx.msk [tilespmem:v63+s15+$0x0], $0xffff;
	[tilespmem:s10+$0x50] =	vst v17  }
0x6d: {  	v39 =	vor.u32 v2, v15;
	s9 =	sadd.s32 s0, s1;
	v33 =	vmul.f32 $5.656854150e+00, v59;
	v18 =	vand.u32 $0x1F, v44;
	[tilespmem:s19+$0x10] =	vst v16;
	v37 =	vld.idx.msk [tilespmem:v37+s15+$0x0], $0xffff  }
0x6e: {  	s31 =	simm.s32 $0xC;
	v40 =	vor.u32 v2, v11;
	[tilespmem:s9+$0x0] =	vst v25;
	v31 =	vmul.f32 $5.656854150e+00, v31;
	v18 =	vbroadcast v18, $0x0;
	v25 =	vld.idx.msk [tilespmem:v36+s15+$0x0], $0xffff  }
0x6f: {  	v35 =	vmul.f32 $5.656854150e+00, v35;
	[tilespmem:s12+$0x40] =	vst v33;
	v17 =	vbroadcast v46, $0x0;
	v16 =	vmov s31;
	v29 =	vld.idx.msk [tilespmem:v29+s15+$0x0], $0xffff  }
0x70: {  	v30 =	vmul.f32 $5.656854150e+00, v30;
	v16 =	vand.u32 $0x1C, v16;
	[tilespmem:s3+$0x0] =	vst v31;
	v48 =	vor.u32 v0, v18;
	v27 =	vld.idx.msk [tilespmem:v27+s15+$0x0], $0xffff  }
0x71: {  	[tilespmem:s22+$0x10] =	vst v35;
	v49 =	vor.u32 v0, v17;
	v23 =	vmul.f32 $5.656854150e+00, v23;
	v16 =	vbroadcast v16, $0x0;
	v19 =	vld.idx.msk [tilespmem:v19+s15+$0x0], $0xffff  }
0x72: {  	s18 =	simm.s32 $0x480;
	v47 =	vor.u32 v3, v8;
	v26 =	vmul.f32 $5.656854150e+00, v26;
	[tilespmem:s8+$0xFFFFFFD0] =	vst v30;
	v30 =	vld.idx.msk [tilespmem:v39+s15+$0x0], $0xffff  }
0x73: {  	s0 =	sand.u32 $0x280, s18;
	v28 =	vmul.f32 $5.656854150e+00, v28;
	v50 =	vld.idx.msk [tilespmem:v40+s15+$0x0], $0xffff;
	[tilespmem:s28+$0x40] =	vst v23;
	v23 =	vor.u32 v0, v16  }
0x74: {  	v53 =	vor.u32 v6, v22;
	s1 =	sadd.s32 s0, s1;
	[tilespmem:s21+$0xFFFFFFF0] =	vst v26;
	v31 =	vld.idx.msk [tilespmem:v38+s15+$0x0], $0xffff;
	v25 =	vmul.f32 $5.656854150e+00, v25  }
0x75: {  	v54 =	vor.u32 v3, v15;
	[tilespmem:s1+$0x0] =	vst v28;
	v33 =	vld.idx.msk [tilespmem:v48+s15+$0x0], $0xffff;
	v27 =	vmul.f32 $5.656854150e+00, v27  }
0x76: {  	v41 =	vor.u32 v2, v10;
	v55 =	vld.idx.msk [tilespmem:v49+s15+$0x0], $0xffff;
	v26 =	vmul.f32 $5.656854150e+00, v19;
	[tilespmem:s19+$0x20] =	vst v25  }
0x77: {  	v30 =	vmul.f32 $5.656854150e+00, v30;
	v25 =	vmul.f32 $5.656854150e+00, v29;
	v29 =	vor.u32 v5, v9;
	v36 =	vld.idx.msk [tilespmem:v47+s15+$0x0], $0xffff;
	[tilespmem:s12+$0x50] =	vst v27  }
0x78: {  	v52 =	vor.u32 v6, v20;
	v23 =	vld.idx.msk [tilespmem:v23+s15+$0x0], $0xffff;
	[tilespmem:s3+$0x10] =	vst v26  }
0x79: {  	v56 =	vor.u32 v6, v24;
	s11 =	simm.s32 $0xD;
	v32 =	vmul.f32 $5.656854150e+00, v32;
	[tilespmem:s22+$0x20] =	vst v30;
	v30 =	vld.idx.msk [tilespmem:v53+s15+$0x0], $0xffff  }
0x7a: {  	v27 =	vor.u32 v4, v14;
	[tilespmem:s9+$0x10] =	vst v25;
	v25 =	vmov s11;
	v26 =	vmul.f32 $5.656854150e+00, v31;
	v40 =	vld.idx.msk [tilespmem:v54+s15+$0x0], $0xffff  }
0x7b: {  	s24 =	simm.s32 $0x600;
	[tilespmem:s16+$0x40] =	vst v32;
	v51 =	vmul.f32 $5.656854150e+00, v34;
	v31 =	vor.u32 v3, v11;
	v19 =	vand.u32 $0x1D, v25;
	v60 =	vld.idx.msk [tilespmem:v41+s15+$0x0], $0xffff  }
0x7c: {  	s25 =	simm.s32 $0x700;
	s0 =	sand.u32 $0xC00, s24;
	v38 =	vmul.f32 $5.656854150e+00, v50;
	v19 =	vbroadcast v19, $0x0;
	[tilespmem:s28+$0x50] =	vst v26;
	v26 =	vor.u32 v1, v17;
	v25 =	vld.idx.msk [tilespmem:v29+s15+$0x0], $0xffff  }
0x7d: {  	v43 =	vor.u32 v7, v21;
	s30 =	sand.u32 $0x300, s25;
	s26 =	sor.u32 $0x4200, s0;
	v62 =	vor.u32 v7, v22;
	[tilespmem:s14+$0x30] =	vst v51;
	v32 =	vmul.f32 $5.656854150e+00, v55;
	v29 =	vld.idx.msk [tilespmem:v52+s15+$0x0], $0xffff  }
0x7e: {  	v45 =	vor.u32 v4, v12;
	s2 =	sadd.s32 s30, s26;
	[tilespmem:s8+$0xFFFFFFE0] =	vst v38;
	v28 =	vld.idx.msk [tilespmem:v56+s15+$0x0], $0xffff;
	v57 =	vor.u32 v0, v19;
	v58 =	vmul.f32 $5.656854150e+00, v23  }
0x7f: {  	s18 =	simm.s32 $0x4840;
	v61 =	vor.u32 v7, v20;
	v22 =	vor.u32 v1, v13;
	[tilespmem:s2+$0x0] =	vst v32;
	v27 =	vld.idx.msk [tilespmem:v27+s15+$0x0], $0xffff;
	v30 =	vmul.f32 $5.656854150e+00, v30  }
0x80: {  	v20 =	vor.u32 v5, v10;
	v63 =	vor.u32 v7, v24;
	v59 =	vmul.f32 $5.656854150e+00, v36;
	v42 =	vld.idx.msk [tilespmem:v31+s15+$0x0], $0xffff;
	[tilespmem:s18+$0xFFFFFFC0] =	vst v58  }
0x81: {  	v21 =	vor.u32 v5, v18;
	v47 =	vor.u32 v4, v15;
	v31 =	vmul.f32 $5.656854150e+00, v37;
	v44 =	vld.idx.msk [tilespmem:v26+s15+$0x0], $0xffff;
	[tilespmem:s3+$0x20] =	vst v30  }
0x82: {  	v24 =	vor.u32 v1, v18;
	v39 =	vor.u32 v4, v8;
	[tilespmem:s19+$0x30] =	vst v59;
	v29 =	vmul.f32 $5.656854150e+00, v29;
	v35 =	vld.idx.msk [tilespmem:v62+s15+$0x0], $0xffff  }
0x83: {  	v38 =	vor.u32 v1, v16;
	v32 =	vor.u32 v2, v13;
	v46 =	vmul.f32 $5.656854150e+00, v40;
	[tilespmem:s10+$0x60] =	vst v31;
	v34 =	vld.idx.msk [tilespmem:v57+s15+$0x0], $0xffff  }
0x84: {  	v23 =	vor.u32 v5, v14;
	v36 =	vmul.f32 $5.656854150e+00, v33;
	v26 =	vmul.f32 $5.656854150e+00, v28;
	v40 =	vld.idx.msk [tilespmem:v43+s15+$0x0], $0xffff;
	[tilespmem:s12+$0x60] =	vst v29  }
0x85: {  	v33 =	vor.u32 v3, v10;
	v31 =	vor.u32 v1, v19;
	[tilespmem:s22+$0x30] =	vst v46;
	v28 =	vmul.f32 $5.656854150e+00, v60;
	v37 =	vld.idx.msk [tilespmem:v61+s15+$0x0], $0xffff  }
0x86: {  	s29 =	simm.s32 $0x780;
	s31 =	simm.s32 $0x680;
	v30 =	vor.u32 v5, v15;
	v48 =	vmul.f32 $5.656854150e+00, v27;
	[tilespmem:s28+$0x60] =	vst v26;
	v27 =	vmul.f32 $5.656854150e+00, v42;
	v42 =	vld.idx.msk [tilespmem:v47+s15+$0x0], $0xffff  }
0x87: {  	s24 =	sand.u32 $0x380, s29;
	s25 =	sand.u32 $0x280, s31;
	v43 =	vor.u32 v2, v17;
	v29 =	vor.u32 v5, v12;
	[tilespmem:s9+$0x20] =	vst v28;
	v41 =	vld.idx.msk [tilespmem:v63+s15+$0x0], $0xffff  }
0x88: {  	s0 =	simm.s32 $0x10;
	s24 =	sadd.s32 s24, s26;
	s5 =	sadd.s32 s25, s26;
	v28 =	vor.u32 v6, v9;
	[tilespmem:s14+$0x40] =	vst v48;
	v44 =	vmul.f32 $5.656854150e+00, v44;
	v26 =	vmul.f32 $5.656854150e+00, v34;
	v34 =	vld.idx.msk [tilespmem:v45+s15+$0x0], $0xffff  }
.LBB2_3:
0x89: {  	s25 =	sadd.s32 $0x1, s0  }
0x8a: {  	v45 =	vmov s0;
	s31 =	sadd.s32 $0x3, s0;
	v38 =	vld.idx.msk [tilespmem:v38+s15+$0x0], $0xffff;
	v46 =	vor.u32 v2, v16;
	[tilespmem:s24+$0x0] =	vst v36;
	v36 =	vmul.f32 $5.656854150e+00, v37;
	s26 =	smov.u32 s0;
	s30 =	sadd.s32 $0x4, s0  }
0x8b: {  	p2 =	slt.u32 s0, $0x1C;
	v35 =	vmul.f32 $5.656854150e+00, v35;
	v37 =	vmov s25;
	s25 =	sadd.s32 $0x2, s26;
	v47 =	vmov s31;
	[tilespmem:s2+$0x10] =	vst v44;
	v44 =	vld.idx.msk [tilespmem:v22+s15+$0x0], $0xffff;
	v22 =	vmovc v31  }
0x8c: {  	v40 =	vmul.f32 $5.656854150e+00, v40;
	v31 =	vmov s25;
	v47 =	vand.u32 $0x1F, v47;
	v39 =	vld.idx.msk [tilespmem:v39+s15+$0x0], $0xffff;
	[tilespmem:s12+$0x70] =	vst v36;
	s12 =	smov.u32 s14;
	s14 =	smov.u32 s9;
	s9 =	smov.u32 s24  }
0x8d: {  	v31 =	vand.u32 $0x1E, v31;
	v36 =	vbroadcast v47, $0x0;
	v43 =	vld.idx.msk [tilespmem:v43+s15+$0x0], $0xffff;
	[tilespmem:s3+$0x30] =	vst v35;
	v35 =	vmul.f32 $5.656854150e+00, v41;
	s3 =	smov.u32 s21;
	s21 =	smov.u32 s8;
	s8 =	smov.u32 s18  }
0x8e: {  	v25 =	vmul.f32 $5.656854150e+00, v25;
	v37 =	vand.u32 $0x1D, v37;
	v41 =	vbroadcast v31, $0x0;
	v24 =	vld.idx.msk [tilespmem:v24+s15+$0x0], $0xffff;
	[tilespmem:s10+$0x70] =	vst v40;
	s10 =	smov.u32 s16;
	s16 =	smov.u32 s19;
	s19 =	smov.u32 s2  }
0x8f: {  	v34 =	vmul.f32 $5.656854150e+00, v34;
	v31 =	vand.u32 $0x1C, v45;
	v40 =	vmul.f32 $5.656854150e+00, v42;
	v42 =	vld.idx.msk [tilespmem:v23+s15+$0x0], $0xffff;
	[tilespmem:s28+$0x70] =	vst v35;
	v23 =	vmovc v20;
	v20 =	vmovc v21;
	s28 =	smov.u32 s22;
	s22 =	smov.u32 s1;
	s1 =	smov.u32 s5  }
0x90: {  	v35 =	vbroadcast v31, $0x0;
	v31 =	vbroadcast v37, $0x0;
	v37 =	vor.u32 v0, v41;
	v33 =	vld.idx.msk [tilespmem:v33+s15+$0x0], $0xffff;
	[tilespmem:s10+$0x50] =	vst v25  }
0x91: {  	v45 =	vor.u32 v3, v17;
	v25 =	vor.u32 v0, v36;
	v44 =	vmul.f32 $5.656854150e+00, v44;
	[tilespmem:s28+$0x40] =	vst v40;
	v28 =	vld.idx.msk [tilespmem:v28+s15+$0x0], $0xffff  }
0x92: {  	v21 =	vor.u32 v5, v36;
	v38 =	vmul.f32 $5.656854150e+00, v38;
	v40 =	vor.u32 v0, v35;
	[tilespmem:s3+$0x0] =	vst v34;
	v30 =	vld.idx.msk [tilespmem:v30+s15+$0x0], $0xffff  }
0x93: {  	v34 =	vmul.f32 $5.656854150e+00, v43;
	[tilespmem:s22+$0x10] =	vst v44;
	v29 =	vld.idx.msk [tilespmem:v29+s15+$0x0], $0xffff  }
0x94: {  	[tilespmem:s18+$0xFFFFFFD0] =	vst v38;
	v32 =	vld.idx.msk [tilespmem:v32+s15+$0x0], $0xffff;
	v38 =	vmul.f32 $5.656854150e+00, v39  }
0x95: {  	v24 =	vmul.f32 $5.656854150e+00, v24;
	v39 =	vld.idx.msk [tilespmem:v46+s15+$0x0], $0xffff;
	[tilespmem:s19+$0x20] =	vst v34;
	v34 =	vor.u32 v5, v8  }
0x96: {  	v33 =	vmul.f32 $5.656854150e+00, v33;
	v43 =	vld.idx.msk [tilespmem:v45+s15+$0x0], $0xffff;
	[tilespmem:s16+$0x40] =	vst v38;
	v38 =	vor.u32 v6, v14  }
0x97: {  	s29 =	sadd.s32 $0x200, s29;
	v44 =	vor.u32 v0, v31;
	v45 =	vor.u32 v6, v12;
	v40 =	vld.idx.msk [tilespmem:v40+s15+$0x0], $0xffff;
	[tilespmem:s9+$0x10] =	vst v24  }
0x98: {  	v47 =	vor.u32 v3, v13;
	v46 =	vld.idx.msk [tilespmem:v25+s15+$0x0], $0xffff;
	[tilespmem:s14+$0x30] =	vst v33;
	v33 =	vmul.f32 $5.656854150e+00, v42  }
0x99: {  	v42 =	vor.u32 v1, v41;
	v37 =	vld.idx.msk [tilespmem:v37+s15+$0x0], $0xffff;
	[tilespmem:s21+$0xFFFFFFF0] =	vst v27;
	v27 =	vmul.f32 $5.656854150e+00, v29;
	v29 =	vor.u32 v6, v15  }
0x9a: {  	v48 =	vor.u32 v2, v18;
	s18 =	sadd.s32 $0x200, s18;
	v24 =	vor.u32 v1, v36;
	v32 =	vmul.f32 $5.656854150e+00, v32;
	v25 =	vld.idx.msk [tilespmem:v34+s15+$0x0], $0xffff;
	[tilespmem:s12+$0x50] =	vst v33  }
0x9b: {  	s0 =	sadd.s32 $0xFFFFFE80, s29;
	v33 =	vor.u32 v4, v10;
	[tilespmem:s3+$0x10] =	vst v27;
	v27 =	vmul.f32 $5.656854150e+00, v30;
	v30 =	vld.idx.msk [tilespmem:v38+s15+$0x0], $0xffff  }
0x9c: {  	s0 =	sand.u32 $0xC00, s0;
	s2 =	sadd.s32 $0xFFFFFF80, s29;
	v34 =	vor.u32 v3, v16;
	[tilespmem:s22+$0x20] =	vst v32;
	v32 =	vld.idx.msk [tilespmem:v45+s15+$0x0], $0xffff  }
0x9d: {  	s0 =	sor.u32 $0x4200, s0;
	s2 =	sand.u32 $0x300, s2;
	v38 =	vmul.f32 $5.656854150e+00, v40;
	v40 =	vld.idx.msk [tilespmem:v47+s15+$0x0], $0xffff;
	[tilespmem:s28+$0x50] =	vst v27  }
0x9e: {  	s2 =	sadd.s32 s2, s0;
	v27 =	vmul.f32 $5.656854150e+00, v39;
	[tilespmem:s1+$0x0] =	vst v26;
	v26 =	vld.idx.msk [tilespmem:v29+s15+$0x0], $0xffff  }
0x9f: {  	v29 =	vmul.f32 $5.656854150e+00, v43;
	[tilespmem:s18+$0xFFFFFFC0] =	vst v38;
	v39 =	vld.idx.msk [tilespmem:v48+s15+$0x0], $0xffff;
	v38 =	vor.u32 v7, v14;
	v14 =	vmovc v10;
	v10 =	vmov v18  }
0xa0: {  	v37 =	vmul.f32 $5.656854150e+00, v37;
	v18 =	vmovc v36;
	[tilespmem:s8+$0xFFFFFFE0] =	vst v27;
	v27 =	vld.idx.msk [tilespmem:v33+s15+$0x0], $0xffff;
	v33 =	vor.u32 v7, v12;
	v12 =	vmov v11  }
0xa1: {  	v43 =	vor.u32 v7, v9;
	v9 =	vmovc v8;
	v8 =	vmov v17;
	v36 =	vmul.f32 $5.656854150e+00, v30;
	v34 =	vld.idx.msk [tilespmem:v34+s15+$0x0], $0xffff;
	[tilespmem:s19+$0x30] =	vst v29  }
0xa2: {  	v28 =	vmul.f32 $5.656854150e+00, v28;
	v17 =	vmovc v41;
	v29 =	vmul.f32 $5.656854150e+00, v32;
	v32 =	vor.u32 v7, v15;
	v30 =	vld.idx.msk [tilespmem:v44+s15+$0x0], $0xffff;
	[tilespmem:s2+$0x0] =	vst v37  }
0xa3: {  	v11 =	vmovc v16;
	v16 =	vmov v35;
	v44 =	vor.u32 v4, v12;
	v45 =	vmul.f32 $5.656854150e+00, v40;
	v42 =	vld.idx.msk [tilespmem:v42+s15+$0x0], $0xffff;
	[tilespmem:s12+$0x60] =	vst v36  }
0xa4: {  	v15 =	vmovc v13;
	v36 =	vmul.f32 $5.656854150e+00, v46;
	v46 =	vor.u32 v4, v13;
	v26 =	vmul.f32 $5.656854150e+00, v26;
	[tilespmem:s3+$0x20] =	vst v29;
	v37 =	vld.idx.msk [tilespmem:v38+s15+$0x0], $0xffff  }
.Ltmp0:
0xa5: {  	s5 =	sand.u32 $0x380, s29;
	v13 =	vmovc v19;
	v19 =	vmov v31;
	v38 =	vor.u32 v1, v16;
	v41 =	vmul.f32 $5.656854150e+00, v39;
	v35 =	vld.idx.msk [tilespmem:v33+s15+$0x0], $0xffff;
	[tilespmem:s10+$0x60] =	vst v28;
	(pc) =	sbr.rel @p2 .LBB2_3-.Ltmp0, $4  }
0xa6: {  	s24 =	sadd.s32 s5, s0;
	v31 =	vor.u32 v1, v19;
	v29 =	vor.u32 v5, v12;
	v47 =	vmul.f32 $5.656854150e+00, v27;
	[tilespmem:s28+$0x60] =	vst v26;
	v40 =	vld.idx.msk [tilespmem:v43+s15+$0x0], $0xffff  }
0xa7: {  	s5 =	sadd.s32 $0xFFFFFF00, s29;
	v39 =	vor.u32 v4, v8;
	v28 =	vor.u32 v6, v9;
	v27 =	vmul.f32 $5.656854150e+00, v34;
	[tilespmem:s9+$0x20] =	vst v41;
	v41 =	vld.idx.msk [tilespmem:v32+s15+$0x0], $0xffff  }
0xa8: {  	s5 =	sand.u32 $0x280, s5;
	v43 =	vor.u32 v2, v17;
	v26 =	vmul.f32 $5.656854150e+00, v30;
	v30 =	vor.u32 v5, v15;
	v34 =	vld.idx.msk [tilespmem:v44+s15+$0x0], $0xffff;
	[tilespmem:s22+$0x30] =	vst v45  }
0xa9: {  	s5 =	sadd.s32 s5, s0;
	s0 =	smov.u32 s30;
	v33 =	vor.u32 v3, v10;
	v32 =	vor.u32 v2, v13;
	v44 =	vmul.f32 $5.656854150e+00, v42;
	v42 =	vld.idx.msk [tilespmem:v46+s15+$0x0], $0xffff;
	[tilespmem:s14+$0x40] =	vst v47  }
0xaa: {  	_ = 	snop  }
0xab: {  	[tilespmem:s24+$0x0] =	vst v36  }
0xac: {  	[tilespmem:s5+$0x0] =	vst v26  }
0xad: {  	v59 =	vmul.f32 $5.656854150e+00, v37;
	[tilespmem:s8+$0xFFFFFFF0] =	vst v27  }
0xae: {  	v35 =	vmul.f32 $5.656854150e+00, v35;
	v22 =	vld.idx.msk [tilespmem:v22+s15+$0x0], $0xffff;
	[tilespmem:s2+$0x10] =	vst v44  }
0xaf: {  	v25 =	vmul.f32 $5.656854150e+00, v25;
	[tilespmem:s12+$0x70] =	vst v59  }
0xb0: {  	v61 =	vld.idx.msk [tilespmem:v38+s15+$0x0], $0xffff;
	v60 =	vmul.f32 $5.656854150e+00, v40;
	[tilespmem:s3+$0x30] =	vst v35  }
0xb1: {  	v23 =	vld.idx.msk [tilespmem:v23+s15+$0x0], $0xffff;
	v62 =	vmul.f32 $5.656854150e+00, v41;
	[tilespmem:s16+$0x50] =	vst v25  }
0xb2: {  	v24 =	vld.idx.msk [tilespmem:v24+s15+$0x0], $0xffff;
	[tilespmem:s10+$0x70] =	vst v60;
	v34 =	vmul.f32 $5.656854150e+00, v34  }
0xb3: {  	v63 =	vld.idx.msk [tilespmem:v43+s15+$0x0], $0xffff;
	[tilespmem:s28+$0x70] =	vst v62;
	v22 =	vmul.f32 $5.656854150e+00, v22  }
0xb4: {  	v25 =	vld.idx.msk [tilespmem:v33+s15+$0x0], $0xffff;
	v40 =	vmul.f32 $5.656854150e+00, v42;
	[tilespmem:s21+$0x0] =	vst v34  }
0xb5: {  	v41 =	vld.idx.msk [tilespmem:v39+s15+$0x0], $0xffff;
	v42 =	vmul.f32 $5.656854150e+00, v61;
	[tilespmem:s1+$0x10] =	vst v22;
	v22 =	vor.u32 v2, v16  }
0xb6: {  	v44 =	vor.u32 v3, v17;
	v23 =	vmul.f32 $5.656854150e+00, v23;
	[tilespmem:s22+$0x40] =	vst v40;
	v29 =	vld.idx.msk [tilespmem:v29+s15+$0x0], $0xffff  }
0xb7: {  	v45 =	vor.u32 v6, v14;
	v24 =	vmul.f32 $5.656854150e+00, v24;
	[tilespmem:s18+$0xFFFFFFD0] =	vst v42;
	v30 =	vld.idx.msk [tilespmem:v30+s15+$0x0], $0xffff  }
0xb8: {  	v26 =	vor.u32 v2, v18;
	v31 =	vld.idx.msk [tilespmem:v31+s15+$0x0], $0xffff;
	v43 =	vmul.f32 $5.656854150e+00, v63;
	[tilespmem:s14+$0x50] =	vst v23  }
0xb9: {  	v25 =	vmul.f32 $5.656854150e+00, v25;
	v32 =	vld.idx.msk [tilespmem:v32+s15+$0x0], $0xffff;
	[tilespmem:s24+$0x10] =	vst v24;
	v24 =	vor.u32 v6, v12  }
0xba: {  	v35 =	vmul.f32 $5.656854150e+00, v41;
	[tilespmem:s2+$0x20] =	vst v43;
	v22 =	vld.idx.msk [tilespmem:v22+s15+$0x0], $0xffff  }
0xbb: {  	v23 =	vor.u32 v2, v19;
	[tilespmem:s9+$0x30] =	vst v25;
	v25 =	vld.idx.msk [tilespmem:v44+s15+$0x0], $0xffff;
	v29 =	vmul.f32 $5.656854150e+00, v29  }
0xbc: {  	v27 =	vor.u32 v6, v15;
	v46 =	vld.idx.msk [tilespmem:v45+s15+$0x0], $0xffff;
	[tilespmem:s19+$0x40] =	vst v35;
	v30 =	vmul.f32 $5.656854150e+00, v30  }
0xbd: {  	v47 =	vor.u32 v3, v13;
	v26 =	vld.idx.msk [tilespmem:v26+s15+$0x0], $0xffff;
	[tilespmem:s21+$0x10] =	vst v29;
	v29 =	vmul.f32 $5.656854150e+00, v31  }
0xbe: {  	v32 =	vmul.f32 $5.656854150e+00, v32;
	v31 =	vor.u32 v4, v10;
	v24 =	vld.idx.msk [tilespmem:v24+s15+$0x0], $0xffff;
	[tilespmem:s22+$0x50] =	vst v30  }
0xbf: {  	v14 =	vor.u32 v7, v14;
	v28 =	vld.idx.msk [tilespmem:v28+s15+$0x0], $0xffff;
	[tilespmem:s5+$0x10] =	vst v29;
	v22 =	vmul.f32 $5.656854150e+00, v22  }
0xc0: {  	[tilespmem:s1+$0x20] =	vst v32;
	v25 =	vmul.f32 $5.656854150e+00, v25;
	v29 =	vor.u32 v3, v18;
	v23 =	vld.idx.msk [tilespmem:v23+s15+$0x0], $0xffff  }
0xc1: {  	v30 =	vor.u32 v3, v16;
	v27 =	vld.idx.msk [tilespmem:v27+s15+$0x0], $0xffff;
	[tilespmem:s18+$0xFFFFFFE0] =	vst v22;
	v22 =	vmul.f32 $5.656854150e+00, v46  }
0xc2: {  	v12 =	vor.u32 v7, v12;
	v32 =	vld.idx.msk [tilespmem:v47+s15+$0x0], $0xffff;
	[tilespmem:s2+$0x30] =	vst v25;
	v25 =	vmul.f32 $5.656854150e+00, v26  }
0xc3: {  	v26 =	vld.idx.msk [tilespmem:v31+s15+$0x0], $0xffff;
	v24 =	vmul.f32 $5.656854150e+00, v24;
	[tilespmem:s14+$0x60] =	vst v22;
	v22 =	vor.u32 v3, v19  }
0xc4: {  	v9 =	vor.u32 v7, v9;
	v28 =	vmul.f32 $5.656854150e+00, v28;
	[tilespmem:s24+$0x20] =	vst v25;
	v14 =	vld.idx.msk [tilespmem:v14+s15+$0x0], $0xffff  }
0xc5: {  	v25 =	vor.u32 v4, v11;
	[tilespmem:s21+$0x20] =	vst v24;
	v24 =	vld.idx.msk [tilespmem:v29+s15+$0x0], $0xffff;
	v23 =	vmul.f32 $5.656854150e+00, v23  }
0xc6: {  	v15 =	vor.u32 v7, v15;
	[tilespmem:s16+$0x60] =	vst v28;
	v27 =	vmul.f32 $5.656854150e+00, v27;
	v29 =	vld.idx.msk [tilespmem:v30+s15+$0x0], $0xffff  }
0xc7: {  	v28 =	vmul.f32 $5.656854150e+00, v32;
	v30 =	vor.u32 v4, v13;
	v12 =	vld.idx.msk [tilespmem:v12+s15+$0x0], $0xffff;
	[tilespmem:s5+$0x20] =	vst v23  }
0xc8: {  	[tilespmem:s22+$0x60] =	vst v27;
	v23 =	vmul.f32 $5.656854150e+00, v26;
	v26 =	vor.u32 v4, v18;
	v22 =	vld.idx.msk [tilespmem:v22+s15+$0x0], $0xffff  }
0xc9: {  	v9 =	vld.idx.msk [tilespmem:v9+s15+$0x0], $0xffff;
	v27 =	vor.u32 v4, v16;
	[tilespmem:s1+$0x30] =	vst v28;
	v14 =	vmul.f32 $5.656854150e+00, v14  }
0xca: {  	v28 =	vor.u32 v4, v17;
	v25 =	vld.idx.msk [tilespmem:v25+s15+$0x0], $0xffff;
	[tilespmem:s9+$0x40] =	vst v23;
	v23 =	vmul.f32 $5.656854150e+00, v24  }
0xcb: {  	v15 =	vld.idx.msk [tilespmem:v15+s15+$0x0], $0xffff;
	v24 =	vmul.f32 $5.656854150e+00, v29;
	[tilespmem:s14+$0x70] =	vst v14;
	v14 =	vor.u32 v4, v19  }
0xcc: {  	v29 =	vld.idx.msk [tilespmem:v30+s15+$0x0], $0xffff;
	v12 =	vmul.f32 $5.656854150e+00, v12;
	[tilespmem:s24+$0x30] =	vst v23  }
0xcd: {  	v23 =	vor.u32 v5, v11;
	[tilespmem:s18+$0xFFFFFFF0] =	vst v24;
	v24 =	vld.idx.msk [tilespmem:v26+s15+$0x0], $0xffff;
	v22 =	vmul.f32 $5.656854150e+00, v22  }
0xce: {  	v9 =	vmul.f32 $5.656854150e+00, v9;
	v26 =	vor.u32 v5, v8;
	[tilespmem:s21+$0x30] =	vst v12;
	v12 =	vld.idx.msk [tilespmem:v27+s15+$0x0], $0xffff  }
0xcf: {  	v28 =	vld.idx.msk [tilespmem:v28+s15+$0x0], $0xffff;
	v27 =	vor.u32 v5, v13;
	v25 =	vmul.f32 $5.656854150e+00, v25;
	[tilespmem:s5+$0x30] =	vst v22  }
0xd0: {  	[tilespmem:s16+$0x70] =	vst v9;
	v15 =	vmul.f32 $5.656854150e+00, v15;
	v9 =	vld.idx.msk [tilespmem:v14+s15+$0x0], $0xffff  }
0xd1: {  	v20 =	vld.idx.msk [tilespmem:v20+s15+$0x0], $0xffff;
	[tilespmem:s8+$0x0] =	vst v25;
	v22 =	vor.u32 v5, v16;
	v14 =	vmul.f32 $5.656854150e+00, v29  }
0xd2: {  	[tilespmem:s22+$0x70] =	vst v15;
	v15 =	vld.idx.msk [tilespmem:v23+s15+$0x0], $0xffff;
	v23 =	vor.u32 v5, v17;
	v24 =	vmul.f32 $5.656854150e+00, v24  }
0xd3: {  	v25 =	vld.idx.msk [tilespmem:v26+s15+$0x0], $0xffff;
	v12 =	vmul.f32 $5.656854150e+00, v12;
	[tilespmem:s1+$0x40] =	vst v14;
	v14 =	vor.u32 v5, v19  }
0xd4: {  	[tilespmem:s24+$0x40] =	vst v24;
	v26 =	vld.idx.msk [tilespmem:v27+s15+$0x0], $0xffff;
	v27 =	vmul.f32 $5.656854150e+00, v28;
	v28 =	vor.u32 v6, v10  }
0xd5: {  	v24 =	vor.u32 v6, v11;
	[tilespmem:s18+$0x0] =	vst v12;
	v21 =	vld.idx.msk [tilespmem:v21+s15+$0x0], $0xffff;
	v9 =	vmul.f32 $5.656854150e+00, v9  }
0xd6: {  	v20 =	vmul.f32 $5.656854150e+00, v20;
	v12 =	vor.u32 v6, v8;
	v22 =	vld.idx.msk [tilespmem:v22+s15+$0x0], $0xffff;
	[tilespmem:s2+$0x40] =	vst v27  }
0xd7: {  	v15 =	vmul.f32 $5.656854150e+00, v15;
	v27 =	vor.u32 v6, v13;
	v23 =	vld.idx.msk [tilespmem:v23+s15+$0x0], $0xffff;
	[tilespmem:s5+$0x40] =	vst v9  }
0xd8: {  	[tilespmem:s9+$0x50] =	vst v20;
	v20 =	vor.u32 v6, v18;
	v9 =	vmul.f32 $5.656854150e+00, v25;
	v14 =	vld.idx.msk [tilespmem:v14+s15+$0x0], $0xffff  }
0xd9: {  	[tilespmem:s8+$0x10] =	vst v15;
	v15 =	vmul.f32 $5.656854150e+00, v26;
	v25 =	vld.idx.msk [tilespmem:v28+s15+$0x0], $0xffff;
	v26 =	vor.u32 v6, v16  }
0xda: {  	v21 =	vmul.f32 $5.656854150e+00, v21;
	[tilespmem:s19+$0x50] =	vst v9;
	v9 =	vld.idx.msk [tilespmem:v24+s15+$0x0], $0xffff;
	v24 =	vor.u32 v6, v17  }
0xdb: {  	v12 =	vld.idx.msk [tilespmem:v12+s15+$0x0], $0xffff;
	[tilespmem:s1+$0x50] =	vst v15;
	v15 =	vmul.f32 $5.656854150e+00, v22;
	v22 =	vor.u32 v6, v19  }
0xdc: {  	v10 =	vor.u32 v7, v10;
	[tilespmem:s24+$0x50] =	vst v21;
	v27 =	vld.idx.msk [tilespmem:v27+s15+$0x0], $0xffff;
	v23 =	vmul.f32 $5.656854150e+00, v23  }
0xdd: {  	v11 =	vor.u32 v7, v11;
	[tilespmem:s18+$0x10] =	vst v15;
	v15 =	vld.idx.msk [tilespmem:v20+s15+$0x0], $0xffff;
	v14 =	vmul.f32 $5.656854150e+00, v14  }
0xde: {  	v8 =	vor.u32 v7, v8;
	v20 =	vmul.f32 $5.656854150e+00, v25;
	[tilespmem:s2+$0x50] =	vst v23;
	v21 =	vld.idx.msk [tilespmem:v26+s15+$0x0], $0xffff  }
0xdf: {  	v13 =	vor.u32 v7, v13;
	v9 =	vmul.f32 $5.656854150e+00, v9;
	v23 =	vld.idx.msk [tilespmem:v24+s15+$0x0], $0xffff;
	[tilespmem:s5+$0x50] =	vst v14  }
0xe0: {  	v18 =	vor.u32 v7, v18;
	v12 =	vmul.f32 $5.656854150e+00, v12;
	[tilespmem:s9+$0x60] =	vst v20;
	v14 =	vld.idx.msk [tilespmem:v22+s15+$0x0], $0xffff  }
0xe1: {  	v16 =	vor.u32 v7, v16;
	[tilespmem:s8+$0x20] =	vst v9;
	v9 =	vmul.f32 $5.656854150e+00, v27;
	v10 =	vld.idx.msk [tilespmem:v10+s15+$0x0], $0xffff  }
0xe2: {  	v11 =	vld.idx.msk [tilespmem:v11+s15+$0x0], $0xffff;
	[tilespmem:s19+$0x60] =	vst v12;
	v12 =	vor.u32 v7, v17;
	v15 =	vmul.f32 $5.656854150e+00, v15  }
0xe3: {  	v17 =	vor.u32 v7, v19;
	[tilespmem:s1+$0x60] =	vst v9;
	v8 =	vld.idx.msk [tilespmem:v8+s15+$0x0], $0xffff;
	v9 =	vmul.f32 $5.656854150e+00, v21  }
0xe4: {  	v13 =	vld.idx.msk [tilespmem:v13+s15+$0x0], $0xffff;
	v19 =	vmul.f32 $5.656854150e+00, v23;
	[tilespmem:s24+$0x60] =	vst v15  }
0xe5: {  	[tilespmem:s18+$0x20] =	vst v9;
	v9 =	vmul.f32 $5.656854150e+00, v14;
	v14 =	vld.idx.msk [tilespmem:v18+s15+$0x0], $0xffff  }
0xe6: {  	v10 =	vmul.f32 $5.656854150e+00, v10;
	v15 =	vld.idx.msk [tilespmem:v16+s15+$0x0], $0xffff;
	[tilespmem:s2+$0x60] =	vst v19  }
0xe7: {  	v11 =	vmul.f32 $5.656854150e+00, v11;
	[tilespmem:s5+$0x60] =	vst v9;
	v9 =	vld.idx.msk [tilespmem:v12+s15+$0x0], $0xffff  }
0xe8: {  	v8 =	vmul.f32 $5.656854150e+00, v8;
	[tilespmem:s9+$0x70] =	vst v10;
	v10 =	vld.idx.msk [tilespmem:v17+s15+$0x0], $0xffff  }
0xe9: {  	[tilespmem:s8+$0x30] =	vst v11;
	v11 =	vmul.f32 $5.656854150e+00, v13  }
0xea: {  	[tilespmem:s19+$0x70] =	vst v8;
	v8 =	vmul.f32 $5.656854150e+00, v14  }
0xeb: {  	[tilespmem:s1+$0x70] =	vst v11;
	v11 =	vmul.f32 $5.656854150e+00, v15  }
0xec: {  	s0 =	sshll.u32 s13, $0x7;
	v9 =	vmul.f32 $5.656854150e+00, v9;
	[tilespmem:s24+$0x70] =	vst v8  }
0xed: {  	s11 =	sshll.u32 s13, $0x9;
	s12 =	rddreg [dreg:$0x1];
	s16 =	sand.u32 $0x3E00, s0;
	[tilespmem:s18+$0x30] =	vst v11;
	v8 =	vmul.f32 $5.656854150e+00, v10  }
0xee: {  	s0 =	sadd.s32 s12, s16;
	s14 =	simm.s32 $0x400;
	s19 =	sand.u32 $0xFFF0000, s11;
	[tilespmem:s2+$0x70] =	vst v9  }
0xef: {  	s21 =	simm.s32 $0x4200;
	s0 =	sadd.s32 s19, s0;
	s18 =	simm.s32 $0x20000;
	[tilespmem:s5+$0x70] =	vst v8  }
0xf0: {  	[hbm4b:s0+s14] =	stream.strided.scatter [tilespmem:s21], [sflag:$0x5], $0x1000, s18, s14, $0x38;
	[tilespmem:$0x8200] =	vst v63  }
0xf1: {  	s0 =	simm.s32 @!p1 $0x9  }
0xf2: {  	_ =	swait.ge @!p1 [sflag:s0], $0x80  }
0xf3: {  	s1 =	simm.s32 @!p1 $0x0;
	s2 =	simm.s32 @!p1 $0x200;
	[sflag:s0] =	ssyncset.done @!p1 $0x0  }
0xf4: {  	s3 =	rddreg [dreg:$0x5];
	[sflag:s0] =	ssyncadd.s32 @!p1 $0xFFFFFF80;
	s0 =	simm.s32 @!p1 $0x80  }
0xf5: {  	[tilespmem:s2], [sflag:$0x1] =	stream.indirect.gather @!p1 [hbm4b:s3+s0], $0x20, s1, s0, $0xb8;
	[tilespmem:$0x8200] =	vst v63  }
0xf6: {  	s22 =	simm.s32 $0x2;
	s24 =	rddreg [dreg:$0x9];
	s0 =	sadd.s32 $0x5, s13  }
0xf7: {  	s25 =	simm.s32 $0x2;
	v8 =	vmov s22;
	p1 =	sgt.u32 s0, s24  }
0xf8: {  	v8 =	vand.u32 $0x1E, v8;
	_ =	swait.ge [sflag:s25], $0x1000;
	s0 =	sshll.u32 @!p1 s0, $0x4  }
0xf9: {  	v21 =	vbroadcast v8, $0x0;
	[sflag:s25] =	ssyncset.done $0x0;
	s1 =	simm.s32 @!p1 $0x0;
	s0 =	sand.u32 @!p1 $0xFFFFFD0, s0  }
0xfa: {  	s2 =	simm.s32 @!p1 $0x80;
	[sflag:s25] =	ssyncadd.s32 $0xFFFFF000;
	s0 =	sadd.s32 @!p1 s7, s0  }
0xfb: {  	v8 =	vor.u32 v0, v21;
	[tilespmem:s2], [sflag:$0xA] =	stream.linear.gather @!p1 [hbm4b:s0+s1], $0x80, $0x38;
	[tilespmem:$0x8200] =	vst v63  }
0xfc: {  	s26 =	simm.s32 $0x0;
	s0 =	simm.s32 @!p0 $0x6  }
0xfd: {  	v9 =	vmov s26;
	_ =	swait.ge @!p0 [sflag:s0], $0x1000  }
0xfe: {  	v9 =	vand.u32 $0x1C, v9;
	[sflag:s0] =	ssyncset.done @!p0 $0x0  }
0xff: {  	v22 =	vbroadcast v9, $0x0;
	[sflag:s0] =	ssyncadd.s32 @!p0 $0xFFFFF000  }
0x100: {  	v8 =	vld.idx.msk [tilespmem:v8+s17+$0x0], $0xffff  }
0x101: {  	v9 =	vor.u32 v0, v22;
	s1 =	simm.s32 $0x3  }
0x102: {  	v10 =	vmov s1  }
0x103: {  	v11 =	vor.u32 v1, v21;
	s2 =	simm.s32 $0x0;
	v10 =	vand.u32 $0x1F, v10  }
0x104: {  	s3 =	simm.s32 $0x100;
	v20 =	vbroadcast v10, $0x0;
	s0 =	sand.u32 $0xC00, s2  }
0x105: {  	s8 =	simm.s32 $0x6;
	s5 =	sand.u32 $0x300, s3;
	s4 =	sor.u32 $0x4200, s0;
	v8 =	vmul.f32 $5.656854150e+00, v8  }
0x106: {  	v12 =	vld.idx.msk [tilespmem:v9+s17+$0x0], $0xffff;
	v9 =	vmov s8;
	v10 =	vor.u32 v0, v20;
	s14 =	sadd.s32 s5, s4  }
0x107: {  	v9 =	vand.u32 $0x1E, v9;
	[tilespmem:s14+$0x1000] =	vst v8  }
0x108: {  	s9 =	simm.s32 $0x1;
	v9 =	vbroadcast v9, $0x0;
	v8 =	vld.idx.msk [tilespmem:v11+s17+$0x0], $0xffff  }
0x109: {  	v13 =	vmov s9;
	v11 =	vor.u32 v1, v22  }
0x10a: {  	v13 =	vand.u32 $0x1D, v13;
	v15 =	vor.u32 v0, v9  }
0x10b: {  	v24 =	vbroadcast v13, $0x0;
	v14 =	vor.u32 v2, v21;
	v12 =	vmul.f32 $5.656854150e+00, v12;
	v10 =	vld.idx.msk [tilespmem:v10+s17+$0x0], $0xffff  }
0x10c: {  	s12 =	simm.s32 $0x5270  }
0x10d: {  	s10 =	simm.s32 $0x4;
	v16 =	vor.u32 v0, v24;
	[tilespmem:s12+$0xFFFFFF90] =	vst v12;
	v8 =	vmul.f32 $5.656854150e+00, v8  }
0x10e: {  	v13 =	vor.u32 v1, v20;
	v12 =	vmov s10;
	v11 =	vld.idx.msk [tilespmem:v11+s17+$0x0], $0xffff  }
0x10f: {  	s11 =	simm.s32 $0x180;
	v15 =	vld.idx.msk [tilespmem:v15+s17+$0x0], $0xffff;
	[tilespmem:s14+$0x1010] =	vst v8;
	v8 =	vand.u32 $0x1C, v12  }
0x110: {  	s18 =	simm.s32 $0x7;
	s0 =	sand.u32 $0x380, s11;
	v10 =	vmul.f32 $5.656854150e+00, v10;
	v17 =	vld.idx.msk [tilespmem:v14+s17+$0x0], $0xffff;
	v12 =	vbroadcast v8, $0x0  }
0x111: {  	s28 =	sadd.s32 s0, s4;
	v8 =	vor.u32 v2, v22;
	v14 =	vmov s18  }
0x112: {  	s21 =	simm.s32 $0x200;
	v16 =	vld.idx.msk [tilespmem:v16+s17+$0x0], $0xffff;
	[tilespmem:s28+$0x1000] =	vst v10;
	v10 =	vand.u32 $0x1F, v14;
	v18 =	vor.u32 v0, v12  }
0x113: {  	s22 =	simm.s32 $0x300;
	s0 =	sand.u32 $0xC00, s21;
	v19 =	vor.u32 v1, v9;
	v14 =	vbroadcast v10, $0x0;
	v10 =	vld.idx.msk [tilespmem:v13+s17+$0x0], $0xffff;
	v11 =	vmul.f32 $5.656854150e+00, v11  }
0x114: {  	s2 =	sand.u32 $0x300, s22;
	s0 =	sor.u32 $0x4200, s0;
	v15 =	vmul.f32 $5.656854150e+00, v15;
	v13 =	vor.u32 v3, v21  }
0x115: {  	s22 =	sadd.s32 s2, s0;
	v23 =	vor.u32 v0, v14;
	[tilespmem:s12+$0xFFFFFFA0] =	vst v11;
	v17 =	vmul.f32 $5.656854150e+00, v17  }
0x116: {  	v25 =	vor.u32 v1, v24;
	s24 =	simm.s32 $0x80;
	s25 =	simm.s32 $0x5;
	[tilespmem:s22+$0x1000] =	vst v15;
	v8 =	vld.idx.msk [tilespmem:v8+s17+$0x0], $0xffff  }
0x117: {  	s2 =	sand.u32 $0x280, s24;
	v16 =	vmul.f32 $5.656854150e+00, v16;
	v15 =	vmov s25;
	v11 =	vor.u32 v2, v20;
	[tilespmem:s14+$0x1020] =	vst v17;
	v17 =	vld.idx.msk [tilespmem:v18+s17+$0x0], $0xffff  }
0x118: {  	s1 =	sadd.s32 s2, s4;
	v15 =	vand.u32 $0x1D, v15;
	v10 =	vmul.f32 $5.656854150e+00, v10;
	v18 =	vld.idx.msk [tilespmem:v19+s17+$0x0], $0xffff  }
0x119: {  	[tilespmem:s1+$0x1000] =	vst v16;
	v15 =	vbroadcast v15, $0x0;
	v13 =	vld.idx.msk [tilespmem:v13+s17+$0x0], $0xffff  }
0x11a: {  	[tilespmem:s28+$0x1010] =	vst v10;
	v10 =	vld.idx.msk [tilespmem:v23+s17+$0x0], $0xffff;
	v23 =	vor.u32 v3, v22  }
0x11b: {  	v25 =	vld.idx.msk [tilespmem:v25+s17+$0x0], $0xffff;
	v26 =	vor.u32 v0, v15  }
0x11c: {  	v28 =	vor.u32 v2, v24;
	v19 =	vor.u32 v1, v12;
	v11 =	vld.idx.msk [tilespmem:v11+s17+$0x0], $0xffff;
	v8 =	vmul.f32 $5.656854150e+00, v8  }
0x11d: {  	s26 =	simm.s32 $0xA;
	v30 =	vor.u32 v3, v20;
	v16 =	vmul.f32 $5.656854150e+00, v17;
	v17 =	vor.u32 v2, v9  }
0x11e: {  	s8 =	simm.s32 $0x5470;
	v27 =	vor.u32 v1, v14;
	v18 =	vmul.f32 $5.656854150e+00, v18;
	[tilespmem:s12+$0xFFFFFFB0] =	vst v8;
	v8 =	vmov s26  }
0x11f: {  	v13 =	vmul.f32 $5.656854150e+00, v13;
	v8 =	vand.u32 $0x1E, v8;
	[tilespmem:s8+$0xFFFFFF90] =	vst v16;
	v10 =	vmul.f32 $5.656854150e+00, v10;
	v23 =	vld.idx.msk [tilespmem:v23+s17+$0x0], $0xffff  }
0x120: {  	s3 =	simm.s32 $0x8;
	s5 =	simm.s32 $0xB;
	s4 =	simm.s32 $0x380;
	v16 =	vor.u32 v4, v21;
	[tilespmem:s22+$0x1010] =	vst v18;
	v8 =	vbroadcast v8, $0x0;
	v18 =	vmul.f32 $5.656854150e+00, v25;
	v25 =	vld.idx.msk [tilespmem:v26+s17+$0x0], $0xffff  }
0x121: {  	v26 =	vmov s5;
	v19 =	vld.idx.msk [tilespmem:v19+s17+$0x0], $0xffff;
	v29 =	vmul.f32 $5.656854150e+00, v11;
	v11 =	vmov s3;
	s3 =	sand.u32 $0x380, s4  }
0x122: {  	s10 =	simm.s32 $0x400;
	v26 =	vand.u32 $0x1F, v26;
	v11 =	vand.u32 $0x1C, v11;
	s3 =	sadd.s32 s3, s0;
	v31 =	vor.u32 v0, v8;
	[tilespmem:s1+$0x1010] =	vst v18;
	v17 =	vld.idx.msk [tilespmem:v17+s17+$0x0], $0xffff  }
0x123: {  	s11 =	simm.s32 $0x500;
	s2 =	sand.u32 $0xC00, s10;
	v55 =	vor.u32 v1, v15;
	v11 =	vbroadcast v11, $0x0;
	[tilespmem:s3+$0x1000] =	vst v10;
	v10 =	vbroadcast v26, $0x0;
	v26 =	vld.idx.msk [tilespmem:v28+s17+$0x0], $0xffff  }
0x124: {  	s2 =	sor.u32 $0x4200, s2;
	s18 =	simm.s32 $0x280;
	s5 =	sand.u32 $0x300, s11;
	[tilespmem:s14+$0x1030] =	vst v13;
	v13 =	vor.u32 v2, v12;
	v27 =	vld.idx.msk [tilespmem:v27+s17+$0x0], $0xffff  }
0x125: {  	s21 =	sadd.s32 s5, s2;
	s5 =	sand.u32 $0x280, s18;
	[tilespmem:s28+$0x1020] =	vst v29;
	v16 =	vld.idx.msk [tilespmem:v16+s17+$0x0], $0xffff;
	v28 =	vor.u32 v0, v11;
	v25 =	vmul.f32 $5.656854150e+00, v25  }
0x126: {  	s30 =	sadd.s32 s5, s0;
	v29 =	vld.idx.msk [tilespmem:v30+s17+$0x0], $0xffff;
	v30 =	vor.u32 v0, v10;
	v19 =	vmul.f32 $5.656854150e+00, v19  }
0x127: {  	v18 =	vor.u32 v3, v9;
	v31 =	vld.idx.msk [tilespmem:v31+s17+$0x0], $0xffff;
	[tilespmem:s30+$0x1000] =	vst v25  }
0x128: {  	v48 =	vor.u32 v3, v24;
	v17 =	vmul.f32 $5.656854150e+00, v17;
	[tilespmem:s8+$0xFFFFFFA0] =	vst v19;
	v35 =	vld.idx.msk [tilespmem:v55+s17+$0x0], $0xffff  }
0x129: {  	v49 =	vor.u32 v2, v14;
	v26 =	vmul.f32 $5.656854150e+00, v26;
	v19 =	vld.idx.msk [tilespmem:v13+s17+$0x0], $0xffff  }
0x12a: {  	s9 =	simm.s32 $0x9;
	[tilespmem:s22+$0x1020] =	vst v17;
	v17 =	vor.u32 v5, v21;
	v16 =	vmul.f32 $5.656854150e+00, v16;
	v28 =	vld.idx.msk [tilespmem:v28+s17+$0x0], $0xffff  }
0x12b: {  	v50 =	vor.u32 v4, v20;
	v13 =	vmov s9;
	v27 =	vmul.f32 $5.656854150e+00, v27;
	v30 =	vld.idx.msk [tilespmem:v30+s17+$0x0], $0xffff;
	[tilespmem:s1+$0x1020] =	vst v26  }
0x12c: {  	v51 =	vor.u32 v1, v8;
	v13 =	vand.u32 $0x1D, v13;
	v18 =	vld.idx.msk [tilespmem:v18+s17+$0x0], $0xffff;
	[tilespmem:s14+$0x1040] =	vst v16;
	v16 =	vmul.f32 $5.656854150e+00, v29  }
0x12d: {  	v26 =	vor.u32 v3, v12;
	v13 =	vbroadcast v13, $0x0;
	[tilespmem:s3+$0x1010] =	vst v27;
	v29 =	vld.idx.msk [tilespmem:v48+s17+$0x0], $0xffff  }
0x12e: {  	v27 =	vmul.f32 $5.656854150e+00, v31;
	v31 =	vor.u32 v4, v22;
	[tilespmem:s28+$0x1030] =	vst v16;
	v16 =	vmul.f32 $5.656854150e+00, v19;
	v19 =	vld.idx.msk [tilespmem:v49+s17+$0x0], $0xffff  }
0x12f: {  	v52 =	vor.u32 v0, v13;
	v17 =	vld.idx.msk [tilespmem:v17+s17+$0x0], $0xffff  }
0x130: {  	v23 =	vmul.f32 $5.656854150e+00, v23;
	v54 =	vor.u32 v1, v11;
	[tilespmem:s21+$0x1000] =	vst v27;
	v53 =	vld.idx.msk [tilespmem:v50+s17+$0x0], $0xffff  }
0x131: {  	v56 =	vor.u32 v4, v9;
	[tilespmem:s8+$0xFFFFFFB0] =	vst v16;
	v16 =	vld.idx.msk [tilespmem:v51+s17+$0x0], $0xffff  }
0x132: {  	[tilespmem:s12+$0xFFFFFFC0] =	vst v23;
	v27 =	vor.u32 v4, v24;
	v23 =	vmul.f32 $5.656854150e+00, v28;
	v26 =	vld.idx.msk [tilespmem:v26+s17+$0x0], $0xffff  }
0x133: {  	v58 =	vor.u32 v3, v14;
	s9 =	simm.s32 $0x5670;
	v18 =	vmul.f32 $5.656854150e+00, v18;
	v31 =	vld.idx.msk [tilespmem:v31+s17+$0x0], $0xffff  }
0x134: {  	v59 =	vor.u32 v6, v21;
	v29 =	vmul.f32 $5.656854150e+00, v29;
	[tilespmem:s9+$0xFFFFFF90] =	vst v23;
	v28 =	vld.idx.msk [tilespmem:v52+s17+$0x0], $0xffff  }
0x135: {  	v57 =	vor.u32 v2, v8;
	v25 =	vmul.f32 $5.656854150e+00, v30;
	v30 =	vld.idx.msk [tilespmem:v54+s17+$0x0], $0xffff;
	[tilespmem:s22+$0x1030] =	vst v18;
	v18 =	vmul.f32 $5.656854150e+00, v19  }
0x136: {  	v60 =	vor.u32 v5, v24;
	s24 =	simm.s32 $0x580;
	[tilespmem:s1+$0x1030] =	vst v29;
	v29 =	vor.u32 v1, v10;
	v32 =	vld.idx.msk [tilespmem:v56+s17+$0x0], $0xffff;
	v17 =	vmul.f32 $5.656854150e+00, v17  }
0x137: {  	v61 =	vor.u32 v2, v15;
	s26 =	simm.s32 $0xF;
	s4 =	simm.s32 $0xE;
	v23 =	vld.idx.msk [tilespmem:v27+s17+$0x0], $0xffff;
	v27 =	vor.u32 v5, v20;
	v16 =	vmul.f32 $5.656854150e+00, v16;
	[tilespmem:s3+$0x1020] =	vst v18  }
0x138: {  	v63 =	vmov s26;
	s0 =	sand.u32 $0x380, s24;
	v41 =	vmov s4;
	v19 =	vor.u32 v5, v22;
	v34 =	vld.idx.msk [tilespmem:v58+s17+$0x0], $0xffff;
	[tilespmem:s14+$0x1050] =	vst v17  }
0x139: {  	s10 =	sadd.s32 s0, s2;
	v42 =	vand.u32 $0x1E, v41;
	v33 =	vmul.f32 $5.656854150e+00, v53;
	v18 =	vand.u32 $0x1F, v63;
	[tilespmem:s21+$0x1010] =	vst v16;
	v37 =	vld.idx.msk [tilespmem:v59+s17+$0x0], $0xffff  }
0x13a: {  	s25 =	simm.s32 $0xC;
	v62 =	vor.u32 v2, v11;
	[tilespmem:s10+$0x1000] =	vst v25;
	v31 =	vmul.f32 $5.656854150e+00, v31;
	v18 =	vbroadcast v18, $0x0;
	v25 =	vld.idx.msk [tilespmem:v57+s17+$0x0], $0xffff  }
0x13b: {  	v35 =	vmul.f32 $5.656854150e+00, v35;
	[tilespmem:s28+$0x1040] =	vst v33;
	v17 =	vbroadcast v42, $0x0;
	v16 =	vmov s25;
	v29 =	vld.idx.msk [tilespmem:v29+s17+$0x0], $0xffff  }
0x13c: {  	v30 =	vmul.f32 $5.656854150e+00, v30;
	v16 =	vand.u32 $0x1C, v16;
	[tilespmem:s12+$0xFFFFFFD0] =	vst v31;
	v44 =	vor.u32 v0, v18;
	v27 =	vld.idx.msk [tilespmem:v27+s17+$0x0], $0xffff  }
0x13d: {  	[tilespmem:s30+$0x1010] =	vst v35;
	v45 =	vor.u32 v0, v17;
	v23 =	vmul.f32 $5.656854150e+00, v23;
	v16 =	vbroadcast v16, $0x0;
	v19 =	vld.idx.msk [tilespmem:v19+s17+$0x0], $0xffff  }
0x13e: {  	s18 =	simm.s32 $0x480;
	v43 =	vor.u32 v3, v8;
	v26 =	vmul.f32 $5.656854150e+00, v26;
	[tilespmem:s9+$0xFFFFFFA0] =	vst v30;
	v30 =	vld.idx.msk [tilespmem:v61+s17+$0x0], $0xffff  }
0x13f: {  	s0 =	sand.u32 $0x280, s18;
	v28 =	vmul.f32 $5.656854150e+00, v28;
	v46 =	vld.idx.msk [tilespmem:v62+s17+$0x0], $0xffff;
	[tilespmem:s1+$0x1040] =	vst v23;
	v23 =	vor.u32 v0, v16  }
0x140: {  	s18 =	sadd.s32 s0, s2;
	v49 =	vor.u32 v6, v22;
	[tilespmem:s8+$0xFFFFFFC0] =	vst v26;
	v31 =	vld.idx.msk [tilespmem:v60+s17+$0x0], $0xffff;
	v25 =	vmul.f32 $5.656854150e+00, v25  }
0x141: {  	v50 =	vor.u32 v3, v15;
	[tilespmem:s18+$0x1000] =	vst v28;
	v33 =	vld.idx.msk [tilespmem:v44+s17+$0x0], $0xffff;
	v27 =	vmul.f32 $5.656854150e+00, v27  }
0x142: {  	v53 =	vor.u32 v2, v10;
	v51 =	vld.idx.msk [tilespmem:v45+s17+$0x0], $0xffff;
	v26 =	vmul.f32 $5.656854150e+00, v19;
	[tilespmem:s21+$0x1020] =	vst v25  }
0x143: {  	v30 =	vmul.f32 $5.656854150e+00, v30;
	v25 =	vmul.f32 $5.656854150e+00, v29;
	v29 =	vor.u32 v5, v9;
	v36 =	vld.idx.msk [tilespmem:v43+s17+$0x0], $0xffff;
	[tilespmem:s28+$0x1050] =	vst v27  }
0x144: {  	v48 =	vor.u32 v6, v20;
	v23 =	vld.idx.msk [tilespmem:v23+s17+$0x0], $0xffff;
	[tilespmem:s12+$0xFFFFFFE0] =	vst v26  }
0x145: {  	s11 =	simm.s32 $0xD;
	v52 =	vor.u32 v6, v24;
	v32 =	vmul.f32 $5.656854150e+00, v32;
	[tilespmem:s30+$0x1020] =	vst v30;
	v30 =	vld.idx.msk [tilespmem:v49+s17+$0x0], $0xffff  }
0x146: {  	v27 =	vor.u32 v4, v14;
	[tilespmem:s10+$0x1010] =	vst v25;
	v25 =	vmov s11;
	v26 =	vmul.f32 $5.656854150e+00, v31;
	v40 =	vld.idx.msk [tilespmem:v50+s17+$0x0], $0xffff  }
0x147: {  	s24 =	simm.s32 $0x600;
	[tilespmem:s22+$0x1040] =	vst v32;
	v47 =	vmul.f32 $5.656854150e+00, v34;
	v31 =	vor.u32 v3, v11;
	v19 =	vand.u32 $0x1D, v25;
	v57 =	vld.idx.msk [tilespmem:v53+s17+$0x0], $0xffff  }
0x148: {  	s0 =	sand.u32 $0xC00, s24;
	s25 =	simm.s32 $0x700;
	v38 =	vmul.f32 $5.656854150e+00, v46;
	v19 =	vbroadcast v19, $0x0;
	[tilespmem:s1+$0x1050] =	vst v26;
	v26 =	vor.u32 v1, v17;
	v25 =	vld.idx.msk [tilespmem:v29+s17+$0x0], $0xffff  }
0x149: {  	s0 =	sor.u32 $0x4200, s0;
	v59 =	vor.u32 v7, v22;
	s5 =	sand.u32 $0x300, s25;
	[tilespmem:s3+$0x1030] =	vst v47;
	v32 =	vmul.f32 $5.656854150e+00, v51;
	v29 =	vld.idx.msk [tilespmem:v48+s17+$0x0], $0xffff  }
0x14a: {  	v39 =	vor.u32 v4, v8;
	s5 =	sadd.s32 s5, s0;
	[tilespmem:s9+$0xFFFFFFB0] =	vst v38;
	v28 =	vld.idx.msk [tilespmem:v52+s17+$0x0], $0xffff;
	v54 =	vor.u32 v0, v19;
	v55 =	vmul.f32 $5.656854150e+00, v23  }
0x14b: {  	s2 =	simm.s32 $0x5870;
	v58 =	vor.u32 v7, v20;
	v61 =	vor.u32 v7, v21;
	[tilespmem:s5+$0x1000] =	vst v32;
	v27 =	vld.idx.msk [tilespmem:v27+s17+$0x0], $0xffff;
	v30 =	vmul.f32 $5.656854150e+00, v30  }
0x14c: {  	v20 =	vor.u32 v5, v10;
	v22 =	vor.u32 v1, v13;
	v56 =	vmul.f32 $5.656854150e+00, v36;
	v60 =	vld.idx.msk [tilespmem:v31+s17+$0x0], $0xffff;
	[tilespmem:s2+$0xFFFFFF90] =	vst v55  }
0x14d: {  	v21 =	vor.u32 v5, v18;
	v47 =	vor.u32 v4, v15;
	v31 =	vmul.f32 $5.656854150e+00, v37;
	v63 =	vld.idx.msk [tilespmem:v26+s17+$0x0], $0xffff;
	[tilespmem:s12+$0xFFFFFFF0] =	vst v30  }
0x14e: {  	v62 =	vor.u32 v7, v24;
	v24 =	vor.u32 v1, v18;
	[tilespmem:s21+$0x1030] =	vst v56;
	v29 =	vmul.f32 $5.656854150e+00, v29;
	v35 =	vld.idx.msk [tilespmem:v59+s17+$0x0], $0xffff  }
0x14f: {  	v45 =	vor.u32 v4, v12;
	v43 =	vor.u32 v2, v17;
	v46 =	vmul.f32 $5.656854150e+00, v40;
	[tilespmem:s14+$0x1060] =	vst v31;
	v34 =	vld.idx.msk [tilespmem:v54+s17+$0x0], $0xffff  }
0x150: {  	v38 =	vor.u32 v1, v16;
	v32 =	vor.u32 v2, v13;
	v26 =	vmul.f32 $5.656854150e+00, v28;
	v40 =	vld.idx.msk [tilespmem:v61+s17+$0x0], $0xffff;
	[tilespmem:s28+$0x1060] =	vst v29  }
0x151: {  	v23 =	vor.u32 v5, v14;
	v36 =	vmul.f32 $5.656854150e+00, v33;
	[tilespmem:s30+$0x1030] =	vst v46;
	v28 =	vmul.f32 $5.656854150e+00, v57;
	v37 =	vld.idx.msk [tilespmem:v58+s17+$0x0], $0xffff  }
0x152: {  	s31 =	simm.s32 $0x780;
	s26 =	simm.s32 $0x680;
	v33 =	vor.u32 v3, v10;
	v31 =	vor.u32 v1, v19;
	v42 =	vld.idx.msk [tilespmem:v47+s17+$0x0], $0xffff;
	v48 =	vmul.f32 $5.656854150e+00, v27;
	[tilespmem:s1+$0x1060] =	vst v26  }
0x153: {  	s24 =	sand.u32 $0x280, s26;
	s25 =	sand.u32 $0x380, s31;
	v30 =	vor.u32 v5, v15;
	v29 =	vor.u32 v5, v12;
	v27 =	vmul.f32 $5.656854150e+00, v60;
	[tilespmem:s10+$0x1020] =	vst v28;
	v41 =	vld.idx.msk [tilespmem:v62+s17+$0x0], $0xffff  }
0x154: {  	s24 =	sadd.s32 s24, s0;
	s29 =	sadd.s32 s25, s0;
	s0 =	simm.s32 $0x10;
	v28 =	vor.u32 v6, v9;
	[tilespmem:s3+$0x1040] =	vst v48;
	v44 =	vmul.f32 $5.656854150e+00, v63;
	v26 =	vmul.f32 $5.656854150e+00, v34;
	v34 =	vld.idx.msk [tilespmem:v45+s17+$0x0], $0xffff  }
.LBB2_5:
0x155: {  	s26 =	sadd.s32 $0x1, s0  }
0x156: {  	v45 =	vmov s0;
	s4 =	sadd.s32 $0x3, s0;
	v38 =	vld.idx.msk [tilespmem:v38+s17+$0x0], $0xffff;
	v46 =	vor.u32 v2, v16;
	[tilespmem:s29+$0x1000] =	vst v36;
	v36 =	vmul.f32 $5.656854150e+00, v37;
	s11 =	smov.u32 s0;
	s25 =	sadd.s32 $0x4, s0  }
0x157: {  	p2 =	slt.u32 s0, $0x1C;
	v35 =	vmul.f32 $5.656854150e+00, v35;
	v37 =	vmov s26;
	s11 =	sadd.s32 $0x2, s11;
	v47 =	vmov s4;
	[tilespmem:s5+$0x1010] =	vst v44;
	v44 =	vld.idx.msk [tilespmem:v22+s17+$0x0], $0xffff;
	v22 =	vmovc v31  }
0x158: {  	v40 =	vmul.f32 $5.656854150e+00, v40;
	v31 =	vmov s11;
	v47 =	vand.u32 $0x1F, v47;
	v39 =	vld.idx.msk [tilespmem:v39+s17+$0x0], $0xffff;
	[tilespmem:s28+$0x1070] =	vst v36;
	s28 =	smov.u32 s3;
	s3 =	smov.u32 s10;
	s10 =	smov.u32 s29  }
0x159: {  	v31 =	vand.u32 $0x1E, v31;
	v36 =	vbroadcast v47, $0x0;
	v43 =	vld.idx.msk [tilespmem:v43+s17+$0x0], $0xffff;
	[tilespmem:s12+$0x0] =	vst v35;
	v35 =	vmul.f32 $5.656854150e+00, v41;
	s12 =	smov.u32 s8;
	s8 =	smov.u32 s9;
	s9 =	smov.u32 s2  }
0x15a: {  	v25 =	vmul.f32 $5.656854150e+00, v25;
	v37 =	vand.u32 $0x1D, v37;
	v41 =	vbroadcast v31, $0x0;
	v24 =	vld.idx.msk [tilespmem:v24+s17+$0x0], $0xffff;
	[tilespmem:s14+$0x1070] =	vst v40;
	s14 =	smov.u32 s22;
	s22 =	smov.u32 s21;
	s21 =	smov.u32 s5  }
0x15b: {  	v34 =	vmul.f32 $5.656854150e+00, v34;
	v31 =	vand.u32 $0x1C, v45;
	v40 =	vmul.f32 $5.656854150e+00, v42;
	v42 =	vld.idx.msk [tilespmem:v23+s17+$0x0], $0xffff;
	[tilespmem:s1+$0x1070] =	vst v35;
	v23 =	vmovc v20;
	v20 =	vmovc v21;
	s1 =	smov.u32 s30;
	s30 =	smov.u32 s18;
	s18 =	smov.u32 s24  }
0x15c: {  	v35 =	vbroadcast v31, $0x0;
	v31 =	vbroadcast v37, $0x0;
	v37 =	vor.u32 v0, v41;
	v33 =	vld.idx.msk [tilespmem:v33+s17+$0x0], $0xffff;
	[tilespmem:s14+$0x1050] =	vst v25  }
0x15d: {  	v45 =	vor.u32 v3, v17;
	v25 =	vor.u32 v0, v36;
	v44 =	vmul.f32 $5.656854150e+00, v44;
	[tilespmem:s1+$0x1040] =	vst v40;
	v28 =	vld.idx.msk [tilespmem:v28+s17+$0x0], $0xffff  }
0x15e: {  	v21 =	vor.u32 v5, v36;
	v38 =	vmul.f32 $5.656854150e+00, v38;
	v40 =	vor.u32 v0, v35;
	[tilespmem:s12+$0xFFFFFFD0] =	vst v34;
	v30 =	vld.idx.msk [tilespmem:v30+s17+$0x0], $0xffff  }
0x15f: {  	v34 =	vmul.f32 $5.656854150e+00, v43;
	[tilespmem:s30+$0x1010] =	vst v44;
	v29 =	vld.idx.msk [tilespmem:v29+s17+$0x0], $0xffff  }
0x160: {  	[tilespmem:s2+$0xFFFFFFA0] =	vst v38;
	v32 =	vld.idx.msk [tilespmem:v32+s17+$0x0], $0xffff;
	v38 =	vmul.f32 $5.656854150e+00, v39  }
0x161: {  	v24 =	vmul.f32 $5.656854150e+00, v24;
	v39 =	vld.idx.msk [tilespmem:v46+s17+$0x0], $0xffff;
	[tilespmem:s21+$0x1020] =	vst v34;
	v34 =	vor.u32 v5, v8  }
0x162: {  	v33 =	vmul.f32 $5.656854150e+00, v33;
	v43 =	vld.idx.msk [tilespmem:v45+s17+$0x0], $0xffff;
	[tilespmem:s22+$0x1040] =	vst v38;
	v38 =	vor.u32 v6, v14  }
0x163: {  	s31 =	sadd.s32 $0x200, s31;
	v44 =	vor.u32 v0, v31;
	v45 =	vor.u32 v6, v12;
	v40 =	vld.idx.msk [tilespmem:v40+s17+$0x0], $0xffff;
	[tilespmem:s10+$0x1010] =	vst v24  }
0x164: {  	v47 =	vor.u32 v3, v13;
	v46 =	vld.idx.msk [tilespmem:v25+s17+$0x0], $0xffff;
	[tilespmem:s3+$0x1030] =	vst v33;
	v33 =	vmul.f32 $5.656854150e+00, v42  }
0x165: {  	v42 =	vor.u32 v1, v41;
	v37 =	vld.idx.msk [tilespmem:v37+s17+$0x0], $0xffff;
	[tilespmem:s8+$0xFFFFFFC0] =	vst v27;
	v27 =	vmul.f32 $5.656854150e+00, v29;
	v29 =	vor.u32 v6, v15  }
0x166: {  	v48 =	vor.u32 v2, v18;
	s2 =	sadd.s32 $0x200, s2;
	v24 =	vor.u32 v1, v36;
	v32 =	vmul.f32 $5.656854150e+00, v32;
	v25 =	vld.idx.msk [tilespmem:v34+s17+$0x0], $0xffff;
	[tilespmem:s28+$0x1050] =	vst v33  }
0x167: {  	s0 =	sadd.s32 $0xFFFFFE80, s31;
	v33 =	vor.u32 v4, v10;
	[tilespmem:s12+$0xFFFFFFE0] =	vst v27;
	v27 =	vmul.f32 $5.656854150e+00, v30;
	v30 =	vld.idx.msk [tilespmem:v38+s17+$0x0], $0xffff  }
0x168: {  	s4 =	sadd.s32 $0xFFFFFF80, s31;
	s0 =	sand.u32 $0xC00, s0;
	v34 =	vor.u32 v3, v16;
	[tilespmem:s30+$0x1020] =	vst v32;
	v32 =	vld.idx.msk [tilespmem:v45+s17+$0x0], $0xffff  }
0x169: {  	s24 =	sor.u32 $0x4200, s0;
	s0 =	sand.u32 $0x300, s4;
	v38 =	vmul.f32 $5.656854150e+00, v40;
	v40 =	vld.idx.msk [tilespmem:v47+s17+$0x0], $0xffff;
	[tilespmem:s1+$0x1050] =	vst v27  }
0x16a: {  	s5 =	sadd.s32 s0, s24;
	v27 =	vmul.f32 $5.656854150e+00, v39;
	[tilespmem:s18+$0x1000] =	vst v26;
	v26 =	vld.idx.msk [tilespmem:v29+s17+$0x0], $0xffff  }
0x16b: {  	v29 =	vmul.f32 $5.656854150e+00, v43;
	[tilespmem:s2+$0xFFFFFF90] =	vst v38;
	v39 =	vld.idx.msk [tilespmem:v48+s17+$0x0], $0xffff;
	v38 =	vor.u32 v7, v14;
	v14 =	vmovc v10;
	v10 =	vmov v18  }
0x16c: {  	v37 =	vmul.f32 $5.656854150e+00, v37;
	v18 =	vmovc v36;
	[tilespmem:s9+$0xFFFFFFB0] =	vst v27;
	v27 =	vld.idx.msk [tilespmem:v33+s17+$0x0], $0xffff;
	v33 =	vor.u32 v7, v12;
	v12 =	vmov v11  }
0x16d: {  	v43 =	vor.u32 v7, v9;
	v9 =	vmovc v8;
	v8 =	vmov v17;
	v36 =	vmul.f32 $5.656854150e+00, v30;
	v34 =	vld.idx.msk [tilespmem:v34+s17+$0x0], $0xffff;
	[tilespmem:s21+$0x1030] =	vst v29  }
0x16e: {  	v28 =	vmul.f32 $5.656854150e+00, v28;
	v17 =	vmovc v41;
	v29 =	vmul.f32 $5.656854150e+00, v32;
	v32 =	vor.u32 v7, v15;
	v30 =	vld.idx.msk [tilespmem:v44+s17+$0x0], $0xffff;
	[tilespmem:s5+$0x1000] =	vst v37  }
0x16f: {  	v11 =	vmovc v16;
	v16 =	vmov v35;
	v44 =	vor.u32 v4, v12;
	v45 =	vmul.f32 $5.656854150e+00, v40;
	v42 =	vld.idx.msk [tilespmem:v42+s17+$0x0], $0xffff;
	[tilespmem:s28+$0x1060] =	vst v36  }
0x170: {  	v15 =	vmovc v13;
	v36 =	vmul.f32 $5.656854150e+00, v46;
	v46 =	vor.u32 v4, v13;
	v26 =	vmul.f32 $5.656854150e+00, v26;
	[tilespmem:s12+$0xFFFFFFF0] =	vst v29;
	v37 =	vld.idx.msk [tilespmem:v38+s17+$0x0], $0xffff  }
.Ltmp1:
0x171: {  	s0 =	sand.u32 $0x380, s31;
	v13 =	vmovc v19;
	v19 =	vmov v31;
	v38 =	vor.u32 v1, v16;
	v41 =	vmul.f32 $5.656854150e+00, v39;
	v35 =	vld.idx.msk [tilespmem:v33+s17+$0x0], $0xffff;
	[tilespmem:s14+$0x1060] =	vst v28;
	(pc) =	sbr.rel @p2 .LBB2_5-.Ltmp1, $4  }
0x172: {  	s29 =	sadd.s32 s0, s24;
	v31 =	vor.u32 v1, v19;
	v29 =	vor.u32 v5, v12;
	v47 =	vmul.f32 $5.656854150e+00, v27;
	[tilespmem:s1+$0x1060] =	vst v26;
	v40 =	vld.idx.msk [tilespmem:v43+s17+$0x0], $0xffff  }
0x173: {  	s0 =	sadd.s32 $0xFFFFFF00, s31;
	v39 =	vor.u32 v4, v8;
	v28 =	vor.u32 v6, v9;
	v27 =	vmul.f32 $5.656854150e+00, v34;
	[tilespmem:s10+$0x1020] =	vst v41;
	v41 =	vld.idx.msk [tilespmem:v32+s17+$0x0], $0xffff  }
0x174: {  	s0 =	sand.u32 $0x280, s0;
	v43 =	vor.u32 v2, v17;
	v26 =	vmul.f32 $5.656854150e+00, v30;
	v30 =	vor.u32 v5, v15;
	v34 =	vld.idx.msk [tilespmem:v44+s17+$0x0], $0xffff;
	[tilespmem:s30+$0x1030] =	vst v45  }
0x175: {  	s24 =	sadd.s32 s0, s24;
	s0 =	smov.u32 s25;
	v33 =	vor.u32 v3, v10;
	v32 =	vor.u32 v2, v13;
	v44 =	vmul.f32 $5.656854150e+00, v42;
	v42 =	vld.idx.msk [tilespmem:v46+s17+$0x0], $0xffff;
	[tilespmem:s3+$0x1040] =	vst v47  }
0x176: {  	_ = 	snop  }
0x177: {  	[tilespmem:s29+$0x1000] =	vst v36  }
0x178: {  	[tilespmem:s24+$0x1000] =	vst v26  }
0x179: {  	v59 =	vmul.f32 $5.656854150e+00, v37;
	[tilespmem:s9+$0xFFFFFFC0] =	vst v27  }
0x17a: {  	v35 =	vmul.f32 $5.656854150e+00, v35;
	v22 =	vld.idx.msk [tilespmem:v22+s17+$0x0], $0xffff;
	[tilespmem:s5+$0x1010] =	vst v44  }
0x17b: {  	v25 =	vmul.f32 $5.656854150e+00, v25;
	[tilespmem:s28+$0x1070] =	vst v59  }
0x17c: {  	v61 =	vld.idx.msk [tilespmem:v38+s17+$0x0], $0xffff;
	v60 =	vmul.f32 $5.656854150e+00, v40;
	[tilespmem:s12+$0x0] =	vst v35  }
0x17d: {  	v23 =	vld.idx.msk [tilespmem:v23+s17+$0x0], $0xffff;
	v62 =	vmul.f32 $5.656854150e+00, v41;
	[tilespmem:s22+$0x1050] =	vst v25  }
0x17e: {  	v24 =	vld.idx.msk [tilespmem:v24+s17+$0x0], $0xffff;
	[tilespmem:s14+$0x1070] =	vst v60;
	v34 =	vmul.f32 $5.656854150e+00, v34  }
0x17f: {  	v63 =	vld.idx.msk [tilespmem:v43+s17+$0x0], $0xffff;
	[tilespmem:s1+$0x1070] =	vst v62;
	v22 =	vmul.f32 $5.656854150e+00, v22  }
0x180: {  	v25 =	vld.idx.msk [tilespmem:v33+s17+$0x0], $0xffff;
	v40 =	vmul.f32 $5.656854150e+00, v42;
	[tilespmem:s8+$0xFFFFFFD0] =	vst v34  }
0x181: {  	v41 =	vld.idx.msk [tilespmem:v39+s17+$0x0], $0xffff;
	v42 =	vmul.f32 $5.656854150e+00, v61;
	[tilespmem:s18+$0x1010] =	vst v22;
	v22 =	vor.u32 v2, v16  }
0x182: {  	v44 =	vor.u32 v3, v17;
	v23 =	vmul.f32 $5.656854150e+00, v23;
	[tilespmem:s30+$0x1040] =	vst v40;
	v29 =	vld.idx.msk [tilespmem:v29+s17+$0x0], $0xffff  }
0x183: {  	v45 =	vor.u32 v6, v14;
	v24 =	vmul.f32 $5.656854150e+00, v24;
	[tilespmem:s2+$0xFFFFFFA0] =	vst v42;
	v30 =	vld.idx.msk [tilespmem:v30+s17+$0x0], $0xffff  }
0x184: {  	v26 =	vor.u32 v2, v18;
	v31 =	vld.idx.msk [tilespmem:v31+s17+$0x0], $0xffff;
	v43 =	vmul.f32 $5.656854150e+00, v63;
	[tilespmem:s3+$0x1050] =	vst v23  }
0x185: {  	v25 =	vmul.f32 $5.656854150e+00, v25;
	v32 =	vld.idx.msk [tilespmem:v32+s17+$0x0], $0xffff;
	[tilespmem:s29+$0x1010] =	vst v24;
	v24 =	vor.u32 v6, v12  }
0x186: {  	v35 =	vmul.f32 $5.656854150e+00, v41;
	[tilespmem:s5+$0x1020] =	vst v43;
	v22 =	vld.idx.msk [tilespmem:v22+s17+$0x0], $0xffff  }
0x187: {  	v23 =	vor.u32 v2, v19;
	[tilespmem:s10+$0x1030] =	vst v25;
	v25 =	vld.idx.msk [tilespmem:v44+s17+$0x0], $0xffff;
	v29 =	vmul.f32 $5.656854150e+00, v29  }
0x188: {  	v27 =	vor.u32 v6, v15;
	v46 =	vld.idx.msk [tilespmem:v45+s17+$0x0], $0xffff;
	[tilespmem:s21+$0x1040] =	vst v35;
	v30 =	vmul.f32 $5.656854150e+00, v30  }
0x189: {  	v47 =	vor.u32 v3, v13;
	v26 =	vld.idx.msk [tilespmem:v26+s17+$0x0], $0xffff;
	[tilespmem:s8+$0xFFFFFFE0] =	vst v29;
	v29 =	vmul.f32 $5.656854150e+00, v31  }
0x18a: {  	v32 =	vmul.f32 $5.656854150e+00, v32;
	v31 =	vor.u32 v4, v10;
	v24 =	vld.idx.msk [tilespmem:v24+s17+$0x0], $0xffff;
	[tilespmem:s30+$0x1050] =	vst v30  }
0x18b: {  	v14 =	vor.u32 v7, v14;
	v28 =	vld.idx.msk [tilespmem:v28+s17+$0x0], $0xffff;
	[tilespmem:s24+$0x1010] =	vst v29;
	v22 =	vmul.f32 $5.656854150e+00, v22  }
0x18c: {  	[tilespmem:s18+$0x1020] =	vst v32;
	v25 =	vmul.f32 $5.656854150e+00, v25;
	v29 =	vor.u32 v3, v18;
	v23 =	vld.idx.msk [tilespmem:v23+s17+$0x0], $0xffff  }
0x18d: {  	v30 =	vor.u32 v3, v16;
	v27 =	vld.idx.msk [tilespmem:v27+s17+$0x0], $0xffff;
	[tilespmem:s2+$0xFFFFFFB0] =	vst v22;
	v22 =	vmul.f32 $5.656854150e+00, v46  }
0x18e: {  	v12 =	vor.u32 v7, v12;
	v32 =	vld.idx.msk [tilespmem:v47+s17+$0x0], $0xffff;
	[tilespmem:s5+$0x1030] =	vst v25;
	v25 =	vmul.f32 $5.656854150e+00, v26  }
0x18f: {  	v26 =	vld.idx.msk [tilespmem:v31+s17+$0x0], $0xffff;
	v24 =	vmul.f32 $5.656854150e+00, v24;
	[tilespmem:s3+$0x1060] =	vst v22;
	v22 =	vor.u32 v3, v19  }
0x190: {  	v9 =	vor.u32 v7, v9;
	v28 =	vmul.f32 $5.656854150e+00, v28;
	[tilespmem:s29+$0x1020] =	vst v25;
	v14 =	vld.idx.msk [tilespmem:v14+s17+$0x0], $0xffff  }
0x191: {  	v25 =	vor.u32 v4, v11;
	[tilespmem:s8+$0xFFFFFFF0] =	vst v24;
	v24 =	vld.idx.msk [tilespmem:v29+s17+$0x0], $0xffff;
	v23 =	vmul.f32 $5.656854150e+00, v23  }
0x192: {  	v15 =	vor.u32 v7, v15;
	[tilespmem:s22+$0x1060] =	vst v28;
	v27 =	vmul.f32 $5.656854150e+00, v27;
	v29 =	vld.idx.msk [tilespmem:v30+s17+$0x0], $0xffff  }
0x193: {  	v28 =	vmul.f32 $5.656854150e+00, v32;
	v30 =	vor.u32 v4, v13;
	v12 =	vld.idx.msk [tilespmem:v12+s17+$0x0], $0xffff;
	[tilespmem:s24+$0x1020] =	vst v23  }
0x194: {  	[tilespmem:s30+$0x1060] =	vst v27;
	v23 =	vmul.f32 $5.656854150e+00, v26;
	v26 =	vor.u32 v4, v18;
	v22 =	vld.idx.msk [tilespmem:v22+s17+$0x0], $0xffff  }
0x195: {  	v9 =	vld.idx.msk [tilespmem:v9+s17+$0x0], $0xffff;
	v27 =	vor.u32 v4, v16;
	[tilespmem:s18+$0x1030] =	vst v28;
	v14 =	vmul.f32 $5.656854150e+00, v14  }
0x196: {  	v28 =	vor.u32 v4, v17;
	v25 =	vld.idx.msk [tilespmem:v25+s17+$0x0], $0xffff;
	[tilespmem:s10+$0x1040] =	vst v23;
	v23 =	vmul.f32 $5.656854150e+00, v24  }
0x197: {  	v15 =	vld.idx.msk [tilespmem:v15+s17+$0x0], $0xffff;
	v24 =	vmul.f32 $5.656854150e+00, v29;
	[tilespmem:s3+$0x1070] =	vst v14;
	v14 =	vor.u32 v4, v19  }
0x198: {  	v29 =	vld.idx.msk [tilespmem:v30+s17+$0x0], $0xffff;
	v12 =	vmul.f32 $5.656854150e+00, v12;
	[tilespmem:s29+$0x1030] =	vst v23  }
0x199: {  	v23 =	vor.u32 v5, v11;
	[tilespmem:s2+$0xFFFFFFC0] =	vst v24;
	v24 =	vld.idx.msk [tilespmem:v26+s17+$0x0], $0xffff;
	v22 =	vmul.f32 $5.656854150e+00, v22  }
0x19a: {  	v9 =	vmul.f32 $5.656854150e+00, v9;
	v26 =	vor.u32 v5, v8;
	[tilespmem:s8+$0x0] =	vst v12;
	v12 =	vld.idx.msk [tilespmem:v27+s17+$0x0], $0xffff  }
0x19b: {  	v28 =	vld.idx.msk [tilespmem:v28+s17+$0x0], $0xffff;
	v27 =	vor.u32 v5, v13;
	v25 =	vmul.f32 $5.656854150e+00, v25;
	[tilespmem:s24+$0x1030] =	vst v22  }
0x19c: {  	[tilespmem:s22+$0x1070] =	vst v9;
	v15 =	vmul.f32 $5.656854150e+00, v15;
	v9 =	vld.idx.msk [tilespmem:v14+s17+$0x0], $0xffff  }
0x19d: {  	v20 =	vld.idx.msk [tilespmem:v20+s17+$0x0], $0xffff;
	[tilespmem:s9+$0xFFFFFFD0] =	vst v25;
	v22 =	vor.u32 v5, v16;
	v14 =	vmul.f32 $5.656854150e+00, v29  }
0x19e: {  	[tilespmem:s30+$0x1070] =	vst v15;
	v15 =	vld.idx.msk [tilespmem:v23+s17+$0x0], $0xffff;
	v23 =	vor.u32 v5, v17;
	v24 =	vmul.f32 $5.656854150e+00, v24  }
0x19f: {  	v25 =	vld.idx.msk [tilespmem:v26+s17+$0x0], $0xffff;
	v12 =	vmul.f32 $5.656854150e+00, v12;
	[tilespmem:s18+$0x1040] =	vst v14;
	v14 =	vor.u32 v5, v19  }
0x1a0: {  	[tilespmem:s29+$0x1040] =	vst v24;
	v26 =	vld.idx.msk [tilespmem:v27+s17+$0x0], $0xffff;
	v27 =	vmul.f32 $5.656854150e+00, v28;
	v28 =	vor.u32 v6, v10  }
0x1a1: {  	v24 =	vor.u32 v6, v11;
	[tilespmem:s2+$0xFFFFFFD0] =	vst v12;
	v21 =	vld.idx.msk [tilespmem:v21+s17+$0x0], $0xffff;
	v9 =	vmul.f32 $5.656854150e+00, v9  }
0x1a2: {  	v20 =	vmul.f32 $5.656854150e+00, v20;
	v12 =	vor.u32 v6, v8;
	v22 =	vld.idx.msk [tilespmem:v22+s17+$0x0], $0xffff;
	[tilespmem:s5+$0x1040] =	vst v27  }
0x1a3: {  	v15 =	vmul.f32 $5.656854150e+00, v15;
	v27 =	vor.u32 v6, v13;
	v23 =	vld.idx.msk [tilespmem:v23+s17+$0x0], $0xffff;
	[tilespmem:s24+$0x1040] =	vst v9  }
0x1a4: {  	[tilespmem:s10+$0x1050] =	vst v20;
	v20 =	vor.u32 v6, v18;
	v9 =	vmul.f32 $5.656854150e+00, v25;
	v14 =	vld.idx.msk [tilespmem:v14+s17+$0x0], $0xffff  }
0x1a5: {  	[tilespmem:s9+$0xFFFFFFE0] =	vst v15;
	v15 =	vmul.f32 $5.656854150e+00, v26;
	v25 =	vld.idx.msk [tilespmem:v28+s17+$0x0], $0xffff;
	v26 =	vor.u32 v6, v16  }
0x1a6: {  	v21 =	vmul.f32 $5.656854150e+00, v21;
	[tilespmem:s21+$0x1050] =	vst v9;
	v9 =	vld.idx.msk [tilespmem:v24+s17+$0x0], $0xffff;
	v24 =	vor.u32 v6, v17  }
0x1a7: {  	v12 =	vld.idx.msk [tilespmem:v12+s17+$0x0], $0xffff;
	[tilespmem:s18+$0x1050] =	vst v15;
	v15 =	vmul.f32 $5.656854150e+00, v22;
	v22 =	vor.u32 v6, v19  }
0x1a8: {  	v10 =	vor.u32 v7, v10;
	[tilespmem:s29+$0x1050] =	vst v21;
	v27 =	vld.idx.msk [tilespmem:v27+s17+$0x0], $0xffff;
	v23 =	vmul.f32 $5.656854150e+00, v23  }
0x1a9: {  	v11 =	vor.u32 v7, v11;
	[tilespmem:s2+$0xFFFFFFE0] =	vst v15;
	v15 =	vld.idx.msk [tilespmem:v20+s17+$0x0], $0xffff;
	v14 =	vmul.f32 $5.656854150e+00, v14  }
0x1aa: {  	v8 =	vor.u32 v7, v8;
	v20 =	vmul.f32 $5.656854150e+00, v25;
	[tilespmem:s5+$0x1050] =	vst v23;
	v21 =	vld.idx.msk [tilespmem:v26+s17+$0x0], $0xffff  }
0x1ab: {  	v13 =	vor.u32 v7, v13;
	v9 =	vmul.f32 $5.656854150e+00, v9;
	v23 =	vld.idx.msk [tilespmem:v24+s17+$0x0], $0xffff;
	[tilespmem:s24+$0x1050] =	vst v14  }
0x1ac: {  	v18 =	vor.u32 v7, v18;
	v12 =	vmul.f32 $5.656854150e+00, v12;
	[tilespmem:s10+$0x1060] =	vst v20;
	v14 =	vld.idx.msk [tilespmem:v22+s17+$0x0], $0xffff  }
0x1ad: {  	v16 =	vor.u32 v7, v16;
	[tilespmem:s9+$0xFFFFFFF0] =	vst v9;
	v9 =	vmul.f32 $5.656854150e+00, v27;
	v10 =	vld.idx.msk [tilespmem:v10+s17+$0x0], $0xffff  }
0x1ae: {  	v11 =	vld.idx.msk [tilespmem:v11+s17+$0x0], $0xffff;
	[tilespmem:s21+$0x1060] =	vst v12;
	v12 =	vor.u32 v7, v17;
	v15 =	vmul.f32 $5.656854150e+00, v15  }
0x1af: {  	v17 =	vor.u32 v7, v19;
	[tilespmem:s18+$0x1060] =	vst v9;
	v8 =	vld.idx.msk [tilespmem:v8+s17+$0x0], $0xffff;
	v9 =	vmul.f32 $5.656854150e+00, v21  }
0x1b0: {  	v13 =	vld.idx.msk [tilespmem:v13+s17+$0x0], $0xffff;
	v19 =	vmul.f32 $5.656854150e+00, v23;
	[tilespmem:s29+$0x1060] =	vst v15  }
0x1b1: {  	[tilespmem:s2+$0xFFFFFFF0] =	vst v9;
	v9 =	vmul.f32 $5.656854150e+00, v14;
	v14 =	vld.idx.msk [tilespmem:v18+s17+$0x0], $0xffff  }
0x1b2: {  	v10 =	vmul.f32 $5.656854150e+00, v10;
	v15 =	vld.idx.msk [tilespmem:v16+s17+$0x0], $0xffff;
	[tilespmem:s5+$0x1060] =	vst v19  }
0x1b3: {  	v11 =	vmul.f32 $5.656854150e+00, v11;
	[tilespmem:s24+$0x1060] =	vst v9;
	v9 =	vld.idx.msk [tilespmem:v12+s17+$0x0], $0xffff  }
0x1b4: {  	v8 =	vmul.f32 $5.656854150e+00, v8;
	[tilespmem:s10+$0x1070] =	vst v10;
	v10 =	vld.idx.msk [tilespmem:v17+s17+$0x0], $0xffff  }
0x1b5: {  	[tilespmem:s9+$0x0] =	vst v11;
	v11 =	vmul.f32 $5.656854150e+00, v13  }
0x1b6: {  	[tilespmem:s21+$0x1070] =	vst v8;
	v8 =	vmul.f32 $5.656854150e+00, v14  }
0x1b7: {  	[tilespmem:s18+$0x1070] =	vst v11;
	v11 =	vmul.f32 $5.656854150e+00, v15  }
0x1b8: {  	s0 =	rddreg [dreg:$0x1];
	v9 =	vmul.f32 $5.656854150e+00, v9;
	[tilespmem:s29+$0x1070] =	vst v8  }
0x1b9: {  	s0 =	sadd.s32 s0, s19;
	[tilespmem:s2+$0x0] =	vst v11;
	v8 =	vmul.f32 $5.656854150e+00, v10  }
0x1ba: {  	s4 =	simm.s32 $0x5200;
	s16 =	sadd.s32 s16, s0;
	[tilespmem:s5+$0x1070] =	vst v9  }
0x1bb: {  	s0 =	sadd.s32 $0x80, s16;
	s3 =	simm.s32 $0x20000;
	s2 =	simm.s32 $0x400;
	[tilespmem:s24+$0x1070] =	vst v8  }
0x1bc: {  	[hbm4b:s0+s2] =	stream.strided.scatter [tilespmem:s4], [sflag:$0x6], $0x1000, s3, s2, $0x38;
	[tilespmem:$0x8200] =	vst v63  }
0x1bd: {  	s0 =	simm.s32 @!p1 $0xA  }
0x1be: {  	_ =	swait.ge @!p1 [sflag:s0], $0x80  }
0x1bf: {  	s1 =	simm.s32 @!p1 $0x1200;
	[sflag:s0] =	ssyncset.done @!p1 $0x0  }
0x1c0: {  	s2 =	rddreg [dreg:$0x5];
	[sflag:s0] =	ssyncadd.s32 @!p1 $0xFFFFFF80;
	s0 =	simm.s32 @!p1 $0x80  }
0x1c1: {  	[tilespmem:s1], [sflag:$0x2] =	stream.indirect.gather @!p1 [hbm4b:s2+s0], $0x20, s0, s0, $0xb8;
	[tilespmem:$0x8200] =	vst v63  }
0x1c2: {  	s5 =	simm.s32 $0x2;
	s8 =	rddreg [dreg:$0x9];
	s0 =	sadd.s32 $0x6, s13  }
0x1c3: {  	s9 =	simm.s32 $0x3;
	v8 =	vmov s5;
	p1 =	sgt.u32 s0, s8  }
0x1c4: {  	v8 =	vand.u32 $0x1E, v8;
	_ =	swait.ge [sflag:s9], $0x1000;
	s0 =	sshll.u32 @!p1 s0, $0x4  }
0x1c5: {  	v21 =	vbroadcast v8, $0x0;
	[sflag:s9] =	ssyncset.done $0x0;
	s1 =	simm.s32 @!p1 $0x0;
	s0 =	sand.u32 @!p1 $0xFFFFFE0, s0  }
0x1c6: {  	s2 =	simm.s32 @!p1 $0x100;
	[sflag:s9] =	ssyncadd.s32 $0xFFFFF000;
	s0 =	sadd.s32 @!p1 s7, s0  }
0x1c7: {  	v8 =	vor.u32 v0, v21;
	[tilespmem:s2], [sflag:$0xB] =	stream.linear.gather @!p1 [hbm4b:s0+s1], $0x80, $0x38;
	[tilespmem:$0x8200] =	vst v63  }
0x1c8: {  	s10 =	simm.s32 $0x0;
	s0 =	simm.s32 @!p0 $0x7  }
0x1c9: {  	v9 =	vmov s10;
	_ =	swait.ge @!p0 [sflag:s0], $0x1000  }
0x1ca: {  	v9 =	vand.u32 $0x1C, v9;
	[sflag:s0] =	ssyncset.done @!p0 $0x0  }
0x1cb: {  	v22 =	vbroadcast v9, $0x0;
	[sflag:s0] =	ssyncadd.s32 @!p0 $0xFFFFF000  }
0x1cc: {  	v8 =	vld.idx.msk [tilespmem:v8+s20+$0x0], $0xffff  }
0x1cd: {  	s11 =	simm.s32 $0x3;
	v9 =	vor.u32 v0, v22  }
0x1ce: {  	v10 =	vmov s11  }
0x1cf: {  	s12 =	simm.s32 $0x0;
	v10 =	vand.u32 $0x1F, v10;
	v11 =	vor.u32 v1, v21  }
0x1d0: {  	s14 =	simm.s32 $0x100;
	v20 =	vbroadcast v10, $0x0;
	s0 =	sand.u32 $0xC00, s12  }
0x1d1: {  	s19 =	sand.u32 $0x300, s14;
	s21 =	simm.s32 $0x6;
	s18 =	sor.u32 $0x4200, s0;
	v8 =	vmul.f32 $5.656854150e+00, v8  }
0x1d2: {  	v10 =	vor.u32 v0, v20;
	v12 =	vld.idx.msk [tilespmem:v9+s20+$0x0], $0xffff;
	v9 =	vmov s21;
	s14 =	sadd.s32 s19, s18  }
0x1d3: {  	s22 =	simm.s32 $0x1;
	v9 =	vand.u32 $0x1E, v9;
	[tilespmem:s14+$0x2000] =	vst v8  }
0x1d4: {  	v13 =	vmov s22;
	v9 =	vbroadcast v9, $0x0;
	v8 =	vld.idx.msk [tilespmem:v11+s20+$0x0], $0xffff  }
0x1d5: {  	v13 =	vand.u32 $0x1D, v13;
	v11 =	vor.u32 v1, v22  }
0x1d6: {  	v24 =	vbroadcast v13, $0x0;
	v15 =	vor.u32 v0, v9  }
0x1d7: {  	v14 =	vor.u32 v2, v21;
	v10 =	vld.idx.msk [tilespmem:v10+s20+$0x0], $0xffff;
	v12 =	vmul.f32 $5.656854150e+00, v12  }
0x1d8: {  	v16 =	vor.u32 v0, v24;
	s12 =	simm.s32 $0x6270  }
0x1d9: {  	s24 =	simm.s32 $0x4;
	[tilespmem:s12+$0xFFFFFF90] =	vst v12;
	v8 =	vmul.f32 $5.656854150e+00, v8  }
0x1da: {  	v13 =	vor.u32 v1, v20;
	v12 =	vmov s24;
	v11 =	vld.idx.msk [tilespmem:v11+s20+$0x0], $0xffff  }
0x1db: {  	s25 =	simm.s32 $0x180;
	v15 =	vld.idx.msk [tilespmem:v15+s20+$0x0], $0xffff;
	[tilespmem:s14+$0x2010] =	vst v8;
	v8 =	vand.u32 $0x1C, v12  }
0x1dc: {  	s26 =	simm.s32 $0x7;
	s0 =	sand.u32 $0x380, s25;
	v10 =	vmul.f32 $5.656854150e+00, v10;
	v17 =	vld.idx.msk [tilespmem:v14+s20+$0x0], $0xffff;
	v12 =	vbroadcast v8, $0x0  }
0x1dd: {  	v16 =	vld.idx.msk [tilespmem:v16+s20+$0x0], $0xffff;
	s22 =	sadd.s32 s0, s18;
	v8 =	vor.u32 v2, v22;
	v14 =	vmov s26  }
0x1de: {  	s2 =	simm.s32 $0x200;
	[tilespmem:s22+$0x2000] =	vst v10;
	v10 =	vand.u32 $0x1F, v14;
	v18 =	vor.u32 v0, v12  }
0x1df: {  	s3 =	simm.s32 $0x300;
	s0 =	sand.u32 $0xC00, s2;
	v19 =	vor.u32 v1, v9;
	v14 =	vbroadcast v10, $0x0;
	v10 =	vld.idx.msk [tilespmem:v13+s20+$0x0], $0xffff;
	v11 =	vmul.f32 $5.656854150e+00, v11  }
0x1e0: {  	v25 =	vor.u32 v1, v24;
	s2 =	sand.u32 $0x300, s3;
	s0 =	sor.u32 $0x4200, s0;
	v15 =	vmul.f32 $5.656854150e+00, v15  }
0x1e1: {  	s4 =	simm.s32 $0x80;
	s19 =	sadd.s32 s2, s0;
	v23 =	vor.u32 v0, v14;
	[tilespmem:s12+$0xFFFFFFA0] =	vst v11;
	v17 =	vmul.f32 $5.656854150e+00, v17  }
0x1e2: {  	s5 =	simm.s32 $0x5;
	s2 =	sand.u32 $0x280, s4;
	v16 =	vmul.f32 $5.656854150e+00, v16;
	[tilespmem:s19+$0x2000] =	vst v15;
	v13 =	vor.u32 v3, v21;
	v8 =	vld.idx.msk [tilespmem:v8+s20+$0x0], $0xffff  }
0x1e3: {  	s1 =	sadd.s32 s2, s18;
	v15 =	vmov s5;
	v11 =	vor.u32 v2, v20;
	[tilespmem:s14+$0x2020] =	vst v17;
	v17 =	vld.idx.msk [tilespmem:v18+s20+$0x0], $0xffff  }
0x1e4: {  	[tilespmem:s1+$0x2000] =	vst v16;
	v15 =	vand.u32 $0x1D, v15;
	v10 =	vmul.f32 $5.656854150e+00, v10;
	v18 =	vld.idx.msk [tilespmem:v19+s20+$0x0], $0xffff  }
0x1e5: {  	v25 =	vld.idx.msk [tilespmem:v25+s20+$0x0], $0xffff;
	v15 =	vbroadcast v15, $0x0  }
0x1e6: {  	[tilespmem:s22+$0x2010] =	vst v10;
	v10 =	vld.idx.msk [tilespmem:v23+s20+$0x0], $0xffff;
	v23 =	vor.u32 v3, v22  }
0x1e7: {  	v26 =	vor.u32 v0, v15;
	v13 =	vld.idx.msk [tilespmem:v13+s20+$0x0], $0xffff  }
0x1e8: {  	v19 =	vor.u32 v1, v12;
	v11 =	vld.idx.msk [tilespmem:v11+s20+$0x0], $0xffff;
	v8 =	vmul.f32 $5.656854150e+00, v8  }
0x1e9: {  	s31 =	smov.u32 s7;
	s7 =	simm.s32 $0xA;
	v16 =	vmul.f32 $5.656854150e+00, v17;
	v17 =	vor.u32 v2, v9;
	v18 =	vmul.f32 $5.656854150e+00, v18  }
0x1ea: {  	v28 =	vor.u32 v2, v24;
	v30 =	vor.u32 v3, v20;
	[tilespmem:s12+$0xFFFFFFB0] =	vst v8;
	v8 =	vmov s7  }
0x1eb: {  	s10 =	simm.s32 $0x380;
	s8 =	simm.s32 $0x6470;
	v27 =	vor.u32 v1, v14;
	v8 =	vand.u32 $0x1E, v8;
	v23 =	vld.idx.msk [tilespmem:v23+s20+$0x0], $0xffff;
	[tilespmem:s19+$0x2010] =	vst v18;
	v18 =	vmul.f32 $5.656854150e+00, v25  }
0x1ec: {  	s11 =	simm.s32 $0xB;
	s3 =	sand.u32 $0x380, s10;
	[tilespmem:s8+$0xFFFFFF90] =	vst v16;
	v16 =	vor.u32 v4, v21;
	v10 =	vmul.f32 $5.656854150e+00, v10;
	v8 =	vbroadcast v8, $0x0;
	v25 =	vld.idx.msk [tilespmem:v26+s20+$0x0], $0xffff  }
0x1ed: {  	s9 =	simm.s32 $0x8;
	s3 =	sadd.s32 s3, s0;
	v13 =	vmul.f32 $5.656854150e+00, v13;
	v26 =	vmov s11;
	v19 =	vld.idx.msk [tilespmem:v19+s20+$0x0], $0xffff;
	v29 =	vmul.f32 $5.656854150e+00, v11;
	[tilespmem:s1+$0x2010] =	vst v18  }
0x1ee: {  	s21 =	simm.s32 $0x400;
	v11 =	vmov s9;
	v26 =	vand.u32 $0x1F, v26;
	v31 =	vor.u32 v0, v8;
	[tilespmem:s3+$0x2000] =	vst v10;
	v17 =	vld.idx.msk [tilespmem:v17+s20+$0x0], $0xffff  }
0x1ef: {  	s4 =	simm.s32 $0x500;
	s2 =	sand.u32 $0xC00, s21;
	v55 =	vor.u32 v1, v15;
	v11 =	vand.u32 $0x1C, v11;
	v10 =	vbroadcast v26, $0x0;
	v26 =	vld.idx.msk [tilespmem:v28+s20+$0x0], $0xffff;
	[tilespmem:s22+$0x2020] =	vst v29  }
0x1f0: {  	s4 =	sand.u32 $0x300, s4;
	s2 =	sor.u32 $0x4200, s2;
	s24 =	simm.s32 $0x280;
	[tilespmem:s14+$0x2030] =	vst v13;
	v13 =	vor.u32 v2, v12;
	v11 =	vbroadcast v11, $0x0;
	v29 =	vld.idx.msk [tilespmem:v30+s20+$0x0], $0xffff  }
0x1f1: {  	s21 =	sadd.s32 s4, s2;
	s4 =	sand.u32 $0x280, s24;
	v30 =	vor.u32 v0, v10;
	v16 =	vld.idx.msk [tilespmem:v16+s20+$0x0], $0xffff;
	v25 =	vmul.f32 $5.656854150e+00, v25  }
0x1f2: {  	s28 =	sadd.s32 s4, s0;
	v27 =	vld.idx.msk [tilespmem:v27+s20+$0x0], $0xffff;
	v28 =	vor.u32 v0, v11;
	v19 =	vmul.f32 $5.656854150e+00, v19  }
0x1f3: {  	v18 =	vor.u32 v3, v9;
	v31 =	vld.idx.msk [tilespmem:v31+s20+$0x0], $0xffff;
	[tilespmem:s28+$0x2000] =	vst v25  }
0x1f4: {  	v48 =	vor.u32 v3, v24;
	v17 =	vmul.f32 $5.656854150e+00, v17;
	[tilespmem:s8+$0xFFFFFFA0] =	vst v19;
	v35 =	vld.idx.msk [tilespmem:v55+s20+$0x0], $0xffff  }
0x1f5: {  	v49 =	vor.u32 v2, v14;
	v26 =	vmul.f32 $5.656854150e+00, v26;
	v19 =	vld.idx.msk [tilespmem:v13+s20+$0x0], $0xffff  }
0x1f6: {  	s18 =	simm.s32 $0x9;
	v30 =	vld.idx.msk [tilespmem:v30+s20+$0x0], $0xffff;
	[tilespmem:s19+$0x2020] =	vst v17;
	v17 =	vor.u32 v5, v21;
	v16 =	vmul.f32 $5.656854150e+00, v16  }
0x1f7: {  	v50 =	vor.u32 v4, v20;
	v27 =	vmul.f32 $5.656854150e+00, v27;
	v13 =	vmov s18;
	v28 =	vld.idx.msk [tilespmem:v28+s20+$0x0], $0xffff;
	[tilespmem:s1+$0x2020] =	vst v26  }
0x1f8: {  	v51 =	vor.u32 v1, v8;
	v13 =	vand.u32 $0x1D, v13;
	v18 =	vld.idx.msk [tilespmem:v18+s20+$0x0], $0xffff;
	[tilespmem:s14+$0x2040] =	vst v16;
	v16 =	vmul.f32 $5.656854150e+00, v29  }
0x1f9: {  	v26 =	vor.u32 v3, v12;
	[tilespmem:s3+$0x2010] =	vst v27;
	v13 =	vbroadcast v13, $0x0;
	v29 =	vld.idx.msk [tilespmem:v48+s20+$0x0], $0xffff  }
0x1fa: {  	v27 =	vmul.f32 $5.656854150e+00, v31;
	v31 =	vor.u32 v4, v22;
	[tilespmem:s22+$0x2030] =	vst v16;
	v16 =	vmul.f32 $5.656854150e+00, v19;
	v19 =	vld.idx.msk [tilespmem:v49+s20+$0x0], $0xffff  }
0x1fb: {  	v52 =	vor.u32 v0, v13;
	v17 =	vld.idx.msk [tilespmem:v17+s20+$0x0], $0xffff  }
0x1fc: {  	v23 =	vmul.f32 $5.656854150e+00, v23;
	v54 =	vor.u32 v1, v11;
	[tilespmem:s21+$0x2000] =	vst v27;
	v53 =	vld.idx.msk [tilespmem:v50+s20+$0x0], $0xffff  }
0x1fd: {  	v56 =	vor.u32 v4, v9;
	[tilespmem:s8+$0xFFFFFFB0] =	vst v16;
	v16 =	vld.idx.msk [tilespmem:v51+s20+$0x0], $0xffff  }
0x1fe: {  	[tilespmem:s12+$0xFFFFFFC0] =	vst v23;
	v27 =	vor.u32 v4, v24;
	v23 =	vmul.f32 $5.656854150e+00, v28;
	v26 =	vld.idx.msk [tilespmem:v26+s20+$0x0], $0xffff  }
0x1ff: {  	v58 =	vor.u32 v3, v14;
	s9 =	simm.s32 $0x6670;
	v18 =	vmul.f32 $5.656854150e+00, v18;
	v31 =	vld.idx.msk [tilespmem:v31+s20+$0x0], $0xffff  }
0x200: {  	v59 =	vor.u32 v6, v21;
	v29 =	vmul.f32 $5.656854150e+00, v29;
	[tilespmem:s9+$0xFFFFFF90] =	vst v23;
	v28 =	vld.idx.msk [tilespmem:v52+s20+$0x0], $0xffff  }
0x201: {  	v57 =	vor.u32 v2, v8;
	v25 =	vmul.f32 $5.656854150e+00, v30;
	v30 =	vld.idx.msk [tilespmem:v54+s20+$0x0], $0xffff;
	[tilespmem:s19+$0x2030] =	vst v18;
	v18 =	vmul.f32 $5.656854150e+00, v19  }
0x202: {  	v60 =	vor.u32 v5, v24;
	s5 =	simm.s32 $0xF;
	[tilespmem:s1+$0x2030] =	vst v29;
	v29 =	vor.u32 v1, v10;
	v32 =	vld.idx.msk [tilespmem:v56+s20+$0x0], $0xffff;
	v17 =	vmul.f32 $5.656854150e+00, v17  }
0x203: {  	s25 =	simm.s32 $0x580;
	v63 =	vmov s5;
	s7 =	simm.s32 $0xE;
	v23 =	vld.idx.msk [tilespmem:v27+s20+$0x0], $0xffff;
	v27 =	vor.u32 v5, v20;
	v16 =	vmul.f32 $5.656854150e+00, v16;
	[tilespmem:s3+$0x2020] =	vst v18  }
0x204: {  	s0 =	sand.u32 $0x380, s25;
	v61 =	vor.u32 v2, v15;
	v41 =	vmov s7;
	v19 =	vor.u32 v5, v22;
	v34 =	vld.idx.msk [tilespmem:v58+s20+$0x0], $0xffff;
	[tilespmem:s14+$0x2050] =	vst v17  }
0x205: {  	s10 =	sadd.s32 s0, s2;
	v42 =	vand.u32 $0x1E, v41;
	v33 =	vmul.f32 $5.656854150e+00, v53;
	v18 =	vand.u32 $0x1F, v63;
	[tilespmem:s21+$0x2010] =	vst v16;
	v37 =	vld.idx.msk [tilespmem:v59+s20+$0x0], $0xffff  }
0x206: {  	s26 =	simm.s32 $0xC;
	v62 =	vor.u32 v2, v11;
	[tilespmem:s10+$0x2000] =	vst v25;
	v31 =	vmul.f32 $5.656854150e+00, v31;
	v18 =	vbroadcast v18, $0x0;
	v25 =	vld.idx.msk [tilespmem:v57+s20+$0x0], $0xffff  }
0x207: {  	v35 =	vmul.f32 $5.656854150e+00, v35;
	[tilespmem:s22+$0x2040] =	vst v33;
	v17 =	vbroadcast v42, $0x0;
	v16 =	vmov s26;
	v29 =	vld.idx.msk [tilespmem:v29+s20+$0x0], $0xffff  }
0x208: {  	v30 =	vmul.f32 $5.656854150e+00, v30;
	v16 =	vand.u32 $0x1C, v16;
	[tilespmem:s12+$0xFFFFFFD0] =	vst v31;
	v44 =	vor.u32 v0, v18;
	v27 =	vld.idx.msk [tilespmem:v27+s20+$0x0], $0xffff  }
0x209: {  	[tilespmem:s28+$0x2010] =	vst v35;
	v45 =	vor.u32 v0, v17;
	v23 =	vmul.f32 $5.656854150e+00, v23;
	v16 =	vbroadcast v16, $0x0;
	v19 =	vld.idx.msk [tilespmem:v19+s20+$0x0], $0xffff  }
0x20a: {  	v43 =	vor.u32 v3, v8;
	s18 =	simm.s32 $0x480;
	v26 =	vmul.f32 $5.656854150e+00, v26;
	[tilespmem:s9+$0xFFFFFFA0] =	vst v30;
	v30 =	vld.idx.msk [tilespmem:v61+s20+$0x0], $0xffff  }
0x20b: {  	s0 =	sand.u32 $0x280, s18;
	v28 =	vmul.f32 $5.656854150e+00, v28;
	v46 =	vld.idx.msk [tilespmem:v62+s20+$0x0], $0xffff;
	[tilespmem:s1+$0x2040] =	vst v23;
	v23 =	vor.u32 v0, v16  }
0x20c: {  	s18 =	sadd.s32 s0, s2;
	v49 =	vor.u32 v6, v22;
	[tilespmem:s8+$0xFFFFFFC0] =	vst v26;
	v31 =	vld.idx.msk [tilespmem:v60+s20+$0x0], $0xffff;
	v25 =	vmul.f32 $5.656854150e+00, v25  }
0x20d: {  	v50 =	vor.u32 v3, v15;
	[tilespmem:s18+$0x2000] =	vst v28;
	v33 =	vld.idx.msk [tilespmem:v44+s20+$0x0], $0xffff;
	v27 =	vmul.f32 $5.656854150e+00, v27  }
0x20e: {  	v53 =	vor.u32 v2, v10;
	v51 =	vld.idx.msk [tilespmem:v45+s20+$0x0], $0xffff;
	v26 =	vmul.f32 $5.656854150e+00, v19;
	[tilespmem:s21+$0x2020] =	vst v25  }
0x20f: {  	v30 =	vmul.f32 $5.656854150e+00, v30;
	v25 =	vmul.f32 $5.656854150e+00, v29;
	v29 =	vor.u32 v5, v9;
	v36 =	vld.idx.msk [tilespmem:v43+s20+$0x0], $0xffff;
	[tilespmem:s22+$0x2050] =	vst v27  }
0x210: {  	v48 =	vor.u32 v6, v20;
	v23 =	vld.idx.msk [tilespmem:v23+s20+$0x0], $0xffff;
	[tilespmem:s12+$0xFFFFFFE0] =	vst v26  }
0x211: {  	s11 =	simm.s32 $0xD;
	v52 =	vor.u32 v6, v24;
	v32 =	vmul.f32 $5.656854150e+00, v32;
	[tilespmem:s28+$0x2020] =	vst v30;
	v30 =	vld.idx.msk [tilespmem:v49+s20+$0x0], $0xffff  }
0x212: {  	v27 =	vor.u32 v4, v14;
	[tilespmem:s10+$0x2010] =	vst v25;
	v25 =	vmov s11;
	v26 =	vmul.f32 $5.656854150e+00, v31;
	v40 =	vld.idx.msk [tilespmem:v50+s20+$0x0], $0xffff  }
0x213: {  	s24 =	simm.s32 $0x600;
	[tilespmem:s19+$0x2040] =	vst v32;
	v47 =	vmul.f32 $5.656854150e+00, v34;
	v31 =	vor.u32 v3, v11;
	v19 =	vand.u32 $0x1D, v25;
	v57 =	vld.idx.msk [tilespmem:v53+s20+$0x0], $0xffff  }
0x214: {  	s25 =	simm.s32 $0x700;
	s0 =	sand.u32 $0xC00, s24;
	v38 =	vmul.f32 $5.656854150e+00, v46;
	v19 =	vbroadcast v19, $0x0;
	[tilespmem:s1+$0x2050] =	vst v26;
	v26 =	vor.u32 v1, v17;
	v25 =	vld.idx.msk [tilespmem:v29+s20+$0x0], $0xffff  }
0x215: {  	s4 =	sand.u32 $0x300, s25;
	s0 =	sor.u32 $0x4200, s0;
	v59 =	vor.u32 v7, v22;
	[tilespmem:s3+$0x2030] =	vst v47;
	v32 =	vmul.f32 $5.656854150e+00, v51;
	v29 =	vld.idx.msk [tilespmem:v48+s20+$0x0], $0xffff  }
0x216: {  	v39 =	vor.u32 v4, v8;
	s5 =	sadd.s32 s4, s0;
	[tilespmem:s9+$0xFFFFFFB0] =	vst v38;
	v28 =	vld.idx.msk [tilespmem:v52+s20+$0x0], $0xffff;
	v54 =	vor.u32 v0, v19;
	v55 =	vmul.f32 $5.656854150e+00, v23  }
0x217: {  	s2 =	simm.s32 $0x6870;
	v58 =	vor.u32 v7, v20;
	v61 =	vor.u32 v7, v21;
	[tilespmem:s5+$0x2000] =	vst v32;
	v27 =	vld.idx.msk [tilespmem:v27+s20+$0x0], $0xffff;
	v30 =	vmul.f32 $5.656854150e+00, v30  }
0x218: {  	v20 =	vor.u32 v5, v10;
	v22 =	vor.u32 v1, v13;
	v56 =	vmul.f32 $5.656854150e+00, v36;
	v60 =	vld.idx.msk [tilespmem:v31+s20+$0x0], $0xffff;
	[tilespmem:s2+$0xFFFFFF90] =	vst v55  }
0x219: {  	v21 =	vor.u32 v5, v18;
	v47 =	vor.u32 v4, v15;
	v31 =	vmul.f32 $5.656854150e+00, v37;
	v63 =	vld.idx.msk [tilespmem:v26+s20+$0x0], $0xffff;
	[tilespmem:s12+$0xFFFFFFF0] =	vst v30  }
0x21a: {  	v62 =	vor.u32 v7, v24;
	v24 =	vor.u32 v1, v18;
	[tilespmem:s21+$0x2030] =	vst v56;
	v29 =	vmul.f32 $5.656854150e+00, v29;
	v35 =	vld.idx.msk [tilespmem:v59+s20+$0x0], $0xffff  }
0x21b: {  	v45 =	vor.u32 v4, v12;
	v43 =	vor.u32 v2, v17;
	v46 =	vmul.f32 $5.656854150e+00, v40;
	[tilespmem:s14+$0x2060] =	vst v31;
	v34 =	vld.idx.msk [tilespmem:v54+s20+$0x0], $0xffff  }
0x21c: {  	v38 =	vor.u32 v1, v16;
	v32 =	vor.u32 v2, v13;
	v26 =	vmul.f32 $5.656854150e+00, v28;
	v40 =	vld.idx.msk [tilespmem:v61+s20+$0x0], $0xffff;
	[tilespmem:s22+$0x2060] =	vst v29  }
0x21d: {  	v23 =	vor.u32 v5, v14;
	v36 =	vmul.f32 $5.656854150e+00, v33;
	[tilespmem:s28+$0x2030] =	vst v46;
	v28 =	vmul.f32 $5.656854150e+00, v57;
	v37 =	vld.idx.msk [tilespmem:v58+s20+$0x0], $0xffff  }
0x21e: {  	s30 =	simm.s32 $0x780;
	s26 =	simm.s32 $0x680;
	v33 =	vor.u32 v3, v10;
	v31 =	vor.u32 v1, v19;
	v42 =	vld.idx.msk [tilespmem:v47+s20+$0x0], $0xffff;
	v48 =	vmul.f32 $5.656854150e+00, v27;
	[tilespmem:s1+$0x2060] =	vst v26  }
0x21f: {  	s4 =	sand.u32 $0x280, s26;
	s11 =	sand.u32 $0x380, s30;
	v30 =	vor.u32 v5, v15;
	v29 =	vor.u32 v5, v12;
	v27 =	vmul.f32 $5.656854150e+00, v60;
	[tilespmem:s10+$0x2020] =	vst v28;
	v41 =	vld.idx.msk [tilespmem:v62+s20+$0x0], $0xffff  }
0x220: {  	s25 =	simm.s32 $0x10;
	s24 =	sadd.s32 s4, s0;
	s29 =	sadd.s32 s11, s0;
	v28 =	vor.u32 v6, v9;
	[tilespmem:s3+$0x2040] =	vst v48;
	v44 =	vmul.f32 $5.656854150e+00, v63;
	v26 =	vmul.f32 $5.656854150e+00, v34;
	v34 =	vld.idx.msk [tilespmem:v45+s20+$0x0], $0xffff  }
.LBB2_7:
0x221: {  	s4 =	sadd.s32 $0x1, s25  }
0x222: {  	v45 =	vmov s25;
	s11 =	sadd.s32 $0x3, s25;
	v38 =	vld.idx.msk [tilespmem:v38+s20+$0x0], $0xffff;
	v46 =	vor.u32 v2, v16;
	[tilespmem:s29+$0x2000] =	vst v36;
	v36 =	vmul.f32 $5.656854150e+00, v37;
	s26 =	smov.u32 s25;
	s0 =	sadd.s32 $0x4, s25  }
0x223: {  	p2 =	slt.u32 s25, $0x1C;
	v35 =	vmul.f32 $5.656854150e+00, v35;
	v37 =	vmov s4;
	s4 =	sadd.s32 $0x2, s26;
	v47 =	vmov s11;
	[tilespmem:s5+$0x2010] =	vst v44;
	v44 =	vld.idx.msk [tilespmem:v22+s20+$0x0], $0xffff;
	v22 =	vmovc v31  }
0x224: {  	v40 =	vmul.f32 $5.656854150e+00, v40;
	v31 =	vmov s4;
	v47 =	vand.u32 $0x1F, v47;
	v39 =	vld.idx.msk [tilespmem:v39+s20+$0x0], $0xffff;
	[tilespmem:s22+$0x2070] =	vst v36;
	s22 =	smov.u32 s3;
	s3 =	smov.u32 s10;
	s10 =	smov.u32 s29  }
0x225: {  	v31 =	vand.u32 $0x1E, v31;
	v36 =	vbroadcast v47, $0x0;
	v43 =	vld.idx.msk [tilespmem:v43+s20+$0x0], $0xffff;
	[tilespmem:s12+$0x0] =	vst v35;
	v35 =	vmul.f32 $5.656854150e+00, v41;
	s12 =	smov.u32 s8;
	s8 =	smov.u32 s9;
	s9 =	smov.u32 s2  }
0x226: {  	v25 =	vmul.f32 $5.656854150e+00, v25;
	v37 =	vand.u32 $0x1D, v37;
	v41 =	vbroadcast v31, $0x0;
	v24 =	vld.idx.msk [tilespmem:v24+s20+$0x0], $0xffff;
	[tilespmem:s14+$0x2070] =	vst v40;
	s14 =	smov.u32 s19;
	s19 =	smov.u32 s21;
	s21 =	smov.u32 s5  }
0x227: {  	v34 =	vmul.f32 $5.656854150e+00, v34;
	v31 =	vand.u32 $0x1C, v45;
	v40 =	vmul.f32 $5.656854150e+00, v42;
	v42 =	vld.idx.msk [tilespmem:v23+s20+$0x0], $0xffff;
	[tilespmem:s1+$0x2070] =	vst v35;
	v23 =	vmovc v20;
	v20 =	vmovc v21;
	s1 =	smov.u32 s28;
	s28 =	smov.u32 s18;
	s18 =	smov.u32 s24  }
0x228: {  	v35 =	vbroadcast v31, $0x0;
	v31 =	vbroadcast v37, $0x0;
	v37 =	vor.u32 v0, v41;
	v33 =	vld.idx.msk [tilespmem:v33+s20+$0x0], $0xffff;
	[tilespmem:s14+$0x2050] =	vst v25  }
0x229: {  	v45 =	vor.u32 v3, v17;
	v25 =	vor.u32 v0, v36;
	v44 =	vmul.f32 $5.656854150e+00, v44;
	[tilespmem:s1+$0x2040] =	vst v40;
	v28 =	vld.idx.msk [tilespmem:v28+s20+$0x0], $0xffff  }
0x22a: {  	v21 =	vor.u32 v5, v36;
	v38 =	vmul.f32 $5.656854150e+00, v38;
	v40 =	vor.u32 v0, v35;
	[tilespmem:s12+$0xFFFFFFD0] =	vst v34;
	v30 =	vld.idx.msk [tilespmem:v30+s20+$0x0], $0xffff  }
0x22b: {  	v34 =	vmul.f32 $5.656854150e+00, v43;
	[tilespmem:s28+$0x2010] =	vst v44;
	v29 =	vld.idx.msk [tilespmem:v29+s20+$0x0], $0xffff  }
0x22c: {  	[tilespmem:s2+$0xFFFFFFA0] =	vst v38;
	v32 =	vld.idx.msk [tilespmem:v32+s20+$0x0], $0xffff;
	v38 =	vmul.f32 $5.656854150e+00, v39  }
0x22d: {  	v24 =	vmul.f32 $5.656854150e+00, v24;
	v39 =	vld.idx.msk [tilespmem:v46+s20+$0x0], $0xffff;
	[tilespmem:s21+$0x2020] =	vst v34;
	v34 =	vor.u32 v5, v8  }
0x22e: {  	v33 =	vmul.f32 $5.656854150e+00, v33;
	v43 =	vld.idx.msk [tilespmem:v45+s20+$0x0], $0xffff;
	[tilespmem:s19+$0x2040] =	vst v38;
	v38 =	vor.u32 v6, v14  }
0x22f: {  	s30 =	sadd.s32 $0x200, s30;
	v44 =	vor.u32 v0, v31;
	v45 =	vor.u32 v6, v12;
	v40 =	vld.idx.msk [tilespmem:v40+s20+$0x0], $0xffff;
	[tilespmem:s10+$0x2010] =	vst v24  }
0x230: {  	v47 =	vor.u32 v3, v13;
	v46 =	vld.idx.msk [tilespmem:v25+s20+$0x0], $0xffff;
	[tilespmem:s3+$0x2030] =	vst v33;
	v33 =	vmul.f32 $5.656854150e+00, v42  }
0x231: {  	v42 =	vor.u32 v1, v41;
	v37 =	vld.idx.msk [tilespmem:v37+s20+$0x0], $0xffff;
	[tilespmem:s8+$0xFFFFFFC0] =	vst v27;
	v27 =	vmul.f32 $5.656854150e+00, v29;
	v29 =	vor.u32 v6, v15  }
0x232: {  	v48 =	vor.u32 v2, v18;
	s2 =	sadd.s32 $0x200, s2;
	v24 =	vor.u32 v1, v36;
	v32 =	vmul.f32 $5.656854150e+00, v32;
	v25 =	vld.idx.msk [tilespmem:v34+s20+$0x0], $0xffff;
	[tilespmem:s22+$0x2050] =	vst v33  }
0x233: {  	s4 =	sadd.s32 $0xFFFFFE80, s30;
	v33 =	vor.u32 v4, v10;
	[tilespmem:s12+$0xFFFFFFE0] =	vst v27;
	v27 =	vmul.f32 $5.656854150e+00, v30;
	v30 =	vld.idx.msk [tilespmem:v38+s20+$0x0], $0xffff  }
0x234: {  	s4 =	sand.u32 $0xC00, s4;
	s5 =	sadd.s32 $0xFFFFFF80, s30;
	v34 =	vor.u32 v3, v16;
	[tilespmem:s28+$0x2020] =	vst v32;
	v32 =	vld.idx.msk [tilespmem:v45+s20+$0x0], $0xffff  }
0x235: {  	s24 =	sor.u32 $0x4200, s4;
	s4 =	sand.u32 $0x300, s5;
	v38 =	vmul.f32 $5.656854150e+00, v40;
	v40 =	vld.idx.msk [tilespmem:v47+s20+$0x0], $0xffff;
	[tilespmem:s1+$0x2050] =	vst v27  }
0x236: {  	s5 =	sadd.s32 s4, s24;
	v27 =	vmul.f32 $5.656854150e+00, v39;
	[tilespmem:s18+$0x2000] =	vst v26;
	v26 =	vld.idx.msk [tilespmem:v29+s20+$0x0], $0xffff  }
0x237: {  	v29 =	vmul.f32 $5.656854150e+00, v43;
	[tilespmem:s2+$0xFFFFFF90] =	vst v38;
	v39 =	vld.idx.msk [tilespmem:v48+s20+$0x0], $0xffff;
	v38 =	vor.u32 v7, v14;
	v14 =	vmovc v10;
	v10 =	vmov v18  }
0x238: {  	v37 =	vmul.f32 $5.656854150e+00, v37;
	v18 =	vmovc v36;
	[tilespmem:s9+$0xFFFFFFB0] =	vst v27;
	v27 =	vld.idx.msk [tilespmem:v33+s20+$0x0], $0xffff;
	v33 =	vor.u32 v7, v12;
	v12 =	vmov v11  }
0x239: {  	v43 =	vor.u32 v7, v9;
	v9 =	vmovc v8;
	v8 =	vmov v17;
	v36 =	vmul.f32 $5.656854150e+00, v30;
	v34 =	vld.idx.msk [tilespmem:v34+s20+$0x0], $0xffff;
	[tilespmem:s21+$0x2030] =	vst v29  }
0x23a: {  	v28 =	vmul.f32 $5.656854150e+00, v28;
	v17 =	vmovc v41;
	v29 =	vmul.f32 $5.656854150e+00, v32;
	v32 =	vor.u32 v7, v15;
	v30 =	vld.idx.msk [tilespmem:v44+s20+$0x0], $0xffff;
	[tilespmem:s5+$0x2000] =	vst v37  }
0x23b: {  	v11 =	vmovc v16;
	v16 =	vmov v35;
	v44 =	vor.u32 v4, v12;
	v45 =	vmul.f32 $5.656854150e+00, v40;
	v42 =	vld.idx.msk [tilespmem:v42+s20+$0x0], $0xffff;
	[tilespmem:s22+$0x2060] =	vst v36  }
0x23c: {  	v15 =	vmovc v13;
	v36 =	vmul.f32 $5.656854150e+00, v46;
	v46 =	vor.u32 v4, v13;
	v26 =	vmul.f32 $5.656854150e+00, v26;
	[tilespmem:s12+$0xFFFFFFF0] =	vst v29;
	v37 =	vld.idx.msk [tilespmem:v38+s20+$0x0], $0xffff  }
.Ltmp2:
0x23d: {  	s4 =	sand.u32 $0x380, s30;
	v13 =	vmovc v19;
	v19 =	vmov v31;
	v38 =	vor.u32 v1, v16;
	v41 =	vmul.f32 $5.656854150e+00, v39;
	v35 =	vld.idx.msk [tilespmem:v33+s20+$0x0], $0xffff;
	[tilespmem:s14+$0x2060] =	vst v28;
	(pc) =	sbr.rel @p2 .LBB2_7-.Ltmp2, $4  }
0x23e: {  	s29 =	sadd.s32 s4, s24;
	v31 =	vor.u32 v1, v19;
	v29 =	vor.u32 v5, v12;
	v47 =	vmul.f32 $5.656854150e+00, v27;
	[tilespmem:s1+$0x2060] =	vst v26;
	v40 =	vld.idx.msk [tilespmem:v43+s20+$0x0], $0xffff  }
0x23f: {  	s4 =	sadd.s32 $0xFFFFFF00, s30;
	v39 =	vor.u32 v4, v8;
	v28 =	vor.u32 v6, v9;
	v27 =	vmul.f32 $5.656854150e+00, v34;
	[tilespmem:s10+$0x2020] =	vst v41;
	v41 =	vld.idx.msk [tilespmem:v32+s20+$0x0], $0xffff  }
0x240: {  	s4 =	sand.u32 $0x280, s4;
	v43 =	vor.u32 v2, v17;
	v26 =	vmul.f32 $5.656854150e+00, v30;
	v30 =	vor.u32 v5, v15;
	v34 =	vld.idx.msk [tilespmem:v44+s20+$0x0], $0xffff;
	[tilespmem:s28+$0x2030] =	vst v45  }
0x241: {  	s25 =	smov.u32 s0;
	s24 =	sadd.s32 s4, s24;
	v33 =	vor.u32 v3, v10;
	v32 =	vor.u32 v2, v13;
	v44 =	vmul.f32 $5.656854150e+00, v42;
	v42 =	vld.idx.msk [tilespmem:v46+s20+$0x0], $0xffff;
	[tilespmem:s3+$0x2040] =	vst v47  }
0x242: {  	_ = 	snop  }
0x243: {  	[tilespmem:s29+$0x2000] =	vst v36  }
0x244: {  	[tilespmem:s24+$0x2000] =	vst v26  }
0x245: {  	v59 =	vmul.f32 $5.656854150e+00, v37;
	[tilespmem:s9+$0xFFFFFFC0] =	vst v27  }
0x246: {  	v35 =	vmul.f32 $5.656854150e+00, v35;
	v22 =	vld.idx.msk [tilespmem:v22+s20+$0x0], $0xffff;
	[tilespmem:s5+$0x2010] =	vst v44  }
0x247: {  	v25 =	vmul.f32 $5.656854150e+00, v25;
	[tilespmem:s22+$0x2070] =	vst v59  }
0x248: {  	v61 =	vld.idx.msk [tilespmem:v38+s20+$0x0], $0xffff;
	v60 =	vmul.f32 $5.656854150e+00, v40;
	[tilespmem:s12+$0x0] =	vst v35  }
0x249: {  	v23 =	vld.idx.msk [tilespmem:v23+s20+$0x0], $0xffff;
	v62 =	vmul.f32 $5.656854150e+00, v41;
	[tilespmem:s19+$0x2050] =	vst v25  }
0x24a: {  	v24 =	vld.idx.msk [tilespmem:v24+s20+$0x0], $0xffff;
	[tilespmem:s14+$0x2070] =	vst v60;
	v34 =	vmul.f32 $5.656854150e+00, v34  }
0x24b: {  	v63 =	vld.idx.msk [tilespmem:v43+s20+$0x0], $0xffff;
	[tilespmem:s1+$0x2070] =	vst v62;
	v22 =	vmul.f32 $5.656854150e+00, v22  }
0x24c: {  	v25 =	vld.idx.msk [tilespmem:v33+s20+$0x0], $0xffff;
	v40 =	vmul.f32 $5.656854150e+00, v42;
	[tilespmem:s8+$0xFFFFFFD0] =	vst v34  }
0x24d: {  	v41 =	vld.idx.msk [tilespmem:v39+s20+$0x0], $0xffff;
	v42 =	vmul.f32 $5.656854150e+00, v61;
	[tilespmem:s18+$0x2010] =	vst v22;
	v22 =	vor.u32 v2, v16  }
0x24e: {  	v44 =	vor.u32 v3, v17;
	v23 =	vmul.f32 $5.656854150e+00, v23;
	[tilespmem:s28+$0x2040] =	vst v40;
	v29 =	vld.idx.msk [tilespmem:v29+s20+$0x0], $0xffff  }
0x24f: {  	v45 =	vor.u32 v6, v14;
	v24 =	vmul.f32 $5.656854150e+00, v24;
	[tilespmem:s2+$0xFFFFFFA0] =	vst v42;
	v30 =	vld.idx.msk [tilespmem:v30+s20+$0x0], $0xffff  }
0x250: {  	v26 =	vor.u32 v2, v18;
	v31 =	vld.idx.msk [tilespmem:v31+s20+$0x0], $0xffff;
	v43 =	vmul.f32 $5.656854150e+00, v63;
	[tilespmem:s3+$0x2050] =	vst v23  }
0x251: {  	v25 =	vmul.f32 $5.656854150e+00, v25;
	v32 =	vld.idx.msk [tilespmem:v32+s20+$0x0], $0xffff;
	[tilespmem:s29+$0x2010] =	vst v24;
	v24 =	vor.u32 v6, v12  }
0x252: {  	v35 =	vmul.f32 $5.656854150e+00, v41;
	[tilespmem:s5+$0x2020] =	vst v43;
	v22 =	vld.idx.msk [tilespmem:v22+s20+$0x0], $0xffff  }
0x253: {  	v23 =	vor.u32 v2, v19;
	[tilespmem:s10+$0x2030] =	vst v25;
	v25 =	vld.idx.msk [tilespmem:v44+s20+$0x0], $0xffff;
	v29 =	vmul.f32 $5.656854150e+00, v29  }
0x254: {  	v27 =	vor.u32 v6, v15;
	v46 =	vld.idx.msk [tilespmem:v45+s20+$0x0], $0xffff;
	[tilespmem:s21+$0x2040] =	vst v35;
	v30 =	vmul.f32 $5.656854150e+00, v30  }
0x255: {  	v47 =	vor.u32 v3, v13;
	v26 =	vld.idx.msk [tilespmem:v26+s20+$0x0], $0xffff;
	[tilespmem:s8+$0xFFFFFFE0] =	vst v29;
	v29 =	vmul.f32 $5.656854150e+00, v31  }
0x256: {  	v32 =	vmul.f32 $5.656854150e+00, v32;
	v31 =	vor.u32 v4, v10;
	v24 =	vld.idx.msk [tilespmem:v24+s20+$0x0], $0xffff;
	[tilespmem:s28+$0x2050] =	vst v30  }
0x257: {  	v14 =	vor.u32 v7, v14;
	v28 =	vld.idx.msk [tilespmem:v28+s20+$0x0], $0xffff;
	[tilespmem:s24+$0x2010] =	vst v29;
	v22 =	vmul.f32 $5.656854150e+00, v22  }
0x258: {  	[tilespmem:s18+$0x2020] =	vst v32;
	v25 =	vmul.f32 $5.656854150e+00, v25;
	v29 =	vor.u32 v3, v18;
	v23 =	vld.idx.msk [tilespmem:v23+s20+$0x0], $0xffff  }
0x259: {  	v30 =	vor.u32 v3, v16;
	v27 =	vld.idx.msk [tilespmem:v27+s20+$0x0], $0xffff;
	[tilespmem:s2+$0xFFFFFFB0] =	vst v22;
	v22 =	vmul.f32 $5.656854150e+00, v46  }
0x25a: {  	v12 =	vor.u32 v7, v12;
	v32 =	vld.idx.msk [tilespmem:v47+s20+$0x0], $0xffff;
	[tilespmem:s5+$0x2030] =	vst v25;
	v25 =	vmul.f32 $5.656854150e+00, v26  }
0x25b: {  	v26 =	vld.idx.msk [tilespmem:v31+s20+$0x0], $0xffff;
	v24 =	vmul.f32 $5.656854150e+00, v24;
	[tilespmem:s3+$0x2060] =	vst v22;
	v22 =	vor.u32 v3, v19  }
0x25c: {  	v9 =	vor.u32 v7, v9;
	v28 =	vmul.f32 $5.656854150e+00, v28;
	[tilespmem:s29+$0x2020] =	vst v25;
	v14 =	vld.idx.msk [tilespmem:v14+s20+$0x0], $0xffff  }
0x25d: {  	v25 =	vor.u32 v4, v11;
	[tilespmem:s8+$0xFFFFFFF0] =	vst v24;
	v24 =	vld.idx.msk [tilespmem:v29+s20+$0x0], $0xffff;
	v23 =	vmul.f32 $5.656854150e+00, v23  }
0x25e: {  	v15 =	vor.u32 v7, v15;
	[tilespmem:s19+$0x2060] =	vst v28;
	v27 =	vmul.f32 $5.656854150e+00, v27;
	v29 =	vld.idx.msk [tilespmem:v30+s20+$0x0], $0xffff  }
0x25f: {  	v28 =	vmul.f32 $5.656854150e+00, v32;
	v30 =	vor.u32 v4, v13;
	v12 =	vld.idx.msk [tilespmem:v12+s20+$0x0], $0xffff;
	[tilespmem:s24+$0x2020] =	vst v23  }
0x260: {  	[tilespmem:s28+$0x2060] =	vst v27;
	v23 =	vmul.f32 $5.656854150e+00, v26;
	v26 =	vor.u32 v4, v18;
	v22 =	vld.idx.msk [tilespmem:v22+s20+$0x0], $0xffff  }
0x261: {  	v9 =	vld.idx.msk [tilespmem:v9+s20+$0x0], $0xffff;
	v27 =	vor.u32 v4, v16;
	[tilespmem:s18+$0x2030] =	vst v28;
	v14 =	vmul.f32 $5.656854150e+00, v14  }
0x262: {  	v28 =	vor.u32 v4, v17;
	v25 =	vld.idx.msk [tilespmem:v25+s20+$0x0], $0xffff;
	[tilespmem:s10+$0x2040] =	vst v23;
	v23 =	vmul.f32 $5.656854150e+00, v24  }
0x263: {  	v15 =	vld.idx.msk [tilespmem:v15+s20+$0x0], $0xffff;
	v24 =	vmul.f32 $5.656854150e+00, v29;
	[tilespmem:s3+$0x2070] =	vst v14;
	v14 =	vor.u32 v4, v19  }
0x264: {  	v29 =	vld.idx.msk [tilespmem:v30+s20+$0x0], $0xffff;
	v12 =	vmul.f32 $5.656854150e+00, v12;
	[tilespmem:s29+$0x2030] =	vst v23  }
0x265: {  	v23 =	vor.u32 v5, v11;
	[tilespmem:s2+$0xFFFFFFC0] =	vst v24;
	v24 =	vld.idx.msk [tilespmem:v26+s20+$0x0], $0xffff;
	v22 =	vmul.f32 $5.656854150e+00, v22  }
0x266: {  	v9 =	vmul.f32 $5.656854150e+00, v9;
	v26 =	vor.u32 v5, v8;
	[tilespmem:s8+$0x0] =	vst v12;
	v12 =	vld.idx.msk [tilespmem:v27+s20+$0x0], $0xffff  }
0x267: {  	v28 =	vld.idx.msk [tilespmem:v28+s20+$0x0], $0xffff;
	v27 =	vor.u32 v5, v13;
	v25 =	vmul.f32 $5.656854150e+00, v25;
	[tilespmem:s24+$0x2030] =	vst v22  }
0x268: {  	[tilespmem:s19+$0x2070] =	vst v9;
	v15 =	vmul.f32 $5.656854150e+00, v15;
	v9 =	vld.idx.msk [tilespmem:v14+s20+$0x0], $0xffff  }
0x269: {  	v20 =	vld.idx.msk [tilespmem:v20+s20+$0x0], $0xffff;
	[tilespmem:s9+$0xFFFFFFD0] =	vst v25;
	v22 =	vor.u32 v5, v16;
	v14 =	vmul.f32 $5.656854150e+00, v29  }
0x26a: {  	[tilespmem:s28+$0x2070] =	vst v15;
	v15 =	vld.idx.msk [tilespmem:v23+s20+$0x0], $0xffff;
	v23 =	vor.u32 v5, v17;
	v24 =	vmul.f32 $5.656854150e+00, v24  }
0x26b: {  	v25 =	vld.idx.msk [tilespmem:v26+s20+$0x0], $0xffff;
	v12 =	vmul.f32 $5.656854150e+00, v12;
	[tilespmem:s18+$0x2040] =	vst v14;
	v14 =	vor.u32 v5, v19  }
0x26c: {  	[tilespmem:s29+$0x2040] =	vst v24;
	v26 =	vld.idx.msk [tilespmem:v27+s20+$0x0], $0xffff;
	v27 =	vmul.f32 $5.656854150e+00, v28;
	v28 =	vor.u32 v6, v10  }
0x26d: {  	v24 =	vor.u32 v6, v11;
	[tilespmem:s2+$0xFFFFFFD0] =	vst v12;
	v21 =	vld.idx.msk [tilespmem:v21+s20+$0x0], $0xffff;
	v9 =	vmul.f32 $5.656854150e+00, v9  }
0x26e: {  	v20 =	vmul.f32 $5.656854150e+00, v20;
	v12 =	vor.u32 v6, v8;
	v22 =	vld.idx.msk [tilespmem:v22+s20+$0x0], $0xffff;
	[tilespmem:s5+$0x2040] =	vst v27  }
0x26f: {  	v15 =	vmul.f32 $5.656854150e+00, v15;
	v27 =	vor.u32 v6, v13;
	v23 =	vld.idx.msk [tilespmem:v23+s20+$0x0], $0xffff;
	[tilespmem:s24+$0x2040] =	vst v9  }
0x270: {  	[tilespmem:s10+$0x2050] =	vst v20;
	v20 =	vor.u32 v6, v18;
	v9 =	vmul.f32 $5.656854150e+00, v25;
	v14 =	vld.idx.msk [tilespmem:v14+s20+$0x0], $0xffff  }
0x271: {  	[tilespmem:s9+$0xFFFFFFE0] =	vst v15;
	v15 =	vmul.f32 $5.656854150e+00, v26;
	v25 =	vld.idx.msk [tilespmem:v28+s20+$0x0], $0xffff;
	v26 =	vor.u32 v6, v16  }
0x272: {  	v21 =	vmul.f32 $5.656854150e+00, v21;
	[tilespmem:s21+$0x2050] =	vst v9;
	v9 =	vld.idx.msk [tilespmem:v24+s20+$0x0], $0xffff;
	v24 =	vor.u32 v6, v17  }
0x273: {  	v12 =	vld.idx.msk [tilespmem:v12+s20+$0x0], $0xffff;
	[tilespmem:s18+$0x2050] =	vst v15;
	v15 =	vmul.f32 $5.656854150e+00, v22;
	v22 =	vor.u32 v6, v19  }
0x274: {  	v10 =	vor.u32 v7, v10;
	[tilespmem:s29+$0x2050] =	vst v21;
	v27 =	vld.idx.msk [tilespmem:v27+s20+$0x0], $0xffff;
	v23 =	vmul.f32 $5.656854150e+00, v23  }
0x275: {  	v11 =	vor.u32 v7, v11;
	[tilespmem:s2+$0xFFFFFFE0] =	vst v15;
	v15 =	vld.idx.msk [tilespmem:v20+s20+$0x0], $0xffff;
	v14 =	vmul.f32 $5.656854150e+00, v14  }
0x276: {  	v8 =	vor.u32 v7, v8;
	v20 =	vmul.f32 $5.656854150e+00, v25;
	[tilespmem:s5+$0x2050] =	vst v23;
	v21 =	vld.idx.msk [tilespmem:v26+s20+$0x0], $0xffff  }
0x277: {  	v13 =	vor.u32 v7, v13;
	v9 =	vmul.f32 $5.656854150e+00, v9;
	v23 =	vld.idx.msk [tilespmem:v24+s20+$0x0], $0xffff;
	[tilespmem:s24+$0x2050] =	vst v14  }
0x278: {  	v18 =	vor.u32 v7, v18;
	v12 =	vmul.f32 $5.656854150e+00, v12;
	[tilespmem:s10+$0x2060] =	vst v20;
	v14 =	vld.idx.msk [tilespmem:v22+s20+$0x0], $0xffff  }
0x279: {  	v16 =	vor.u32 v7, v16;
	[tilespmem:s9+$0xFFFFFFF0] =	vst v9;
	v9 =	vmul.f32 $5.656854150e+00, v27;
	v10 =	vld.idx.msk [tilespmem:v10+s20+$0x0], $0xffff  }
0x27a: {  	v11 =	vld.idx.msk [tilespmem:v11+s20+$0x0], $0xffff;
	[tilespmem:s21+$0x2060] =	vst v12;
	v12 =	vor.u32 v7, v17;
	v15 =	vmul.f32 $5.656854150e+00, v15  }
0x27b: {  	v17 =	vor.u32 v7, v19;
	[tilespmem:s18+$0x2060] =	vst v9;
	v8 =	vld.idx.msk [tilespmem:v8+s20+$0x0], $0xffff;
	v9 =	vmul.f32 $5.656854150e+00, v21  }
0x27c: {  	v13 =	vld.idx.msk [tilespmem:v13+s20+$0x0], $0xffff;
	v19 =	vmul.f32 $5.656854150e+00, v23;
	[tilespmem:s29+$0x2060] =	vst v15  }
0x27d: {  	[tilespmem:s2+$0xFFFFFFF0] =	vst v9;
	v9 =	vmul.f32 $5.656854150e+00, v14;
	v14 =	vld.idx.msk [tilespmem:v18+s20+$0x0], $0xffff  }
0x27e: {  	v10 =	vmul.f32 $5.656854150e+00, v10;
	v15 =	vld.idx.msk [tilespmem:v16+s20+$0x0], $0xffff;
	[tilespmem:s5+$0x2060] =	vst v19  }
0x27f: {  	v11 =	vmul.f32 $5.656854150e+00, v11;
	[tilespmem:s24+$0x2060] =	vst v9;
	v9 =	vld.idx.msk [tilespmem:v12+s20+$0x0], $0xffff  }
0x280: {  	v8 =	vmul.f32 $5.656854150e+00, v8;
	[tilespmem:s10+$0x2070] =	vst v10;
	v10 =	vld.idx.msk [tilespmem:v17+s20+$0x0], $0xffff  }
0x281: {  	[tilespmem:s9+$0x0] =	vst v11;
	v11 =	vmul.f32 $5.656854150e+00, v13  }
0x282: {  	[tilespmem:s21+$0x2070] =	vst v8;
	v8 =	vmul.f32 $5.656854150e+00, v14  }
0x283: {  	[tilespmem:s18+$0x2070] =	vst v11;
	v11 =	vmul.f32 $5.656854150e+00, v15  }
0x284: {  	v9 =	vmul.f32 $5.656854150e+00, v9;
	[tilespmem:s29+$0x2070] =	vst v8  }
0x285: {  	[tilespmem:s2+$0x0] =	vst v11;
	v8 =	vmul.f32 $5.656854150e+00, v10  }
0x286: {  	s0 =	sadd.s32 $0x100, s16;
	[tilespmem:s5+$0x2070] =	vst v9  }
0x287: {  	s11 =	simm.s32 $0x20000;
	s12 =	simm.s32 $0x6200;
	s10 =	simm.s32 $0x400;
	[tilespmem:s24+$0x2070] =	vst v8  }
0x288: {  	[hbm4b:s0+s10] =	stream.strided.scatter [tilespmem:s12], [sflag:$0x7], $0x1000, s11, s10, $0x38;
	[tilespmem:$0x8200] =	vst v63  }
0x289: {  	s0 =	simm.s32 @!p1 $0xB  }
0x28a: {  	_ =	swait.ge @!p1 [sflag:s0], $0x80  }
0x28b: {  	s1 =	simm.s32 @!p1 $0x100;
	s2 =	simm.s32 @!p1 $0x2200;
	[sflag:s0] =	ssyncset.done @!p1 $0x0  }
0x28c: {  	s3 =	rddreg [dreg:$0x5];
	[sflag:s0] =	ssyncadd.s32 @!p1 $0xFFFFFF80;
	s0 =	simm.s32 @!p1 $0x80  }
0x28d: {  	[tilespmem:s2], [sflag:$0x3] =	stream.indirect.gather @!p1 [hbm4b:s3+s0], $0x20, s1, s0, $0xb8;
	[tilespmem:$0x8200] =	vst v63  }
0x28e: {  	s14 =	simm.s32 $0x2;
	s18 =	rddreg [dreg:$0x9];
	s0 =	sadd.s32 $0x7, s13  }
0x28f: {  	s19 =	simm.s32 $0x4;
	v8 =	vmov s14;
	p1 =	sgt.u32 s0, s18  }
0x290: {  	v8 =	vand.u32 $0x1E, v8;
	_ =	swait.ge [sflag:s19], $0x1000;
	s0 =	sshll.u32 @!p1 s0, $0x4  }
0x291: {  	v21 =	vbroadcast v8, $0x0;
	[sflag:s19] =	ssyncset.done $0x0;
	s1 =	simm.s32 @!p1 $0x0;
	s0 =	sand.u32 @!p1 $0xFFFFFF0, s0  }
0x292: {  	s2 =	simm.s32 @!p1 $0x180;
	[sflag:s19] =	ssyncadd.s32 $0xFFFFF000;
	s0 =	sadd.s32 @!p1 s31, s0  }
0x293: {  	v8 =	vor.u32 v0, v21;
	[tilespmem:s2], [sflag:$0xC] =	stream.linear.gather @!p1 [hbm4b:s0+s1], $0x80, $0x38;
	[tilespmem:$0x8200] =	vst v63  }
0x294: {  	s21 =	simm.s32 $0x0;
	s0 =	simm.s32 @!p0 $0x8  }
0x295: {  	v9 =	vmov s21;
	_ =	swait.ge @!p0 [sflag:s0], $0x1000  }
0x296: {  	v9 =	vand.u32 $0x1C, v9;
	[sflag:s0] =	ssyncset.done @!p0 $0x0  }
0x297: {  	v22 =	vbroadcast v9, $0x0;
	[sflag:s0] =	ssyncadd.s32 @!p0 $0xFFFFF000  }
0x298: {  	v8 =	vld.idx.msk [tilespmem:v8+s23+$0x0], $0xffff  }
0x299: {  	s22 =	simm.s32 $0x3;
	v9 =	vor.u32 v0, v22  }
0x29a: {  	v10 =	vmov s22  }
0x29b: {  	v10 =	vand.u32 $0x1F, v10;
	s24 =	simm.s32 $0x0;
	v11 =	vor.u32 v1, v21  }
0x29c: {  	s25 =	simm.s32 $0x100;
	v20 =	vbroadcast v10, $0x0;
	s0 =	sand.u32 $0xC00, s24  }
0x29d: {  	s30 =	sand.u32 $0x300, s25;
	s2 =	simm.s32 $0x6;
	s26 =	sor.u32 $0x4200, s0;
	v8 =	vmul.f32 $5.656854150e+00, v8  }
0x29e: {  	v10 =	vor.u32 v0, v20;
	v12 =	vld.idx.msk [tilespmem:v9+s23+$0x0], $0xffff;
	v9 =	vmov s2;
	s14 =	sadd.s32 s30, s26  }
0x29f: {  	s3 =	simm.s32 $0x1;
	v9 =	vand.u32 $0x1E, v9;
	[tilespmem:s14+$0x3000] =	vst v8  }
0x2a0: {  	v13 =	vmov s3;
	v9 =	vbroadcast v9, $0x0;
	v8 =	vld.idx.msk [tilespmem:v11+s23+$0x0], $0xffff  }
0x2a1: {  	v13 =	vand.u32 $0x1D, v13;
	v11 =	vor.u32 v1, v22  }
0x2a2: {  	v24 =	vbroadcast v13, $0x0;
	v15 =	vor.u32 v0, v9  }
0x2a3: {  	v14 =	vor.u32 v2, v21;
	v10 =	vld.idx.msk [tilespmem:v10+s23+$0x0], $0xffff;
	v12 =	vmul.f32 $5.656854150e+00, v12  }
0x2a4: {  	s12 =	simm.s32 $0x7270;
	v16 =	vor.u32 v0, v24  }
0x2a5: {  	s4 =	simm.s32 $0x4;
	[tilespmem:s12+$0xFFFFFF90] =	vst v12;
	v8 =	vmul.f32 $5.656854150e+00, v8  }
0x2a6: {  	v13 =	vor.u32 v1, v20;
	v12 =	vmov s4;
	v11 =	vld.idx.msk [tilespmem:v11+s23+$0x0], $0xffff  }
0x2a7: {  	s5 =	simm.s32 $0x180;
	v15 =	vld.idx.msk [tilespmem:v15+s23+$0x0], $0xffff;
	[tilespmem:s14+$0x3010] =	vst v8;
	v8 =	vand.u32 $0x1C, v12  }
0x2a8: {  	s7 =	simm.s32 $0x7;
	s0 =	sand.u32 $0x380, s5;
	v10 =	vmul.f32 $5.656854150e+00, v10;
	v17 =	vld.idx.msk [tilespmem:v14+s23+$0x0], $0xffff;
	v12 =	vbroadcast v8, $0x0  }
0x2a9: {  	s21 =	sadd.s32 s0, s26;
	v16 =	vld.idx.msk [tilespmem:v16+s23+$0x0], $0xffff;
	v8 =	vor.u32 v2, v22;
	v14 =	vmov s7  }
0x2aa: {  	s8 =	simm.s32 $0x200;
	[tilespmem:s21+$0x3000] =	vst v10;
	v10 =	vand.u32 $0x1F, v14;
	v18 =	vor.u32 v0, v12  }
0x2ab: {  	s9 =	simm.s32 $0x300;
	s0 =	sand.u32 $0xC00, s8;
	v19 =	vor.u32 v1, v9;
	v14 =	vbroadcast v10, $0x0;
	v10 =	vld.idx.msk [tilespmem:v13+s23+$0x0], $0xffff;
	v11 =	vmul.f32 $5.656854150e+00, v11  }
0x2ac: {  	v25 =	vor.u32 v1, v24;
	s2 =	sand.u32 $0x300, s9;
	s0 =	sor.u32 $0x4200, s0;
	v15 =	vmul.f32 $5.656854150e+00, v15  }
0x2ad: {  	s10 =	simm.s32 $0x80;
	s13 =	sadd.s32 s2, s0;
	v23 =	vor.u32 v0, v14;
	[tilespmem:s12+$0xFFFFFFA0] =	vst v11;
	v17 =	vmul.f32 $5.656854150e+00, v17  }
0x2ae: {  	s11 =	simm.s32 $0x5;
	s2 =	sand.u32 $0x280, s10;
	v16 =	vmul.f32 $5.656854150e+00, v16;
	[tilespmem:s13+$0x3000] =	vst v15;
	v13 =	vor.u32 v3, v21;
	v8 =	vld.idx.msk [tilespmem:v8+s23+$0x0], $0xffff  }
0x2af: {  	s1 =	sadd.s32 s2, s26;
	v15 =	vmov s11;
	v11 =	vor.u32 v2, v20;
	[tilespmem:s14+$0x3020] =	vst v17;
	v17 =	vld.idx.msk [tilespmem:v18+s23+$0x0], $0xffff  }
0x2b0: {  	[tilespmem:s1+$0x3000] =	vst v16;
	v15 =	vand.u32 $0x1D, v15;
	v10 =	vmul.f32 $5.656854150e+00, v10;
	v18 =	vld.idx.msk [tilespmem:v19+s23+$0x0], $0xffff  }
0x2b1: {  	v25 =	vld.idx.msk [tilespmem:v25+s23+$0x0], $0xffff;
	v15 =	vbroadcast v15, $0x0  }
0x2b2: {  	[tilespmem:s21+$0x3010] =	vst v10;
	v10 =	vld.idx.msk [tilespmem:v23+s23+$0x0], $0xffff;
	v23 =	vor.u32 v3, v22  }
0x2b3: {  	v26 =	vor.u32 v0, v15;
	v13 =	vld.idx.msk [tilespmem:v13+s23+$0x0], $0xffff  }
0x2b4: {  	v19 =	vor.u32 v1, v12;
	v11 =	vld.idx.msk [tilespmem:v11+s23+$0x0], $0xffff;
	v8 =	vmul.f32 $5.656854150e+00, v8  }
0x2b5: {  	s18 =	simm.s32 $0xA;
	v16 =	vmul.f32 $5.656854150e+00, v17;
	v17 =	vor.u32 v2, v9;
	v18 =	vmul.f32 $5.656854150e+00, v18  }
0x2b6: {  	v30 =	vor.u32 v3, v20;
	v28 =	vor.u32 v2, v24;
	[tilespmem:s12+$0xFFFFFFB0] =	vst v8;
	v8 =	vmov s18  }
0x2b7: {  	s22 =	simm.s32 $0x380;
	s8 =	simm.s32 $0x7470;
	v27 =	vor.u32 v1, v14;
	v8 =	vand.u32 $0x1E, v8;
	v23 =	vld.idx.msk [tilespmem:v23+s23+$0x0], $0xffff;
	[tilespmem:s13+$0x3010] =	vst v18;
	v18 =	vmul.f32 $5.656854150e+00, v25  }
0x2b8: {  	s3 =	sand.u32 $0x380, s22;
	s24 =	simm.s32 $0xB;
	[tilespmem:s8+$0xFFFFFF90] =	vst v16;
	v16 =	vor.u32 v4, v21;
	v10 =	vmul.f32 $5.656854150e+00, v10;
	v8 =	vbroadcast v8, $0x0;
	v25 =	vld.idx.msk [tilespmem:v26+s23+$0x0], $0xffff  }
0x2b9: {  	s19 =	simm.s32 $0x8;
	s3 =	sadd.s32 s3, s0;
	v13 =	vmul.f32 $5.656854150e+00, v13;
	v26 =	vmov s24;
	v19 =	vld.idx.msk [tilespmem:v19+s23+$0x0], $0xffff;
	v29 =	vmul.f32 $5.656854150e+00, v11;
	[tilespmem:s1+$0x3010] =	vst v18  }
0x2ba: {  	s26 =	simm.s32 $0x400;
	v11 =	vmov s19;
	v26 =	vand.u32 $0x1F, v26;
	v31 =	vor.u32 v0, v8;
	[tilespmem:s3+$0x3000] =	vst v10;
	v17 =	vld.idx.msk [tilespmem:v17+s23+$0x0], $0xffff  }
0x2bb: {  	s2 =	sand.u32 $0xC00, s26;
	s4 =	simm.s32 $0x500;
	v55 =	vor.u32 v1, v15;
	v11 =	vand.u32 $0x1C, v11;
	v10 =	vbroadcast v26, $0x0;
	v26 =	vld.idx.msk [tilespmem:v28+s23+$0x0], $0xffff;
	[tilespmem:s21+$0x3020] =	vst v29  }
0x2bc: {  	s30 =	simm.s32 $0x280;
	s2 =	sor.u32 $0x4200, s2;
	s4 =	sand.u32 $0x300, s4;
	[tilespmem:s14+$0x3030] =	vst v13;
	v13 =	vor.u32 v2, v12;
	v11 =	vbroadcast v11, $0x0;
	v29 =	vld.idx.msk [tilespmem:v30+s23+$0x0], $0xffff  }
0x2bd: {  	s19 =	sadd.s32 s4, s2;
	s4 =	sand.u32 $0x280, s30;
	v30 =	vor.u32 v0, v10;
	v16 =	vld.idx.msk [tilespmem:v16+s23+$0x0], $0xffff;
	v25 =	vmul.f32 $5.656854150e+00, v25  }
0x2be: {  	s22 =	sadd.s32 s4, s0;
	v27 =	vld.idx.msk [tilespmem:v27+s23+$0x0], $0xffff;
	v28 =	vor.u32 v0, v11;
	v19 =	vmul.f32 $5.656854150e+00, v19  }
0x2bf: {  	v18 =	vor.u32 v3, v9;
	v31 =	vld.idx.msk [tilespmem:v31+s23+$0x0], $0xffff;
	[tilespmem:s22+$0x3000] =	vst v25  }
0x2c0: {  	v48 =	vor.u32 v3, v24;
	v17 =	vmul.f32 $5.656854150e+00, v17;
	[tilespmem:s8+$0xFFFFFFA0] =	vst v19;
	v35 =	vld.idx.msk [tilespmem:v55+s23+$0x0], $0xffff  }
0x2c1: {  	v49 =	vor.u32 v2, v14;
	v26 =	vmul.f32 $5.656854150e+00, v26;
	v19 =	vld.idx.msk [tilespmem:v13+s23+$0x0], $0xffff  }
0x2c2: {  	s25 =	simm.s32 $0x9;
	v30 =	vld.idx.msk [tilespmem:v30+s23+$0x0], $0xffff;
	[tilespmem:s13+$0x3020] =	vst v17;
	v17 =	vor.u32 v5, v21;
	v16 =	vmul.f32 $5.656854150e+00, v16  }
0x2c3: {  	v50 =	vor.u32 v4, v20;
	v27 =	vmul.f32 $5.656854150e+00, v27;
	v13 =	vmov s25;
	v28 =	vld.idx.msk [tilespmem:v28+s23+$0x0], $0xffff;
	[tilespmem:s1+$0x3020] =	vst v26  }
0x2c4: {  	v51 =	vor.u32 v1, v8;
	v13 =	vand.u32 $0x1D, v13;
	v18 =	vld.idx.msk [tilespmem:v18+s23+$0x0], $0xffff;
	[tilespmem:s14+$0x3040] =	vst v16;
	v16 =	vmul.f32 $5.656854150e+00, v29  }
0x2c5: {  	v26 =	vor.u32 v3, v12;
	[tilespmem:s3+$0x3010] =	vst v27;
	v13 =	vbroadcast v13, $0x0;
	v29 =	vld.idx.msk [tilespmem:v48+s23+$0x0], $0xffff  }
0x2c6: {  	v27 =	vmul.f32 $5.656854150e+00, v31;
	v31 =	vor.u32 v4, v22;
	[tilespmem:s21+$0x3030] =	vst v16;
	v16 =	vmul.f32 $5.656854150e+00, v19;
	v19 =	vld.idx.msk [tilespmem:v49+s23+$0x0], $0xffff  }
0x2c7: {  	v52 =	vor.u32 v0, v13;
	v17 =	vld.idx.msk [tilespmem:v17+s23+$0x0], $0xffff  }
0x2c8: {  	v23 =	vmul.f32 $5.656854150e+00, v23;
	v54 =	vor.u32 v1, v11;
	[tilespmem:s19+$0x3000] =	vst v27;
	v53 =	vld.idx.msk [tilespmem:v50+s23+$0x0], $0xffff  }
0x2c9: {  	v56 =	vor.u32 v4, v9;
	[tilespmem:s8+$0xFFFFFFB0] =	vst v16;
	v16 =	vld.idx.msk [tilespmem:v51+s23+$0x0], $0xffff  }
0x2ca: {  	[tilespmem:s12+$0xFFFFFFC0] =	vst v23;
	v27 =	vor.u32 v4, v24;
	v23 =	vmul.f32 $5.656854150e+00, v28;
	v26 =	vld.idx.msk [tilespmem:v26+s23+$0x0], $0xffff  }
0x2cb: {  	s9 =	simm.s32 $0x7670;
	v58 =	vor.u32 v3, v14;
	v18 =	vmul.f32 $5.656854150e+00, v18;
	v31 =	vld.idx.msk [tilespmem:v31+s23+$0x0], $0xffff  }
0x2cc: {  	v59 =	vor.u32 v6, v21;
	v29 =	vmul.f32 $5.656854150e+00, v29;
	[tilespmem:s9+$0xFFFFFF90] =	vst v23;
	v28 =	vld.idx.msk [tilespmem:v52+s23+$0x0], $0xffff  }
0x2cd: {  	v57 =	vor.u32 v2, v8;
	v25 =	vmul.f32 $5.656854150e+00, v30;
	v30 =	vld.idx.msk [tilespmem:v54+s23+$0x0], $0xffff;
	[tilespmem:s13+$0x3030] =	vst v18;
	v18 =	vmul.f32 $5.656854150e+00, v19  }
0x2ce: {  	v60 =	vor.u32 v5, v24;
	s11 =	simm.s32 $0xE;
	[tilespmem:s1+$0x3030] =	vst v29;
	v29 =	vor.u32 v1, v10;
	v32 =	vld.idx.msk [tilespmem:v56+s23+$0x0], $0xffff;
	v17 =	vmul.f32 $5.656854150e+00, v17  }
0x2cf: {  	s7 =	simm.s32 $0xF;
	v41 =	vmov s11;
	s4 =	simm.s32 $0x580;
	v23 =	vld.idx.msk [tilespmem:v27+s23+$0x0], $0xffff;
	v27 =	vor.u32 v5, v20;
	v16 =	vmul.f32 $5.656854150e+00, v16;
	[tilespmem:s3+$0x3020] =	vst v18  }
0x2d0: {  	v63 =	vmov s7;
	v42 =	vand.u32 $0x1E, v41;
	s0 =	sand.u32 $0x380, s4;
	v19 =	vor.u32 v5, v22;
	v34 =	vld.idx.msk [tilespmem:v58+s23+$0x0], $0xffff;
	[tilespmem:s14+$0x3050] =	vst v17  }
0x2d1: {  	v61 =	vor.u32 v2, v15;
	s10 =	sadd.s32 s0, s2;
	v33 =	vmul.f32 $5.656854150e+00, v53;
	v18 =	vand.u32 $0x1F, v63;
	[tilespmem:s19+$0x3010] =	vst v16;
	v37 =	vld.idx.msk [tilespmem:v59+s23+$0x0], $0xffff  }
0x2d2: {  	s5 =	simm.s32 $0xC;
	v62 =	vor.u32 v2, v11;
	[tilespmem:s10+$0x3000] =	vst v25;
	v31 =	vmul.f32 $5.656854150e+00, v31;
	v18 =	vbroadcast v18, $0x0;
	v25 =	vld.idx.msk [tilespmem:v57+s23+$0x0], $0xffff  }
0x2d3: {  	v35 =	vmul.f32 $5.656854150e+00, v35;
	[tilespmem:s21+$0x3040] =	vst v33;
	v17 =	vbroadcast v42, $0x0;
	v16 =	vmov s5;
	v29 =	vld.idx.msk [tilespmem:v29+s23+$0x0], $0xffff  }
0x2d4: {  	v30 =	vmul.f32 $5.656854150e+00, v30;
	v16 =	vand.u32 $0x1C, v16;
	[tilespmem:s12+$0xFFFFFFD0] =	vst v31;
	v44 =	vor.u32 v0, v18;
	v27 =	vld.idx.msk [tilespmem:v27+s23+$0x0], $0xffff  }
0x2d5: {  	[tilespmem:s22+$0x3010] =	vst v35;
	v45 =	vor.u32 v0, v17;
	v23 =	vmul.f32 $5.656854150e+00, v23;
	v16 =	vbroadcast v16, $0x0;
	v19 =	vld.idx.msk [tilespmem:v19+s23+$0x0], $0xffff  }
0x2d6: {  	v43 =	vor.u32 v3, v8;
	v26 =	vmul.f32 $5.656854150e+00, v26;
	[tilespmem:s9+$0xFFFFFFA0] =	vst v30;
	v30 =	vld.idx.msk [tilespmem:v61+s23+$0x0], $0xffff  }
0x2d7: {  	v32 =	vmul.f32 $5.656854150e+00, v32;
	v46 =	vld.idx.msk [tilespmem:v62+s23+$0x0], $0xffff;
	[tilespmem:s1+$0x3040] =	vst v23;
	v23 =	vor.u32 v0, v16  }
0x2d8: {  	v49 =	vor.u32 v6, v22;
	[tilespmem:s8+$0xFFFFFFC0] =	vst v26;
	v31 =	vld.idx.msk [tilespmem:v60+s23+$0x0], $0xffff;
	v25 =	vmul.f32 $5.656854150e+00, v25  }
0x2d9: {  	v50 =	vor.u32 v3, v15;
	[tilespmem:s13+$0x3040] =	vst v32;
	v33 =	vld.idx.msk [tilespmem:v44+s23+$0x0], $0xffff;
	v27 =	vmul.f32 $5.656854150e+00, v27  }
0x2da: {  	v53 =	vor.u32 v2, v10;
	v51 =	vld.idx.msk [tilespmem:v45+s23+$0x0], $0xffff;
	v26 =	vmul.f32 $5.656854150e+00, v19;
	[tilespmem:s19+$0x3020] =	vst v25  }
0x2db: {  	v30 =	vmul.f32 $5.656854150e+00, v30;
	v25 =	vmul.f32 $5.656854150e+00, v29;
	v29 =	vor.u32 v5, v9;
	v36 =	vld.idx.msk [tilespmem:v43+s23+$0x0], $0xffff;
	[tilespmem:s21+$0x3050] =	vst v27  }
0x2dc: {  	v48 =	vor.u32 v6, v20;
	v23 =	vld.idx.msk [tilespmem:v23+s23+$0x0], $0xffff;
	[tilespmem:s12+$0xFFFFFFE0] =	vst v26  }
0x2dd: {  	s18 =	simm.s32 $0xD;
	v52 =	vor.u32 v6, v24;
	v47 =	vmul.f32 $5.656854150e+00, v34;
	[tilespmem:s22+$0x3020] =	vst v30;
	v30 =	vld.idx.msk [tilespmem:v49+s23+$0x0], $0xffff  }
0x2de: {  	s24 =	simm.s32 $0x480;
	v27 =	vor.u32 v4, v14;
	[tilespmem:s10+$0x3010] =	vst v25;
	v25 =	vmov s18;
	v26 =	vmul.f32 $5.656854150e+00, v31;
	v40 =	vld.idx.msk [tilespmem:v50+s23+$0x0], $0xffff  }
0x2df: {  	s0 =	sand.u32 $0x280, s24;
	s25 =	simm.s32 $0x600;
	[tilespmem:s3+$0x3030] =	vst v47;
	v38 =	vmul.f32 $5.656854150e+00, v46;
	v31 =	vor.u32 v3, v11;
	v19 =	vand.u32 $0x1D, v25;
	v57 =	vld.idx.msk [tilespmem:v53+s23+$0x0], $0xffff  }
0x2e0: {  	s26 =	simm.s32 $0x700;
	v28 =	vmul.f32 $5.656854150e+00, v28;
	s18 =	sadd.s32 s0, s2;
	s0 =	sand.u32 $0xC00, s25;
	v19 =	vbroadcast v19, $0x0;
	[tilespmem:s1+$0x3050] =	vst v26;
	v26 =	vor.u32 v1, v17;
	v25 =	vld.idx.msk [tilespmem:v29+s23+$0x0], $0xffff  }
0x2e1: {  	s4 =	sand.u32 $0x300, s26;
	v59 =	vor.u32 v7, v22;
	[tilespmem:s9+$0xFFFFFFB0] =	vst v38;
	s0 =	sor.u32 $0x4200, s0;
	v32 =	vmul.f32 $5.656854150e+00, v51;
	v29 =	vld.idx.msk [tilespmem:v48+s23+$0x0], $0xffff  }
0x2e2: {  	v39 =	vor.u32 v4, v8;
	[tilespmem:s18+$0x3000] =	vst v28;
	s5 =	sadd.s32 s4, s0;
	v28 =	vld.idx.msk [tilespmem:v52+s23+$0x0], $0xffff;
	v54 =	vor.u32 v0, v19;
	v55 =	vmul.f32 $5.656854150e+00, v23  }
0x2e3: {  	v58 =	vor.u32 v7, v20;
	v61 =	vor.u32 v7, v21;
	s2 =	simm.s32 $0x7870;
	[tilespmem:s5+$0x3000] =	vst v32;
	v27 =	vld.idx.msk [tilespmem:v27+s23+$0x0], $0xffff;
	v30 =	vmul.f32 $5.656854150e+00, v30  }
0x2e4: {  	v20 =	vor.u32 v5, v10;
	v22 =	vor.u32 v1, v13;
	v56 =	vmul.f32 $5.656854150e+00, v36;
	v60 =	vld.idx.msk [tilespmem:v31+s23+$0x0], $0xffff;
	[tilespmem:s2+$0xFFFFFF90] =	vst v55  }
0x2e5: {  	v21 =	vor.u32 v5, v18;
	v47 =	vor.u32 v4, v15;
	v31 =	vmul.f32 $5.656854150e+00, v37;
	v63 =	vld.idx.msk [tilespmem:v26+s23+$0x0], $0xffff;
	[tilespmem:s12+$0xFFFFFFF0] =	vst v30  }
0x2e6: {  	v62 =	vor.u32 v7, v24;
	v24 =	vor.u32 v1, v18;
	[tilespmem:s19+$0x3030] =	vst v56;
	v29 =	vmul.f32 $5.656854150e+00, v29;
	v35 =	vld.idx.msk [tilespmem:v59+s23+$0x0], $0xffff  }
0x2e7: {  	v45 =	vor.u32 v4, v12;
	v43 =	vor.u32 v2, v17;
	v46 =	vmul.f32 $5.656854150e+00, v40;
	[tilespmem:s14+$0x3060] =	vst v31;
	v34 =	vld.idx.msk [tilespmem:v54+s23+$0x0], $0xffff  }
0x2e8: {  	v38 =	vor.u32 v1, v16;
	v32 =	vor.u32 v2, v13;
	v26 =	vmul.f32 $5.656854150e+00, v28;
	v40 =	vld.idx.msk [tilespmem:v61+s23+$0x0], $0xffff;
	[tilespmem:s21+$0x3060] =	vst v29  }
0x2e9: {  	v23 =	vor.u32 v5, v14;
	v36 =	vmul.f32 $5.656854150e+00, v33;
	[tilespmem:s22+$0x3030] =	vst v46;
	v28 =	vmul.f32 $5.656854150e+00, v57;
	v37 =	vld.idx.msk [tilespmem:v58+s23+$0x0], $0xffff  }
0x2ea: {  	s29 =	simm.s32 $0x780;
	s30 =	simm.s32 $0x680;
	v33 =	vor.u32 v3, v10;
	v31 =	vor.u32 v1, v19;
	v42 =	vld.idx.msk [tilespmem:v47+s23+$0x0], $0xffff;
	v48 =	vmul.f32 $5.656854150e+00, v27;
	[tilespmem:s1+$0x3060] =	vst v26  }
0x2eb: {  	s11 =	sand.u32 $0x380, s29;
	s4 =	sand.u32 $0x280, s30;
	v30 =	vor.u32 v5, v15;
	v29 =	vor.u32 v5, v12;
	v27 =	vmul.f32 $5.656854150e+00, v60;
	[tilespmem:s10+$0x3020] =	vst v28;
	v41 =	vld.idx.msk [tilespmem:v62+s23+$0x0], $0xffff  }
0x2ec: {  	s25 =	simm.s32 $0x10;
	s28 =	sadd.s32 s11, s0;
	s24 =	sadd.s32 s4, s0;
	v28 =	vor.u32 v6, v9;
	[tilespmem:s3+$0x3040] =	vst v48;
	v44 =	vmul.f32 $5.656854150e+00, v63;
	v26 =	vmul.f32 $5.656854150e+00, v34;
	v34 =	vld.idx.msk [tilespmem:v45+s23+$0x0], $0xffff  }
.LBB2_9:
0x2ed: {  	s4 =	sadd.s32 $0x1, s25  }
0x2ee: {  	v45 =	vmov s25;
	s11 =	sadd.s32 $0x3, s25;
	v38 =	vld.idx.msk [tilespmem:v38+s23+$0x0], $0xffff;
	v46 =	vor.u32 v2, v16;
	[tilespmem:s28+$0x3000] =	vst v36;
	v36 =	vmul.f32 $5.656854150e+00, v37;
	s26 =	smov.u32 s25;
	s0 =	sadd.s32 $0x4, s25  }
0x2ef: {  	p0 =	slt.u32 s25, $0x1C;
	v35 =	vmul.f32 $5.656854150e+00, v35;
	v37 =	vmov s4;
	s4 =	sadd.s32 $0x2, s26;
	v47 =	vmov s11;
	[tilespmem:s5+$0x3010] =	vst v44;
	v44 =	vld.idx.msk [tilespmem:v22+s23+$0x0], $0xffff;
	v22 =	vmovc v31  }
0x2f0: {  	v40 =	vmul.f32 $5.656854150e+00, v40;
	v31 =	vmov s4;
	v47 =	vand.u32 $0x1F, v47;
	v39 =	vld.idx.msk [tilespmem:v39+s23+$0x0], $0xffff;
	[tilespmem:s21+$0x3070] =	vst v36;
	s21 =	smov.u32 s3;
	s3 =	smov.u32 s10;
	s10 =	smov.u32 s28  }
0x2f1: {  	v31 =	vand.u32 $0x1E, v31;
	v36 =	vbroadcast v47, $0x0;
	v43 =	vld.idx.msk [tilespmem:v43+s23+$0x0], $0xffff;
	[tilespmem:s12+$0x0] =	vst v35;
	v35 =	vmul.f32 $5.656854150e+00, v41;
	s12 =	smov.u32 s8;
	s8 =	smov.u32 s9;
	s9 =	smov.u32 s2  }
0x2f2: {  	v25 =	vmul.f32 $5.656854150e+00, v25;
	v37 =	vand.u32 $0x1D, v37;
	v41 =	vbroadcast v31, $0x0;
	v24 =	vld.idx.msk [tilespmem:v24+s23+$0x0], $0xffff;
	[tilespmem:s14+$0x3070] =	vst v40;
	s14 =	smov.u32 s13;
	s13 =	smov.u32 s19;
	s19 =	smov.u32 s5  }
0x2f3: {  	v34 =	vmul.f32 $5.656854150e+00, v34;
	v31 =	vand.u32 $0x1C, v45;
	v40 =	vmul.f32 $5.656854150e+00, v42;
	v42 =	vld.idx.msk [tilespmem:v23+s23+$0x0], $0xffff;
	[tilespmem:s1+$0x3070] =	vst v35;
	v23 =	vmovc v20;
	v20 =	vmovc v21;
	s1 =	smov.u32 s22;
	s22 =	smov.u32 s18;
	s18 =	smov.u32 s24  }
0x2f4: {  	v35 =	vbroadcast v31, $0x0;
	v31 =	vbroadcast v37, $0x0;
	v37 =	vor.u32 v0, v41;
	v33 =	vld.idx.msk [tilespmem:v33+s23+$0x0], $0xffff;
	[tilespmem:s14+$0x3050] =	vst v25  }
0x2f5: {  	v45 =	vor.u32 v3, v17;
	v25 =	vor.u32 v0, v36;
	v44 =	vmul.f32 $5.656854150e+00, v44;
	[tilespmem:s1+$0x3040] =	vst v40;
	v28 =	vld.idx.msk [tilespmem:v28+s23+$0x0], $0xffff  }
0x2f6: {  	v21 =	vor.u32 v5, v36;
	v38 =	vmul.f32 $5.656854150e+00, v38;
	v40 =	vor.u32 v0, v35;
	[tilespmem:s12+$0xFFFFFFD0] =	vst v34;
	v30 =	vld.idx.msk [tilespmem:v30+s23+$0x0], $0xffff  }
0x2f7: {  	v34 =	vmul.f32 $5.656854150e+00, v43;
	[tilespmem:s22+$0x3010] =	vst v44;
	v29 =	vld.idx.msk [tilespmem:v29+s23+$0x0], $0xffff  }
0x2f8: {  	[tilespmem:s2+$0xFFFFFFA0] =	vst v38;
	v32 =	vld.idx.msk [tilespmem:v32+s23+$0x0], $0xffff;
	v38 =	vmul.f32 $5.656854150e+00, v39  }
0x2f9: {  	v24 =	vmul.f32 $5.656854150e+00, v24;
	v39 =	vld.idx.msk [tilespmem:v46+s23+$0x0], $0xffff;
	[tilespmem:s19+$0x3020] =	vst v34;
	v34 =	vor.u32 v5, v8  }
0x2fa: {  	v33 =	vmul.f32 $5.656854150e+00, v33;
	v43 =	vld.idx.msk [tilespmem:v45+s23+$0x0], $0xffff;
	[tilespmem:s13+$0x3040] =	vst v38;
	v38 =	vor.u32 v6, v14  }
0x2fb: {  	s29 =	sadd.s32 $0x200, s29;
	v44 =	vor.u32 v0, v31;
	v45 =	vor.u32 v6, v12;
	v40 =	vld.idx.msk [tilespmem:v40+s23+$0x0], $0xffff;
	[tilespmem:s10+$0x3010] =	vst v24  }
0x2fc: {  	v47 =	vor.u32 v3, v13;
	v46 =	vld.idx.msk [tilespmem:v25+s23+$0x0], $0xffff;
	[tilespmem:s3+$0x3030] =	vst v33;
	v33 =	vmul.f32 $5.656854150e+00, v42  }
0x2fd: {  	v42 =	vor.u32 v1, v41;
	v37 =	vld.idx.msk [tilespmem:v37+s23+$0x0], $0xffff;
	[tilespmem:s8+$0xFFFFFFC0] =	vst v27;
	v27 =	vmul.f32 $5.656854150e+00, v29;
	v29 =	vor.u32 v6, v15  }
0x2fe: {  	v48 =	vor.u32 v2, v18;
	s2 =	sadd.s32 $0x200, s2;
	v24 =	vor.u32 v1, v36;
	v32 =	vmul.f32 $5.656854150e+00, v32;
	v25 =	vld.idx.msk [tilespmem:v34+s23+$0x0], $0xffff;
	[tilespmem:s21+$0x3050] =	vst v33  }
0x2ff: {  	s4 =	sadd.s32 $0xFFFFFE80, s29;
	v33 =	vor.u32 v4, v10;
	[tilespmem:s12+$0xFFFFFFE0] =	vst v27;
	v27 =	vmul.f32 $5.656854150e+00, v30;
	v30 =	vld.idx.msk [tilespmem:v38+s23+$0x0], $0xffff  }
0x300: {  	s4 =	sand.u32 $0xC00, s4;
	s5 =	sadd.s32 $0xFFFFFF80, s29;
	v34 =	vor.u32 v3, v16;
	[tilespmem:s22+$0x3020] =	vst v32;
	v32 =	vld.idx.msk [tilespmem:v45+s23+$0x0], $0xffff  }
0x301: {  	s24 =	sor.u32 $0x4200, s4;
	s4 =	sand.u32 $0x300, s5;
	v38 =	vmul.f32 $5.656854150e+00, v40;
	v40 =	vld.idx.msk [tilespmem:v47+s23+$0x0], $0xffff;
	[tilespmem:s1+$0x3050] =	vst v27  }
0x302: {  	s5 =	sadd.s32 s4, s24;
	v27 =	vmul.f32 $5.656854150e+00, v39;
	[tilespmem:s18+$0x3000] =	vst v26;
	v26 =	vld.idx.msk [tilespmem:v29+s23+$0x0], $0xffff  }
0x303: {  	v29 =	vmul.f32 $5.656854150e+00, v43;
	[tilespmem:s2+$0xFFFFFF90] =	vst v38;
	v39 =	vld.idx.msk [tilespmem:v48+s23+$0x0], $0xffff;
	v38 =	vor.u32 v7, v14;
	v14 =	vmovc v10;
	v10 =	vmov v18  }
0x304: {  	v37 =	vmul.f32 $5.656854150e+00, v37;
	v18 =	vmovc v36;
	[tilespmem:s9+$0xFFFFFFB0] =	vst v27;
	v27 =	vld.idx.msk [tilespmem:v33+s23+$0x0], $0xffff;
	v33 =	vor.u32 v7, v12;
	v12 =	vmov v11  }
0x305: {  	v43 =	vor.u32 v7, v9;
	v9 =	vmovc v8;
	v8 =	vmov v17;
	v36 =	vmul.f32 $5.656854150e+00, v30;
	v34 =	vld.idx.msk [tilespmem:v34+s23+$0x0], $0xffff;
	[tilespmem:s19+$0x3030] =	vst v29  }
0x306: {  	v28 =	vmul.f32 $5.656854150e+00, v28;
	v17 =	vmovc v41;
	v29 =	vmul.f32 $5.656854150e+00, v32;
	v32 =	vor.u32 v7, v15;
	v30 =	vld.idx.msk [tilespmem:v44+s23+$0x0], $0xffff;
	[tilespmem:s5+$0x3000] =	vst v37  }
0x307: {  	v11 =	vmovc v16;
	v16 =	vmov v35;
	v44 =	vor.u32 v4, v12;
	v45 =	vmul.f32 $5.656854150e+00, v40;
	v42 =	vld.idx.msk [tilespmem:v42+s23+$0x0], $0xffff;
	[tilespmem:s21+$0x3060] =	vst v36  }
0x308: {  	v15 =	vmovc v13;
	v36 =	vmul.f32 $5.656854150e+00, v46;
	v46 =	vor.u32 v4, v13;
	v26 =	vmul.f32 $5.656854150e+00, v26;
	[tilespmem:s12+$0xFFFFFFF0] =	vst v29;
	v37 =	vld.idx.msk [tilespmem:v38+s23+$0x0], $0xffff  }
.Ltmp3:
0x309: {  	s4 =	sand.u32 $0x380, s29;
	v13 =	vmovc v19;
	v19 =	vmov v31;
	v38 =	vor.u32 v1, v16;
	v41 =	vmul.f32 $5.656854150e+00, v39;
	v35 =	vld.idx.msk [tilespmem:v33+s23+$0x0], $0xffff;
	[tilespmem:s14+$0x3060] =	vst v28;
	(pc) =	sbr.rel @p0 .LBB2_9-.Ltmp3, $4  }
0x30a: {  	s28 =	sadd.s32 s4, s24;
	v31 =	vor.u32 v1, v19;
	v29 =	vor.u32 v5, v12;
	v47 =	vmul.f32 $5.656854150e+00, v27;
	[tilespmem:s1+$0x3060] =	vst v26;
	v40 =	vld.idx.msk [tilespmem:v43+s23+$0x0], $0xffff  }
0x30b: {  	s4 =	sadd.s32 $0xFFFFFF00, s29;
	v39 =	vor.u32 v4, v8;
	v28 =	vor.u32 v6, v9;
	v27 =	vmul.f32 $5.656854150e+00, v34;
	[tilespmem:s10+$0x3020] =	vst v41;
	v41 =	vld.idx.msk [tilespmem:v32+s23+$0x0], $0xffff  }
0x30c: {  	s4 =	sand.u32 $0x280, s4;
	v43 =	vor.u32 v2, v17;
	v26 =	vmul.f32 $5.656854150e+00, v30;
	v30 =	vor.u32 v5, v15;
	v34 =	vld.idx.msk [tilespmem:v44+s23+$0x0], $0xffff;
	[tilespmem:s22+$0x3030] =	vst v45  }
0x30d: {  	s25 =	smov.u32 s0;
	s24 =	sadd.s32 s4, s24;
	v33 =	vor.u32 v3, v10;
	v32 =	vor.u32 v2, v13;
	v44 =	vmul.f32 $5.656854150e+00, v42;
	v42 =	vld.idx.msk [tilespmem:v46+s23+$0x0], $0xffff;
	[tilespmem:s3+$0x3040] =	vst v47  }
0x30e: {  	[tilespmem:s28+$0x3000] =	vst v36  }
0x30f: {  	[tilespmem:s24+$0x3000] =	vst v26  }
0x310: {  	v60 =	vmul.f32 $5.656854150e+00, v37;
	[tilespmem:s9+$0xFFFFFFC0] =	vst v27  }
0x311: {  	v35 =	vmul.f32 $5.656854150e+00, v35;
	[tilespmem:s5+$0x3010] =	vst v44  }
0x312: {  	v22 =	vld.idx.msk [tilespmem:v22+s23+$0x0], $0xffff;
	v25 =	vmul.f32 $5.656854150e+00, v25;
	[tilespmem:s21+$0x3070] =	vst v60  }
0x313: {  	v62 =	vld.idx.msk [tilespmem:v38+s23+$0x0], $0xffff;
	v61 =	vmul.f32 $5.656854150e+00, v40;
	[tilespmem:s12+$0x0] =	vst v35  }
0x314: {  	v23 =	vld.idx.msk [tilespmem:v23+s23+$0x0], $0xffff;
	v63 =	vmul.f32 $5.656854150e+00, v41;
	[tilespmem:s13+$0x3050] =	vst v25  }
0x315: {  	v24 =	vld.idx.msk [tilespmem:v24+s23+$0x0], $0xffff;
	[tilespmem:s14+$0x3070] =	vst v61;
	v34 =	vmul.f32 $5.656854150e+00, v34  }
0x316: {  	v31 =	vld.idx.msk [tilespmem:v31+s23+$0x0], $0xffff;
	v41 =	vmul.f32 $5.656854150e+00, v42;
	[tilespmem:s1+$0x3070] =	vst v63  }
0x317: {  	v40 =	vld.idx.msk [tilespmem:v43+s23+$0x0], $0xffff;
	v22 =	vmul.f32 $5.656854150e+00, v22;
	[tilespmem:s8+$0xFFFFFFD0] =	vst v34  }
0x318: {  	v43 =	vld.idx.msk [tilespmem:v33+s23+$0x0], $0xffff;
	v44 =	vmul.f32 $5.656854150e+00, v62;
	[tilespmem:s22+$0x3040] =	vst v41  }
0x319: {  	v46 =	vor.u32 v2, v16;
	v28 =	vld.idx.msk [tilespmem:v28+s23+$0x0], $0xffff;
	v23 =	vmul.f32 $5.656854150e+00, v23;
	[tilespmem:s18+$0x3010] =	vst v22  }
0x31a: {  	v48 =	vor.u32 v6, v14;
	v42 =	vld.idx.msk [tilespmem:v39+s23+$0x0], $0xffff;
	v24 =	vmul.f32 $5.656854150e+00, v24;
	[tilespmem:s2+$0xFFFFFFA0] =	vst v44  }
0x31b: {  	v49 =	vor.u32 v2, v18;
	v29 =	vld.idx.msk [tilespmem:v29+s23+$0x0], $0xffff;
	v56 =	vmul.f32 $5.656854150e+00, v31;
	[tilespmem:s3+$0x3050] =	vst v23  }
0x31c: {  	v52 =	vor.u32 v2, v19;
	v45 =	vmul.f32 $5.656854150e+00, v40;
	v30 =	vld.idx.msk [tilespmem:v30+s23+$0x0], $0xffff;
	[tilespmem:s28+$0x3010] =	vst v24  }
0x31d: {  	v47 =	vor.u32 v3, v17;
	v25 =	vmul.f32 $5.656854150e+00, v43;
	v32 =	vld.idx.msk [tilespmem:v32+s23+$0x0], $0xffff;
	[tilespmem:s24+$0x3010] =	vst v56  }
0x31e: {  	v57 =	vor.u32 v4, v10;
	v22 =	vld.idx.msk [tilespmem:v46+s23+$0x0], $0xffff;
	v28 =	vmul.f32 $5.656854150e+00, v28;
	[tilespmem:s5+$0x3020] =	vst v45  }
0x31f: {  	v9 =	vor.u32 v7, v9;
	v54 =	vld.idx.msk [tilespmem:v48+s23+$0x0], $0xffff;
	v35 =	vmul.f32 $5.656854150e+00, v42;
	[tilespmem:s10+$0x3030] =	vst v25  }
0x320: {  	v50 =	vor.u32 v6, v12;
	v26 =	vld.idx.msk [tilespmem:v49+s23+$0x0], $0xffff;
	[tilespmem:s13+$0x3060] =	vst v28;
	v29 =	vmul.f32 $5.656854150e+00, v29  }
0x321: {  	v53 =	vor.u32 v6, v15;
	v23 =	vld.idx.msk [tilespmem:v52+s23+$0x0], $0xffff;
	[tilespmem:s19+$0x3040] =	vst v35;
	v30 =	vmul.f32 $5.656854150e+00, v30  }
0x322: {  	v55 =	vor.u32 v3, v13;
	v51 =	vld.idx.msk [tilespmem:v47+s23+$0x0], $0xffff;
	v32 =	vmul.f32 $5.656854150e+00, v32;
	[tilespmem:s8+$0xFFFFFFE0] =	vst v29  }
0x323: {  	v58 =	vor.u32 v7, v14;
	v33 =	vld.idx.msk [tilespmem:v57+s23+$0x0], $0xffff;
	v22 =	vmul.f32 $5.656854150e+00, v22;
	[tilespmem:s22+$0x3050] =	vst v30  }
0x324: {  	v59 =	vor.u32 v3, v18;
	v9 =	vld.idx.msk [tilespmem:v9+s23+$0x0], $0xffff;
	v61 =	vmul.f32 $5.656854150e+00, v54;
	[tilespmem:s18+$0x3020] =	vst v32  }
0x325: {  	v60 =	vor.u32 v3, v16;
	v24 =	vld.idx.msk [tilespmem:v50+s23+$0x0], $0xffff;
	v63 =	vmul.f32 $5.656854150e+00, v26;
	[tilespmem:s2+$0xFFFFFFB0] =	vst v22  }
0x326: {  	v34 =	vor.u32 v3, v19;
	v23 =	vmul.f32 $5.656854150e+00, v23;
	v27 =	vld.idx.msk [tilespmem:v53+s23+$0x0], $0xffff;
	[tilespmem:s3+$0x3060] =	vst v61  }
0x327: {  	v35 =	vor.u32 v4, v11;
	v25 =	vmul.f32 $5.656854150e+00, v51;
	v32 =	vld.idx.msk [tilespmem:v55+s23+$0x0], $0xffff;
	[tilespmem:s28+$0x3020] =	vst v63  }
0x328: {  	v44 =	vor.u32 v4, v17;
	v41 =	vmul.f32 $5.656854150e+00, v33;
	v14 =	vld.idx.msk [tilespmem:v58+s23+$0x0], $0xffff;
	[tilespmem:s24+$0x3020] =	vst v23  }
0x329: {  	v9 =	vmul.f32 $5.656854150e+00, v9;
	[tilespmem:s5+$0x3030] =	vst v25;
	v36 =	vld.idx.msk [tilespmem:v59+s23+$0x0], $0xffff  }
0x32a: {  	v62 =	vor.u32 v7, v12;
	v37 =	vld.idx.msk [tilespmem:v60+s23+$0x0], $0xffff;
	[tilespmem:s10+$0x3040] =	vst v41;
	v24 =	vmul.f32 $5.656854150e+00, v24  }
0x32b: {  	v40 =	vor.u32 v4, v13;
	v22 =	vld.idx.msk [tilespmem:v34+s23+$0x0], $0xffff;
	[tilespmem:s13+$0x3070] =	vst v9;
	v27 =	vmul.f32 $5.656854150e+00, v27  }
0x32c: {  	v42 =	vor.u32 v4, v18;
	v25 =	vld.idx.msk [tilespmem:v35+s23+$0x0], $0xffff;
	[tilespmem:s8+$0xFFFFFFF0] =	vst v24;
	v39 =	vmul.f32 $5.656854150e+00, v32  }
0x32d: {  	v43 =	vor.u32 v4, v16;
	v28 =	vld.idx.msk [tilespmem:v44+s23+$0x0], $0xffff;
	v14 =	vmul.f32 $5.656854150e+00, v14;
	[tilespmem:s22+$0x3060] =	vst v27  }
0x32e: {  	v47 =	vor.u32 v4, v19;
	v20 =	vld.idx.msk [tilespmem:v20+s23+$0x0], $0xffff;
	v45 =	vmul.f32 $5.656854150e+00, v36;
	[tilespmem:s18+$0x3030] =	vst v39  }
0x32f: {  	v38 =	vor.u32 v7, v15;
	v46 =	vmul.f32 $5.656854150e+00, v37;
	v12 =	vld.idx.msk [tilespmem:v62+s23+$0x0], $0xffff;
	[tilespmem:s3+$0x3070] =	vst v14  }
0x330: {  	v51 =	vor.u32 v5, v8;
	v22 =	vmul.f32 $5.656854150e+00, v22;
	v48 =	vld.idx.msk [tilespmem:v40+s23+$0x0], $0xffff;
	[tilespmem:s28+$0x3030] =	vst v45  }
0x331: {  	v49 =	vor.u32 v5, v11;
	v25 =	vmul.f32 $5.656854150e+00, v25;
	[tilespmem:s2+$0xFFFFFFC0] =	vst v46;
	v50 =	vld.idx.msk [tilespmem:v42+s23+$0x0], $0xffff  }
0x332: {  	v58 =	vor.u32 v5, v17;
	v62 =	vmul.f32 $5.656854150e+00, v28;
	v52 =	vld.idx.msk [tilespmem:v43+s23+$0x0], $0xffff;
	[tilespmem:s24+$0x3030] =	vst v22  }
0x333: {  	v53 =	vor.u32 v5, v13;
	v20 =	vmul.f32 $5.656854150e+00, v20;
	[tilespmem:s9+$0xFFFFFFD0] =	vst v25;
	v54 =	vld.idx.msk [tilespmem:v47+s23+$0x0], $0xffff  }
0x334: {  	v15 =	vld.idx.msk [tilespmem:v38+s23+$0x0], $0xffff;
	[tilespmem:s5+$0x3040] =	vst v62;
	v12 =	vmul.f32 $5.656854150e+00, v12  }
0x335: {  	v56 =	vor.u32 v5, v16;
	v59 =	vld.idx.msk [tilespmem:v51+s23+$0x0], $0xffff;
	[tilespmem:s10+$0x3050] =	vst v20;
	v55 =	vmul.f32 $5.656854150e+00, v48  }
0x336: {  	v60 =	vor.u32 v5, v19;
	v57 =	vld.idx.msk [tilespmem:v49+s23+$0x0], $0xffff;
	[tilespmem:s8+$0x0] =	vst v12;
	v24 =	vmul.f32 $5.656854150e+00, v50  }
0x337: {  	v63 =	vor.u32 v6, v10;
	v23 =	vld.idx.msk [tilespmem:v58+s23+$0x0], $0xffff;
	v12 =	vmul.f32 $5.656854150e+00, v52;
	[tilespmem:s18+$0x3040] =	vst v55  }
0x338: {  	v33 =	vor.u32 v6, v8;
	v9 =	vmul.f32 $5.656854150e+00, v54;
	v61 =	vld.idx.msk [tilespmem:v53+s23+$0x0], $0xffff;
	[tilespmem:s28+$0x3040] =	vst v24  }
0x339: {  	v32 =	vor.u32 v6, v11;
	v15 =	vmul.f32 $5.656854150e+00, v15;
	[tilespmem:s2+$0xFFFFFFD0] =	vst v12;
	v21 =	vld.idx.msk [tilespmem:v21+s23+$0x0], $0xffff  }
0x33a: {  	v41 =	vor.u32 v6, v17;
	v35 =	vmul.f32 $5.656854150e+00, v59;
	v22 =	vld.idx.msk [tilespmem:v56+s23+$0x0], $0xffff;
	[tilespmem:s24+$0x3040] =	vst v9  }
0x33b: {  	v34 =	vor.u32 v6, v13;
	[tilespmem:s22+$0x3070] =	vst v15;
	v15 =	vmul.f32 $5.656854150e+00, v57;
	v14 =	vld.idx.msk [tilespmem:v60+s23+$0x0], $0xffff  }
0x33c: {  	v36 =	vor.u32 v6, v18;
	v38 =	vld.idx.msk [tilespmem:v63+s23+$0x0], $0xffff;
	[tilespmem:s19+$0x3050] =	vst v35;
	v23 =	vmul.f32 $5.656854150e+00, v23  }
0x33d: {  	v39 =	vor.u32 v6, v16;
	v12 =	vld.idx.msk [tilespmem:v33+s23+$0x0], $0xffff;
	[tilespmem:s9+$0xFFFFFFE0] =	vst v15;
	v37 =	vmul.f32 $5.656854150e+00, v61  }
0x33e: {  	v43 =	vor.u32 v6, v19;
	v40 =	vld.idx.msk [tilespmem:v32+s23+$0x0], $0xffff;
	[tilespmem:s5+$0x3050] =	vst v23;
	v21 =	vmul.f32 $5.656854150e+00, v21  }
0x33f: {  	v44 =	vor.u32 v7, v10;
	v23 =	vld.idx.msk [tilespmem:v41+s23+$0x0], $0xffff;
	v42 =	vmul.f32 $5.656854150e+00, v22;
	[tilespmem:s18+$0x3050] =	vst v37  }
0x340: {  	v8 =	vor.u32 v7, v8;
	v14 =	vmul.f32 $5.656854150e+00, v14;
	v27 =	vld.idx.msk [tilespmem:v34+s23+$0x0], $0xffff;
	[tilespmem:s28+$0x3050] =	vst v21  }
0x341: {  	v45 =	vor.u32 v7, v11;
	v47 =	vmul.f32 $5.656854150e+00, v38;
	[tilespmem:s2+$0xFFFFFFE0] =	vst v42;
	v46 =	vld.idx.msk [tilespmem:v36+s23+$0x0], $0xffff  }
0x342: {  	v53 =	vor.u32 v7, v17;
	v12 =	vmul.f32 $5.656854150e+00, v12;
	v48 =	vld.idx.msk [tilespmem:v39+s23+$0x0], $0xffff;
	[tilespmem:s24+$0x3050] =	vst v14  }
0x343: {  	v49 =	vor.u32 v7, v13;
	[tilespmem:s10+$0x3060] =	vst v47;
	v9 =	vmul.f32 $5.656854150e+00, v40;
	v14 =	vld.idx.msk [tilespmem:v43+s23+$0x0], $0xffff  }
0x344: {  	v50 =	vor.u32 v7, v18;
	v10 =	vld.idx.msk [tilespmem:v44+s23+$0x0], $0xffff;
	[tilespmem:s19+$0x3060] =	vst v12;
	v56 =	vmul.f32 $5.656854150e+00, v23  }
0x345: {  	v52 =	vor.u32 v7, v16;
	v8 =	vld.idx.msk [tilespmem:v8+s23+$0x0], $0xffff;
	[tilespmem:s9+$0xFFFFFFF0] =	vst v9;
	v51 =	vmul.f32 $5.656854150e+00, v27  }
0x346: {  	v55 =	vor.u32 v7, v19;
	v11 =	vld.idx.msk [tilespmem:v45+s23+$0x0], $0xffff;
	[tilespmem:s5+$0x3060] =	vst v56;
	v15 =	vmul.f32 $5.656854150e+00, v46  }
0x347: {  	v60 =	vld.idx.msk [tilespmem:v53+s23+$0x0], $0xffff;
	v54 =	vmul.f32 $5.656854150e+00, v48;
	[tilespmem:s18+$0x3060] =	vst v51  }
0x348: {  	v57 =	vmul.f32 $5.656854150e+00, v14;
	v13 =	vld.idx.msk [tilespmem:v49+s23+$0x0], $0xffff;
	[tilespmem:s28+$0x3060] =	vst v15  }
0x349: {  	v10 =	vmul.f32 $5.656854150e+00, v10;
	[tilespmem:s2+$0xFFFFFFF0] =	vst v54;
	v58 =	vld.idx.msk [tilespmem:v50+s23+$0x0], $0xffff  }
0x34a: {  	v8 =	vmul.f32 $5.656854150e+00, v8;
	v59 =	vld.idx.msk [tilespmem:v52+s23+$0x0], $0xffff;
	[tilespmem:s24+$0x3060] =	vst v57  }
0x34b: {  	[tilespmem:s10+$0x3070] =	vst v10;
	v11 =	vmul.f32 $5.656854150e+00, v11;
	v61 =	vld.idx.msk [tilespmem:v55+s23+$0x0], $0xffff  }
0x34c: {  	[tilespmem:s19+$0x3070] =	vst v8;
	v9 =	vmul.f32 $5.656854150e+00, v60  }
0x34d: {  	[tilespmem:s9+$0x0] =	vst v11;
	v62 =	vmul.f32 $5.656854150e+00, v13  }
0x34e: {  	[tilespmem:s5+$0x3070] =	vst v9;
	v8 =	vmul.f32 $5.656854150e+00, v58  }
0x34f: {  	v63 =	vmul.f32 $5.656854150e+00, v59;
	[tilespmem:s18+$0x3070] =	vst v62  }
0x350: {  	[tilespmem:s28+$0x3070] =	vst v8;
	v8 =	vmul.f32 $5.656854150e+00, v61  }
0x351: {  	s0 =	sadd.s32 $0x180, s16;
	s29 =	simm.s32 $0x20000;
	s6 =	sadd.s32 $0x1, s6;
	[tilespmem:s2+$0x0] =	vst v63  }
0x352: {  	s30 =	simm.s32 $0x7200;
	p0 =	sne.s32 s6, $0x1A;
	s28 =	simm.s32 $0x400;
	[tilespmem:s24+$0x3070] =	vst v8  }
0x353: {  	[hbm4b:s0+s28] =	stream.strided.scatter [tilespmem:s30], [sflag:$0x8], $0x1000, s29, s28, $0x38;
	[tilespmem:$0x8200] =	vst v63  }
.Ltmp4:
0x354: {  	s0 =	simm.s32 @!p1 $0xC;
	(pc) =	sbr.rel @p0 .LBB2_2-.Ltmp4, $4  }
0x355: {  	_ =	swait.ge @!p1 [sflag:s0], $0x80  }
0x356: {  	s1 =	simm.s32 @!p1 $0x180;
	s2 =	simm.s32 @!p1 $0x3200;
	[sflag:s0] =	ssyncset.done @!p1 $0x0  }
0x357: {  	s3 =	rddreg [dreg:$0x5];
	[sflag:s0] =	ssyncadd.s32 @!p1 $0xFFFFFF80;
	s0 =	simm.s32 @!p1 $0x80  }
0x358: {  	[tilespmem:s2], [sflag:$0x4] =	stream.indirect.gather @!p1 [hbm4b:s3+s0], $0x20, s1, s0, $0xb8;
	[tilespmem:$0x8200] =	vst v63  }
0x359: {  	s0 =	simm.s32 $0x5  }
0x35a: {  	_ =	swait.ge [sflag:s0], $0x1000  }
0x35b: {  	[sflag:s0] =	ssyncset.done $0x0  }
0x35c: {  	s28 =	simm.s32 $0x6;
	[sflag:s0] =	ssyncadd.s32 $0xFFFFF000  }
0x35d: {  	_ =	swait.ge [sflag:s28], $0x1000  }
0x35e: {  	[sflag:s28] =	ssyncset.done $0x0  }
0x35f: {  	s29 =	simm.s32 $0x7;
	[sflag:s28] =	ssyncadd.s32 $0xFFFFF000  }
0x360: {  	_ =	swait.ge [sflag:s29], $0x1000  }
0x361: {  	[sflag:s29] =	ssyncset.done $0x0  }
0x362: {  	s1 =	simm.s32 $0x8;
	[sflag:s29] =	ssyncadd.s32 $0xFFFFF000  }
0x363: {  	_ =	swait.ge [sflag:s1], $0x1000  }
0x364: {  	s2 =	rddreg [dreg:$0xb]  }
0x365: {  	s30 =	rddreg [dreg:$0xa];
	s2 =	sadd.s32 $0x1, s2  }
0x366: {  	p0 =	sne.s32 s2, s30  }
.Ltmp5:
0x367: {  	_ = 	snop;
	(pc) =	sbr.rel @p0 .LBB2_1-.Ltmp5, $3  }
0x368: {  	_ =	sdelay $0x1  }
0x369: {  	[sflag:s1] =	ssyncset.done $0x0  }
0x36a: {  	[sflag:s1] =	ssyncadd.s32 $0xFFFFF000  }
0x36b: {  	_ =	sfence.sel $0x180000  }
0x36c: {  	[bflag:$0x0] =	sbarrier.arrive $0xFFFF  }
0x36d: {  	_ =	strace $0x9000004A  }
0x36e: {  	s0 =	stileid.u32;
	[bflag:$0x2] =	sbarrier.arrive $0xFFFF  }
0x36f: {  	p0 =	sne.s32 s0, $0x0;
	s0 =	rddreg [dreg:$0x2]  }
0x370: {  	s0 =	sadd.s32 @!p0 $0x100000, s0  }
0x371: {  	[sflag:s0] =	ssyncadd.tile.s32 @!p0 $0x1;
	_ =	shalt  }
.Lfunc_end2:
_tile_overlayer_lowered:
.L_overlay_start_2:
0x372: {  	(tag) =	ssettag $0x2  }
0x373: {  	s0 =	rddreg [dreg:$0x0];
	s2 =	stileid.u32  }
0x374: {  	s1 =	rddreg [dreg:$0x1];
	p0 =	sne.s32 s2, $0x0  }
0x375: {  	s3 =	rddreg [dreg:$0x2];
	[bflag:$0x3] =	sbarrier.arrive $0xFFFF;
	s2 =	simm.s32 @!p0 $0x1C0D  }
0x376: {  	[timem:s3], [sflag:s2] =	dma.local @!p0 [hbm:s0], s1  }
0x377: {  	s0 =	simm.s32 @!p0 $0xD  }
0x378: {  	_ =	swait.ge @!p0 [sflag:s0], s1  }
0x379: {  	s1 =	ssub.s32 @!p0 $0x0, s1;
	[sflag:s0] =	ssyncset.done @!p0 $0x0  }
0x37a: {  	[sflag:s0] =	ssyncadd.s32 @!p0 s1  }
0x37b: {  	[bflag:$0x3] =	sbarrier.arrive $0xFFFF  }
0x37c: {  	_ =	shalt  }

</sc_bundles>
